<compile_context>
chip_gen: v7x
topology: tpu7x:2x2x1
jax: 0.10.2.dev20260603
libtpu: 0.0.44.dev20260713+nightly
codegen_flags: <defaults>
</compile_context>

<pallas_src>
import functools

import jax
import jax.numpy as jnp
import numpy as np
from jax import lax
from jax.experimental import pallas as pl
from jax.experimental.pallas import tpu as pltpu
from jax.experimental.pallas import tpu_sc as plsc

N = 2048
DIM = 3
CUTOFF = 0.15
E_PAD = 65536
F = 64
FV = 16
AGG_NORM = 32.0
SIGMA_AB = 1.2
SIGMA = 1.0

EBLK = 512
NCORE = 2
NSUB = 16
NW = NCORE * NSUB


def _swish(x):
    return x * jax.nn.sigmoid(x)


def _mlp3(x, w1, b1, w2, b2, w3, b3):
    h = _swish(jnp.dot(x, w1, preferred_element_type=jnp.float32) + b1)
    h = _swish(jnp.dot(h, w2, preferred_element_type=jnp.float32) + b2)
    return jnp.dot(h, w3, preferred_element_type=jnp.float32) + b3



def _sc_gather(table, idx):
    n, C = table.shape
    E = idx.shape[0]
    per_w = E // NW
    ch = 512 if C <= 96 else 256
    steps = per_w // ch

    @functools.partial(
        pl.kernel,
        out_type=jax.ShapeDtypeStruct((E, C), jnp.float32),
        mesh=plsc.VectorSubcoreMesh(core_axis_name="c", subcore_axis_name="s"),
        compiler_params=pltpu.CompilerParams(use_tc_tiling_on_sc=False),
        scratch_types=[pltpu.VMEM((ch,), jnp.int32),
                       pltpu.VMEM((ch, C), jnp.float32),
                       pltpu.SemaphoreType.DMA],
    )
    def k(table_hbm, idx_hbm, out_hbm, idx_v, rows_v, sem):
        wid = lax.axis_index("s") * NCORE + lax.axis_index("c")
        base = wid * per_w
        for j in range(steps):
            off = base + j * ch
            pltpu.sync_copy(idx_hbm.at[pl.ds(off, ch)], idx_v)
            pltpu.async_copy(table_hbm.at[idx_v], rows_v, sem).wait()
            pltpu.sync_copy(rows_v, out_hbm.at[pl.ds(off, ch)])

    return k(table, idx)


def _sc_scatter_add(vals, idx, n):
    E, C = vals.shape
    per_w = E // NW
    ch = 512 if C <= 96 else 256
    steps = per_w // ch
    rows_t = n // NSUB

    @functools.partial(
        pl.kernel,
        out_type=jax.ShapeDtypeStruct((NCORE, n, C), jnp.float32),
        mesh=plsc.VectorSubcoreMesh(core_axis_name="c", subcore_axis_name="s"),
        compiler_params=pltpu.CompilerParams(use_tc_tiling_on_sc=False),
        scratch_types=[pltpu.VMEM((ch,), jnp.int32),
                       pltpu.VMEM((ch, C), jnp.float32),
                       pltpu.VMEM_SHARED((n, C), jnp.float32),
                       pltpu.SemaphoreType.DMA],
    )
    def k(vals_hbm, idx_hbm, zeros_hbm, out_hbm, idx_v, rows_v, acc, sem):
        cid = lax.axis_index("c")
        sid = lax.axis_index("s")
        pltpu.sync_copy(zeros_hbm.at[pl.ds(sid * rows_t, rows_t)],
                        acc.at[pl.ds(sid * rows_t, rows_t)])
        plsc.subcore_barrier()
        base = cid * (E // NCORE) + sid * per_w
        for j in range(steps):
            off = base + j * ch
            pltpu.sync_copy(idx_hbm.at[pl.ds(off, ch)], idx_v)
            pltpu.sync_copy(vals_hbm.at[pl.ds(off, ch)], rows_v)
            pltpu.sync_copy(rows_v, acc.at[idx_v], add=True)
        plsc.subcore_barrier()
        pltpu.sync_copy(acc.at[pl.ds(sid * rows_t, rows_t)],
                        out_hbm.at[cid].at[pl.ds(sid * rows_t, rows_t)])

    return k(vals, idx, jnp.zeros((n, C), jnp.float32))


def _sc_graph_build(xt):
    n = xt.shape[1] - 16
    rows_t = n // NW
    chunks = n // 16
    region = E_PAD // NCORE
    share = region // NSUB
    loc = 4224
    inv2 = np.float32(1.0 / (CUTOFF * CUTOFF))
    dsc = np.float32((SIGMA / SIGMA_AB) ** 2)

    @functools.partial(
        pl.kernel,
        out_type=(jax.ShapeDtypeStruct((E_PAD,), jnp.int32),
                  jax.ShapeDtypeStruct((E_PAD,), jnp.int32)),
        mesh=plsc.VectorSubcoreMesh(core_axis_name="c", subcore_axis_name="s"),
        compiler_params=pltpu.CompilerParams(use_tc_tiling_on_sc=False,
                                             needs_layout_passes=False),
        scratch_types=[pltpu.VMEM((3, n + 16), jnp.float32),
                       pltpu.VMEM((loc,), jnp.int32),
                       pltpu.VMEM((loc,), jnp.int32),
                       pltpu.VMEM((512,), jnp.int32),
                       pltpu.SMEM((1,), jnp.int32)],
    )
    def k(xt_hbm, sends_hbm, recvs_hbm, xt_v, sl, rl, fill_v, cnt):
        cid = lax.axis_index("c")
        sid = lax.axis_index("s")
        iota = lax.iota(jnp.int32, 16)

        @pl.when(sid == 0)
        def _():
            cnt[0] = 0

        for g in range(512 // 16):
            fill_v[pl.ds(g * 16, 16)] = jnp.full((16,), -42, jnp.int32)
        pbase = cid * region + sid * share
        for g in range(share // 512):
            pltpu.sync_copy(fill_v, sends_hbm.at[pl.ds(pbase + g * 512, 512)])
        pltpu.sync_copy(xt_hbm, xt_v)
        plsc.subcore_barrier()

        row0 = cid * (n // NCORE) + sid * rows_t

        def row_body(i, off):
            ri = row0 + i
            rvec = jnp.full((16,), ri, jnp.int32)
            x0 = plsc.load_gather(xt_v, [jnp.zeros((16,), jnp.int32), rvec])
            x1 = plsc.load_gather(xt_v, [jnp.full((16,), 1, jnp.int32), rvec])
            x2 = plsc.load_gather(xt_v, [jnp.full((16,), 2, jnp.int32), rvec])
            rsc = jnp.where(ri == 0, dsc, jnp.float32(1.0))

            def chunk_body(j, off):
                cols = j * 16 + iota
                acc = jnp.zeros((16,), jnp.float32)
                for d, xs in ((0, x0), (1, x1), (2, x2)):
                    v = xt_v[d, pl.ds(j * 16, 16)]
                    dd = xs - v
                    dd = dd - ((dd > 0.5).astype(jnp.float32)
                               - (dd < -0.5).astype(jnp.float32))
                    acc = acc + dd * dd
                d2 = acc * inv2 * rsc
                d2 = jnp.where(cols == 0, d2 * dsc, d2)
                m = (d2 < 1.0) & (cols != ri)
                pos = plsc.cumsum(m.astype(jnp.int32))
                idxv = off + pos - 1
                plsc.store_scatter(sl, [idxv],
                                   jnp.full((16,), ri, jnp.int32), mask=m)
                plsc.store_scatter(rl, [idxv], cols, mask=m)
                return off + pos[15]

            return lax.fori_loop(0, chunks, chunk_body, off)

        off = lax.fori_loop(0, rows_t, row_body, jnp.int32(0))

        g0 = pl.multiple_of((off // 16) * 16, 16)
        keep = (g0 + iota) < off
        sl[pl.ds(g0, 16)] = jnp.where(keep, sl[pl.ds(g0, 16)], -42)
        rl[pl.ds(g0, 16)] = jnp.where(keep, rl[pl.ds(g0, 16)], 0)
        off_pad = ((off + 15) // 16) * 16
        base = plsc.fetch_and_add(cnt.at[0], off_pad, subcore_id=0)
        dst = pl.multiple_of(cid * region + base, 16)

        nfull = off_pad // 512

        def flush_full(q, c):
            o = pl.multiple_of(dst + q * 512, 16)
            pltpu.sync_copy(sl.at[pl.ds(q * 512, 512)],
                            sends_hbm.at[pl.ds(o, 512)])
            pltpu.sync_copy(rl.at[pl.ds(q * 512, 512)],
                            recvs_hbm.at[pl.ds(o, 512)])
            return c

        lax.fori_loop(0, nfull, flush_full, 0)
        rem0 = nfull * 512
        nrem = (off_pad - rem0) // 16

        def flush_tail(q, c):
            o = pl.multiple_of(rem0 + q * 16, 16)
            od = pl.multiple_of(dst + o, 16)
            pltpu.sync_copy(sl.at[pl.ds(o, 16)],
                            sends_hbm.at[pl.ds(od, 16)])
            pltpu.sync_copy(rl.at[pl.ds(o, 16)],
                            recvs_hbm.at[pl.ds(od, 16)])
            return c

        lax.fori_loop(0, nrem, flush_tail, 0)

    return k(xt)



def _pass_a_body(esc_ref, gs_ref, gr_ref, t_ref, wemb_ref, sel_ref,
                 m00, m01, m02, m03, m04, m05,
                 w10, b10, w11, b11, w12, b12,
                 he0_ref, hev0_ref, msm_ref, ecut_ref):
    esc = esc_ref[...]
    msk = esc[:, 0:1]
    gs = gs_ref[...]
    gr = gr_ref[...]
    hs, hfs = gs[:, :F], gs[:, F:F + 2]
    hr, hfr = gr[:, :F], gr[:, F:F + 2]
    d = gs[:, F + 2:F + 5] - gr[:, F + 2:F + 5]
    dR = (d - jnp.round(d)) * (1.0 / CUTOFF)
    scale = jnp.where(hfs[:, 0:1] + hfr[:, 0:1] > 0.0,
                      (SIGMA / SIGMA_AB) ** 2, 1.0)
    d2 = (dR * dR).sum(axis=1, keepdims=True) * scale
    t = t_ref[0, 0]
    B = esc.shape[0]
    tcol = jnp.full((B, 1), t, jnp.float32)

    x0 = jnp.concatenate([d2, hfs, hfr, tcol], axis=1)
    he0 = _mlp3(x0, m00[...], m01[...], m02[...], m03[...], m04[...], m05[...])

    wemb = wemb_ref[...]
    hev0 = jnp.concatenate([dR[:, x:x + 1] * wemb for x in range(3)], axis=1)

    dot6 = ((dR * dR).sum(axis=1, keepdims=True)) * (wemb * wemb)
    x1 = jnp.concatenate([dot6, hs, hr, he0, tcol], axis=1)
    z = _mlp3(x1, w10[...], b10[...], w11[...], b11[...], w12[...], b12[...])

    cut = 0.5 * (jnp.cos(d2 * jnp.pi) + 1.0) * msk
    mw = z[:, :F] * cut
    mwv = z[:, F:] * cut
    sel = sel_ref[...]
    mwv48 = jnp.dot(mwv, sel, preferred_element_type=jnp.float32)

    he0_ref[...] = he0
    hev0_ref[...] = hev0
    msm_ref[...] = jnp.concatenate([mw * hs, hev0 * mwv48], axis=1)
    ecut_ref[...] = jnp.concatenate([cut, jnp.zeros((B, 7), jnp.float32)], axis=1)


def _pass_b_body(ecut_ref, he0_ref, hev0_ref, gs_ref, gr_ref,
                 t_ref, sel_ref, we48_ref,
                 e10, e11, e12, e13, e14, e15,
                 w20, b20, w21, b21, w22, b22,
                 ms2_ref):
    cutm = ecut_ref[...][:, 0:1]
    he0 = he0_ref[...]
    hev0 = hev0_ref[...]
    gs = gs_ref[...]
    gr = gr_ref[...]
    dhs, hs1, hvs = gs[:, :F], gs[:, F:2 * F], gs[:, 2 * F:]
    dhr, hr1, hvr = gr[:, :F], gr[:, F:2 * F], gr[:, 2 * F:]
    t = t_ref[0, 0]
    B = gs.shape[0]
    tcol = jnp.full((B, 1), t, jnp.float32)

    xe = jnp.concatenate([he0, dhs, dhr], axis=1)
    he1 = he0 + _mlp3(xe, e10[...], e11[...], e12[...], e13[...], e14[...], e15[...])

    cat = jnp.concatenate([hev0, hvs, hvr], axis=1)
    hev1 = hev0 + jnp.dot(cat, we48_ref[...], preferred_element_type=jnp.float32)

    sel = sel_ref[...]
    selT = sel.T

    def dot(a, b):
        return jnp.dot(a * b, selT, preferred_element_type=jnp.float32)

    feats = jnp.concatenate([
        dot(hvr, hev1), dot(hvs, hev1), dot(hvs, hvr),
        dot(hvs, hvs), dot(hvr, hvr), dot(hev1, hev1),
        hs1, hr1, he1, tcol], axis=1)
    z = _mlp3(feats, w20[...], b20[...], w21[...], b21[...], w22[...], b22[...])

    ms2_ref[...] = z * cutm * hs1


def _edge_call(body, edge_ins, small_ins, out_shapes):
    grid = (E_PAD // EBLK,)
    in_specs = []
    args = []
    for a, boff in edge_ins:
        in_specs.append(pl.BlockSpec(
            (EBLK,) + a.shape[1:],
            lambda i, _nd=a.ndim, _o=boff: (i + _o,) + (0,) * (_nd - 1)))
        args.append(a)
    for a in small_ins:
        in_specs.append(pl.BlockSpec(a.shape, lambda i, _nd=a.ndim: (0,) * _nd))
        args.append(a)
    out_specs = [pl.BlockSpec((EBLK,) + s.shape[1:],
                              lambda i, _nd=len(s.shape): (i,) + (0,) * (_nd - 1))
                 for s in out_shapes]
    return pl.pallas_call(
        body, grid=grid, in_specs=in_specs,
        out_specs=out_specs[0] if len(out_specs) == 1 else out_specs,
        out_shape=out_shapes[0] if len(out_shapes) == 1 else out_shapes,
    )(*args)


def _np_sel():
    s = np.zeros((16, 48), np.float32)
    for x in range(3):
        s[np.arange(16), x * 16 + np.arange(16)] = 1.0
    return jnp.asarray(s)


def kernel(x, t, params):
    n = x.shape[0]
    sends, recvs = _sc_graph_build(jnp.pad(x.T, ((0, 0), (0, 16))))
    divideBy = (SIGMA_AB / SIGMA) ** 2
    mask_edge = (sends != -42).astype(x.dtype)

    s_safe = jnp.clip(sends, 0, n - 1)
    r_safe = jnp.clip(recvs, 0, n - 1)
    gidx = jnp.concatenate([s_safe, r_safe])

    d0 = x - x[0:1]
    d0 = (d0 - jnp.round(d0)) / CUTOFF
    dist0 = (d0 ** 2).sum(-1) / divideBy
    dist0 = dist0.at[0].set(10.0 / divideBy / divideBy)
    ind0 = (jnp.arange(n) == 0).astype(x.dtype).reshape(-1, 1)
    hfeat = jnp.concatenate([ind0, dist0[:, None]], axis=1)
    h0 = jnp.concatenate([hfeat, jnp.tile(t.reshape(1, -1), (n, 1))], axis=1) @ params['W_h0']

    esc = jnp.zeros((E_PAD, 8), jnp.float32).at[:, 0].set(mask_edge)

    t11 = t.reshape(1, 1).astype(jnp.float32)
    sel = _np_sel()

    l1, l2 = params['layers'][0], params['layers'][1]
    mlp0 = [w for pair in params['edge_mlp0'] for w in pair]
    mw1 = [w for pair in l1['mw'] for w in pair]
    mw1[0] = mw1[0][80:, :]
    em1 = [w for pair in l1['edge_mlp'] for w in pair]
    mw2 = [w for pair in l2['mw'] for w in pair]
    mw2[4] = mw2[4][:, :F]
    mw2[5] = mw2[5][:F]

    we = l1['We']
    we48 = jnp.zeros((144, 48), jnp.float32)
    for s in range(3):
        for xx in range(3):
            we48 = we48.at[s * 48 + xx * 16:s * 48 + xx * 16 + 16,
                           xx * 16:xx * 16 + 16].set(we[s * 16:s * 16 + 16, :])

    ha = (jnp.zeros((n, 80), jnp.float32).at[:, :F].set(h0)
          .at[:, F:F + 2].set(hfeat).at[:, F + 2:F + 5].set(x))
    ga = _sc_gather(ha, gidx)

    nblk = E_PAD // EBLK
    out_shapes = [jax.ShapeDtypeStruct((E_PAD, F), jnp.float32),
                  jax.ShapeDtypeStruct((E_PAD, 48), jnp.float32),
                  jax.ShapeDtypeStruct((E_PAD, 112), jnp.float32),
                  jax.ShapeDtypeStruct((E_PAD, 8), jnp.float32)]
    he0, hev0, msm, ecut = _edge_call(
        _pass_a_body, [(esc, 0), (ga, 0), (ga, nblk)],
        [t11, params['W_embed'], sel] + mlp0 + mw1, out_shapes)

    part = _sc_scatter_add(msm, r_safe, n)
    agg = (part[0] + part[1]) / AGG_NORM
    nm1 = [w for pair in l1['node_mlp'] for w in pair]
    dh1 = _mlp3(agg[:, :F], *nm1)
    h1 = h0 + dh1
    wvb = jnp.zeros((48, 48), jnp.float32)
    for xx in range(3):
        wvb = wvb.at[xx * 16:(xx + 1) * 16, xx * 16:(xx + 1) * 16].set(l1['Wv'])
    hv1 = agg[:, F:] @ wvb

    gbt = jnp.concatenate([dh1, h1, hv1], axis=1)
    gb = _sc_gather(gbt, gidx)

    ms2 = _edge_call(
        _pass_b_body, [(ecut, 0), (he0, 0), (hev0, 0), (gb, 0), (gb, nblk)],
        [t11, sel, we48] + em1 + mw2,
        [jax.ShapeDtypeStruct((E_PAD, F), jnp.float32)])

    part2 = _sc_scatter_add(ms2, r_safe, n)
    hacc2 = (part2[0] + part2[1]) / AGG_NORM
    nm2 = [w for pair in l2['node_mlp'] for w in pair]
    h2 = h1 + _mlp3(hacc2, *nm2)
    return h2.mean()

# --- scband reference (transcript-rebuilt; emitter-appended) ---
"""Pipeline reference for scband-u-model-32530082300017 (READ-ONLY COPY).

The authoritative reference and input builder live on the scoring server;
editing this copy changes nothing except your own understanding.
"""

import jax, jax.numpy as jnp
import numpy as np

N = 2048
DIM = 3
CUTOFF = 0.15
SIZE_TO_PAD = 65536
F = 64
FV = 16
NN = (64, 64)
AGG_NORM = 32.0
NUM_LAYERS = 2
SIGMA_AB = 1.2
SIGMA = 1.0


def _dense(key, fin, fout):
    return (jax.random.normal(key, (fin, fout), dtype=jnp.float32) / np.sqrt(fin)).astype(jnp.float32)


def _mlp_params(key, dims):
    ps = []
    for i in range(len(dims) - 1):
        key, k1 = jax.random.split(key)
        ps.append((_dense(k1, dims[i], dims[i + 1]), jnp.zeros((dims[i + 1],), jnp.float32)))
    return ps


def _mlp(ps, x):
    n = len(ps)
    for i, (W, b) in enumerate(ps):
        x = x @ W + b
        if i != n - 1:
            x = jax.nn.swish(x)
    return x


def _make_params(key):
    keys = jax.random.split(key, 4 + NUM_LAYERS)
    params = {
        'W_embed': _dense(keys[0], 1, FV),
        'W_h0': _dense(keys[1], 3, F),
        'edge_mlp0': _mlp_params(keys[2], (6,) + NN + (F,)),
        'layers': [],
    }
    mw_in = 6 * FV + 3 * F + 1
    for l in range(NUM_LAYERS):
        kl = jax.random.split(keys[4 + l], 5)
        params['layers'].append({
            'mw': _mlp_params(kl[0], (mw_in,) + NN + (F + FV,)),
            'node_mlp': _mlp_params(kl[1], (F,) + NN + (F,)),
            'Wv': _dense(kl[2], FV, FV),
            'We': _dense(kl[3], 3 * FV, FV),
            'edge_mlp': _mlp_params(kl[4], (3 * F,) + NN + (F,)),
        })
    return params


def setup_inputs(seed: int = 0):
    key = jax.random.key(seed)
    kx, kt, kp = jax.random.split(key, 3)
    x = jax.random.uniform(kx, (N, DIM), dtype=jnp.float32)
    t = jax.random.uniform(kt, (1,), dtype=jnp.float32)
    params = _make_params(kp)
    return {'x': x, 't': t, 'params': params}


def _layer(lp, t, h, h_vec, h_edge, h_edge_vec, edge_dist2, mask_edge, senders, receivers):
    hvr = h_vec[receivers]
    hvs = h_vec[senders]
    inp = jnp.concatenate([
        jnp.einsum('nfx,nfx->nf', hvr, h_edge_vec),
        jnp.einsum('nfx,nfx->nf', hvs, h_edge_vec),
        jnp.einsum('nfx,nfx->nf', hvs, hvr),
        jnp.einsum('nfx,nfx->nf', hvs, hvs),
        jnp.einsum('nfx,nfx->nf', hvr, hvr),
        jnp.einsum('nfx,nfx->nf', h_edge_vec, h_edge_vec),
        h[senders], h[receivers], h_edge], -1)
    E = inp.shape[0]
    inp = jnp.concatenate([inp, jnp.tile(t.reshape(1, -1), (E, 1))], -1)
    out = _mlp(lp['mw'], inp)
    mw, mw_vec = jnp.split(out, [h.shape[1]], axis=-1)
    cut = 0.5 * (jnp.cos(edge_dist2 * jnp.pi) + 1.0)
    mw = mw * cut[:, None]
    mw_vec = mw_vec * cut[:, None]
    m = h_edge_vec * mw_vec[:, :, None] * mask_edge[:, None, None]
    h_vec_new = jnp.zeros(h_vec.shape, h_vec.dtype).at[receivers].add(m) / AGG_NORM
    ms = mw * h[senders] * mask_edge[:, None]
    h_new = jnp.zeros(h.shape, h.dtype).at[receivers].add(ms) / AGG_NORM
    h_new = _mlp(lp['node_mlp'], h_new)
    h_vec_new = jnp.einsum('nfx,fg->ngx', h_vec_new, lp['Wv'])
    cat = jnp.concatenate((h_edge_vec, h_vec_new[senders], h_vec_new[receivers]), 1)
    h_edge_vec_new = jnp.einsum('efx,fg->egx', cat, lp['We'])
    h_edge_new = _mlp(lp['edge_mlp'], jnp.concatenate((h_edge, h_new[senders], h_new[receivers]), 1))
    return h_new, h_vec_new, h_edge_new, h_edge_vec_new


def _forward(x, t, params):
    n = x.shape[0]
    dR = x[:, None, :] - x[None, :, :]
    dR = (dR - jnp.round(dR)) / CUTOFF
    D2 = (dR ** 2).sum(-1) + 10.0 * jnp.eye(n, dtype=x.dtype)
    divideBy = (SIGMA_AB / SIGMA) ** 2
    D2 = D2.at[:, 0].divide(divideBy)
    D2 = D2.at[0, :].divide(divideBy)
    senders, receivers = jnp.where(D2 < 1, size=SIZE_TO_PAD, fill_value=-42)
    edge_dist2 = D2.reshape(-1)[senders * n + receivers]
    mask_edge = (senders != -42).astype(x.dtype)
    edge_dR = dR.reshape(-1, DIM)[senders * n + receivers]
    edge_dR = edge_dR[:, None, :]
    h = (jnp.arange(n) == 0).astype(x.dtype).reshape(-1, 1)
    h = jnp.concatenate((h, D2[:, 0:1]), -1)
    h_vec = jnp.zeros((n, FV, DIM), x.dtype)
    h_edge_vec = jnp.einsum('eix,if->efx', edge_dR, params['W_embed'])
    E = senders.shape[0]
    h_edge = _mlp(params['edge_mlp0'], jnp.concatenate(
        (edge_dist2.reshape(-1, 1), h[senders], h[receivers], jnp.tile(t.reshape(-1, 1), (E, 1))), -1))
    h = jnp.concatenate((h.reshape(-1, 2), jnp.tile(t.reshape(-1, 1), (n, 1))), -1) @ params['W_h0']
    for lp in params['layers']:
        dh, dh_vec, dh_edge, dh_edge_vec = _layer(lp, t, h, h_vec, h_edge, h_edge_vec, edge_dist2, mask_edge, senders, receivers)
        h = h + dh
        h_vec = h_vec + dh_vec
        h_edge = h_edge + dh_edge
        h_edge_vec = h_edge_vec + dh_edge_vec
    return h.mean()


def reference(x, t, params):
    return _forward(x, t, params)

if __name__ == "__main__":
    import jax
    _d = setup_inputs()
    print(jax.jit(kernel)(*tuple(_d.values())))

</pallas_src>

<mosaic_0001>
#map = affine_map<(d0, d1) -> (0, 0)>
#map1 = affine_map<(d0, d1) -> (0)>
module attributes {stable_mosaic.version = 14 : i64} {
  func.func @k(%arg0: i32, %arg1: i32, %arg2: memref<2048x176xf32, #tpu.memory_space<hbm>>, %arg3: memref<131072xi32, #tpu.memory_space<hbm>>, %arg4: memref<131072x176xf32, #tpu.memory_space<hbm>>, %arg5: memref<256xi32, #tpu.memory_space<vmem>>, %arg6: memref<256x176xf32, #tpu.memory_space<vmem>>, %arg7: memref<!tpu.dma_semaphore, #tpu.memory_space<semaphore_mem>>) attributes {dimension_semantics = [#tpu.dimension_semantics<core_parallel>, #tpu.dimension_semantics<subcore_parallel>], iteration_bounds = array<i64: 2, 16>, scalar_prefetch = 0 : i64, scratch_operands = 3 : i64, tpu.core_type = #tpu.core_type<sc_vector_subcore>, window_params = [{transform_indices = #map}, {transform_indices = #map1}, {transform_indices = #map}]} {
    %mul3A = arith.constant 2 : i32
    %mul3A_0 = arith.muli %arg1, %mul3A : i32
    %add3A = arith.addi %mul3A_0, %arg0 : i32
    %mul3A_1 = arith.constant 4096 : i32
    %mul3A_2 = arith.muli %add3A, %mul3A_1 : i32
    %add3A_3 = arith.constant 0 : i32
    %add3A_4 = arith.addi %mul3A_2, %add3A_3 : i32
    "tpu.region"() ({
      %run_scoped3A = tpu.sem_alloc : memref<!tpu.dma_semaphore, #tpu.memory_space<semaphore_mem>>
      %dma_start3A_129 = tpu.memref_slice %arg3[%add3A_4] : memref<131072xi32, #tpu.memory_space<hbm>> -> memref<256xi32, #tpu.memory_space<hbm>>
      %dma_start3A_130 = tpu.memref_slice %arg3[%add3A_4] : memref<131072xi32, #tpu.memory_space<hbm>> -> memref<256xi32, #tpu.memory_space<hbm>>
      tpu.enqueue_dma source(%dma_start3A_130 : memref<256xi32, #tpu.memory_space<hbm>>) target(%arg5 : memref<256xi32, #tpu.memory_space<vmem>>) target_semaphore(%run_scoped3A : memref<!tpu.dma_semaphore, #tpu.memory_space<semaphore_mem>>)
      %dma_wait3A_131 = tpu.memref_slice %arg3[%add3A_4] : memref<131072xi32, #tpu.memory_space<hbm>> -> memref<256xi32, #tpu.memory_space<hbm>>
      %dma_wait3A_132 = tpu.memref_slice %arg3[%add3A_4] : memref<131072xi32, #tpu.memory_space<hbm>> -> memref<256xi32, #tpu.memory_space<hbm>>
      tpu.wait_dma2 semaphore(%run_scoped3A : memref<!tpu.dma_semaphore, #tpu.memory_space<semaphore_mem>>) src(%dma_wait3A_132 : memref<256xi32, #tpu.memory_space<hbm>>) dst(%arg5 : memref<256xi32, #tpu.memory_space<vmem>>)
      tpu.yield
    }) : () -> ()
    %dma_start3A = arith.constant 0 : i32
    %dma_start3A_5 = arith.constant 0 : i32
    %dma_start3A_6 = tpu.memref_slice %arg2[%dma_start3A, %dma_start3A_5] : memref<2048x176xf32, #tpu.memory_space<hbm>> -> memref<2048x176xf32, #tpu.memory_space<hbm>>
    tpu.enqueue_indirect_dma source(%dma_start3A_6 : memref<2048x176xf32, #tpu.memory_space<hbm>>) target(%arg6 : memref<256x176xf32, #tpu.memory_space<vmem>>) offsets(%arg5 : memref<256xi32, #tpu.memory_space<vmem>>) semaphore(%arg7 : memref<!tpu.dma_semaphore, #tpu.memory_space<semaphore_mem>>)
    %dma_wait3A = arith.constant 0 : i32
    %dma_wait3A_7 = arith.constant 0 : i32
    %dma_wait3A_8 = tpu.memref_slice %arg2[%dma_wait3A, %dma_wait3A_7] : memref<2048x176xf32, #tpu.memory_space<hbm>> -> memref<2048x176xf32, #tpu.memory_space<hbm>>
    tpu.wait_indirect_dma semaphore(%arg7 : memref<!tpu.dma_semaphore, #tpu.memory_space<semaphore_mem>>) src(%dma_wait3A_8 : memref<2048x176xf32, #tpu.memory_space<hbm>>) dst(%arg6 : memref<256x176xf32, #tpu.memory_space<vmem>>)
    "tpu.region"() ({
      %run_scoped3A = tpu.sem_alloc : memref<!tpu.dma_semaphore, #tpu.memory_space<semaphore_mem>>
      %dma_start3A_129 = arith.constant 0 : i32
      %dma_start3A_130 = tpu.memref_slice %arg4[%add3A_4, %dma_start3A_129] : memref<131072x176xf32, #tpu.memory_space<hbm>> -> memref<256x176xf32, #tpu.memory_space<hbm>>
      %dma_start3A_131 = arith.constant 0 : i32
      %dma_start3A_132 = tpu.memref_slice %arg4[%add3A_4, %dma_start3A_131] : memref<131072x176xf32, #tpu.memory_space<hbm>> -> memref<256x176xf32, #tpu.memory_space<hbm>>
      tpu.enqueue_dma source(%arg6 : memref<256x176xf32, #tpu.memory_space<vmem>>) target(%dma_start3A_132 : memref<256x176xf32, #tpu.memory_space<hbm>>) target_semaphore(%run_scoped3A : memref<!tpu.dma_semaphore, #tpu.memory_space<semaphore_mem>>)
      %dma_wait3A_133 = arith.constant 0 : i32
      %dma_wait3A_134 = tpu.memref_slice %arg4[%add3A_4, %dma_wait3A_133] : memref<131072x176xf32, #tpu.memory_space<hbm>> -> memref<256x176xf32, #tpu.memory_space<hbm>>
      %dma_wait3A_135 = arith.constant 0 : i32
      %dma_wait3A_136 = tpu.memref_slice %arg4[%add3A_4, %dma_wait3A_135] : memref<131072x176xf32, #tpu.memory_space<hbm>> -> memref<256x176xf32, #tpu.memory_space<hbm>>
      tpu.wait_dma2 semaphore(%run_scoped3A : memref<!tpu.dma_semaphore, #tpu.memory_space<semaphore_mem>>) src(%arg6 : memref<256x176xf32, #tpu.memory_space<vmem>>) dst(%dma_wait3A_136 : memref<256x176xf32, #tpu.memory_space<hbm>>)
      tpu.yield
    }) : () -> ()
    %add3A_9 = arith.constant 256 : i32
    %add3A_10 = arith.addi %mul3A_2, %add3A_9 : i32
    "tpu.region"() ({
      %run_scoped3A = tpu.sem_alloc : memref<!tpu.dma_semaphore, #tpu.memory_space<semaphore_mem>>
      %dma_start3A_129 = tpu.memref_slice %arg3[%add3A_10] : memref<131072xi32, #tpu.memory_space<hbm>> -> memref<256xi32, #tpu.memory_space<hbm>>
      %dma_start3A_130 = tpu.memref_slice %arg3[%add3A_10] : memref<131072xi32, #tpu.memory_space<hbm>> -> memref<256xi32, #tpu.memory_space<hbm>>
      tpu.enqueue_dma source(%dma_start3A_130 : memref<256xi32, #tpu.memory_space<hbm>>) target(%arg5 : memref<256xi32, #tpu.memory_space<vmem>>) target_semaphore(%run_scoped3A : memref<!tpu.dma_semaphore, #tpu.memory_space<semaphore_mem>>)
      %dma_wait3A_131 = tpu.memref_slice %arg3[%add3A_10] : memref<131072xi32, #tpu.memory_space<hbm>> -> memref<256xi32, #tpu.memory_space<hbm>>
      %dma_wait3A_132 = tpu.memref_slice %arg3[%add3A_10] : memref<131072xi32, #tpu.memory_space<hbm>> -> memref<256xi32, #tpu.memory_space<hbm>>
      tpu.wait_dma2 semaphore(%run_scoped3A : memref<!tpu.dma_semaphore, #tpu.memory_space<semaphore_mem>>) src(%dma_wait3A_132 : memref<256xi32, #tpu.memory_space<hbm>>) dst(%arg5 : memref<256xi32, #tpu.memory_space<vmem>>)
      tpu.yield
    }) : () -> ()
    %dma_start3A_11 = arith.constant 0 : i32
    %dma_start3A_12 = arith.constant 0 : i32
    %dma_start3A_13 = tpu.memref_slice %arg2[%dma_start3A_11, %dma_start3A_12] : memref<2048x176xf32, #tpu.memory_space<hbm>> -> memref<2048x176xf32, #tpu.memory_space<hbm>>
    tpu.enqueue_indirect_dma source(%dma_start3A_13 : memref<2048x176xf32, #tpu.memory_space<hbm>>) target(%arg6 : memref<256x176xf32, #tpu.memory_space<vmem>>) offsets(%arg5 : memref<256xi32, #tpu.memory_space<vmem>>) semaphore(%arg7 : memref<!tpu.dma_semaphore, #tpu.memory_space<semaphore_mem>>)
    %dma_wait3A_14 = arith.constant 0 : i32
    %dma_wait3A_15 = arith.constant 0 : i32
    %dma_wait3A_16 = tpu.memref_slice %arg2[%dma_wait3A_14, %dma_wait3A_15] : memref<2048x176xf32, #tpu.memory_space<hbm>> -> memref<2048x176xf32, #tpu.memory_space<hbm>>
    tpu.wait_indirect_dma semaphore(%arg7 : memref<!tpu.dma_semaphore, #tpu.memory_space<semaphore_mem>>) src(%dma_wait3A_16 : memref<2048x176xf32, #tpu.memory_space<hbm>>) dst(%arg6 : memref<256x176xf32, #tpu.memory_space<vmem>>)
    "tpu.region"() ({
      %run_scoped3A = tpu.sem_alloc : memref<!tpu.dma_semaphore, #tpu.memory_space<semaphore_mem>>
      %dma_start3A_129 = arith.constant 0 : i32
      %dma_start3A_130 = tpu.memref_slice %arg4[%add3A_10, %dma_start3A_129] : memref<131072x176xf32, #tpu.memory_space<hbm>> -> memref<256x176xf32, #tpu.memory_space<hbm>>
      %dma_start3A_131 = arith.constant 0 : i32
      %dma_start3A_132 = tpu.memref_slice %arg4[%add3A_10, %dma_start3A_131] : memref<131072x176xf32, #tpu.memory_space<hbm>> -> memref<256x176xf32, #tpu.memory_space<hbm>>
      tpu.enqueue_dma source(%arg6 : memref<256x176xf32, #tpu.memory_space<vmem>>) target(%dma_start3A_132 : memref<256x176xf32, #tpu.memory_space<hbm>>) target_semaphore(%run_scoped3A : memref<!tpu.dma_semaphore, #tpu.memory_space<semaphore_mem>>)
      %dma_wait3A_133 = arith.constant 0 : i32
      %dma_wait3A_134 = tpu.memref_slice %arg4[%add3A_10, %dma_wait3A_133] : memref<131072x176xf32, #tpu.memory_space<hbm>> -> memref<256x176xf32, #tpu.memory_space<hbm>>
      %dma_wait3A_135 = arith.constant 0 : i32
      %dma_wait3A_136 = tpu.memref_slice %arg4[%add3A_10, %dma_wait3A_135] : memref<131072x176xf32, #tpu.memory_space<hbm>> -> memref<256x176xf32, #tpu.memory_space<hbm>>
      tpu.wait_dma2 semaphore(%run_scoped3A : memref<!tpu.dma_semaphore, #tpu.memory_space<semaphore_mem>>) src(%arg6 : memref<256x176xf32, #tpu.memory_space<vmem>>) dst(%dma_wait3A_136 : memref<256x176xf32, #tpu.memory_space<hbm>>)
      tpu.yield
    }) : () -> ()
    %add3A_17 = arith.constant 512 : i32
    %add3A_18 = arith.addi %mul3A_2, %add3A_17 : i32
    "tpu.region"() ({
      %run_scoped3A = tpu.sem_alloc : memref<!tpu.dma_semaphore, #tpu.memory_space<semaphore_mem>>
      %dma_start3A_129 = tpu.memref_slice %arg3[%add3A_18] : memref<131072xi32, #tpu.memory_space<hbm>> -> memref<256xi32, #tpu.memory_space<hbm>>
      %dma_start3A_130 = tpu.memref_slice %arg3[%add3A_18] : memref<131072xi32, #tpu.memory_space<hbm>> -> memref<256xi32, #tpu.memory_space<hbm>>
      tpu.enqueue_dma source(%dma_start3A_130 : memref<256xi32, #tpu.memory_space<hbm>>) target(%arg5 : memref<256xi32, #tpu.memory_space<vmem>>) target_semaphore(%run_scoped3A : memref<!tpu.dma_semaphore, #tpu.memory_space<semaphore_mem>>)
      %dma_wait3A_131 = tpu.memref_slice %arg3[%add3A_18] : memref<131072xi32, #tpu.memory_space<hbm>> -> memref<256xi32, #tpu.memory_space<hbm>>
      %dma_wait3A_132 = tpu.memref_slice %arg3[%add3A_18] : memref<131072xi32, #tpu.memory_space<hbm>> -> memref<256xi32, #tpu.memory_space<hbm>>
      tpu.wait_dma2 semaphore(%run_scoped3A : memref<!tpu.dma_semaphore, #tpu.memory_space<semaphore_mem>>) src(%dma_wait3A_132 : memref<256xi32, #tpu.memory_space<hbm>>) dst(%arg5 : memref<256xi32, #tpu.memory_space<vmem>>)
      tpu.yield
    }) : () -> ()
    %dma_start3A_19 = arith.constant 0 : i32
    %dma_start3A_20 = arith.constant 0 : i32
    %dma_start3A_21 = tpu.memref_slice %arg2[%dma_start3A_19, %dma_start3A_20] : memref<2048x176xf32, #tpu.memory_space<hbm>> -> memref<2048x176xf32, #tpu.memory_space<hbm>>
    tpu.enqueue_indirect_dma source(%dma_start3A_21 : memref<2048x176xf32, #tpu.memory_space<hbm>>) target(%arg6 : memref<256x176xf32, #tpu.memory_space<vmem>>) offsets(%arg5 : memref<256xi32, #tpu.memory_space<vmem>>) semaphore(%arg7 : memref<!tpu.dma_semaphore, #tpu.memory_space<semaphore_mem>>)
    %dma_wait3A_22 = arith.constant 0 : i32
    %dma_wait3A_23 = arith.constant 0 : i32
    %dma_wait3A_24 = tpu.memref_slice %arg2[%dma_wait3A_22, %dma_wait3A_23] : memref<2048x176xf32, #tpu.memory_space<hbm>> -> memref<2048x176xf32, #tpu.memory_space<hbm>>
    tpu.wait_indirect_dma semaphore(%arg7 : memref<!tpu.dma_semaphore, #tpu.memory_space<semaphore_mem>>) src(%dma_wait3A_24 : memref<2048x176xf32, #tpu.memory_space<hbm>>) dst(%arg6 : memref<256x176xf32, #tpu.memory_space<vmem>>)
    "tpu.region"() ({
      %run_scoped3A = tpu.sem_alloc : memref<!tpu.dma_semaphore, #tpu.memory_space<semaphore_mem>>
      %dma_start3A_129 = arith.constant 0 : i32
      %dma_start3A_130 = tpu.memref_slice %arg4[%add3A_18, %dma_start3A_129] : memref<131072x176xf32, #tpu.memory_space<hbm>> -> memref<256x176xf32, #tpu.memory_space<hbm>>
      %dma_start3A_131 = arith.constant 0 : i32
      %dma_start3A_132 = tpu.memref_slice %arg4[%add3A_18, %dma_start3A_131] : memref<131072x176xf32, #tpu.memory_space<hbm>> -> memref<256x176xf32, #tpu.memory_space<hbm>>
      tpu.enqueue_dma source(%arg6 : memref<256x176xf32, #tpu.memory_space<vmem>>) target(%dma_start3A_132 : memref<256x176xf32, #tpu.memory_space<hbm>>) target_semaphore(%run_scoped3A : memref<!tpu.dma_semaphore, #tpu.memory_space<semaphore_mem>>)
      %dma_wait3A_133 = arith.constant 0 : i32
      %dma_wait3A_134 = tpu.memref_slice %arg4[%add3A_18, %dma_wait3A_133] : memref<131072x176xf32, #tpu.memory_space<hbm>> -> memref<256x176xf32, #tpu.memory_space<hbm>>
      %dma_wait3A_135 = arith.constant 0 : i32
      %dma_wait3A_136 = tpu.memref_slice %arg4[%add3A_18, %dma_wait3A_135] : memref<131072x176xf32, #tpu.memory_space<hbm>> -> memref<256x176xf32, #tpu.memory_space<hbm>>
      tpu.wait_dma2 semaphore(%run_scoped3A : memref<!tpu.dma_semaphore, #tpu.memory_space<semaphore_mem>>) src(%arg6 : memref<256x176xf32, #tpu.memory_space<vmem>>) dst(%dma_wait3A_136 : memref<256x176xf32, #tpu.memory_space<hbm>>)
      tpu.yield
    }) : () -> ()
    %add3A_25 = arith.constant 768 : i32
    %add3A_26 = arith.addi %mul3A_2, %add3A_25 : i32
    "tpu.region"() ({
      %run_scoped3A = tpu.sem_alloc : memref<!tpu.dma_semaphore, #tpu.memory_space<semaphore_mem>>
      %dma_start3A_129 = tpu.memref_slice %arg3[%add3A_26] : memref<131072xi32, #tpu.memory_space<hbm>> -> memref<256xi32, #tpu.memory_space<hbm>>
      %dma_start3A_130 = tpu.memref_slice %arg3[%add3A_26] : memref<131072xi32, #tpu.memory_space<hbm>> -> memref<256xi32, #tpu.memory_space<hbm>>
      tpu.enqueue_dma source(%dma_start3A_130 : memref<256xi32, #tpu.memory_space<hbm>>) target(%arg5 : memref<256xi32, #tpu.memory_space<vmem>>) target_semaphore(%run_scoped3A : memref<!tpu.dma_semaphore, #tpu.memory_space<semaphore_mem>>)
      %dma_wait3A_131 = tpu.memref_slice %arg3[%add3A_26] : memref<131072xi32, #tpu.memory_space<hbm>> -> memref<256xi32, #tpu.memory_space<hbm>>
      %dma_wait3A_132 = tpu.memref_slice %arg3[%add3A_26] : memref<131072xi32, #tpu.memory_space<hbm>> -> memref<256xi32, #tpu.memory_space<hbm>>
      tpu.wait_dma2 semaphore(%run_scoped3A : memref<!tpu.dma_semaphore, #tpu.memory_space<semaphore_mem>>) src(%dma_wait3A_132 : memref<256xi32, #tpu.memory_space<hbm>>) dst(%arg5 : memref<256xi32, #tpu.memory_space<vmem>>)
      tpu.yield
    }) : () -> ()
    %dma_start3A_27 = arith.constant 0 : i32
    %dma_start3A_28 = arith.constant 0 : i32
    %dma_start3A_29 = tpu.memref_slice %arg2[%dma_start3A_27, %dma_start3A_28] : memref<2048x176xf32, #tpu.memory_space<hbm>> -> memref<2048x176xf32, #tpu.memory_space<hbm>>
    tpu.enqueue_indirect_dma source(%dma_start3A_29 : memref<2048x176xf32, #tpu.memory_space<hbm>>) target(%arg6 : memref<256x176xf32, #tpu.memory_space<vmem>>) offsets(%arg5 : memref<256xi32, #tpu.memory_space<vmem>>) semaphore(%arg7 : memref<!tpu.dma_semaphore, #tpu.memory_space<semaphore_mem>>)
    %dma_wait3A_30 = arith.constant 0 : i32
    %dma_wait3A_31 = arith.constant 0 : i32
    %dma_wait3A_32 = tpu.memref_slice %arg2[%dma_wait3A_30, %dma_wait3A_31] : memref<2048x176xf32, #tpu.memory_space<hbm>> -> memref<2048x176xf32, #tpu.memory_space<hbm>>
    tpu.wait_indirect_dma semaphore(%arg7 : memref<!tpu.dma_semaphore, #tpu.memory_space<semaphore_mem>>) src(%dma_wait3A_32 : memref<2048x176xf32, #tpu.memory_space<hbm>>) dst(%arg6 : memref<256x176xf32, #tpu.memory_space<vmem>>)
    "tpu.region"() ({
      %run_scoped3A = tpu.sem_alloc : memref<!tpu.dma_semaphore, #tpu.memory_space<semaphore_mem>>
      %dma_start3A_129 = arith.constant 0 : i32
      %dma_start3A_130 = tpu.memref_slice %arg4[%add3A_26, %dma_start3A_129] : memref<131072x176xf32, #tpu.memory_space<hbm>> -> memref<256x176xf32, #tpu.memory_space<hbm>>
      %dma_start3A_131 = arith.constant 0 : i32
      %dma_start3A_132 = tpu.memref_slice %arg4[%add3A_26, %dma_start3A_131] : memref<131072x176xf32, #tpu.memory_space<hbm>> -> memref<256x176xf32, #tpu.memory_space<hbm>>
      tpu.enqueue_dma source(%arg6 : memref<256x176xf32, #tpu.memory_space<vmem>>) target(%dma_start3A_132 : memref<256x176xf32, #tpu.memory_space<hbm>>) target_semaphore(%run_scoped3A : memref<!tpu.dma_semaphore, #tpu.memory_space<semaphore_mem>>)
      %dma_wait3A_133 = arith.constant 0 : i32
      %dma_wait3A_134 = tpu.memref_slice %arg4[%add3A_26, %dma_wait3A_133] : memref<131072x176xf32, #tpu.memory_space<hbm>> -> memref<256x176xf32, #tpu.memory_space<hbm>>
      %dma_wait3A_135 = arith.constant 0 : i32
      %dma_wait3A_136 = tpu.memref_slice %arg4[%add3A_26, %dma_wait3A_135] : memref<131072x176xf32, #tpu.memory_space<hbm>> -> memref<256x176xf32, #tpu.memory_space<hbm>>
      tpu.wait_dma2 semaphore(%run_scoped3A : memref<!tpu.dma_semaphore, #tpu.memory_space<semaphore_mem>>) src(%arg6 : memref<256x176xf32, #tpu.memory_space<vmem>>) dst(%dma_wait3A_136 : memref<256x176xf32, #tpu.memory_space<hbm>>)
      tpu.yield
    }) : () -> ()
    %add3A_33 = arith.constant 1024 : i32
    %add3A_34 = arith.addi %mul3A_2, %add3A_33 : i32
    "tpu.region"() ({
      %run_scoped3A = tpu.sem_alloc : memref<!tpu.dma_semaphore, #tpu.memory_space<semaphore_mem>>
      %dma_start3A_129 = tpu.memref_slice %arg3[%add3A_34] : memref<131072xi32, #tpu.memory_space<hbm>> -> memref<256xi32, #tpu.memory_space<hbm>>
      %dma_start3A_130 = tpu.memref_slice %arg3[%add3A_34] : memref<131072xi32, #tpu.memory_space<hbm>> -> memref<256xi32, #tpu.memory_space<hbm>>
      tpu.enqueue_dma source(%dma_start3A_130 : memref<256xi32, #tpu.memory_space<hbm>>) target(%arg5 : memref<256xi32, #tpu.memory_space<vmem>>) target_semaphore(%run_scoped3A : memref<!tpu.dma_semaphore, #tpu.memory_space<semaphore_mem>>)
      %dma_wait3A_131 = tpu.memref_slice %arg3[%add3A_34] : memref<131072xi32, #tpu.memory_space<hbm>> -> memref<256xi32, #tpu.memory_space<hbm>>
      %dma_wait3A_132 = tpu.memref_slice %arg3[%add3A_34] : memref<131072xi32, #tpu.memory_space<hbm>> -> memref<256xi32, #tpu.memory_space<hbm>>
      tpu.wait_dma2 semaphore(%run_scoped3A : memref<!tpu.dma_semaphore, #tpu.memory_space<semaphore_mem>>) src(%dma_wait3A_132 : memref<256xi32, #tpu.memory_space<hbm>>) dst(%arg5 : memref<256xi32, #tpu.memory_space<vmem>>)
      tpu.yield
    }) : () -> ()
    %dma_start3A_35 = arith.constant 0 : i32
    %dma_start3A_36 = arith.constant 0 : i32
    %dma_start3A_37 = tpu.memref_slice %arg2[%dma_start3A_35, %dma_start3A_36] : memref<2048x176xf32, #tpu.memory_space<hbm>> -> memref<2048x176xf32, #tpu.memory_space<hbm>>
    tpu.enqueue_indirect_dma source(%dma_start3A_37 : memref<2048x176xf32, #tpu.memory_space<hbm>>) target(%arg6 : memref<256x176xf32, #tpu.memory_space<vmem>>) offsets(%arg5 : memref<256xi32, #tpu.memory_space<vmem>>) semaphore(%arg7 : memref<!tpu.dma_semaphore, #tpu.memory_space<semaphore_mem>>)
    %dma_wait3A_38 = arith.constant 0 : i32
    %dma_wait3A_39 = arith.constant 0 : i32
    %dma_wait3A_40 = tpu.memref_slice %arg2[%dma_wait3A_38, %dma_wait3A_39] : memref<2048x176xf32, #tpu.memory_space<hbm>> -> memref<2048x176xf32, #tpu.memory_space<hbm>>
    tpu.wait_indirect_dma semaphore(%arg7 : memref<!tpu.dma_semaphore, #tpu.memory_space<semaphore_mem>>) src(%dma_wait3A_40 : memref<2048x176xf32, #tpu.memory_space<hbm>>) dst(%arg6 : memref<256x176xf32, #tpu.memory_space<vmem>>)
    "tpu.region"() ({
      %run_scoped3A = tpu.sem_alloc : memref<!tpu.dma_semaphore, #tpu.memory_space<semaphore_mem>>
      %dma_start3A_129 = arith.constant 0 : i32
      %dma_start3A_130 = tpu.memref_slice %arg4[%add3A_34, %dma_start3A_129] : memref<131072x176xf32, #tpu.memory_space<hbm>> -> memref<256x176xf32, #tpu.memory_space<hbm>>
      %dma_start3A_131 = arith.constant 0 : i32
      %dma_start3A_132 = tpu.memref_slice %arg4[%add3A_34, %dma_start3A_131] : memref<131072x176xf32, #tpu.memory_space<hbm>> -> memref<256x176xf32, #tpu.memory_space<hbm>>
      tpu.enqueue_dma source(%arg6 : memref<256x176xf32, #tpu.memory_space<vmem>>) target(%dma_start3A_132 : memref<256x176xf32, #tpu.memory_space<hbm>>) target_semaphore(%run_scoped3A : memref<!tpu.dma_semaphore, #tpu.memory_space<semaphore_mem>>)
      %dma_wait3A_133 = arith.constant 0 : i32
      %dma_wait3A_134 = tpu.memref_slice %arg4[%add3A_34, %dma_wait3A_133] : memref<131072x176xf32, #tpu.memory_space<hbm>> -> memref<256x176xf32, #tpu.memory_space<hbm>>
      %dma_wait3A_135 = arith.constant 0 : i32
      %dma_wait3A_136 = tpu.memref_slice %arg4[%add3A_34, %dma_wait3A_135] : memref<131072x176xf32, #tpu.memory_space<hbm>> -> memref<256x176xf32, #tpu.memory_space<hbm>>
      tpu.wait_dma2 semaphore(%run_scoped3A : memref<!tpu.dma_semaphore, #tpu.memory_space<semaphore_mem>>) src(%arg6 : memref<256x176xf32, #tpu.memory_space<vmem>>) dst(%dma_wait3A_136 : memref<256x176xf32, #tpu.memory_space<hbm>>)
      tpu.yield
    }) : () -> ()
    %add3A_41 = arith.constant 1280 : i32
    %add3A_42 = arith.addi %mul3A_2, %add3A_41 : i32
    "tpu.region"() ({
      %run_scoped3A = tpu.sem_alloc : memref<!tpu.dma_semaphore, #tpu.memory_space<semaphore_mem>>
      %dma_start3A_129 = tpu.memref_slice %arg3[%add3A_42] : memref<131072xi32, #tpu.memory_space<hbm>> -> memref<256xi32, #tpu.memory_space<hbm>>
      %dma_start3A_130 = tpu.memref_slice %arg3[%add3A_42] : memref<131072xi32, #tpu.memory_space<hbm>> -> memref<256xi32, #tpu.memory_space<hbm>>
      tpu.enqueue_dma source(%dma_start3A_130 : memref<256xi32, #tpu.memory_space<hbm>>) target(%arg5 : memref<256xi32, #tpu.memory_space<vmem>>) target_semaphore(%run_scoped3A : memref<!tpu.dma_semaphore, #tpu.memory_space<semaphore_mem>>)
      %dma_wait3A_131 = tpu.memref_slice %arg3[%add3A_42] : memref<131072xi32, #tpu.memory_space<hbm>> -> memref<256xi32, #tpu.memory_space<hbm>>
      %dma_wait3A_132 = tpu.memref_slice %arg3[%add3A_42] : memref<131072xi32, #tpu.memory_space<hbm>> -> memref<256xi32, #tpu.memory_space<hbm>>
      tpu.wait_dma2 semaphore(%run_scoped3A : memref<!tpu.dma_semaphore, #tpu.memory_space<semaphore_mem>>) src(%dma_wait3A_132 : memref<256xi32, #tpu.memory_space<hbm>>) dst(%arg5 : memref<256xi32, #tpu.memory_space<vmem>>)
      tpu.yield
    }) : () -> ()
    %dma_start3A_43 = arith.constant 0 : i32
    %dma_start3A_44 = arith.constant 0 : i32
    %dma_start3A_45 = tpu.memref_slice %arg2[%dma_start3A_43, %dma_start3A_44] : memref<2048x176xf32, #tpu.memory_space<hbm>> -> memref<2048x176xf32, #tpu.memory_space<hbm>>
    tpu.enqueue_indirect_dma source(%dma_start3A_45 : memref<2048x176xf32, #tpu.memory_space<hbm>>) target(%arg6 : memref<256x176xf32, #tpu.memory_space<vmem>>) offsets(%arg5 : memref<256xi32, #tpu.memory_space<vmem>>) semaphore(%arg7 : memref<!tpu.dma_semaphore, #tpu.memory_space<semaphore_mem>>)
    %dma_wait3A_46 = arith.constant 0 : i32
    %dma_wait3A_47 = arith.constant 0 : i32
    %dma_wait3A_48 = tpu.memref_slice %arg2[%dma_wait3A_46, %dma_wait3A_47] : memref<2048x176xf32, #tpu.memory_space<hbm>> -> memref<2048x176xf32, #tpu.memory_space<hbm>>
    tpu.wait_indirect_dma semaphore(%arg7 : memref<!tpu.dma_semaphore, #tpu.memory_space<semaphore_mem>>) src(%dma_wait3A_48 : memref<2048x176xf32, #tpu.memory_space<hbm>>) dst(%arg6 : memref<256x176xf32, #tpu.memory_space<vmem>>)
    "tpu.region"() ({
      %run_scoped3A = tpu.sem_alloc : memref<!tpu.dma_semaphore, #tpu.memory_space<semaphore_mem>>
      %dma_start3A_129 = arith.constant 0 : i32
      %dma_start3A_130 = tpu.memref_slice %arg4[%add3A_42, %dma_start3A_129] : memref<131072x176xf32, #tpu.memory_space<hbm>> -> memref<256x176xf32, #tpu.memory_space<hbm>>
      %dma_start3A_131 = arith.constant 0 : i32
      %dma_start3A_132 = tpu.memref_slice %arg4[%add3A_42, %dma_start3A_131] : memref<131072x176xf32, #tpu.memory_space<hbm>> -> memref<256x176xf32, #tpu.memory_space<hbm>>
      tpu.enqueue_dma source(%arg6 : memref<256x176xf32, #tpu.memory_space<vmem>>) target(%dma_start3A_132 : memref<256x176xf32, #tpu.memory_space<hbm>>) target_semaphore(%run_scoped3A : memref<!tpu.dma_semaphore, #tpu.memory_space<semaphore_mem>>)
      %dma_wait3A_133 = arith.constant 0 : i32
      %dma_wait3A_134 = tpu.memref_slice %arg4[%add3A_42, %dma_wait3A_133] : memref<131072x176xf32, #tpu.memory_space<hbm>> -> memref<256x176xf32, #tpu.memory_space<hbm>>
      %dma_wait3A_135 = arith.constant 0 : i32
      %dma_wait3A_136 = tpu.memref_slice %arg4[%add3A_42, %dma_wait3A_135] : memref<131072x176xf32, #tpu.memory_space<hbm>> -> memref<256x176xf32, #tpu.memory_space<hbm>>
      tpu.wait_dma2 semaphore(%run_scoped3A : memref<!tpu.dma_semaphore, #tpu.memory_space<semaphore_mem>>) src(%arg6 : memref<256x176xf32, #tpu.memory_space<vmem>>) dst(%dma_wait3A_136 : memref<256x176xf32, #tpu.memory_space<hbm>>)
      tpu.yield
    }) : () -> ()
    %add3A_49 = arith.constant 1536 : i32
    %add3A_50 = arith.addi %mul3A_2, %add3A_49 : i32
    "tpu.region"() ({
      %run_scoped3A = tpu.sem_alloc : memref<!tpu.dma_semaphore, #tpu.memory_space<semaphore_mem>>
      %dma_start3A_129 = tpu.memref_slice %arg3[%add3A_50] : memref<131072xi32, #tpu.memory_space<hbm>> -> memref<256xi32, #tpu.memory_space<hbm>>
      %dma_start3A_130 = tpu.memref_slice %arg3[%add3A_50] : memref<131072xi32, #tpu.memory_space<hbm>> -> memref<256xi32, #tpu.memory_space<hbm>>
      tpu.enqueue_dma source(%dma_start3A_130 : memref<256xi32, #tpu.memory_space<hbm>>) target(%arg5 : memref<256xi32, #tpu.memory_space<vmem>>) target_semaphore(%run_scoped3A : memref<!tpu.dma_semaphore, #tpu.memory_space<semaphore_mem>>)
      %dma_wait3A_131 = tpu.memref_slice %arg3[%add3A_50] : memref<131072xi32, #tpu.memory_space<hbm>> -> memref<256xi32, #tpu.memory_space<hbm>>
      %dma_wait3A_132 = tpu.memref_slice %arg3[%add3A_50] : memref<131072xi32, #tpu.memory_space<hbm>> -> memref<256xi32, #tpu.memory_space<hbm>>
      tpu.wait_dma2 semaphore(%run_scoped3A : memref<!tpu.dma_semaphore, #tpu.memory_space<semaphore_mem>>) src(%dma_wait3A_132 : memref<256xi32, #tpu.memory_space<hbm>>) dst(%arg5 : memref<256xi32, #tpu.memory_space<vmem>>)
      tpu.yield
    }) : () -> ()
    %dma_start3A_51 = arith.constant 0 : i32
    %dma_start3A_52 = arith.constant 0 : i32
    %dma_start3A_53 = tpu.memref_slice %arg2[%dma_start3A_51, %dma_start3A_52] : memref<2048x176xf32, #tpu.memory_space<hbm>> -> memref<2048x176xf32, #tpu.memory_space<hbm>>
    tpu.enqueue_indirect_dma source(%dma_start3A_53 : memref<2048x176xf32, #tpu.memory_space<hbm>>) target(%arg6 : memref<256x176xf32, #tpu.memory_space<vmem>>) offsets(%arg5 : memref<256xi32, #tpu.memory_space<vmem>>) semaphore(%arg7 : memref<!tpu.dma_semaphore, #tpu.memory_space<semaphore_mem>>)
    %dma_wait3A_54 = arith.constant 0 : i32
    %dma_wait3A_55 = arith.constant 0 : i32
    %dma_wait3A_56 = tpu.memref_slice %arg2[%dma_wait3A_54, %dma_wait3A_55] : memref<2048x176xf32, #tpu.memory_space<hbm>> -> memref<2048x176xf32, #tpu.memory_space<hbm>>
    tpu.wait_indirect_dma semaphore(%arg7 : memref<!tpu.dma_semaphore, #tpu.memory_space<semaphore_mem>>) src(%dma_wait3A_56 : memref<2048x176xf32, #tpu.memory_space<hbm>>) dst(%arg6 : memref<256x176xf32, #tpu.memory_space<vmem>>)
    "tpu.region"() ({
      %run_scoped3A = tpu.sem_alloc : memref<!tpu.dma_semaphore, #tpu.memory_space<semaphore_mem>>
      %dma_start3A_129 = arith.constant 0 : i32
      %dma_start3A_130 = tpu.memref_slice %arg4[%add3A_50, %dma_start3A_129] : memref<131072x176xf32, #tpu.memory_space<hbm>> -> memref<256x176xf32, #tpu.memory_space<hbm>>
      %dma_start3A_131 = arith.constant 0 : i32
      %dma_start3A_132 = tpu.memref_slice %arg4[%add3A_50, %dma_start3A_131] : memref<131072x176xf32, #tpu.memory_space<hbm>> -> memref<256x176xf32, #tpu.memory_space<hbm>>
      tpu.enqueue_dma source(%arg6 : memref<256x176xf32, #tpu.memory_space<vmem>>) target(%dma_start3A_132 : memref<256x176xf32, #tpu.memory_space<hbm>>) target_semaphore(%run_scoped3A : memref<!tpu.dma_semaphore, #tpu.memory_space<semaphore_mem>>)
      %dma_wait3A_133 = arith.constant 0 : i32
      %dma_wait3A_134 = tpu.memref_slice %arg4[%add3A_50, %dma_wait3A_133] : memref<131072x176xf32, #tpu.memory_space<hbm>> -> memref<256x176xf32, #tpu.memory_space<hbm>>
      %dma_wait3A_135 = arith.constant 0 : i32
      %dma_wait3A_136 = tpu.memref_slice %arg4[%add3A_50, %dma_wait3A_135] : memref<131072x176xf32, #tpu.memory_space<hbm>> -> memref<256x176xf32, #tpu.memory_space<hbm>>
      tpu.wait_dma2 semaphore(%run_scoped3A : memref<!tpu.dma_semaphore, #tpu.memory_space<semaphore_mem>>) src(%arg6 : memref<256x176xf32, #tpu.memory_space<vmem>>) dst(%dma_wait3A_136 : memref<256x176xf32, #tpu.memory_space<hbm>>)
      tpu.yield
    }) : () -> ()
    %add3A_57 = arith.constant 1792 : i32
    %add3A_58 = arith.addi %mul3A_2, %add3A_57 : i32
    "tpu.region"() ({
      %run_scoped3A = tpu.sem_alloc : memref<!tpu.dma_semaphore, #tpu.memory_space<semaphore_mem>>
      %dma_start3A_129 = tpu.memref_slice %arg3[%add3A_58] : memref<131072xi32, #tpu.memory_space<hbm>> -> memref<256xi32, #tpu.memory_space<hbm>>
      %dma_start3A_130 = tpu.memref_slice %arg3[%add3A_58] : memref<131072xi32, #tpu.memory_space<hbm>> -> memref<256xi32, #tpu.memory_space<hbm>>
      tpu.enqueue_dma source(%dma_start3A_130 : memref<256xi32, #tpu.memory_space<hbm>>) target(%arg5 : memref<256xi32, #tpu.memory_space<vmem>>) target_semaphore(%run_scoped3A : memref<!tpu.dma_semaphore, #tpu.memory_space<semaphore_mem>>)
      %dma_wait3A_131 = tpu.memref_slice %arg3[%add3A_58] : memref<131072xi32, #tpu.memory_space<hbm>> -> memref<256xi32, #tpu.memory_space<hbm>>
      %dma_wait3A_132 = tpu.memref_slice %arg3[%add3A_58] : memref<131072xi32, #tpu.memory_space<hbm>> -> memref<256xi32, #tpu.memory_space<hbm>>
      tpu.wait_dma2 semaphore(%run_scoped3A : memref<!tpu.dma_semaphore, #tpu.memory_space<semaphore_mem>>) src(%dma_wait3A_132 : memref<256xi32, #tpu.memory_space<hbm>>) dst(%arg5 : memref<256xi32, #tpu.memory_space<vmem>>)
      tpu.yield
    }) : () -> ()
    %dma_start3A_59 = arith.constant 0 : i32
    %dma_start3A_60 = arith.constant 0 : i32
    %dma_start3A_61 = tpu.memref_slice %arg2[%dma_start3A_59, %dma_start3A_60] : memref<2048x176xf32, #tpu.memory_space<hbm>> -> memref<2048x176xf32, #tpu.memory_space<hbm>>
    tpu.enqueue_indirect_dma source(%dma_start3A_61 : memref<2048x176xf32, #tpu.memory_space<hbm>>) target(%arg6 : memref<256x176xf32, #tpu.memory_space<vmem>>) offsets(%arg5 : memref<256xi32, #tpu.memory_space<vmem>>) semaphore(%arg7 : memref<!tpu.dma_semaphore, #tpu.memory_space<semaphore_mem>>)
    %dma_wait3A_62 = arith.constant 0 : i32
    %dma_wait3A_63 = arith.constant 0 : i32
    %dma_wait3A_64 = tpu.memref_slice %arg2[%dma_wait3A_62, %dma_wait3A_63] : memref<2048x176xf32, #tpu.memory_space<hbm>> -> memref<2048x176xf32, #tpu.memory_space<hbm>>
    tpu.wait_indirect_dma semaphore(%arg7 : memref<!tpu.dma_semaphore, #tpu.memory_space<semaphore_mem>>) src(%dma_wait3A_64 : memref<2048x176xf32, #tpu.memory_space<hbm>>) dst(%arg6 : memref<256x176xf32, #tpu.memory_space<vmem>>)
    "tpu.region"() ({
      %run_scoped3A = tpu.sem_alloc : memref<!tpu.dma_semaphore, #tpu.memory_space<semaphore_mem>>
      %dma_start3A_129 = arith.constant 0 : i32
      %dma_start3A_130 = tpu.memref_slice %arg4[%add3A_58, %dma_start3A_129] : memref<131072x176xf32, #tpu.memory_space<hbm>> -> memref<256x176xf32, #tpu.memory_space<hbm>>
      %dma_start3A_131 = arith.constant 0 : i32
      %dma_start3A_132 = tpu.memref_slice %arg4[%add3A_58, %dma_start3A_131] : memref<131072x176xf32, #tpu.memory_space<hbm>> -> memref<256x176xf32, #tpu.memory_space<hbm>>
      tpu.enqueue_dma source(%arg6 : memref<256x176xf32, #tpu.memory_space<vmem>>) target(%dma_start3A_132 : memref<256x176xf32, #tpu.memory_space<hbm>>) target_semaphore(%run_scoped3A : memref<!tpu.dma_semaphore, #tpu.memory_space<semaphore_mem>>)
      %dma_wait3A_133 = arith.constant 0 : i32
      %dma_wait3A_134 = tpu.memref_slice %arg4[%add3A_58, %dma_wait3A_133] : memref<131072x176xf32, #tpu.memory_space<hbm>> -> memref<256x176xf32, #tpu.memory_space<hbm>>
      %dma_wait3A_135 = arith.constant 0 : i32
      %dma_wait3A_136 = tpu.memref_slice %arg4[%add3A_58, %dma_wait3A_135] : memref<131072x176xf32, #tpu.memory_space<hbm>> -> memref<256x176xf32, #tpu.memory_space<hbm>>
      tpu.wait_dma2 semaphore(%run_scoped3A : memref<!tpu.dma_semaphore, #tpu.memory_space<semaphore_mem>>) src(%arg6 : memref<256x176xf32, #tpu.memory_space<vmem>>) dst(%dma_wait3A_136 : memref<256x176xf32, #tpu.memory_space<hbm>>)
      tpu.yield
    }) : () -> ()
    %add3A_65 = arith.constant 2048 : i32
    %add3A_66 = arith.addi %mul3A_2, %add3A_65 : i32
    "tpu.region"() ({
      %run_scoped3A = tpu.sem_alloc : memref<!tpu.dma_semaphore, #tpu.memory_space<semaphore_mem>>
      %dma_start3A_129 = tpu.memref_slice %arg3[%add3A_66] : memref<131072xi32, #tpu.memory_space<hbm>> -> memref<256xi32, #tpu.memory_space<hbm>>
      %dma_start3A_130 = tpu.memref_slice %arg3[%add3A_66] : memref<131072xi32, #tpu.memory_space<hbm>> -> memref<256xi32, #tpu.memory_space<hbm>>
      tpu.enqueue_dma source(%dma_start3A_130 : memref<256xi32, #tpu.memory_space<hbm>>) target(%arg5 : memref<256xi32, #tpu.memory_space<vmem>>) target_semaphore(%run_scoped3A : memref<!tpu.dma_semaphore, #tpu.memory_space<semaphore_mem>>)
      %dma_wait3A_131 = tpu.memref_slice %arg3[%add3A_66] : memref<131072xi32, #tpu.memory_space<hbm>> -> memref<256xi32, #tpu.memory_space<hbm>>
      %dma_wait3A_132 = tpu.memref_slice %arg3[%add3A_66] : memref<131072xi32, #tpu.memory_space<hbm>> -> memref<256xi32, #tpu.memory_space<hbm>>
      tpu.wait_dma2 semaphore(%run_scoped3A : memref<!tpu.dma_semaphore, #tpu.memory_space<semaphore_mem>>) src(%dma_wait3A_132 : memref<256xi32, #tpu.memory_space<hbm>>) dst(%arg5 : memref<256xi32, #tpu.memory_space<vmem>>)
      tpu.yield
    }) : () -> ()
    %dma_start3A_67 = arith.constant 0 : i32
    %dma_start3A_68 = arith.constant 0 : i32
    %dma_start3A_69 = tpu.memref_slice %arg2[%dma_start3A_67, %dma_start3A_68] : memref<2048x176xf32, #tpu.memory_space<hbm>> -> memref<2048x176xf32, #tpu.memory_space<hbm>>
    tpu.enqueue_indirect_dma source(%dma_start3A_69 : memref<2048x176xf32, #tpu.memory_space<hbm>>) target(%arg6 : memref<256x176xf32, #tpu.memory_space<vmem>>) offsets(%arg5 : memref<256xi32, #tpu.memory_space<vmem>>) semaphore(%arg7 : memref<!tpu.dma_semaphore, #tpu.memory_space<semaphore_mem>>)
    %dma_wait3A_70 = arith.constant 0 : i32
    %dma_wait3A_71 = arith.constant 0 : i32
    %dma_wait3A_72 = tpu.memref_slice %arg2[%dma_wait3A_70, %dma_wait3A_71] : memref<2048x176xf32, #tpu.memory_space<hbm>> -> memref<2048x176xf32, #tpu.memory_space<hbm>>
    tpu.wait_indirect_dma semaphore(%arg7 : memref<!tpu.dma_semaphore, #tpu.memory_space<semaphore_mem>>) src(%dma_wait3A_72 : memref<2048x176xf32, #tpu.memory_space<hbm>>) dst(%arg6 : memref<256x176xf32, #tpu.memory_space<vmem>>)
    "tpu.region"() ({
      %run_scoped3A = tpu.sem_alloc : memref<!tpu.dma_semaphore, #tpu.memory_space<semaphore_mem>>
      %dma_start3A_129 = arith.constant 0 : i32
      %dma_start3A_130 = tpu.memref_slice %arg4[%add3A_66, %dma_start3A_129] : memref<131072x176xf32, #tpu.memory_space<hbm>> -> memref<256x176xf32, #tpu.memory_space<hbm>>
      %dma_start3A_131 = arith.constant 0 : i32
      %dma_start3A_132 = tpu.memref_slice %arg4[%add3A_66, %dma_start3A_131] : memref<131072x176xf32, #tpu.memory_space<hbm>> -> memref<256x176xf32, #tpu.memory_space<hbm>>
      tpu.enqueue_dma source(%arg6 : memref<256x176xf32, #tpu.memory_space<vmem>>) target(%dma_start3A_132 : memref<256x176xf32, #tpu.memory_space<hbm>>) target_semaphore(%run_scoped3A : memref<!tpu.dma_semaphore, #tpu.memory_space<semaphore_mem>>)
      %dma_wait3A_133 = arith.constant 0 : i32
      %dma_wait3A_134 = tpu.memref_slice %arg4[%add3A_66, %dma_wait3A_133] : memref<131072x176xf32, #tpu.memory_space<hbm>> -> memref<256x176xf32, #tpu.memory_space<hbm>>
      %dma_wait3A_135 = arith.constant 0 : i32
      %dma_wait3A_136 = tpu.memref_slice %arg4[%add3A_66, %dma_wait3A_135] : memref<131072x176xf32, #tpu.memory_space<hbm>> -> memref<256x176xf32, #tpu.memory_space<hbm>>
      tpu.wait_dma2 semaphore(%run_scoped3A : memref<!tpu.dma_semaphore, #tpu.memory_space<semaphore_mem>>) src(%arg6 : memref<256x176xf32, #tpu.memory_space<vmem>>) dst(%dma_wait3A_136 : memref<256x176xf32, #tpu.memory_space<hbm>>)
      tpu.yield
    }) : () -> ()
    %add3A_73 = arith.constant 2304 : i32
    %add3A_74 = arith.addi %mul3A_2, %add3A_73 : i32
    "tpu.region"() ({
      %run_scoped3A = tpu.sem_alloc : memref<!tpu.dma_semaphore, #tpu.memory_space<semaphore_mem>>
      %dma_start3A_129 = tpu.memref_slice %arg3[%add3A_74] : memref<131072xi32, #tpu.memory_space<hbm>> -> memref<256xi32, #tpu.memory_space<hbm>>
      %dma_start3A_130 = tpu.memref_slice %arg3[%add3A_74] : memref<131072xi32, #tpu.memory_space<hbm>> -> memref<256xi32, #tpu.memory_space<hbm>>
      tpu.enqueue_dma source(%dma_start3A_130 : memref<256xi32, #tpu.memory_space<hbm>>) target(%arg5 : memref<256xi32, #tpu.memory_space<vmem>>) target_semaphore(%run_scoped3A : memref<!tpu.dma_semaphore, #tpu.memory_space<semaphore_mem>>)
      %dma_wait3A_131 = tpu.memref_slice %arg3[%add3A_74] : memref<131072xi32, #tpu.memory_space<hbm>> -> memref<256xi32, #tpu.memory_space<hbm>>
      %dma_wait3A_132 = tpu.memref_slice %arg3[%add3A_74] : memref<131072xi32, #tpu.memory_space<hbm>> -> memref<256xi32, #tpu.memory_space<hbm>>
      tpu.wait_dma2 semaphore(%run_scoped3A : memref<!tpu.dma_semaphore, #tpu.memory_space<semaphore_mem>>) src(%dma_wait3A_132 : memref<256xi32, #tpu.memory_space<hbm>>) dst(%arg5 : memref<256xi32, #tpu.memory_space<vmem>>)
      tpu.yield
    }) : () -> ()
    %dma_start3A_75 = arith.constant 0 : i32
    %dma_start3A_76 = arith.constant 0 : i32
    %dma_start3A_77 = tpu.memref_slice %arg2[%dma_start3A_75, %dma_start3A_76] : memref<2048x176xf32, #tpu.memory_space<hbm>> -> memref<2048x176xf32, #tpu.memory_space<hbm>>
    tpu.enqueue_indirect_dma source(%dma_start3A_77 : memref<2048x176xf32, #tpu.memory_space<hbm>>) target(%arg6 : memref<256x176xf32, #tpu.memory_space<vmem>>) offsets(%arg5 : memref<256xi32, #tpu.memory_space<vmem>>) semaphore(%arg7 : memref<!tpu.dma_semaphore, #tpu.memory_space<semaphore_mem>>)
    %dma_wait3A_78 = arith.constant 0 : i32
    %dma_wait3A_79 = arith.constant 0 : i32
    %dma_wait3A_80 = tpu.memref_slice %arg2[%dma_wait3A_78, %dma_wait3A_79] : memref<2048x176xf32, #tpu.memory_space<hbm>> -> memref<2048x176xf32, #tpu.memory_space<hbm>>
    tpu.wait_indirect_dma semaphore(%arg7 : memref<!tpu.dma_semaphore, #tpu.memory_space<semaphore_mem>>) src(%dma_wait3A_80 : memref<2048x176xf32, #tpu.memory_space<hbm>>) dst(%arg6 : memref<256x176xf32, #tpu.memory_space<vmem>>)
    "tpu.region"() ({
      %run_scoped3A = tpu.sem_alloc : memref<!tpu.dma_semaphore, #tpu.memory_space<semaphore_mem>>
      %dma_start3A_129 = arith.constant 0 : i32
      %dma_start3A_130 = tpu.memref_slice %arg4[%add3A_74, %dma_start3A_129] : memref<131072x176xf32, #tpu.memory_space<hbm>> -> memref<256x176xf32, #tpu.memory_space<hbm>>
      %dma_start3A_131 = arith.constant 0 : i32
      %dma_start3A_132 = tpu.memref_slice %arg4[%add3A_74, %dma_start3A_131] : memref<131072x176xf32, #tpu.memory_space<hbm>> -> memref<256x176xf32, #tpu.memory_space<hbm>>
      tpu.enqueue_dma source(%arg6 : memref<256x176xf32, #tpu.memory_space<vmem>>) target(%dma_start3A_132 : memref<256x176xf32, #tpu.memory_space<hbm>>) target_semaphore(%run_scoped3A : memref<!tpu.dma_semaphore, #tpu.memory_space<semaphore_mem>>)
      %dma_wait3A_133 = arith.constant 0 : i32
      %dma_wait3A_134 = tpu.memref_slice %arg4[%add3A_74, %dma_wait3A_133] : memref<131072x176xf32, #tpu.memory_space<hbm>> -> memref<256x176xf32, #tpu.memory_space<hbm>>
      %dma_wait3A_135 = arith.constant 0 : i32
      %dma_wait3A_136 = tpu.memref_slice %arg4[%add3A_74, %dma_wait3A_135] : memref<131072x176xf32, #tpu.memory_space<hbm>> -> memref<256x176xf32, #tpu.memory_space<hbm>>
      tpu.wait_dma2 semaphore(%run_scoped3A : memref<!tpu.dma_semaphore, #tpu.memory_space<semaphore_mem>>) src(%arg6 : memref<256x176xf32, #tpu.memory_space<vmem>>) dst(%dma_wait3A_136 : memref<256x176xf32, #tpu.memory_space<hbm>>)
      tpu.yield
    }) : () -> ()
    %add3A_81 = arith.constant 2560 : i32
    %add3A_82 = arith.addi %mul3A_2, %add3A_81 : i32
    "tpu.region"() ({
      %run_scoped3A = tpu.sem_alloc : memref<!tpu.dma_semaphore, #tpu.memory_space<semaphore_mem>>
      %dma_start3A_129 = tpu.memref_slice %arg3[%add3A_82] : memref<131072xi32, #tpu.memory_space<hbm>> -> memref<256xi32, #tpu.memory_space<hbm>>
      %dma_start3A_130 = tpu.memref_slice %arg3[%add3A_82] : memref<131072xi32, #tpu.memory_space<hbm>> -> memref<256xi32, #tpu.memory_space<hbm>>
      tpu.enqueue_dma source(%dma_start3A_130 : memref<256xi32, #tpu.memory_space<hbm>>) target(%arg5 : memref<256xi32, #tpu.memory_space<vmem>>) target_semaphore(%run_scoped3A : memref<!tpu.dma_semaphore, #tpu.memory_space<semaphore_mem>>)
      %dma_wait3A_131 = tpu.memref_slice %arg3[%add3A_82] : memref<131072xi32, #tpu.memory_space<hbm>> -> memref<256xi32, #tpu.memory_space<hbm>>
      %dma_wait3A_132 = tpu.memref_slice %arg3[%add3A_82] : memref<131072xi32, #tpu.memory_space<hbm>> -> memref<256xi32, #tpu.memory_space<hbm>>
      tpu.wait_dma2 semaphore(%run_scoped3A : memref<!tpu.dma_semaphore, #tpu.memory_space<semaphore_mem>>) src(%dma_wait3A_132 : memref<256xi32, #tpu.memory_space<hbm>>) dst(%arg5 : memref<256xi32, #tpu.memory_space<vmem>>)
      tpu.yield
    }) : () -> ()
    %dma_start3A_83 = arith.constant 0 : i32
    %dma_start3A_84 = arith.constant 0 : i32
    %dma_start3A_85 = tpu.memref_slice %arg2[%dma_start3A_83, %dma_start3A_84] : memref<2048x176xf32, #tpu.memory_space<hbm>> -> memref<2048x176xf32, #tpu.memory_space<hbm>>
    tpu.enqueue_indirect_dma source(%dma_start3A_85 : memref<2048x176xf32, #tpu.memory_space<hbm>>) target(%arg6 : memref<256x176xf32, #tpu.memory_space<vmem>>) offsets(%arg5 : memref<256xi32, #tpu.memory_space<vmem>>) semaphore(%arg7 : memref<!tpu.dma_semaphore, #tpu.memory_space<semaphore_mem>>)
    %dma_wait3A_86 = arith.constant 0 : i32
    %dma_wait3A_87 = arith.constant 0 : i32
    %dma_wait3A_88 = tpu.memref_slice %arg2[%dma_wait3A_86, %dma_wait3A_87] : memref<2048x176xf32, #tpu.memory_space<hbm>> -> memref<2048x176xf32, #tpu.memory_space<hbm>>
    tpu.wait_indirect_dma semaphore(%arg7 : memref<!tpu.dma_semaphore, #tpu.memory_space<semaphore_mem>>) src(%dma_wait3A_88 : memref<2048x176xf32, #tpu.memory_space<hbm>>) dst(%arg6 : memref<256x176xf32, #tpu.memory_space<vmem>>)
    "tpu.region"() ({
      %run_scoped3A = tpu.sem_alloc : memref<!tpu.dma_semaphore, #tpu.memory_space<semaphore_mem>>
      %dma_start3A_129 = arith.constant 0 : i32
      %dma_start3A_130 = tpu.memref_slice %arg4[%add3A_82, %dma_start3A_129] : memref<131072x176xf32, #tpu.memory_space<hbm>> -> memref<256x176xf32, #tpu.memory_space<hbm>>
      %dma_start3A_131 = arith.constant 0 : i32
      %dma_start3A_132 = tpu.memref_slice %arg4[%add3A_82, %dma_start3A_131] : memref<131072x176xf32, #tpu.memory_space<hbm>> -> memref<256x176xf32, #tpu.memory_space<hbm>>
      tpu.enqueue_dma source(%arg6 : memref<256x176xf32, #tpu.memory_space<vmem>>) target(%dma_start3A_132 : memref<256x176xf32, #tpu.memory_space<hbm>>) target_semaphore(%run_scoped3A : memref<!tpu.dma_semaphore, #tpu.memory_space<semaphore_mem>>)
      %dma_wait3A_133 = arith.constant 0 : i32
      %dma_wait3A_134 = tpu.memref_slice %arg4[%add3A_82, %dma_wait3A_133] : memref<131072x176xf32, #tpu.memory_space<hbm>> -> memref<256x176xf32, #tpu.memory_space<hbm>>
      %dma_wait3A_135 = arith.constant 0 : i32
      %dma_wait3A_136 = tpu.memref_slice %arg4[%add3A_82, %dma_wait3A_135] : memref<131072x176xf32, #tpu.memory_space<hbm>> -> memref<256x176xf32, #tpu.memory_space<hbm>>
      tpu.wait_dma2 semaphore(%run_scoped3A : memref<!tpu.dma_semaphore, #tpu.memory_space<semaphore_mem>>) src(%arg6 : memref<256x176xf32, #tpu.memory_space<vmem>>) dst(%dma_wait3A_136 : memref<256x176xf32, #tpu.memory_space<hbm>>)
      tpu.yield
    }) : () -> ()
    %add3A_89 = arith.constant 2816 : i32
    %add3A_90 = arith.addi %mul3A_2, %add3A_89 : i32
    "tpu.region"() ({
      %run_scoped3A = tpu.sem_alloc : memref<!tpu.dma_semaphore, #tpu.memory_space<semaphore_mem>>
      %dma_start3A_129 = tpu.memref_slice %arg3[%add3A_90] : memref<131072xi32, #tpu.memory_space<hbm>> -> memref<256xi32, #tpu.memory_space<hbm>>
      %dma_start3A_130 = tpu.memref_slice %arg3[%add3A_90] : memref<131072xi32, #tpu.memory_space<hbm>> -> memref<256xi32, #tpu.memory_space<hbm>>
      tpu.enqueue_dma source(%dma_start3A_130 : memref<256xi32, #tpu.memory_space<hbm>>) target(%arg5 : memref<256xi32, #tpu.memory_space<vmem>>) target_semaphore(%run_scoped3A : memref<!tpu.dma_semaphore, #tpu.memory_space<semaphore_mem>>)
      %dma_wait3A_131 = tpu.memref_slice %arg3[%add3A_90] : memref<131072xi32, #tpu.memory_space<hbm>> -> memref<256xi32, #tpu.memory_space<hbm>>
      %dma_wait3A_132 = tpu.memref_slice %arg3[%add3A_90] : memref<131072xi32, #tpu.memory_space<hbm>> -> memref<256xi32, #tpu.memory_space<hbm>>
      tpu.wait_dma2 semaphore(%run_scoped3A : memref<!tpu.dma_semaphore, #tpu.memory_space<semaphore_mem>>) src(%dma_wait3A_132 : memref<256xi32, #tpu.memory_space<hbm>>) dst(%arg5 : memref<256xi32, #tpu.memory_space<vmem>>)
      tpu.yield
    }) : () -> ()
    %dma_start3A_91 = arith.constant 0 : i32
    %dma_start3A_92 = arith.constant 0 : i32
    %dma_start3A_93 = tpu.memref_slice %arg2[%dma_start3A_91, %dma_start3A_92] : memref<2048x176xf32, #tpu.memory_space<hbm>> -> memref<2048x176xf32, #tpu.memory_space<hbm>>
    tpu.enqueue_indirect_dma source(%dma_start3A_93 : memref<2048x176xf32, #tpu.memory_space<hbm>>) target(%arg6 : memref<256x176xf32, #tpu.memory_space<vmem>>) offsets(%arg5 : memref<256xi32, #tpu.memory_space<vmem>>) semaphore(%arg7 : memref<!tpu.dma_semaphore, #tpu.memory_space<semaphore_mem>>)
    %dma_wait3A_94 = arith.constant 0 : i32
    %dma_wait3A_95 = arith.constant 0 : i32
    %dma_wait3A_96 = tpu.memref_slice %arg2[%dma_wait3A_94, %dma_wait3A_95] : memref<2048x176xf32, #tpu.memory_space<hbm>> -> memref<2048x176xf32, #tpu.memory_space<hbm>>
    tpu.wait_indirect_dma semaphore(%arg7 : memref<!tpu.dma_semaphore, #tpu.memory_space<semaphore_mem>>) src(%dma_wait3A_96 : memref<2048x176xf32, #tpu.memory_space<hbm>>) dst(%arg6 : memref<256x176xf32, #tpu.memory_space<vmem>>)
    "tpu.region"() ({
      %run_scoped3A = tpu.sem_alloc : memref<!tpu.dma_semaphore, #tpu.memory_space<semaphore_mem>>
      %dma_start3A_129 = arith.constant 0 : i32
      %dma_start3A_130 = tpu.memref_slice %arg4[%add3A_90, %dma_start3A_129] : memref<131072x176xf32, #tpu.memory_space<hbm>> -> memref<256x176xf32, #tpu.memory_space<hbm>>
      %dma_start3A_131 = arith.constant 0 : i32
      %dma_start3A_132 = tpu.memref_slice %arg4[%add3A_90, %dma_start3A_131] : memref<131072x176xf32, #tpu.memory_space<hbm>> -> memref<256x176xf32, #tpu.memory_space<hbm>>
      tpu.enqueue_dma source(%arg6 : memref<256x176xf32, #tpu.memory_space<vmem>>) target(%dma_start3A_132 : memref<256x176xf32, #tpu.memory_space<hbm>>) target_semaphore(%run_scoped3A : memref<!tpu.dma_semaphore, #tpu.memory_space<semaphore_mem>>)
      %dma_wait3A_133 = arith.constant 0 : i32
      %dma_wait3A_134 = tpu.memref_slice %arg4[%add3A_90, %dma_wait3A_133] : memref<131072x176xf32, #tpu.memory_space<hbm>> -> memref<256x176xf32, #tpu.memory_space<hbm>>
      %dma_wait3A_135 = arith.constant 0 : i32
      %dma_wait3A_136 = tpu.memref_slice %arg4[%add3A_90, %dma_wait3A_135] : memref<131072x176xf32, #tpu.memory_space<hbm>> -> memref<256x176xf32, #tpu.memory_space<hbm>>
      tpu.wait_dma2 semaphore(%run_scoped3A : memref<!tpu.dma_semaphore, #tpu.memory_space<semaphore_mem>>) src(%arg6 : memref<256x176xf32, #tpu.memory_space<vmem>>) dst(%dma_wait3A_136 : memref<256x176xf32, #tpu.memory_space<hbm>>)
      tpu.yield
    }) : () -> ()
    %add3A_97 = arith.constant 3072 : i32
    %add3A_98 = arith.addi %mul3A_2, %add3A_97 : i32
    "tpu.region"() ({
      %run_scoped3A = tpu.sem_alloc : memref<!tpu.dma_semaphore, #tpu.memory_space<semaphore_mem>>
      %dma_start3A_129 = tpu.memref_slice %arg3[%add3A_98] : memref<131072xi32, #tpu.memory_space<hbm>> -> memref<256xi32, #tpu.memory_space<hbm>>
      %dma_start3A_130 = tpu.memref_slice %arg3[%add3A_98] : memref<131072xi32, #tpu.memory_space<hbm>> -> memref<256xi32, #tpu.memory_space<hbm>>
      tpu.enqueue_dma source(%dma_start3A_130 : memref<256xi32, #tpu.memory_space<hbm>>) target(%arg5 : memref<256xi32, #tpu.memory_space<vmem>>) target_semaphore(%run_scoped3A : memref<!tpu.dma_semaphore, #tpu.memory_space<semaphore_mem>>)
      %dma_wait3A_131 = tpu.memref_slice %arg3[%add3A_98] : memref<131072xi32, #tpu.memory_space<hbm>> -> memref<256xi32, #tpu.memory_space<hbm>>
      %dma_wait3A_132 = tpu.memref_slice %arg3[%add3A_98] : memref<131072xi32, #tpu.memory_space<hbm>> -> memref<256xi32, #tpu.memory_space<hbm>>
      tpu.wait_dma2 semaphore(%run_scoped3A : memref<!tpu.dma_semaphore, #tpu.memory_space<semaphore_mem>>) src(%dma_wait3A_132 : memref<256xi32, #tpu.memory_space<hbm>>) dst(%arg5 : memref<256xi32, #tpu.memory_space<vmem>>)
      tpu.yield
    }) : () -> ()
    %dma_start3A_99 = arith.constant 0 : i32
    %dma_start3A_100 = arith.constant 0 : i32
    %dma_start3A_101 = tpu.memref_slice %arg2[%dma_start3A_99, %dma_start3A_100] : memref<2048x176xf32, #tpu.memory_space<hbm>> -> memref<2048x176xf32, #tpu.memory_space<hbm>>
    tpu.enqueue_indirect_dma source(%dma_start3A_101 : memref<2048x176xf32, #tpu.memory_space<hbm>>) target(%arg6 : memref<256x176xf32, #tpu.memory_space<vmem>>) offsets(%arg5 : memref<256xi32, #tpu.memory_space<vmem>>) semaphore(%arg7 : memref<!tpu.dma_semaphore, #tpu.memory_space<semaphore_mem>>)
    %dma_wait3A_102 = arith.constant 0 : i32
    %dma_wait3A_103 = arith.constant 0 : i32
    %dma_wait3A_104 = tpu.memref_slice %arg2[%dma_wait3A_102, %dma_wait3A_103] : memref<2048x176xf32, #tpu.memory_space<hbm>> -> memref<2048x176xf32, #tpu.memory_space<hbm>>
    tpu.wait_indirect_dma semaphore(%arg7 : memref<!tpu.dma_semaphore, #tpu.memory_space<semaphore_mem>>) src(%dma_wait3A_104 : memref<2048x176xf32, #tpu.memory_space<hbm>>) dst(%arg6 : memref<256x176xf32, #tpu.memory_space<vmem>>)
    "tpu.region"() ({
      %run_scoped3A = tpu.sem_alloc : memref<!tpu.dma_semaphore, #tpu.memory_space<semaphore_mem>>
      %dma_start3A_129 = arith.constant 0 : i32
      %dma_start3A_130 = tpu.memref_slice %arg4[%add3A_98, %dma_start3A_129] : memref<131072x176xf32, #tpu.memory_space<hbm>> -> memref<256x176xf32, #tpu.memory_space<hbm>>
      %dma_start3A_131 = arith.constant 0 : i32
      %dma_start3A_132 = tpu.memref_slice %arg4[%add3A_98, %dma_start3A_131] : memref<131072x176xf32, #tpu.memory_space<hbm>> -> memref<256x176xf32, #tpu.memory_space<hbm>>
      tpu.enqueue_dma source(%arg6 : memref<256x176xf32, #tpu.memory_space<vmem>>) target(%dma_start3A_132 : memref<256x176xf32, #tpu.memory_space<hbm>>) target_semaphore(%run_scoped3A : memref<!tpu.dma_semaphore, #tpu.memory_space<semaphore_mem>>)
      %dma_wait3A_133 = arith.constant 0 : i32
      %dma_wait3A_134 = tpu.memref_slice %arg4[%add3A_98, %dma_wait3A_133] : memref<131072x176xf32, #tpu.memory_space<hbm>> -> memref<256x176xf32, #tpu.memory_space<hbm>>
      %dma_wait3A_135 = arith.constant 0 : i32
      %dma_wait3A_136 = tpu.memref_slice %arg4[%add3A_98, %dma_wait3A_135] : memref<131072x176xf32, #tpu.memory_space<hbm>> -> memref<256x176xf32, #tpu.memory_space<hbm>>
      tpu.wait_dma2 semaphore(%run_scoped3A : memref<!tpu.dma_semaphore, #tpu.memory_space<semaphore_mem>>) src(%arg6 : memref<256x176xf32, #tpu.memory_space<vmem>>) dst(%dma_wait3A_136 : memref<256x176xf32, #tpu.memory_space<hbm>>)
      tpu.yield
    }) : () -> ()
    %add3A_105 = arith.constant 3328 : i32
    %add3A_106 = arith.addi %mul3A_2, %add3A_105 : i32
    "tpu.region"() ({
      %run_scoped3A = tpu.sem_alloc : memref<!tpu.dma_semaphore, #tpu.memory_space<semaphore_mem>>
      %dma_start3A_129 = tpu.memref_slice %arg3[%add3A_106] : memref<131072xi32, #tpu.memory_space<hbm>> -> memref<256xi32, #tpu.memory_space<hbm>>
      %dma_start3A_130 = tpu.memref_slice %arg3[%add3A_106] : memref<131072xi32, #tpu.memory_space<hbm>> -> memref<256xi32, #tpu.memory_space<hbm>>
      tpu.enqueue_dma source(%dma_start3A_130 : memref<256xi32, #tpu.memory_space<hbm>>) target(%arg5 : memref<256xi32, #tpu.memory_space<vmem>>) target_semaphore(%run_scoped3A : memref<!tpu.dma_semaphore, #tpu.memory_space<semaphore_mem>>)
      %dma_wait3A_131 = tpu.memref_slice %arg3[%add3A_106] : memref<131072xi32, #tpu.memory_space<hbm>> -> memref<256xi32, #tpu.memory_space<hbm>>
      %dma_wait3A_132 = tpu.memref_slice %arg3[%add3A_106] : memref<131072xi32, #tpu.memory_space<hbm>> -> memref<256xi32, #tpu.memory_space<hbm>>
      tpu.wait_dma2 semaphore(%run_scoped3A : memref<!tpu.dma_semaphore, #tpu.memory_space<semaphore_mem>>) src(%dma_wait3A_132 : memref<256xi32, #tpu.memory_space<hbm>>) dst(%arg5 : memref<256xi32, #tpu.memory_space<vmem>>)
      tpu.yield
    }) : () -> ()
    %dma_start3A_107 = arith.constant 0 : i32
    %dma_start3A_108 = arith.constant 0 : i32
    %dma_start3A_109 = tpu.memref_slice %arg2[%dma_start3A_107, %dma_start3A_108] : memref<2048x176xf32, #tpu.memory_space<hbm>> -> memref<2048x176xf32, #tpu.memory_space<hbm>>
    tpu.enqueue_indirect_dma source(%dma_start3A_109 : memref<2048x176xf32, #tpu.memory_space<hbm>>) target(%arg6 : memref<256x176xf32, #tpu.memory_space<vmem>>) offsets(%arg5 : memref<256xi32, #tpu.memory_space<vmem>>) semaphore(%arg7 : memref<!tpu.dma_semaphore, #tpu.memory_space<semaphore_mem>>)
    %dma_wait3A_110 = arith.constant 0 : i32
    %dma_wait3A_111 = arith.constant 0 : i32
    %dma_wait3A_112 = tpu.memref_slice %arg2[%dma_wait3A_110, %dma_wait3A_111] : memref<2048x176xf32, #tpu.memory_space<hbm>> -> memref<2048x176xf32, #tpu.memory_space<hbm>>
    tpu.wait_indirect_dma semaphore(%arg7 : memref<!tpu.dma_semaphore, #tpu.memory_space<semaphore_mem>>) src(%dma_wait3A_112 : memref<2048x176xf32, #tpu.memory_space<hbm>>) dst(%arg6 : memref<256x176xf32, #tpu.memory_space<vmem>>)
    "tpu.region"() ({
      %run_scoped3A = tpu.sem_alloc : memref<!tpu.dma_semaphore, #tpu.memory_space<semaphore_mem>>
      %dma_start3A_129 = arith.constant 0 : i32
      %dma_start3A_130 = tpu.memref_slice %arg4[%add3A_106, %dma_start3A_129] : memref<131072x176xf32, #tpu.memory_space<hbm>> -> memref<256x176xf32, #tpu.memory_space<hbm>>
      %dma_start3A_131 = arith.constant 0 : i32
      %dma_start3A_132 = tpu.memref_slice %arg4[%add3A_106, %dma_start3A_131] : memref<131072x176xf32, #tpu.memory_space<hbm>> -> memref<256x176xf32, #tpu.memory_space<hbm>>
      tpu.enqueue_dma source(%arg6 : memref<256x176xf32, #tpu.memory_space<vmem>>) target(%dma_start3A_132 : memref<256x176xf32, #tpu.memory_space<hbm>>) target_semaphore(%run_scoped3A : memref<!tpu.dma_semaphore, #tpu.memory_space<semaphore_mem>>)
      %dma_wait3A_133 = arith.constant 0 : i32
      %dma_wait3A_134 = tpu.memref_slice %arg4[%add3A_106, %dma_wait3A_133] : memref<131072x176xf32, #tpu.memory_space<hbm>> -> memref<256x176xf32, #tpu.memory_space<hbm>>
      %dma_wait3A_135 = arith.constant 0 : i32
      %dma_wait3A_136 = tpu.memref_slice %arg4[%add3A_106, %dma_wait3A_135] : memref<131072x176xf32, #tpu.memory_space<hbm>> -> memref<256x176xf32, #tpu.memory_space<hbm>>
      tpu.wait_dma2 semaphore(%run_scoped3A : memref<!tpu.dma_semaphore, #tpu.memory_space<semaphore_mem>>) src(%arg6 : memref<256x176xf32, #tpu.memory_space<vmem>>) dst(%dma_wait3A_136 : memref<256x176xf32, #tpu.memory_space<hbm>>)
      tpu.yield
    }) : () -> ()
    %add3A_113 = arith.constant 3584 : i32
    %add3A_114 = arith.addi %mul3A_2, %add3A_113 : i32
    "tpu.region"() ({
      %run_scoped3A = tpu.sem_alloc : memref<!tpu.dma_semaphore, #tpu.memory_space<semaphore_mem>>
      %dma_start3A_129 = tpu.memref_slice %arg3[%add3A_114] : memref<131072xi32, #tpu.memory_space<hbm>> -> memref<256xi32, #tpu.memory_space<hbm>>
      %dma_start3A_130 = tpu.memref_slice %arg3[%add3A_114] : memref<131072xi32, #tpu.memory_space<hbm>> -> memref<256xi32, #tpu.memory_space<hbm>>
      tpu.enqueue_dma source(%dma_start3A_130 : memref<256xi32, #tpu.memory_space<hbm>>) target(%arg5 : memref<256xi32, #tpu.memory_space<vmem>>) target_semaphore(%run_scoped3A : memref<!tpu.dma_semaphore, #tpu.memory_space<semaphore_mem>>)
      %dma_wait3A_131 = tpu.memref_slice %arg3[%add3A_114] : memref<131072xi32, #tpu.memory_space<hbm>> -> memref<256xi32, #tpu.memory_space<hbm>>
      %dma_wait3A_132 = tpu.memref_slice %arg3[%add3A_114] : memref<131072xi32, #tpu.memory_space<hbm>> -> memref<256xi32, #tpu.memory_space<hbm>>
      tpu.wait_dma2 semaphore(%run_scoped3A : memref<!tpu.dma_semaphore, #tpu.memory_space<semaphore_mem>>) src(%dma_wait3A_132 : memref<256xi32, #tpu.memory_space<hbm>>) dst(%arg5 : memref<256xi32, #tpu.memory_space<vmem>>)
      tpu.yield
    }) : () -> ()
    %dma_start3A_115 = arith.constant 0 : i32
    %dma_start3A_116 = arith.constant 0 : i32
    %dma_start3A_117 = tpu.memref_slice %arg2[%dma_start3A_115, %dma_start3A_116] : memref<2048x176xf32, #tpu.memory_space<hbm>> -> memref<2048x176xf32, #tpu.memory_space<hbm>>
    tpu.enqueue_indirect_dma source(%dma_start3A_117 : memref<2048x176xf32, #tpu.memory_space<hbm>>) target(%arg6 : memref<256x176xf32, #tpu.memory_space<vmem>>) offsets(%arg5 : memref<256xi32, #tpu.memory_space<vmem>>) semaphore(%arg7 : memref<!tpu.dma_semaphore, #tpu.memory_space<semaphore_mem>>)
    %dma_wait3A_118 = arith.constant 0 : i32
    %dma_wait3A_119 = arith.constant 0 : i32
    %dma_wait3A_120 = tpu.memref_slice %arg2[%dma_wait3A_118, %dma_wait3A_119] : memref<2048x176xf32, #tpu.memory_space<hbm>> -> memref<2048x176xf32, #tpu.memory_space<hbm>>
    tpu.wait_indirect_dma semaphore(%arg7 : memref<!tpu.dma_semaphore, #tpu.memory_space<semaphore_mem>>) src(%dma_wait3A_120 : memref<2048x176xf32, #tpu.memory_space<hbm>>) dst(%arg6 : memref<256x176xf32, #tpu.memory_space<vmem>>)
    "tpu.region"() ({
      %run_scoped3A = tpu.sem_alloc : memref<!tpu.dma_semaphore, #tpu.memory_space<semaphore_mem>>
      %dma_start3A_129 = arith.constant 0 : i32
      %dma_start3A_130 = tpu.memref_slice %arg4[%add3A_114, %dma_start3A_129] : memref<131072x176xf32, #tpu.memory_space<hbm>> -> memref<256x176xf32, #tpu.memory_space<hbm>>
      %dma_start3A_131 = arith.constant 0 : i32
      %dma_start3A_132 = tpu.memref_slice %arg4[%add3A_114, %dma_start3A_131] : memref<131072x176xf32, #tpu.memory_space<hbm>> -> memref<256x176xf32, #tpu.memory_space<hbm>>
      tpu.enqueue_dma source(%arg6 : memref<256x176xf32, #tpu.memory_space<vmem>>) target(%dma_start3A_132 : memref<256x176xf32, #tpu.memory_space<hbm>>) target_semaphore(%run_scoped3A : memref<!tpu.dma_semaphore, #tpu.memory_space<semaphore_mem>>)
      %dma_wait3A_133 = arith.constant 0 : i32
      %dma_wait3A_134 = tpu.memref_slice %arg4[%add3A_114, %dma_wait3A_133] : memref<131072x176xf32, #tpu.memory_space<hbm>> -> memref<256x176xf32, #tpu.memory_space<hbm>>
      %dma_wait3A_135 = arith.constant 0 : i32
      %dma_wait3A_136 = tpu.memref_slice %arg4[%add3A_114, %dma_wait3A_135] : memref<131072x176xf32, #tpu.memory_space<hbm>> -> memref<256x176xf32, #tpu.memory_space<hbm>>
      tpu.wait_dma2 semaphore(%run_scoped3A : memref<!tpu.dma_semaphore, #tpu.memory_space<semaphore_mem>>) src(%arg6 : memref<256x176xf32, #tpu.memory_space<vmem>>) dst(%dma_wait3A_136 : memref<256x176xf32, #tpu.memory_space<hbm>>)
      tpu.yield
    }) : () -> ()
    %add3A_121 = arith.constant 3840 : i32
    %add3A_122 = arith.addi %mul3A_2, %add3A_121 : i32
    "tpu.region"() ({
      %run_scoped3A = tpu.sem_alloc : memref<!tpu.dma_semaphore, #tpu.memory_space<semaphore_mem>>
      %dma_start3A_129 = tpu.memref_slice %arg3[%add3A_122] : memref<131072xi32, #tpu.memory_space<hbm>> -> memref<256xi32, #tpu.memory_space<hbm>>
      %dma_start3A_130 = tpu.memref_slice %arg3[%add3A_122] : memref<131072xi32, #tpu.memory_space<hbm>> -> memref<256xi32, #tpu.memory_space<hbm>>
      tpu.enqueue_dma source(%dma_start3A_130 : memref<256xi32, #tpu.memory_space<hbm>>) target(%arg5 : memref<256xi32, #tpu.memory_space<vmem>>) target_semaphore(%run_scoped3A : memref<!tpu.dma_semaphore, #tpu.memory_space<semaphore_mem>>)
      %dma_wait3A_131 = tpu.memref_slice %arg3[%add3A_122] : memref<131072xi32, #tpu.memory_space<hbm>> -> memref<256xi32, #tpu.memory_space<hbm>>
      %dma_wait3A_132 = tpu.memref_slice %arg3[%add3A_122] : memref<131072xi32, #tpu.memory_space<hbm>> -> memref<256xi32, #tpu.memory_space<hbm>>
      tpu.wait_dma2 semaphore(%run_scoped3A : memref<!tpu.dma_semaphore, #tpu.memory_space<semaphore_mem>>) src(%dma_wait3A_132 : memref<256xi32, #tpu.memory_space<hbm>>) dst(%arg5 : memref<256xi32, #tpu.memory_space<vmem>>)
      tpu.yield
    }) : () -> ()
    %dma_start3A_123 = arith.constant 0 : i32
    %dma_start3A_124 = arith.constant 0 : i32
    %dma_start3A_125 = tpu.memref_slice %arg2[%dma_start3A_123, %dma_start3A_124] : memref<2048x176xf32, #tpu.memory_space<hbm>> -> memref<2048x176xf32, #tpu.memory_space<hbm>>
    tpu.enqueue_indirect_dma source(%dma_start3A_125 : memref<2048x176xf32, #tpu.memory_space<hbm>>) target(%arg6 : memref<256x176xf32, #tpu.memory_space<vmem>>) offsets(%arg5 : memref<256xi32, #tpu.memory_space<vmem>>) semaphore(%arg7 : memref<!tpu.dma_semaphore, #tpu.memory_space<semaphore_mem>>)
    %dma_wait3A_126 = arith.constant 0 : i32
    %dma_wait3A_127 = arith.constant 0 : i32
    %dma_wait3A_128 = tpu.memref_slice %arg2[%dma_wait3A_126, %dma_wait3A_127] : memref<2048x176xf32, #tpu.memory_space<hbm>> -> memref<2048x176xf32, #tpu.memory_space<hbm>>
    tpu.wait_indirect_dma semaphore(%arg7 : memref<!tpu.dma_semaphore, #tpu.memory_space<semaphore_mem>>) src(%dma_wait3A_128 : memref<2048x176xf32, #tpu.memory_space<hbm>>) dst(%arg6 : memref<256x176xf32, #tpu.memory_space<vmem>>)
    "tpu.region"() ({
      %run_scoped3A = tpu.sem_alloc : memref<!tpu.dma_semaphore, #tpu.memory_space<semaphore_mem>>
      %dma_start3A_129 = arith.constant 0 : i32
      %dma_start3A_130 = tpu.memref_slice %arg4[%add3A_122, %dma_start3A_129] : memref<131072x176xf32, #tpu.memory_space<hbm>> -> memref<256x176xf32, #tpu.memory_space<hbm>>
      %dma_start3A_131 = arith.constant 0 : i32
      %dma_start3A_132 = tpu.memref_slice %arg4[%add3A_122, %dma_start3A_131] : memref<131072x176xf32, #tpu.memory_space<hbm>> -> memref<256x176xf32, #tpu.memory_space<hbm>>
      tpu.enqueue_dma source(%arg6 : memref<256x176xf32, #tpu.memory_space<vmem>>) target(%dma_start3A_132 : memref<256x176xf32, #tpu.memory_space<hbm>>) target_semaphore(%run_scoped3A : memref<!tpu.dma_semaphore, #tpu.memory_space<semaphore_mem>>)
      %dma_wait3A_133 = arith.constant 0 : i32
      %dma_wait3A_134 = tpu.memref_slice %arg4[%add3A_122, %dma_wait3A_133] : memref<131072x176xf32, #tpu.memory_space<hbm>> -> memref<256x176xf32, #tpu.memory_space<hbm>>
      %dma_wait3A_135 = arith.constant 0 : i32
      %dma_wait3A_136 = tpu.memref_slice %arg4[%add3A_122, %dma_wait3A_135] : memref<131072x176xf32, #tpu.memory_space<hbm>> -> memref<256x176xf32, #tpu.memory_space<hbm>>
      tpu.wait_dma2 semaphore(%run_scoped3A : memref<!tpu.dma_semaphore, #tpu.memory_space<semaphore_mem>>) src(%arg6 : memref<256x176xf32, #tpu.memory_space<vmem>>) dst(%dma_wait3A_136 : memref<256x176xf32, #tpu.memory_space<hbm>>)
      tpu.yield
    }) : () -> ()
    return
  }
}

#map = affine_map<(d0, d1) -> (0, 0)>
#map1 = affine_map<(d0, d1) -> (0)>
module attributes {stable_mosaic.version = 14 : i64} {
  func.func @k(%arg0: i32, %arg1: i32, %arg2: memref<3x2064xf32, #tpu.memory_space<hbm>>, %arg3: memref<65536xi32, #tpu.memory_space<hbm>>, %arg4: memref<65536xi32, #tpu.memory_space<hbm>>, %arg5: memref<3x2064xf32, #tpu.memory_space<vmem>>, %arg6: memref<4224xi32, #tpu.memory_space<vmem>>, %arg7: memref<4224xi32, #tpu.memory_space<vmem>>, %arg8: memref<512xi32, #tpu.memory_space<vmem>>, %arg9: memref<1xi32, #tpu.memory_space<smem>>) attributes {dimension_semantics = [#tpu.dimension_semantics<core_parallel>, #tpu.dimension_semantics<subcore_parallel>], iteration_bounds = array<i64: 2, 16>, scalar_prefetch = 0 : i64, scratch_operands = 5 : i64, tpu.core_type = #tpu.core_type<sc_vector_subcore>, window_params = [{transform_indices = #map}, {transform_indices = #map1}, {transform_indices = #map1}]} {
    %iota3A = tpu.iota {dimensions = array<i32: 0>} : vector<16xi32>
    %eq3A = arith.constant 0 : i32
    %eq3A_0 = arith.cmpi eq, %arg1, %eq3A : i32
    %convert_element_type3A = arith.extui %eq3A_0 : i1 to i32
    %cond3A = arith.constant 0 : i32
    %cond3A_1 = arith.cmpi ne, %convert_element_type3A, %cond3A : i32
    scf.if %cond3A_1 {
      %swap3A_288 = arith.constant 0 : i32
      %swap3A_289 = arith.constant 0 : i32
      %swap3A_290 = arith.index_cast %swap3A_289 : i32 to index
      %swap3A_291 = memref.load %arg9[%swap3A_290] : memref<1xi32, #tpu.memory_space<smem>>
      memref.store %swap3A_288, %arg9[%swap3A_290] : memref<1xi32, #tpu.memory_space<smem>>
    } else {
    }
    %broadcast_in_dim3A = arith.constant -42 : i32
    %broadcast_in_dim3A_2 = vector.broadcast %broadcast_in_dim3A : i32 to vector<16xi32>
    %swap3A = arith.constant 0 : index
    %swap3A_3 = tpu.vector_load %arg8[%swap3A] {strides = array<i32>} : memref<512xi32, #tpu.memory_space<vmem>>, vector<16xi32>,
    tpu.vector_store %arg8[%swap3A], %broadcast_in_dim3A_2 {strides = array<i32>} : memref<512xi32, #tpu.memory_space<vmem>>, vector<16xi32>,
    %broadcast_in_dim3A_4 = arith.constant -42 : i32
    %broadcast_in_dim3A_5 = vector.broadcast %broadcast_in_dim3A_4 : i32 to vector<16xi32>
    %swap3A_6 = arith.constant 16 : index
    %swap3A_7 = tpu.vector_load %arg8[%swap3A_6] {strides = array<i32>} : memref<512xi32, #tpu.memory_space<vmem>>, vector<16xi32>,
    tpu.vector_store %arg8[%swap3A_6], %broadcast_in_dim3A_5 {strides = array<i32>} : memref<512xi32, #tpu.memory_space<vmem>>, vector<16xi32>,
    %broadcast_in_dim3A_8 = arith.constant -42 : i32
    %broadcast_in_dim3A_9 = vector.broadcast %broadcast_in_dim3A_8 : i32 to vector<16xi32>
    %swap3A_10 = arith.constant 32 : index
    %swap3A_11 = tpu.vector_load %arg8[%swap3A_10] {strides = array<i32>} : memref<512xi32, #tpu.memory_space<vmem>>, vector<16xi32>,
    tpu.vector_store %arg8[%swap3A_10], %broadcast_in_dim3A_9 {strides = array<i32>} : memref<512xi32, #tpu.memory_space<vmem>>, vector<16xi32>,
    %broadcast_in_dim3A_12 = arith.constant -42 : i32
    %broadcast_in_dim3A_13 = vector.broadcast %broadcast_in_dim3A_12 : i32 to vector<16xi32>
    %swap3A_14 = arith.constant 48 : index
    %swap3A_15 = tpu.vector_load %arg8[%swap3A_14] {strides = array<i32>} : memref<512xi32, #tpu.memory_space<vmem>>, vector<16xi32>,
    tpu.vector_store %arg8[%swap3A_14], %broadcast_in_dim3A_13 {strides = array<i32>} : memref<512xi32, #tpu.memory_space<vmem>>, vector<16xi32>,
    %broadcast_in_dim3A_16 = arith.constant -42 : i32
    %broadcast_in_dim3A_17 = vector.broadcast %broadcast_in_dim3A_16 : i32 to vector<16xi32>
    %swap3A_18 = arith.constant 64 : index
    %swap3A_19 = tpu.vector_load %arg8[%swap3A_18] {strides = array<i32>} : memref<512xi32, #tpu.memory_space<vmem>>, vector<16xi32>,
    tpu.vector_store %arg8[%swap3A_18], %broadcast_in_dim3A_17 {strides = array<i32>} : memref<512xi32, #tpu.memory_space<vmem>>, vector<16xi32>,
    %broadcast_in_dim3A_20 = arith.constant -42 : i32
    %broadcast_in_dim3A_21 = vector.broadcast %broadcast_in_dim3A_20 : i32 to vector<16xi32>
    %swap3A_22 = arith.constant 80 : index
    %swap3A_23 = tpu.vector_load %arg8[%swap3A_22] {strides = array<i32>} : memref<512xi32, #tpu.memory_space<vmem>>, vector<16xi32>,
    tpu.vector_store %arg8[%swap3A_22], %broadcast_in_dim3A_21 {strides = array<i32>} : memref<512xi32, #tpu.memory_space<vmem>>, vector<16xi32>,
    %broadcast_in_dim3A_24 = arith.constant -42 : i32
    %broadcast_in_dim3A_25 = vector.broadcast %broadcast_in_dim3A_24 : i32 to vector<16xi32>
    %swap3A_26 = arith.constant 96 : index
    %swap3A_27 = tpu.vector_load %arg8[%swap3A_26] {strides = array<i32>} : memref<512xi32, #tpu.memory_space<vmem>>, vector<16xi32>,
    tpu.vector_store %arg8[%swap3A_26], %broadcast_in_dim3A_25 {strides = array<i32>} : memref<512xi32, #tpu.memory_space<vmem>>, vector<16xi32>,
    %broadcast_in_dim3A_28 = arith.constant -42 : i32
    %broadcast_in_dim3A_29 = vector.broadcast %broadcast_in_dim3A_28 : i32 to vector<16xi32>
    %swap3A_30 = arith.constant 112 : index
    %swap3A_31 = tpu.vector_load %arg8[%swap3A_30] {strides = array<i32>} : memref<512xi32, #tpu.memory_space<vmem>>, vector<16xi32>,
    tpu.vector_store %arg8[%swap3A_30], %broadcast_in_dim3A_29 {strides = array<i32>} : memref<512xi32, #tpu.memory_space<vmem>>, vector<16xi32>,
    %broadcast_in_dim3A_32 = arith.constant -42 : i32
    %broadcast_in_dim3A_33 = vector.broadcast %broadcast_in_dim3A_32 : i32 to vector<16xi32>
    %swap3A_34 = arith.constant 128 : index
    %swap3A_35 = tpu.vector_load %arg8[%swap3A_34] {strides = array<i32>} : memref<512xi32, #tpu.memory_space<vmem>>, vector<16xi32>,
    tpu.vector_store %arg8[%swap3A_34], %broadcast_in_dim3A_33 {strides = array<i32>} : memref<512xi32, #tpu.memory_space<vmem>>, vector<16xi32>,
    %broadcast_in_dim3A_36 = arith.constant -42 : i32
    %broadcast_in_dim3A_37 = vector.broadcast %broadcast_in_dim3A_36 : i32 to vector<16xi32>
    %swap3A_38 = arith.constant 144 : index
    %swap3A_39 = tpu.vector_load %arg8[%swap3A_38] {strides = array<i32>} : memref<512xi32, #tpu.memory_space<vmem>>, vector<16xi32>,
    tpu.vector_store %arg8[%swap3A_38], %broadcast_in_dim3A_37 {strides = array<i32>} : memref<512xi32, #tpu.memory_space<vmem>>, vector<16xi32>,
    %broadcast_in_dim3A_40 = arith.constant -42 : i32
    %broadcast_in_dim3A_41 = vector.broadcast %broadcast_in_dim3A_40 : i32 to vector<16xi32>
    %swap3A_42 = arith.constant 160 : index
    %swap3A_43 = tpu.vector_load %arg8[%swap3A_42] {strides = array<i32>} : memref<512xi32, #tpu.memory_space<vmem>>, vector<16xi32>,
    tpu.vector_store %arg8[%swap3A_42], %broadcast_in_dim3A_41 {strides = array<i32>} : memref<512xi32, #tpu.memory_space<vmem>>, vector<16xi32>,
    %broadcast_in_dim3A_44 = arith.constant -42 : i32
    %broadcast_in_dim3A_45 = vector.broadcast %broadcast_in_dim3A_44 : i32 to vector<16xi32>
    %swap3A_46 = arith.constant 176 : index
    %swap3A_47 = tpu.vector_load %arg8[%swap3A_46] {strides = array<i32>} : memref<512xi32, #tpu.memory_space<vmem>>, vector<16xi32>,
    tpu.vector_store %arg8[%swap3A_46], %broadcast_in_dim3A_45 {strides = array<i32>} : memref<512xi32, #tpu.memory_space<vmem>>, vector<16xi32>,
    %broadcast_in_dim3A_48 = arith.constant -42 : i32
    %broadcast_in_dim3A_49 = vector.broadcast %broadcast_in_dim3A_48 : i32 to vector<16xi32>
    %swap3A_50 = arith.constant 192 : index
    %swap3A_51 = tpu.vector_load %arg8[%swap3A_50] {strides = array<i32>} : memref<512xi32, #tpu.memory_space<vmem>>, vector<16xi32>,
    tpu.vector_store %arg8[%swap3A_50], %broadcast_in_dim3A_49 {strides = array<i32>} : memref<512xi32, #tpu.memory_space<vmem>>, vector<16xi32>,
    %broadcast_in_dim3A_52 = arith.constant -42 : i32
    %broadcast_in_dim3A_53 = vector.broadcast %broadcast_in_dim3A_52 : i32 to vector<16xi32>
    %swap3A_54 = arith.constant 208 : index
    %swap3A_55 = tpu.vector_load %arg8[%swap3A_54] {strides = array<i32>} : memref<512xi32, #tpu.memory_space<vmem>>, vector<16xi32>,
    tpu.vector_store %arg8[%swap3A_54], %broadcast_in_dim3A_53 {strides = array<i32>} : memref<512xi32, #tpu.memory_space<vmem>>, vector<16xi32>,
    %broadcast_in_dim3A_56 = arith.constant -42 : i32
    %broadcast_in_dim3A_57 = vector.broadcast %broadcast_in_dim3A_56 : i32 to vector<16xi32>
    %swap3A_58 = arith.constant 224 : index
    %swap3A_59 = tpu.vector_load %arg8[%swap3A_58] {strides = array<i32>} : memref<512xi32, #tpu.memory_space<vmem>>, vector<16xi32>,
    tpu.vector_store %arg8[%swap3A_58], %broadcast_in_dim3A_57 {strides = array<i32>} : memref<512xi32, #tpu.memory_space<vmem>>, vector<16xi32>,
    %broadcast_in_dim3A_60 = arith.constant -42 : i32
    %broadcast_in_dim3A_61 = vector.broadcast %broadcast_in_dim3A_60 : i32 to vector<16xi32>
    %swap3A_62 = arith.constant 240 : index
    %swap3A_63 = tpu.vector_load %arg8[%swap3A_62] {strides = array<i32>} : memref<512xi32, #tpu.memory_space<vmem>>, vector<16xi32>,
    tpu.vector_store %arg8[%swap3A_62], %broadcast_in_dim3A_61 {strides = array<i32>} : memref<512xi32, #tpu.memory_space<vmem>>, vector<16xi32>,
    %broadcast_in_dim3A_64 = arith.constant -42 : i32
    %broadcast_in_dim3A_65 = vector.broadcast %broadcast_in_dim3A_64 : i32 to vector<16xi32>
    %swap3A_66 = arith.constant 256 : index
    %swap3A_67 = tpu.vector_load %arg8[%swap3A_66] {strides = array<i32>} : memref<512xi32, #tpu.memory_space<vmem>>, vector<16xi32>,
    tpu.vector_store %arg8[%swap3A_66], %broadcast_in_dim3A_65 {strides = array<i32>} : memref<512xi32, #tpu.memory_space<vmem>>, vector<16xi32>,
    %broadcast_in_dim3A_68 = arith.constant -42 : i32
    %broadcast_in_dim3A_69 = vector.broadcast %broadcast_in_dim3A_68 : i32 to vector<16xi32>
    %swap3A_70 = arith.constant 272 : index
    %swap3A_71 = tpu.vector_load %arg8[%swap3A_70] {strides = array<i32>} : memref<512xi32, #tpu.memory_space<vmem>>, vector<16xi32>,
    tpu.vector_store %arg8[%swap3A_70], %broadcast_in_dim3A_69 {strides = array<i32>} : memref<512xi32, #tpu.memory_space<vmem>>, vector<16xi32>,
    %broadcast_in_dim3A_72 = arith.constant -42 : i32
    %broadcast_in_dim3A_73 = vector.broadcast %broadcast_in_dim3A_72 : i32 to vector<16xi32>
    %swap3A_74 = arith.constant 288 : index
    %swap3A_75 = tpu.vector_load %arg8[%swap3A_74] {strides = array<i32>} : memref<512xi32, #tpu.memory_space<vmem>>, vector<16xi32>,
    tpu.vector_store %arg8[%swap3A_74], %broadcast_in_dim3A_73 {strides = array<i32>} : memref<512xi32, #tpu.memory_space<vmem>>, vector<16xi32>,
    %broadcast_in_dim3A_76 = arith.constant -42 : i32
    %broadcast_in_dim3A_77 = vector.broadcast %broadcast_in_dim3A_76 : i32 to vector<16xi32>
    %swap3A_78 = arith.constant 304 : index
    %swap3A_79 = tpu.vector_load %arg8[%swap3A_78] {strides = array<i32>} : memref<512xi32, #tpu.memory_space<vmem>>, vector<16xi32>,
    tpu.vector_store %arg8[%swap3A_78], %broadcast_in_dim3A_77 {strides = array<i32>} : memref<512xi32, #tpu.memory_space<vmem>>, vector<16xi32>,
    %broadcast_in_dim3A_80 = arith.constant -42 : i32
    %broadcast_in_dim3A_81 = vector.broadcast %broadcast_in_dim3A_80 : i32 to vector<16xi32>
    %swap3A_82 = arith.constant 320 : index
    %swap3A_83 = tpu.vector_load %arg8[%swap3A_82] {strides = array<i32>} : memref<512xi32, #tpu.memory_space<vmem>>, vector<16xi32>,
    tpu.vector_store %arg8[%swap3A_82], %broadcast_in_dim3A_81 {strides = array<i32>} : memref<512xi32, #tpu.memory_space<vmem>>, vector<16xi32>,
    %broadcast_in_dim3A_84 = arith.constant -42 : i32
    %broadcast_in_dim3A_85 = vector.broadcast %broadcast_in_dim3A_84 : i32 to vector<16xi32>
    %swap3A_86 = arith.constant 336 : index
    %swap3A_87 = tpu.vector_load %arg8[%swap3A_86] {strides = array<i32>} : memref<512xi32, #tpu.memory_space<vmem>>, vector<16xi32>,
    tpu.vector_store %arg8[%swap3A_86], %broadcast_in_dim3A_85 {strides = array<i32>} : memref<512xi32, #tpu.memory_space<vmem>>, vector<16xi32>,
    %broadcast_in_dim3A_88 = arith.constant -42 : i32
    %broadcast_in_dim3A_89 = vector.broadcast %broadcast_in_dim3A_88 : i32 to vector<16xi32>
    %swap3A_90 = arith.constant 352 : index
    %swap3A_91 = tpu.vector_load %arg8[%swap3A_90] {strides = array<i32>} : memref<512xi32, #tpu.memory_space<vmem>>, vector<16xi32>,
    tpu.vector_store %arg8[%swap3A_90], %broadcast_in_dim3A_89 {strides = array<i32>} : memref<512xi32, #tpu.memory_space<vmem>>, vector<16xi32>,
    %broadcast_in_dim3A_92 = arith.constant -42 : i32
    %broadcast_in_dim3A_93 = vector.broadcast %broadcast_in_dim3A_92 : i32 to vector<16xi32>
    %swap3A_94 = arith.constant 368 : index
    %swap3A_95 = tpu.vector_load %arg8[%swap3A_94] {strides = array<i32>} : memref<512xi32, #tpu.memory_space<vmem>>, vector<16xi32>,
    tpu.vector_store %arg8[%swap3A_94], %broadcast_in_dim3A_93 {strides = array<i32>} : memref<512xi32, #tpu.memory_space<vmem>>, vector<16xi32>,
    %broadcast_in_dim3A_96 = arith.constant -42 : i32
    %broadcast_in_dim3A_97 = vector.broadcast %broadcast_in_dim3A_96 : i32 to vector<16xi32>
    %swap3A_98 = arith.constant 384 : index
    %swap3A_99 = tpu.vector_load %arg8[%swap3A_98] {strides = array<i32>} : memref<512xi32, #tpu.memory_space<vmem>>, vector<16xi32>,
    tpu.vector_store %arg8[%swap3A_98], %broadcast_in_dim3A_97 {strides = array<i32>} : memref<512xi32, #tpu.memory_space<vmem>>, vector<16xi32>,
    %broadcast_in_dim3A_100 = arith.constant -42 : i32
    %broadcast_in_dim3A_101 = vector.broadcast %broadcast_in_dim3A_100 : i32 to vector<16xi32>
    %swap3A_102 = arith.constant 400 : index
    %swap3A_103 = tpu.vector_load %arg8[%swap3A_102] {strides = array<i32>} : memref<512xi32, #tpu.memory_space<vmem>>, vector<16xi32>,
    tpu.vector_store %arg8[%swap3A_102], %broadcast_in_dim3A_101 {strides = array<i32>} : memref<512xi32, #tpu.memory_space<vmem>>, vector<16xi32>,
    %broadcast_in_dim3A_104 = arith.constant -42 : i32
    %broadcast_in_dim3A_105 = vector.broadcast %broadcast_in_dim3A_104 : i32 to vector<16xi32>
    %swap3A_106 = arith.constant 416 : index
    %swap3A_107 = tpu.vector_load %arg8[%swap3A_106] {strides = array<i32>} : memref<512xi32, #tpu.memory_space<vmem>>, vector<16xi32>,
    tpu.vector_store %arg8[%swap3A_106], %broadcast_in_dim3A_105 {strides = array<i32>} : memref<512xi32, #tpu.memory_space<vmem>>, vector<16xi32>,
    %broadcast_in_dim3A_108 = arith.constant -42 : i32
    %broadcast_in_dim3A_109 = vector.broadcast %broadcast_in_dim3A_108 : i32 to vector<16xi32>
    %swap3A_110 = arith.constant 432 : index
    %swap3A_111 = tpu.vector_load %arg8[%swap3A_110] {strides = array<i32>} : memref<512xi32, #tpu.memory_space<vmem>>, vector<16xi32>,
    tpu.vector_store %arg8[%swap3A_110], %broadcast_in_dim3A_109 {strides = array<i32>} : memref<512xi32, #tpu.memory_space<vmem>>, vector<16xi32>,
    %broadcast_in_dim3A_112 = arith.constant -42 : i32
    %broadcast_in_dim3A_113 = vector.broadcast %broadcast_in_dim3A_112 : i32 to vector<16xi32>
    %swap3A_114 = arith.constant 448 : index
    %swap3A_115 = tpu.vector_load %arg8[%swap3A_114] {strides = array<i32>} : memref<512xi32, #tpu.memory_space<vmem>>, vector<16xi32>,
    tpu.vector_store %arg8[%swap3A_114], %broadcast_in_dim3A_113 {strides = array<i32>} : memref<512xi32, #tpu.memory_space<vmem>>, vector<16xi32>,
    %broadcast_in_dim3A_116 = arith.constant -42 : i32
    %broadcast_in_dim3A_117 = vector.broadcast %broadcast_in_dim3A_116 : i32 to vector<16xi32>
    %swap3A_118 = arith.constant 464 : index
    %swap3A_119 = tpu.vector_load %arg8[%swap3A_118] {strides = array<i32>} : memref<512xi32, #tpu.memory_space<vmem>>, vector<16xi32>,
    tpu.vector_store %arg8[%swap3A_118], %broadcast_in_dim3A_117 {strides = array<i32>} : memref<512xi32, #tpu.memory_space<vmem>>, vector<16xi32>,
    %broadcast_in_dim3A_120 = arith.constant -42 : i32
    %broadcast_in_dim3A_121 = vector.broadcast %broadcast_in_dim3A_120 : i32 to vector<16xi32>
    %swap3A_122 = arith.constant 480 : index
    %swap3A_123 = tpu.vector_load %arg8[%swap3A_122] {strides = array<i32>} : memref<512xi32, #tpu.memory_space<vmem>>, vector<16xi32>,
    tpu.vector_store %arg8[%swap3A_122], %broadcast_in_dim3A_121 {strides = array<i32>} : memref<512xi32, #tpu.memory_space<vmem>>, vector<16xi32>,
    %broadcast_in_dim3A_124 = arith.constant -42 : i32
    %broadcast_in_dim3A_125 = vector.broadcast %broadcast_in_dim3A_124 : i32 to vector<16xi32>
    %swap3A_126 = arith.constant 496 : index
    %swap3A_127 = tpu.vector_load %arg8[%swap3A_126] {strides = array<i32>} : memref<512xi32, #tpu.memory_space<vmem>>, vector<16xi32>,
    tpu.vector_store %arg8[%swap3A_126], %broadcast_in_dim3A_125 {strides = array<i32>} : memref<512xi32, #tpu.memory_space<vmem>>, vector<16xi32>,
    %mul3A = arith.constant 32768 : i32
    %mul3A_128 = arith.muli %arg0, %mul3A : i32
    %mul3A_129 = arith.constant 2048 : i32
    %mul3A_130 = arith.muli %arg1, %mul3A_129 : i32
    %add3A = arith.addi %mul3A_128, %mul3A_130 : i32
    %add3A_131 = arith.constant 0 : i32
    %add3A_132 = arith.addi %add3A, %add3A_131 : i32
    "tpu.region"() ({
      %run_scoped3A = tpu.sem_alloc : memref<!tpu.dma_semaphore, #tpu.memory_space<semaphore_mem>>
      %dma_start3A = tpu.memref_slice %arg3[%add3A_132] : memref<65536xi32, #tpu.memory_space<hbm>> -> memref<512xi32, #tpu.memory_space<hbm>>
      %dma_start3A_288 = tpu.memref_slice %arg3[%add3A_132] : memref<65536xi32, #tpu.memory_space<hbm>> -> memref<512xi32, #tpu.memory_space<hbm>>
      tpu.enqueue_dma source(%arg8 : memref<512xi32, #tpu.memory_space<vmem>>) target(%dma_start3A_288 : memref<512xi32, #tpu.memory_space<hbm>>) target_semaphore(%run_scoped3A : memref<!tpu.dma_semaphore, #tpu.memory_space<semaphore_mem>>)
      %dma_wait3A = tpu.memref_slice %arg3[%add3A_132] : memref<65536xi32, #tpu.memory_space<hbm>> -> memref<512xi32, #tpu.memory_space<hbm>>
      %dma_wait3A_289 = tpu.memref_slice %arg3[%add3A_132] : memref<65536xi32, #tpu.memory_space<hbm>> -> memref<512xi32, #tpu.memory_space<hbm>>
      tpu.wait_dma2 semaphore(%run_scoped3A : memref<!tpu.dma_semaphore, #tpu.memory_space<semaphore_mem>>) src(%arg8 : memref<512xi32, #tpu.memory_space<vmem>>) dst(%dma_wait3A_289 : memref<512xi32, #tpu.memory_space<hbm>>)
      tpu.yield
    }) : () -> ()
    %add3A_133 = arith.constant 512 : i32
    %add3A_134 = arith.addi %add3A, %add3A_133 : i32
    "tpu.region"() ({
      %run_scoped3A = tpu.sem_alloc : memref<!tpu.dma_semaphore, #tpu.memory_space<semaphore_mem>>
      %dma_start3A = tpu.memref_slice %arg3[%add3A_134] : memref<65536xi32, #tpu.memory_space<hbm>> -> memref<512xi32, #tpu.memory_space<hbm>>
      %dma_start3A_288 = tpu.memref_slice %arg3[%add3A_134] : memref<65536xi32, #tpu.memory_space<hbm>> -> memref<512xi32, #tpu.memory_space<hbm>>
      tpu.enqueue_dma source(%arg8 : memref<512xi32, #tpu.memory_space<vmem>>) target(%dma_start3A_288 : memref<512xi32, #tpu.memory_space<hbm>>) target_semaphore(%run_scoped3A : memref<!tpu.dma_semaphore, #tpu.memory_space<semaphore_mem>>)
      %dma_wait3A = tpu.memref_slice %arg3[%add3A_134] : memref<65536xi32, #tpu.memory_space<hbm>> -> memref<512xi32, #tpu.memory_space<hbm>>
      %dma_wait3A_289 = tpu.memref_slice %arg3[%add3A_134] : memref<65536xi32, #tpu.memory_space<hbm>> -> memref<512xi32, #tpu.memory_space<hbm>>
      tpu.wait_dma2 semaphore(%run_scoped3A : memref<!tpu.dma_semaphore, #tpu.memory_space<semaphore_mem>>) src(%arg8 : memref<512xi32, #tpu.memory_space<vmem>>) dst(%dma_wait3A_289 : memref<512xi32, #tpu.memory_space<hbm>>)
      tpu.yield
    }) : () -> ()
    %add3A_135 = arith.constant 1024 : i32
    %add3A_136 = arith.addi %add3A, %add3A_135 : i32
    "tpu.region"() ({
      %run_scoped3A = tpu.sem_alloc : memref<!tpu.dma_semaphore, #tpu.memory_space<semaphore_mem>>
      %dma_start3A = tpu.memref_slice %arg3[%add3A_136] : memref<65536xi32, #tpu.memory_space<hbm>> -> memref<512xi32, #tpu.memory_space<hbm>>
      %dma_start3A_288 = tpu.memref_slice %arg3[%add3A_136] : memref<65536xi32, #tpu.memory_space<hbm>> -> memref<512xi32, #tpu.memory_space<hbm>>
      tpu.enqueue_dma source(%arg8 : memref<512xi32, #tpu.memory_space<vmem>>) target(%dma_start3A_288 : memref<512xi32, #tpu.memory_space<hbm>>) target_semaphore(%run_scoped3A : memref<!tpu.dma_semaphore, #tpu.memory_space<semaphore_mem>>)
      %dma_wait3A = tpu.memref_slice %arg3[%add3A_136] : memref<65536xi32, #tpu.memory_space<hbm>> -> memref<512xi32, #tpu.memory_space<hbm>>
      %dma_wait3A_289 = tpu.memref_slice %arg3[%add3A_136] : memref<65536xi32, #tpu.memory_space<hbm>> -> memref<512xi32, #tpu.memory_space<hbm>>
      tpu.wait_dma2 semaphore(%run_scoped3A : memref<!tpu.dma_semaphore, #tpu.memory_space<semaphore_mem>>) src(%arg8 : memref<512xi32, #tpu.memory_space<vmem>>) dst(%dma_wait3A_289 : memref<512xi32, #tpu.memory_space<hbm>>)
      tpu.yield
    }) : () -> ()
    %add3A_137 = arith.constant 1536 : i32
    %add3A_138 = arith.addi %add3A, %add3A_137 : i32
    "tpu.region"() ({
      %run_scoped3A = tpu.sem_alloc : memref<!tpu.dma_semaphore, #tpu.memory_space<semaphore_mem>>
      %dma_start3A = tpu.memref_slice %arg3[%add3A_138] : memref<65536xi32, #tpu.memory_space<hbm>> -> memref<512xi32, #tpu.memory_space<hbm>>
      %dma_start3A_288 = tpu.memref_slice %arg3[%add3A_138] : memref<65536xi32, #tpu.memory_space<hbm>> -> memref<512xi32, #tpu.memory_space<hbm>>
      tpu.enqueue_dma source(%arg8 : memref<512xi32, #tpu.memory_space<vmem>>) target(%dma_start3A_288 : memref<512xi32, #tpu.memory_space<hbm>>) target_semaphore(%run_scoped3A : memref<!tpu.dma_semaphore, #tpu.memory_space<semaphore_mem>>)
      %dma_wait3A = tpu.memref_slice %arg3[%add3A_138] : memref<65536xi32, #tpu.memory_space<hbm>> -> memref<512xi32, #tpu.memory_space<hbm>>
      %dma_wait3A_289 = tpu.memref_slice %arg3[%add3A_138] : memref<65536xi32, #tpu.memory_space<hbm>> -> memref<512xi32, #tpu.memory_space<hbm>>
      tpu.wait_dma2 semaphore(%run_scoped3A : memref<!tpu.dma_semaphore, #tpu.memory_space<semaphore_mem>>) src(%arg8 : memref<512xi32, #tpu.memory_space<vmem>>) dst(%dma_wait3A_289 : memref<512xi32, #tpu.memory_space<hbm>>)
      tpu.yield
    }) : () -> ()
    "tpu.region"() ({
      %run_scoped3A = tpu.sem_alloc : memref<!tpu.dma_semaphore, #tpu.memory_space<semaphore_mem>>
      tpu.enqueue_dma source(%arg2 : memref<3x2064xf32, #tpu.memory_space<hbm>>) target(%arg5 : memref<3x2064xf32, #tpu.memory_space<vmem>>) target_semaphore(%run_scoped3A : memref<!tpu.dma_semaphore, #tpu.memory_space<semaphore_mem>>)
      tpu.wait_dma2 semaphore(%run_scoped3A : memref<!tpu.dma_semaphore, #tpu.memory_space<semaphore_mem>>) src(%arg2 : memref<3x2064xf32, #tpu.memory_space<hbm>>) dst(%arg5 : memref<3x2064xf32, #tpu.memory_space<vmem>>)
      tpu.yield
    }) : () -> ()
    %barrier3A = arith.constant 0 : index
    tpu.barrier barrier_id(%barrier3A)
    %mul3A_139 = arith.constant 1024 : i32
    %mul3A_140 = arith.muli %arg0, %mul3A_139 : i32
    %mul3A_141 = arith.constant 64 : i32
    %mul3A_142 = arith.muli %arg1, %mul3A_141 : i32
    %add3A_143 = arith.addi %mul3A_140, %mul3A_142 : i32
    %scan3A = arith.constant 0 : i32
    %scan3A_144 = arith.constant 0 : i32
    %scan3A_145 = arith.constant 64 : i32
    %scan3A_146 = arith.addi %scan3A_144, %scan3A_145 : i32
    %scan3A_147 = arith.constant 1 : i32
    %scan3A_148 = scf.for %scan3A_288 = %scan3A_144 to %scan3A_146 step %scan3A_147 iter_args(%scan3A_289 = %scan3A) -> (i32)  : i32 {
      %add3A_290 = arith.addi %add3A_143, %scan3A_288 : i32
      %broadcast_in_dim3A_291 = vector.broadcast %add3A_290 : i32 to vector<16xi32>
      %broadcast_in_dim3A_292 = arith.constant 0 : i32
      %broadcast_in_dim3A_293 = vector.broadcast %broadcast_in_dim3A_292 : i32 to vector<16xi32>
      %gather3A = tpu.vector_load_idx %arg5[%broadcast_in_dim3A_293, %broadcast_in_dim3A_291] : memref<3x2064xf32, #tpu.memory_space<vmem>>[vector<16xi32>, vector<16xi32>], vector<16xf32>,
      %broadcast_in_dim3A_294 = arith.constant 1 : i32
      %broadcast_in_dim3A_295 = vector.broadcast %broadcast_in_dim3A_294 : i32 to vector<16xi32>
      %gather3A_296 = tpu.vector_load_idx %arg5[%broadcast_in_dim3A_295, %broadcast_in_dim3A_291] : memref<3x2064xf32, #tpu.memory_space<vmem>>[vector<16xi32>, vector<16xi32>], vector<16xf32>,
      %broadcast_in_dim3A_297 = arith.constant 2 : i32
      %broadcast_in_dim3A_298 = vector.broadcast %broadcast_in_dim3A_297 : i32 to vector<16xi32>
      %gather3A_299 = tpu.vector_load_idx %arg5[%broadcast_in_dim3A_298, %broadcast_in_dim3A_291] : memref<3x2064xf32, #tpu.memory_space<vmem>>[vector<16xi32>, vector<16xi32>], vector<16xf32>,
      %eq3A_300 = arith.constant 0 : i32
      %eq3A_301 = arith.cmpi eq, %add3A_290, %eq3A_300 : i32
      %jit3A_302 = arith.constant 0.694444418 : f32
      %jit3A_303 = arith.constant 1.000000e+00 : f32
      %select_n3A_304 = arith.select %eq3A_301, %jit3A_302, %jit3A_303 : f32
      %scan3A_305 = arith.constant 0 : i32
      %scan3A_306 = arith.constant 128 : i32
      %scan3A_307 = arith.addi %scan3A_305, %scan3A_306 : i32
      %scan3A_308 = arith.constant 1 : i32
      %scan3A_309 = scf.for %scan3A_311 = %scan3A_305 to %scan3A_307 step %scan3A_308 iter_args(%scan3A_312 = %scan3A_289) -> (i32)  : i32 {
        %mul3A_313 = arith.constant 16 : i32
        %mul3A_314 = arith.muli %scan3A_311, %mul3A_313 : i32
        %add3A_315 = vector.broadcast %mul3A_314 : i32 to vector<16xi32>
        %add3A_316 = arith.addi %add3A_315, %iota3A : vector<16xi32>
        %broadcast_in_dim3A_317 = arith.constant 0.000000e+00 : f32
        %broadcast_in_dim3A_318 = vector.broadcast %broadcast_in_dim3A_317 : f32 to vector<16xf32>
        %mul3A_319 = arith.constant 16 : i32
        %mul3A_320 = arith.muli %scan3A_311, %mul3A_319 : i32
        %get3A_321 = arith.constant 0 : i32
        %get3A_322 = arith.index_cast %get3A_321 : i32 to index
        %get3A_323 = arith.index_cast %mul3A_320 : i32 to index
        %get3A_324 = tpu.vector_load %arg5[%get3A_322, %get3A_323] {strides = array<i32>} : memref<3x2064xf32, #tpu.memory_space<vmem>>, vector<16xf32>,
        %sub3A_325 = arith.subf %gather3A, %get3A_324 : vector<16xf32>
        %gt3A = arith.constant 5.000000e-01 : f32
        %gt3A_326 = vector.broadcast %gt3A : f32 to vector<16xf32>
        %gt3A_327 = arith.cmpf ogt, %sub3A_325, %gt3A_326 : vector<16xf32>
        %convert_element_type3A_328 = arith.extui %gt3A_327 : vector<16xi1> to vector<16xi32>
        %convert_element_type3A_329 = arith.sitofp %convert_element_type3A_328 : vector<16xi32> to vector<16xf32>
        %lt3A_330 = arith.constant -5.000000e-01 : f32
        %lt3A_331 = vector.broadcast %lt3A_330 : f32 to vector<16xf32>
        %lt3A_332 = arith.cmpf olt, %sub3A_325, %lt3A_331 : vector<16xf32>
        %convert_element_type3A_333 = arith.extui %lt3A_332 : vector<16xi1> to vector<16xi32>
        %convert_element_type3A_334 = arith.sitofp %convert_element_type3A_333 : vector<16xi32> to vector<16xf32>
        %sub3A_335 = arith.subf %convert_element_type3A_329, %convert_element_type3A_334 : vector<16xf32>
        %sub3A_336 = arith.subf %sub3A_325, %sub3A_335 : vector<16xf32>
        %mul3A_337 = arith.mulf %sub3A_336, %sub3A_336 : vector<16xf32>
        %add3A_338 = arith.addf %broadcast_in_dim3A_318, %mul3A_337 : vector<16xf32>
        %mul3A_339 = arith.constant 16 : i32
        %mul3A_340 = arith.muli %scan3A_311, %mul3A_339 : i32
        %get3A_341 = arith.constant 1 : i32
        %get3A_342 = arith.index_cast %get3A_341 : i32 to index
        %get3A_343 = arith.index_cast %mul3A_340 : i32 to index
        %get3A_344 = tpu.vector_load %arg5[%get3A_342, %get3A_343] {strides = array<i32>} : memref<3x2064xf32, #tpu.memory_space<vmem>>, vector<16xf32>,
        %sub3A_345 = arith.subf %gather3A_296, %get3A_344 : vector<16xf32>
        %gt3A_346 = arith.constant 5.000000e-01 : f32
        %gt3A_347 = vector.broadcast %gt3A_346 : f32 to vector<16xf32>
        %gt3A_348 = arith.cmpf ogt, %sub3A_345, %gt3A_347 : vector<16xf32>
        %convert_element_type3A_349 = arith.extui %gt3A_348 : vector<16xi1> to vector<16xi32>
        %convert_element_type3A_350 = arith.sitofp %convert_element_type3A_349 : vector<16xi32> to vector<16xf32>
        %lt3A_351 = arith.constant -5.000000e-01 : f32
        %lt3A_352 = vector.broadcast %lt3A_351 : f32 to vector<16xf32>
        %lt3A_353 = arith.cmpf olt, %sub3A_345, %lt3A_352 : vector<16xf32>
        %convert_element_type3A_354 = arith.extui %lt3A_353 : vector<16xi1> to vector<16xi32>
        %convert_element_type3A_355 = arith.sitofp %convert_element_type3A_354 : vector<16xi32> to vector<16xf32>
        %sub3A_356 = arith.subf %convert_element_type3A_350, %convert_element_type3A_355 : vector<16xf32>
        %sub3A_357 = arith.subf %sub3A_345, %sub3A_356 : vector<16xf32>
        %mul3A_358 = arith.mulf %sub3A_357, %sub3A_357 : vector<16xf32>
        %add3A_359 = arith.addf %add3A_338, %mul3A_358 : vector<16xf32>
        %mul3A_360 = arith.constant 16 : i32
        %mul3A_361 = arith.muli %scan3A_311, %mul3A_360 : i32
        %get3A_362 = arith.constant 2 : i32
        %get3A_363 = arith.index_cast %get3A_362 : i32 to index
        %get3A_364 = arith.index_cast %mul3A_361 : i32 to index
        %get3A_365 = tpu.vector_load %arg5[%get3A_363, %get3A_364] {strides = array<i32>} : memref<3x2064xf32, #tpu.memory_space<vmem>>, vector<16xf32>,
        %sub3A_366 = arith.subf %gather3A_299, %get3A_365 : vector<16xf32>
        %gt3A_367 = arith.constant 5.000000e-01 : f32
        %gt3A_368 = vector.broadcast %gt3A_367 : f32 to vector<16xf32>
        %gt3A_369 = arith.cmpf ogt, %sub3A_366, %gt3A_368 : vector<16xf32>
        %convert_element_type3A_370 = arith.extui %gt3A_369 : vector<16xi1> to vector<16xi32>
        %convert_element_type3A_371 = arith.sitofp %convert_element_type3A_370 : vector<16xi32> to vector<16xf32>
        %lt3A_372 = arith.constant -5.000000e-01 : f32
        %lt3A_373 = vector.broadcast %lt3A_372 : f32 to vector<16xf32>
        %lt3A_374 = arith.cmpf olt, %sub3A_366, %lt3A_373 : vector<16xf32>
        %convert_element_type3A_375 = arith.extui %lt3A_374 : vector<16xi1> to vector<16xi32>
        %convert_element_type3A_376 = arith.sitofp %convert_element_type3A_375 : vector<16xi32> to vector<16xf32>
        %sub3A_377 = arith.subf %convert_element_type3A_371, %convert_element_type3A_376 : vector<16xf32>
        %sub3A_378 = arith.subf %sub3A_366, %sub3A_377 : vector<16xf32>
        %mul3A_379 = arith.mulf %sub3A_378, %sub3A_378 : vector<16xf32>
        %add3A_380 = arith.addf %add3A_359, %mul3A_379 : vector<16xf32>
        %mul3A_381 = arith.constant 44.4444427 : f32
        %mul3A_382 = vector.broadcast %mul3A_381 : f32 to vector<16xf32>
        %mul3A_383 = arith.mulf %add3A_380, %mul3A_382 : vector<16xf32>
        %mul3A_384 = vector.broadcast %select_n3A_304 : f32 to vector<16xf32>
        %mul3A_385 = arith.mulf %mul3A_383, %mul3A_384 : vector<16xf32>
        %eq3A_386 = arith.constant 0 : i32
        %eq3A_387 = vector.broadcast %eq3A_386 : i32 to vector<16xi32>
        %eq3A_388 = arith.cmpi eq, %add3A_316, %eq3A_387 : vector<16xi32>
        %mul3A_389 = arith.constant 0.694444418 : f32
        %mul3A_390 = vector.broadcast %mul3A_389 : f32 to vector<16xf32>
        %mul3A_391 = arith.mulf %mul3A_385, %mul3A_390 : vector<16xf32>
        %select_n3A_392 = arith.select %eq3A_388, %mul3A_391, %mul3A_385 : vector<16xi1>, vector<16xf32>
        %lt3A_393 = arith.constant 1.000000e+00 : f32
        %lt3A_394 = vector.broadcast %lt3A_393 : f32 to vector<16xf32>
        %lt3A_395 = arith.cmpf olt, %select_n3A_392, %lt3A_394 : vector<16xf32>
        %ne3A_396 = vector.broadcast %add3A_290 : i32 to vector<16xi32>
        %ne3A_397 = arith.cmpi ne, %add3A_316, %ne3A_396 : vector<16xi32>
        %and3A_398 = arith.andi %lt3A_395, %ne3A_397 : vector<16xi1>
        %convert_element_type3A_399 = arith.extui %and3A_398 : vector<16xi1> to vector<16xi32>
        %broadcast_in_dim3A_400 = arith.constant true
        %broadcast_in_dim3A_401 = vector.broadcast %broadcast_in_dim3A_400 : i1 to vector<16xi1>
        %masked_cumsum3A = tpu.scan <sum>, %convert_element_type3A_399 masked %broadcast_in_dim3A_401 : vector<16xi32>, vector<16xi1> -> vector<16xi32>
        %add3A_402 = vector.broadcast %scan3A_312 : i32 to vector<16xi32>
        %add3A_403 = arith.addi %add3A_402, %masked_cumsum3A : vector<16xi32>
        %sub3A_404 = arith.constant 1 : i32
        %sub3A_405 = vector.broadcast %sub3A_404 : i32 to vector<16xi32>
        %sub3A_406 = arith.subi %add3A_403, %sub3A_405 : vector<16xi32>
        %broadcast_in_dim3A_407 = vector.broadcast %add3A_290 : i32 to vector<16xi32>
        tpu.vector_store_idx %arg6[%sub3A_406], %broadcast_in_dim3A_407 masked %and3A_398 : memref<4224xi32, #tpu.memory_space<vmem>>[vector<16xi32>], vector<16xi32>, vector<16xi1>
        tpu.vector_store_idx %arg7[%sub3A_406], %add3A_316 masked %and3A_398 : memref<4224xi32, #tpu.memory_space<vmem>>[vector<16xi32>], vector<16xi32>, vector<16xi1>
        %slice3A = vector.extract_strided_slice %masked_cumsum3A {offsets = [15], sizes = [1], strides = [1]} : vector<16xi32> to vector<1xi32>
        %squeeze3A = vector.extract %slice3A[0] : i32 from vector<1xi32>
        %add3A_408 = arith.addi %scan3A_312, %squeeze3A : i32
        scf.yield %add3A_408 : i32
      }
      %scan3A_310 = arith.constant 128 : i32
      scf.yield %scan3A_309 : i32
    }
    %scan3A_149 = arith.constant 64 : i32
    %jit3A = arith.constant 16 : i32
    %div3A = arith.divsi %scan3A_148, %jit3A : i32
    %sign3A = arith.constant 0 : i32
    %sign3A_150 = arith.cmpi sgt, %scan3A_148, %sign3A : i32
    %sign3A_151 = arith.extui %sign3A_150 : i1 to i32
    %sign3A_152 = arith.constant 0 : i32
    %sign3A_153 = arith.cmpi slt, %scan3A_148, %sign3A_152 : i32
    %sign3A_154 = arith.extui %sign3A_153 : i1 to i32
    %sign3A_155 = arith.subi %sign3A_151, %sign3A_154 : i32
    %sign3A_156 = arith.constant 0 : i32
    %sign3A_157 = arith.cmpi sgt, %jit3A, %sign3A_156 : i32
    %sign3A_158 = arith.extui %sign3A_157 : i1 to i32
    %sign3A_159 = arith.constant 0 : i32
    %sign3A_160 = arith.cmpi slt, %jit3A, %sign3A_159 : i32
    %sign3A_161 = arith.extui %sign3A_160 : i1 to i32
    %sign3A_162 = arith.subi %sign3A_158, %sign3A_161 : i32
    %ne3A = arith.cmpi ne, %sign3A_155, %sign3A_162 : i32
    %rem3A = arith.remsi %scan3A_148, %jit3A : i32
    %ne3A_163 = arith.constant 0 : i32
    %ne3A_164 = arith.cmpi ne, %rem3A, %ne3A_163 : i32
    %and3A = arith.andi %ne3A, %ne3A_164 : i1
    %sub3A = arith.constant 1 : i32
    %sub3A_165 = arith.subi %div3A, %sub3A : i32
    %select_n3A = arith.select %and3A, %sub3A_165, %div3A : i32
    %mul3A_166 = arith.constant 16 : i32
    %mul3A_167 = arith.muli %select_n3A, %mul3A_166 : i32
    %multiple_of3A = tpu.assume_multiple %mul3A_167, 16 : i32
    %add3A_168 = vector.broadcast %multiple_of3A : i32 to vector<16xi32>
    %add3A_169 = arith.addi %add3A_168, %iota3A : vector<16xi32>
    %lt3A = vector.broadcast %scan3A_148 : i32 to vector<16xi32>
    %lt3A_170 = arith.cmpi slt, %add3A_169, %lt3A : vector<16xi32>
    %get3A = arith.index_cast %multiple_of3A : i32 to index
    %get3A_171 = tpu.vector_load %arg6[%get3A] {strides = array<i32>} : memref<4224xi32, #tpu.memory_space<vmem>>, vector<16xi32>,
    %jit3A_172 = arith.constant -42 : i32
    %broadcast_in_dim3A_173 = vector.broadcast %jit3A_172 : i32 to vector<16xi32>
    %select_n3A_174 = arith.select %lt3A_170, %get3A_171, %broadcast_in_dim3A_173 : vector<16xi1>, vector<16xi32>
    %swap3A_175 = arith.index_cast %multiple_of3A : i32 to index
    %swap3A_176 = tpu.vector_load %arg6[%swap3A_175] {strides = array<i32>} : memref<4224xi32, #tpu.memory_space<vmem>>, vector<16xi32>,
    tpu.vector_store %arg6[%swap3A_175], %select_n3A_174 {strides = array<i32>} : memref<4224xi32, #tpu.memory_space<vmem>>, vector<16xi32>,
    %get3A_177 = arith.index_cast %multiple_of3A : i32 to index
    %get3A_178 = tpu.vector_load %arg7[%get3A_177] {strides = array<i32>} : memref<4224xi32, #tpu.memory_space<vmem>>, vector<16xi32>,
    %jit3A_179 = arith.constant 0 : i32
    %broadcast_in_dim3A_180 = vector.broadcast %jit3A_179 : i32 to vector<16xi32>
    %select_n3A_181 = arith.select %lt3A_170, %get3A_178, %broadcast_in_dim3A_180 : vector<16xi1>, vector<16xi32>
    %swap3A_182 = arith.index_cast %multiple_of3A : i32 to index
    %swap3A_183 = tpu.vector_load %arg7[%swap3A_182] {strides = array<i32>} : memref<4224xi32, #tpu.memory_space<vmem>>, vector<16xi32>,
    tpu.vector_store %arg7[%swap3A_182], %select_n3A_181 {strides = array<i32>} : memref<4224xi32, #tpu.memory_space<vmem>>, vector<16xi32>,
    %add3A_184 = arith.constant 15 : i32
    %add3A_185 = arith.addi %scan3A_148, %add3A_184 : i32
    %jit3A_186 = arith.constant 16 : i32
    %div3A_187 = arith.divsi %add3A_185, %jit3A_186 : i32
    %sign3A_188 = arith.constant 0 : i32
    %sign3A_189 = arith.cmpi sgt, %add3A_185, %sign3A_188 : i32
    %sign3A_190 = arith.extui %sign3A_189 : i1 to i32
    %sign3A_191 = arith.constant 0 : i32
    %sign3A_192 = arith.cmpi slt, %add3A_185, %sign3A_191 : i32
    %sign3A_193 = arith.extui %sign3A_192 : i1 to i32
    %sign3A_194 = arith.subi %sign3A_190, %sign3A_193 : i32
    %sign3A_195 = arith.constant 0 : i32
    %sign3A_196 = arith.cmpi sgt, %jit3A_186, %sign3A_195 : i32
    %sign3A_197 = arith.extui %sign3A_196 : i1 to i32
    %sign3A_198 = arith.constant 0 : i32
    %sign3A_199 = arith.cmpi slt, %jit3A_186, %sign3A_198 : i32
    %sign3A_200 = arith.extui %sign3A_199 : i1 to i32
    %sign3A_201 = arith.subi %sign3A_197, %sign3A_200 : i32
    %ne3A_202 = arith.cmpi ne, %sign3A_194, %sign3A_201 : i32
    %rem3A_203 = arith.remsi %add3A_185, %jit3A_186 : i32
    %ne3A_204 = arith.constant 0 : i32
    %ne3A_205 = arith.cmpi ne, %rem3A_203, %ne3A_204 : i32
    %and3A_206 = arith.andi %ne3A_202, %ne3A_205 : i1
    %sub3A_207 = arith.constant 1 : i32
    %sub3A_208 = arith.subi %div3A_187, %sub3A_207 : i32
    %select_n3A_209 = arith.select %and3A_206, %sub3A_208, %div3A_187 : i32
    %mul3A_210 = arith.constant 16 : i32
    %mul3A_211 = arith.muli %select_n3A_209, %mul3A_210 : i32
    %sc_fetch_and_add3A = arith.constant 0 : i32
    %sc_fetch_and_add3A_212 = arith.constant 0 : i32
    %sc_fetch_and_add3A_213 = tpu.fetch_and_add_sync %arg9[%sc_fetch_and_add3A], %mul3A_211, %sc_fetch_and_add3A_212 : memref<1xi32, #tpu.memory_space<smem>>, i32 -> i32
    %mul3A_214 = arith.constant 32768 : i32
    %mul3A_215 = arith.muli %arg0, %mul3A_214 : i32
    %add3A_216 = arith.addi %mul3A_215, %sc_fetch_and_add3A_213 : i32
    %multiple_of3A_217 = tpu.assume_multiple %add3A_216, 16 : i32
    %jit3A_218 = arith.constant 512 : i32
    %div3A_219 = arith.divsi %mul3A_211, %jit3A_218 : i32
    %sign3A_220 = arith.constant 0 : i32
    %sign3A_221 = arith.cmpi sgt, %mul3A_211, %sign3A_220 : i32
    %sign3A_222 = arith.extui %sign3A_221 : i1 to i32
    %sign3A_223 = arith.constant 0 : i32
    %sign3A_224 = arith.cmpi slt, %mul3A_211, %sign3A_223 : i32
    %sign3A_225 = arith.extui %sign3A_224 : i1 to i32
    %sign3A_226 = arith.subi %sign3A_222, %sign3A_225 : i32
    %sign3A_227 = arith.constant 0 : i32
    %sign3A_228 = arith.cmpi sgt, %jit3A_218, %sign3A_227 : i32
    %sign3A_229 = arith.extui %sign3A_228 : i1 to i32
    %sign3A_230 = arith.constant 0 : i32
    %sign3A_231 = arith.cmpi slt, %jit3A_218, %sign3A_230 : i32
    %sign3A_232 = arith.extui %sign3A_231 : i1 to i32
    %sign3A_233 = arith.subi %sign3A_229, %sign3A_232 : i32
    %ne3A_234 = arith.cmpi ne, %sign3A_226, %sign3A_233 : i32
    %rem3A_235 = arith.remsi %mul3A_211, %jit3A_218 : i32
    %ne3A_236 = arith.constant 0 : i32
    %ne3A_237 = arith.cmpi ne, %rem3A_235, %ne3A_236 : i32
    %and3A_238 = arith.andi %ne3A_234, %ne3A_237 : i1
    %sub3A_239 = arith.constant 1 : i32
    %sub3A_240 = arith.subi %div3A_219, %sub3A_239 : i32
    %select_n3A_241 = arith.select %and3A_238, %sub3A_240, %div3A_219 : i32
    %while3A = arith.constant 0 : i32
    %while3A_242 = arith.constant 0 : i32
    %while3A_243 = arith.subi %select_n3A_241, %while3A_242 : i32
    %while3A_244 = arith.addi %while3A_242, %while3A_243 : i32
    %while3A_245 = arith.constant 1 : i32
    %while3A_246 = arith.divsi %while3A_243, %while3A_245 : i32
    %while3A_247 = arith.muli %while3A_246, %while3A_245 : i32
    %while3A_248 = arith.addi %while3A_242, %while3A_247 : i32
    %while3A_249 = arith.constant 1 : i32
    scf.for %while3A_288 = %while3A_242 to %while3A_248 step %while3A_249  : i32 {
      %mul3A_289 = arith.constant 512 : i32
      %mul3A_290 = arith.muli %while3A_288, %mul3A_289 : i32
      %add3A_291 = arith.addi %multiple_of3A_217, %mul3A_290 : i32
      %multiple_of3A_292 = tpu.assume_multiple %add3A_291, 16 : i32
      %mul3A_293 = arith.constant 512 : i32
      %mul3A_294 = arith.muli %while3A_288, %mul3A_293 : i32
      "tpu.region"() ({
        %run_scoped3A = tpu.sem_alloc : memref<!tpu.dma_semaphore, #tpu.memory_space<semaphore_mem>>
        %dma_start3A = tpu.memref_slice %arg6[%mul3A_294] : memref<4224xi32, #tpu.memory_space<vmem>> -> memref<512xi32, #tpu.memory_space<vmem>>
        %dma_start3A_297 = tpu.memref_slice %arg3[%multiple_of3A_292] : memref<65536xi32, #tpu.memory_space<hbm>> -> memref<512xi32, #tpu.memory_space<hbm>>
        %dma_start3A_298 = tpu.memref_slice %arg3[%multiple_of3A_292] : memref<65536xi32, #tpu.memory_space<hbm>> -> memref<512xi32, #tpu.memory_space<hbm>>
        %dma_start3A_299 = tpu.memref_slice %arg6[%mul3A_294] : memref<4224xi32, #tpu.memory_space<vmem>> -> memref<512xi32, #tpu.memory_space<vmem>>
        tpu.enqueue_dma source(%dma_start3A_299 : memref<512xi32, #tpu.memory_space<vmem>>) target(%dma_start3A_298 : memref<512xi32, #tpu.memory_space<hbm>>) target_semaphore(%run_scoped3A : memref<!tpu.dma_semaphore, #tpu.memory_space<semaphore_mem>>)
        %dma_wait3A = tpu.memref_slice %arg6[%mul3A_294] : memref<4224xi32, #tpu.memory_space<vmem>> -> memref<512xi32, #tpu.memory_space<vmem>>
        %dma_wait3A_300 = tpu.memref_slice %arg3[%multiple_of3A_292] : memref<65536xi32, #tpu.memory_space<hbm>> -> memref<512xi32, #tpu.memory_space<hbm>>
        %dma_wait3A_301 = tpu.memref_slice %arg3[%multiple_of3A_292] : memref<65536xi32, #tpu.memory_space<hbm>> -> memref<512xi32, #tpu.memory_space<hbm>>
        %dma_wait3A_302 = tpu.memref_slice %arg6[%mul3A_294] : memref<4224xi32, #tpu.memory_space<vmem>> -> memref<512xi32, #tpu.memory_space<vmem>>
        tpu.wait_dma2 semaphore(%run_scoped3A : memref<!tpu.dma_semaphore, #tpu.memory_space<semaphore_mem>>) src(%dma_wait3A_302 : memref<512xi32, #tpu.memory_space<vmem>>) dst(%dma_wait3A_301 : memref<512xi32, #tpu.memory_space<hbm>>)
        tpu.yield
      }) : () -> ()
      %mul3A_295 = arith.constant 512 : i32
      %mul3A_296 = arith.muli %while3A_288, %mul3A_295 : i32
      "tpu.region"() ({
        %run_scoped3A = tpu.sem_alloc : memref<!tpu.dma_semaphore, #tpu.memory_space<semaphore_mem>>
        %dma_start3A = tpu.memref_slice %arg7[%mul3A_296] : memref<4224xi32, #tpu.memory_space<vmem>> -> memref<512xi32, #tpu.memory_space<vmem>>
        %dma_start3A_297 = tpu.memref_slice %arg4[%multiple_of3A_292] : memref<65536xi32, #tpu.memory_space<hbm>> -> memref<512xi32, #tpu.memory_space<hbm>>
        %dma_start3A_298 = tpu.memref_slice %arg4[%multiple_of3A_292] : memref<65536xi32, #tpu.memory_space<hbm>> -> memref<512xi32, #tpu.memory_space<hbm>>
        %dma_start3A_299 = tpu.memref_slice %arg7[%mul3A_296] : memref<4224xi32, #tpu.memory_space<vmem>> -> memref<512xi32, #tpu.memory_space<vmem>>
        tpu.enqueue_dma source(%dma_start3A_299 : memref<512xi32, #tpu.memory_space<vmem>>) target(%dma_start3A_298 : memref<512xi32, #tpu.memory_space<hbm>>) target_semaphore(%run_scoped3A : memref<!tpu.dma_semaphore, #tpu.memory_space<semaphore_mem>>)
        %dma_wait3A = tpu.memref_slice %arg7[%mul3A_296] : memref<4224xi32, #tpu.memory_space<vmem>> -> memref<512xi32, #tpu.memory_space<vmem>>
        %dma_wait3A_300 = tpu.memref_slice %arg4[%multiple_of3A_292] : memref<65536xi32, #tpu.memory_space<hbm>> -> memref<512xi32, #tpu.memory_space<hbm>>
        %dma_wait3A_301 = tpu.memref_slice %arg4[%multiple_of3A_292] : memref<65536xi32, #tpu.memory_space<hbm>> -> memref<512xi32, #tpu.memory_space<hbm>>
        %dma_wait3A_302 = tpu.memref_slice %arg7[%mul3A_296] : memref<4224xi32, #tpu.memory_space<vmem>> -> memref<512xi32, #tpu.memory_space<vmem>>
        tpu.wait_dma2 semaphore(%run_scoped3A : memref<!tpu.dma_semaphore, #tpu.memory_space<semaphore_mem>>) src(%dma_wait3A_302 : memref<512xi32, #tpu.memory_space<vmem>>) dst(%dma_wait3A_301 : memref<512xi32, #tpu.memory_space<hbm>>)
        tpu.yield
      }) : () -> ()
    }
    %while3A_250 = arith.constant 1 : i32
    scf.for %while3A_288 = %while3A_248 to %while3A_244 step %while3A_250  : i32 {
      %mul3A_289 = arith.constant 512 : i32
      %mul3A_290 = arith.muli %while3A_288, %mul3A_289 : i32
      %add3A_291 = arith.addi %multiple_of3A_217, %mul3A_290 : i32
      %multiple_of3A_292 = tpu.assume_multiple %add3A_291, 16 : i32
      %mul3A_293 = arith.constant 512 : i32
      %mul3A_294 = arith.muli %while3A_288, %mul3A_293 : i32
      "tpu.region"() ({
        %run_scoped3A = tpu.sem_alloc : memref<!tpu.dma_semaphore, #tpu.memory_space<semaphore_mem>>
        %dma_start3A = tpu.memref_slice %arg6[%mul3A_294] : memref<4224xi32, #tpu.memory_space<vmem>> -> memref<512xi32, #tpu.memory_space<vmem>>
        %dma_start3A_297 = tpu.memref_slice %arg3[%multiple_of3A_292] : memref<65536xi32, #tpu.memory_space<hbm>> -> memref<512xi32, #tpu.memory_space<hbm>>
        %dma_start3A_298 = tpu.memref_slice %arg3[%multiple_of3A_292] : memref<65536xi32, #tpu.memory_space<hbm>> -> memref<512xi32, #tpu.memory_space<hbm>>
        %dma_start3A_299 = tpu.memref_slice %arg6[%mul3A_294] : memref<4224xi32, #tpu.memory_space<vmem>> -> memref<512xi32, #tpu.memory_space<vmem>>
        tpu.enqueue_dma source(%dma_start3A_299 : memref<512xi32, #tpu.memory_space<vmem>>) target(%dma_start3A_298 : memref<512xi32, #tpu.memory_space<hbm>>) target_semaphore(%run_scoped3A : memref<!tpu.dma_semaphore, #tpu.memory_space<semaphore_mem>>)
        %dma_wait3A = tpu.memref_slice %arg6[%mul3A_294] : memref<4224xi32, #tpu.memory_space<vmem>> -> memref<512xi32, #tpu.memory_space<vmem>>
        %dma_wait3A_300 = tpu.memref_slice %arg3[%multiple_of3A_292] : memref<65536xi32, #tpu.memory_space<hbm>> -> memref<512xi32, #tpu.memory_space<hbm>>
        %dma_wait3A_301 = tpu.memref_slice %arg3[%multiple_of3A_292] : memref<65536xi32, #tpu.memory_space<hbm>> -> memref<512xi32, #tpu.memory_space<hbm>>
        %dma_wait3A_302 = tpu.memref_slice %arg6[%mul3A_294] : memref<4224xi32, #tpu.memory_space<vmem>> -> memref<512xi32, #tpu.memory_space<vmem>>
        tpu.wait_dma2 semaphore(%run_scoped3A : memref<!tpu.dma_semaphore, #tpu.memory_space<semaphore_mem>>) src(%dma_wait3A_302 : memref<512xi32, #tpu.memory_space<vmem>>) dst(%dma_wait3A_301 : memref<512xi32, #tpu.memory_space<hbm>>)
        tpu.yield
      }) : () -> ()
      %mul3A_295 = arith.constant 512 : i32
      %mul3A_296 = arith.muli %while3A_288, %mul3A_295 : i32
      "tpu.region"() ({
        %run_scoped3A = tpu.sem_alloc : memref<!tpu.dma_semaphore, #tpu.memory_space<semaphore_mem>>
        %dma_start3A = tpu.memref_slice %arg7[%mul3A_296] : memref<4224xi32, #tpu.memory_space<vmem>> -> memref<512xi32, #tpu.memory_space<vmem>>
        %dma_start3A_297 = tpu.memref_slice %arg4[%multiple_of3A_292] : memref<65536xi32, #tpu.memory_space<hbm>> -> memref<512xi32, #tpu.memory_space<hbm>>
        %dma_start3A_298 = tpu.memref_slice %arg4[%multiple_of3A_292] : memref<65536xi32, #tpu.memory_space<hbm>> -> memref<512xi32, #tpu.memory_space<hbm>>
        %dma_start3A_299 = tpu.memref_slice %arg7[%mul3A_296] : memref<4224xi32, #tpu.memory_space<vmem>> -> memref<512xi32, #tpu.memory_space<vmem>>
        tpu.enqueue_dma source(%dma_start3A_299 : memref<512xi32, #tpu.memory_space<vmem>>) target(%dma_start3A_298 : memref<512xi32, #tpu.memory_space<hbm>>) target_semaphore(%run_scoped3A : memref<!tpu.dma_semaphore, #tpu.memory_space<semaphore_mem>>)
        %dma_wait3A = tpu.memref_slice %arg7[%mul3A_296] : memref<4224xi32, #tpu.memory_space<vmem>> -> memref<512xi32, #tpu.memory_space<vmem>>
        %dma_wait3A_300 = tpu.memref_slice %arg4[%multiple_of3A_292] : memref<65536xi32, #tpu.memory_space<hbm>> -> memref<512xi32, #tpu.memory_space<hbm>>
        %dma_wait3A_301 = tpu.memref_slice %arg4[%multiple_of3A_292] : memref<65536xi32, #tpu.memory_space<hbm>> -> memref<512xi32, #tpu.memory_space<hbm>>
        %dma_wait3A_302 = tpu.memref_slice %arg7[%mul3A_296] : memref<4224xi32, #tpu.memory_space<vmem>> -> memref<512xi32, #tpu.memory_space<vmem>>
        tpu.wait_dma2 semaphore(%run_scoped3A : memref<!tpu.dma_semaphore, #tpu.memory_space<semaphore_mem>>) src(%dma_wait3A_302 : memref<512xi32, #tpu.memory_space<vmem>>) dst(%dma_wait3A_301 : memref<512xi32, #tpu.memory_space<hbm>>)
        tpu.yield
      }) : () -> ()
    }
    %mul3A_251 = arith.constant 512 : i32
    %mul3A_252 = arith.muli %select_n3A_241, %mul3A_251 : i32
    %sub3A_253 = arith.subi %mul3A_211, %mul3A_252 : i32
    %jit3A_254 = arith.constant 16 : i32
    %div3A_255 = arith.divsi %sub3A_253, %jit3A_254 : i32
    %sign3A_256 = arith.constant 0 : i32
    %sign3A_257 = arith.cmpi sgt, %sub3A_253, %sign3A_256 : i32
    %sign3A_258 = arith.extui %sign3A_257 : i1 to i32
    %sign3A_259 = arith.constant 0 : i32
    %sign3A_260 = arith.cmpi slt, %sub3A_253, %sign3A_259 : i32
    %sign3A_261 = arith.extui %sign3A_260 : i1 to i32
    %sign3A_262 = arith.subi %sign3A_258, %sign3A_261 : i32
    %sign3A_263 = arith.constant 0 : i32
    %sign3A_264 = arith.cmpi sgt, %jit3A_254, %sign3A_263 : i32
    %sign3A_265 = arith.extui %sign3A_264 : i1 to i32
    %sign3A_266 = arith.constant 0 : i32
    %sign3A_267 = arith.cmpi slt, %jit3A_254, %sign3A_266 : i32
    %sign3A_268 = arith.extui %sign3A_267 : i1 to i32
    %sign3A_269 = arith.subi %sign3A_265, %sign3A_268 : i32
    %ne3A_270 = arith.cmpi ne, %sign3A_262, %sign3A_269 : i32
    %rem3A_271 = arith.remsi %sub3A_253, %jit3A_254 : i32
    %ne3A_272 = arith.constant 0 : i32
    %ne3A_273 = arith.cmpi ne, %rem3A_271, %ne3A_272 : i32
    %and3A_274 = arith.andi %ne3A_270, %ne3A_273 : i1
    %sub3A_275 = arith.constant 1 : i32
    %sub3A_276 = arith.subi %div3A_255, %sub3A_275 : i32
    %select_n3A_277 = arith.select %and3A_274, %sub3A_276, %div3A_255 : i32
    %while3A_278 = arith.constant 0 : i32
    %while3A_279 = arith.constant 0 : i32
    %while3A_280 = arith.subi %select_n3A_277, %while3A_279 : i32
    %while3A_281 = arith.addi %while3A_279, %while3A_280 : i32
    %while3A_282 = arith.constant 1 : i32
    %while3A_283 = arith.divsi %while3A_280, %while3A_282 : i32
    %while3A_284 = arith.muli %while3A_283, %while3A_282 : i32
    %while3A_285 = arith.addi %while3A_279, %while3A_284 : i32
    %while3A_286 = arith.constant 1 : i32
    scf.for %while3A_288 = %while3A_279 to %while3A_285 step %while3A_286  : i32 {
      %mul3A_289 = arith.constant 16 : i32
      %mul3A_290 = arith.muli %while3A_288, %mul3A_289 : i32
      %add3A_291 = arith.addi %mul3A_252, %mul3A_290 : i32
      %multiple_of3A_292 = tpu.assume_multiple %add3A_291, 16 : i32
      %add3A_293 = arith.addi %multiple_of3A_217, %multiple_of3A_292 : i32
      %multiple_of3A_294 = tpu.assume_multiple %add3A_293, 16 : i32
      "tpu.region"() ({
        %run_scoped3A = tpu.sem_alloc : memref<!tpu.dma_semaphore, #tpu.memory_space<semaphore_mem>>
        %dma_start3A = tpu.memref_slice %arg6[%multiple_of3A_292] : memref<4224xi32, #tpu.memory_space<vmem>> -> memref<16xi32, #tpu.memory_space<vmem>>
        %dma_start3A_295 = tpu.memref_slice %arg3[%multiple_of3A_294] : memref<65536xi32, #tpu.memory_space<hbm>> -> memref<16xi32, #tpu.memory_space<hbm>>
        %dma_start3A_296 = tpu.memref_slice %arg3[%multiple_of3A_294] : memref<65536xi32, #tpu.memory_space<hbm>> -> memref<16xi32, #tpu.memory_space<hbm>>
        %dma_start3A_297 = tpu.memref_slice %arg6[%multiple_of3A_292] : memref<4224xi32, #tpu.memory_space<vmem>> -> memref<16xi32, #tpu.memory_space<vmem>>
        tpu.enqueue_dma source(%dma_start3A_297 : memref<16xi32, #tpu.memory_space<vmem>>) target(%dma_start3A_296 : memref<16xi32, #tpu.memory_space<hbm>>) target_semaphore(%run_scoped3A : memref<!tpu.dma_semaphore, #tpu.memory_space<semaphore_mem>>)
        %dma_wait3A = tpu.memref_slice %arg6[%multiple_of3A_292] : memref<4224xi32, #tpu.memory_space<vmem>> -> memref<16xi32, #tpu.memory_space<vmem>>
        %dma_wait3A_298 = tpu.memref_slice %arg3[%multiple_of3A_294] : memref<65536xi32, #tpu.memory_space<hbm>> -> memref<16xi32, #tpu.memory_space<hbm>>
        %dma_wait3A_299 = tpu.memref_slice %arg3[%multiple_of3A_294] : memref<65536xi32, #tpu.memory_space<hbm>> -> memref<16xi32, #tpu.memory_space<hbm>>
        %dma_wait3A_300 = tpu.memref_slice %arg6[%multiple_of3A_292] : memref<4224xi32, #tpu.memory_space<vmem>> -> memref<16xi32, #tpu.memory_space<vmem>>
        tpu.wait_dma2 semaphore(%run_scoped3A : memref<!tpu.dma_semaphore, #tpu.memory_space<semaphore_mem>>) src(%dma_wait3A_300 : memref<16xi32, #tpu.memory_space<vmem>>) dst(%dma_wait3A_299 : memref<16xi32, #tpu.memory_space<hbm>>)
        tpu.yield
      }) : () -> ()
      "tpu.region"() ({
        %run_scoped3A = tpu.sem_alloc : memref<!tpu.dma_semaphore, #tpu.memory_space<semaphore_mem>>
        %dma_start3A = tpu.memref_slice %arg7[%multiple_of3A_292] : memref<4224xi32, #tpu.memory_space<vmem>> -> memref<16xi32, #tpu.memory_space<vmem>>
        %dma_start3A_295 = tpu.memref_slice %arg4[%multiple_of3A_294] : memref<65536xi32, #tpu.memory_space<hbm>> -> memref<16xi32, #tpu.memory_space<hbm>>
        %dma_start3A_296 = tpu.memref_slice %arg4[%multiple_of3A_294] : memref<65536xi32, #tpu.memory_space<hbm>> -> memref<16xi32, #tpu.memory_space<hbm>>
        %dma_start3A_297 = tpu.memref_slice %arg7[%multiple_of3A_292] : memref<4224xi32, #tpu.memory_space<vmem>> -> memref<16xi32, #tpu.memory_space<vmem>>
        tpu.enqueue_dma source(%dma_start3A_297 : memref<16xi32, #tpu.memory_space<vmem>>) target(%dma_start3A_296 : memref<16xi32, #tpu.memory_space<hbm>>) target_semaphore(%run_scoped3A : memref<!tpu.dma_semaphore, #tpu.memory_space<semaphore_mem>>)
        %dma_wait3A = tpu.memref_slice %arg7[%multiple_of3A_292] : memref<4224xi32, #tpu.memory_space<vmem>> -> memref<16xi32, #tpu.memory_space<vmem>>
        %dma_wait3A_298 = tpu.memref_slice %arg4[%multiple_of3A_294] : memref<65536xi32, #tpu.memory_space<hbm>> -> memref<16xi32, #tpu.memory_space<hbm>>
        %dma_wait3A_299 = tpu.memref_slice %arg4[%multiple_of3A_294] : memref<65536xi32, #tpu.memory_space<hbm>> -> memref<16xi32, #tpu.memory_space<hbm>>
        %dma_wait3A_300 = tpu.memref_slice %arg7[%multiple_of3A_292] : memref<4224xi32, #tpu.memory_space<vmem>> -> memref<16xi32, #tpu.memory_space<vmem>>
        tpu.wait_dma2 semaphore(%run_scoped3A : memref<!tpu.dma_semaphore, #tpu.memory_space<semaphore_mem>>) src(%dma_wait3A_300 : memref<16xi32, #tpu.memory_space<vmem>>) dst(%dma_wait3A_299 : memref<16xi32, #tpu.memory_space<hbm>>)
        tpu.yield
      }) : () -> ()
    }
    %while3A_287 = arith.constant 1 : i32
    scf.for %while3A_288 = %while3A_285 to %while3A_281 step %while3A_287  : i32 {
      %mul3A_289 = arith.constant 16 : i32
      %mul3A_290 = arith.muli %while3A_288, %mul3A_289 : i32
      %add3A_291 = arith.addi %mul3A_252, %mul3A_290 : i32
      %multiple_of3A_292 = tpu.assume_multiple %add3A_291, 16 : i32
      %add3A_293 = arith.addi %multiple_of3A_217, %multiple_of3A_292 : i32
      %multiple_of3A_294 = tpu.assume_multiple %add3A_293, 16 : i32
      "tpu.region"() ({
        %run_scoped3A = tpu.sem_alloc : memref<!tpu.dma_semaphore, #tpu.memory_space<semaphore_mem>>
        %dma_start3A = tpu.memref_slice %arg6[%multiple_of3A_292] : memref<4224xi32, #tpu.memory_space<vmem>> -> memref<16xi32, #tpu.memory_space<vmem>>
        %dma_start3A_295 = tpu.memref_slice %arg3[%multiple_of3A_294] : memref<65536xi32, #tpu.memory_space<hbm>> -> memref<16xi32, #tpu.memory_space<hbm>>
        %dma_start3A_296 = tpu.memref_slice %arg3[%multiple_of3A_294] : memref<65536xi32, #tpu.memory_space<hbm>> -> memref<16xi32, #tpu.memory_space<hbm>>
        %dma_start3A_297 = tpu.memref_slice %arg6[%multiple_of3A_292] : memref<4224xi32, #tpu.memory_space<vmem>> -> memref<16xi32, #tpu.memory_space<vmem>>
        tpu.enqueue_dma source(%dma_start3A_297 : memref<16xi32, #tpu.memory_space<vmem>>) target(%dma_start3A_296 : memref<16xi32, #tpu.memory_space<hbm>>) target_semaphore(%run_scoped3A : memref<!tpu.dma_semaphore, #tpu.memory_space<semaphore_mem>>)
        %dma_wait3A = tpu.memref_slice %arg6[%multiple_of3A_292] : memref<4224xi32, #tpu.memory_space<vmem>> -> memref<16xi32, #tpu.memory_space<vmem>>
        %dma_wait3A_298 = tpu.memref_slice %arg3[%multiple_of3A_294] : memref<65536xi32, #tpu.memory_space<hbm>> -> memref<16xi32, #tpu.memory_space<hbm>>
        %dma_wait3A_299 = tpu.memref_slice %arg3[%multiple_of3A_294] : memref<65536xi32, #tpu.memory_space<hbm>> -> memref<16xi32, #tpu.memory_space<hbm>>
        %dma_wait3A_300 = tpu.memref_slice %arg6[%multiple_of3A_292] : memref<4224xi32, #tpu.memory_space<vmem>> -> memref<16xi32, #tpu.memory_space<vmem>>
        tpu.wait_dma2 semaphore(%run_scoped3A : memref<!tpu.dma_semaphore, #tpu.memory_space<semaphore_mem>>) src(%dma_wait3A_300 : memref<16xi32, #tpu.memory_space<vmem>>) dst(%dma_wait3A_299 : memref<16xi32, #tpu.memory_space<hbm>>)
        tpu.yield
      }) : () -> ()
      "tpu.region"() ({
        %run_scoped3A = tpu.sem_alloc : memref<!tpu.dma_semaphore, #tpu.memory_space<semaphore_mem>>
        %dma_start3A = tpu.memref_slice %arg7[%multiple_of3A_292] : memref<4224xi32, #tpu.memory_space<vmem>> -> memref<16xi32, #tpu.memory_space<vmem>>
        %dma_start3A_295 = tpu.memref_slice %arg4[%multiple_of3A_294] : memref<65536xi32, #tpu.memory_space<hbm>> -> memref<16xi32, #tpu.memory_space<hbm>>
        %dma_start3A_296 = tpu.memref_slice %arg4[%multiple_of3A_294] : memref<65536xi32, #tpu.memory_space<hbm>> -> memref<16xi32, #tpu.memory_space<hbm>>
        %dma_start3A_297 = tpu.memref_slice %arg7[%multiple_of3A_292] : memref<4224xi32, #tpu.memory_space<vmem>> -> memref<16xi32, #tpu.memory_space<vmem>>
        tpu.enqueue_dma source(%dma_start3A_297 : memref<16xi32, #tpu.memory_space<vmem>>) target(%dma_start3A_296 : memref<16xi32, #tpu.memory_space<hbm>>) target_semaphore(%run_scoped3A : memref<!tpu.dma_semaphore, #tpu.memory_space<semaphore_mem>>)
        %dma_wait3A = tpu.memref_slice %arg7[%multiple_of3A_292] : memref<4224xi32, #tpu.memory_space<vmem>> -> memref<16xi32, #tpu.memory_space<vmem>>
        %dma_wait3A_298 = tpu.memref_slice %arg4[%multiple_of3A_294] : memref<65536xi32, #tpu.memory_space<hbm>> -> memref<16xi32, #tpu.memory_space<hbm>>
        %dma_wait3A_299 = tpu.memref_slice %arg4[%multiple_of3A_294] : memref<65536xi32, #tpu.memory_space<hbm>> -> memref<16xi32, #tpu.memory_space<hbm>>
        %dma_wait3A_300 = tpu.memref_slice %arg7[%multiple_of3A_292] : memref<4224xi32, #tpu.memory_space<vmem>> -> memref<16xi32, #tpu.memory_space<vmem>>
        tpu.wait_dma2 semaphore(%run_scoped3A : memref<!tpu.dma_semaphore, #tpu.memory_space<semaphore_mem>>) src(%dma_wait3A_300 : memref<16xi32, #tpu.memory_space<vmem>>) dst(%dma_wait3A_299 : memref<16xi32, #tpu.memory_space<hbm>>)
        tpu.yield
      }) : () -> ()
    }
    return
  }
}

#map = affine_map<(d0, d1) -> (0, 0)>
#map1 = affine_map<(d0, d1) -> (0)>
#map2 = affine_map<(d0, d1) -> (0, 0, 0)>
module attributes {stable_mosaic.version = 14 : i64} {
  func.func @k(%arg0: i32, %arg1: i32, %arg2: memref<65536x112xf32, #tpu.memory_space<hbm>>, %arg3: memref<65536xi32, #tpu.memory_space<hbm>>, %arg4: memref<2048x112xf32, #tpu.memory_space<hbm>>, %arg5: memref<2x2048x112xf32, #tpu.memory_space<hbm>>, %arg6: memref<256xi32, #tpu.memory_space<vmem>>, %arg7: memref<256x112xf32, #tpu.memory_space<vmem>>, %arg8: memref<2048x112xf32, #tpu.memory_space<vmem_shared>>, %arg9: memref<!tpu.dma_semaphore, #tpu.memory_space<semaphore_mem>>) attributes {dimension_semantics = [#tpu.dimension_semantics<core_parallel>, #tpu.dimension_semantics<subcore_parallel>], iteration_bounds = array<i64: 2, 16>, scalar_prefetch = 0 : i64, scratch_operands = 4 : i64, tpu.core_type = #tpu.core_type<sc_vector_subcore>, window_params = [{transform_indices = #map}, {transform_indices = #map1}, {transform_indices = #map}, {transform_indices = #map2}]} {
    %mul3A = arith.constant 128 : i32
    %mul3A_0 = arith.muli %arg1, %mul3A : i32
    %mul3A_1 = arith.constant 128 : i32
    %mul3A_2 = arith.muli %arg1, %mul3A_1 : i32
    "tpu.region"() ({
      %run_scoped3A = tpu.sem_alloc : memref<!tpu.dma_semaphore, #tpu.memory_space<semaphore_mem>>
      %dma_start3A = arith.constant 0 : i32
      %dma_start3A_28 = tpu.memref_slice %arg8[%mul3A_2, %dma_start3A] : memref<2048x112xf32, #tpu.memory_space<vmem_shared>> -> memref<128x112xf32, #tpu.memory_space<vmem_shared>>
      %dma_start3A_29 = arith.constant 0 : i32
      %dma_start3A_30 = tpu.memref_slice %arg4[%mul3A_0, %dma_start3A_29] : memref<2048x112xf32, #tpu.memory_space<hbm>> -> memref<128x112xf32, #tpu.memory_space<hbm>>
      tpu.enqueue_dma source(%dma_start3A_30 : memref<128x112xf32, #tpu.memory_space<hbm>>) target(%dma_start3A_28 : memref<128x112xf32, #tpu.memory_space<vmem_shared>>) target_semaphore(%run_scoped3A : memref<!tpu.dma_semaphore, #tpu.memory_space<semaphore_mem>>)
      %dma_wait3A = arith.constant 0 : i32
      %dma_wait3A_31 = tpu.memref_slice %arg8[%mul3A_2, %dma_wait3A] : memref<2048x112xf32, #tpu.memory_space<vmem_shared>> -> memref<128x112xf32, #tpu.memory_space<vmem_shared>>
      %dma_wait3A_32 = arith.constant 0 : i32
      %dma_wait3A_33 = tpu.memref_slice %arg4[%mul3A_0, %dma_wait3A_32] : memref<2048x112xf32, #tpu.memory_space<hbm>> -> memref<128x112xf32, #tpu.memory_space<hbm>>
      tpu.wait_dma2 semaphore(%run_scoped3A : memref<!tpu.dma_semaphore, #tpu.memory_space<semaphore_mem>>) src(%dma_wait3A_33 : memref<128x112xf32, #tpu.memory_space<hbm>>) dst(%dma_wait3A_31 : memref<128x112xf32, #tpu.memory_space<vmem_shared>>)
      tpu.yield
    }) : () -> ()
    %barrier3A = arith.constant 0 : index
    tpu.barrier barrier_id(%barrier3A)
    %mul3A_3 = arith.constant 32768 : i32
    %mul3A_4 = arith.muli %arg0, %mul3A_3 : i32
    %mul3A_5 = arith.constant 2048 : i32
    %mul3A_6 = arith.muli %arg1, %mul3A_5 : i32
    %add3A = arith.addi %mul3A_4, %mul3A_6 : i32
    %add3A_7 = arith.constant 0 : i32
    %add3A_8 = arith.addi %add3A, %add3A_7 : i32
    "tpu.region"() ({
      %run_scoped3A = tpu.sem_alloc : memref<!tpu.dma_semaphore, #tpu.memory_space<semaphore_mem>>
      %dma_start3A = tpu.memref_slice %arg3[%add3A_8] : memref<65536xi32, #tpu.memory_space<hbm>> -> memref<256xi32, #tpu.memory_space<hbm>>
      %dma_start3A_28 = tpu.memref_slice %arg3[%add3A_8] : memref<65536xi32, #tpu.memory_space<hbm>> -> memref<256xi32, #tpu.memory_space<hbm>>
      tpu.enqueue_dma source(%dma_start3A_28 : memref<256xi32, #tpu.memory_space<hbm>>) target(%arg6 : memref<256xi32, #tpu.memory_space<vmem>>) target_semaphore(%run_scoped3A : memref<!tpu.dma_semaphore, #tpu.memory_space<semaphore_mem>>)
      %dma_wait3A = tpu.memref_slice %arg3[%add3A_8] : memref<65536xi32, #tpu.memory_space<hbm>> -> memref<256xi32, #tpu.memory_space<hbm>>
      %dma_wait3A_29 = tpu.memref_slice %arg3[%add3A_8] : memref<65536xi32, #tpu.memory_space<hbm>> -> memref<256xi32, #tpu.memory_space<hbm>>
      tpu.wait_dma2 semaphore(%run_scoped3A : memref<!tpu.dma_semaphore, #tpu.memory_space<semaphore_mem>>) src(%dma_wait3A_29 : memref<256xi32, #tpu.memory_space<hbm>>) dst(%arg6 : memref<256xi32, #tpu.memory_space<vmem>>)
      tpu.yield
    }) : () -> ()
    "tpu.region"() ({
      %run_scoped3A = tpu.sem_alloc : memref<!tpu.dma_semaphore, #tpu.memory_space<semaphore_mem>>
      %dma_start3A = arith.constant 0 : i32
      %dma_start3A_28 = tpu.memref_slice %arg2[%add3A_8, %dma_start3A] : memref<65536x112xf32, #tpu.memory_space<hbm>> -> memref<256x112xf32, #tpu.memory_space<hbm>>
      %dma_start3A_29 = arith.constant 0 : i32
      %dma_start3A_30 = tpu.memref_slice %arg2[%add3A_8, %dma_start3A_29] : memref<65536x112xf32, #tpu.memory_space<hbm>> -> memref<256x112xf32, #tpu.memory_space<hbm>>
      tpu.enqueue_dma source(%dma_start3A_30 : memref<256x112xf32, #tpu.memory_space<hbm>>) target(%arg7 : memref<256x112xf32, #tpu.memory_space<vmem>>) target_semaphore(%run_scoped3A : memref<!tpu.dma_semaphore, #tpu.memory_space<semaphore_mem>>)
      %dma_wait3A = arith.constant 0 : i32
      %dma_wait3A_31 = tpu.memref_slice %arg2[%add3A_8, %dma_wait3A] : memref<65536x112xf32, #tpu.memory_space<hbm>> -> memref<256x112xf32, #tpu.memory_space<hbm>>
      %dma_wait3A_32 = arith.constant 0 : i32
      %dma_wait3A_33 = tpu.memref_slice %arg2[%add3A_8, %dma_wait3A_32] : memref<65536x112xf32, #tpu.memory_space<hbm>> -> memref<256x112xf32, #tpu.memory_space<hbm>>
      tpu.wait_dma2 semaphore(%run_scoped3A : memref<!tpu.dma_semaphore, #tpu.memory_space<semaphore_mem>>) src(%dma_wait3A_33 : memref<256x112xf32, #tpu.memory_space<hbm>>) dst(%arg7 : memref<256x112xf32, #tpu.memory_space<vmem>>)
      tpu.yield
    }) : () -> ()
    "tpu.region"() ({
      %run_scoped3A = tpu.sem_alloc : memref<!tpu.dma_semaphore, #tpu.memory_space<semaphore_mem>>
      %dma_start3A = arith.constant 0 : i32
      %dma_start3A_28 = arith.constant 0 : i32
      %dma_start3A_29 = tpu.memref_slice %arg8[%dma_start3A, %dma_start3A_28] : memref<2048x112xf32, #tpu.memory_space<vmem_shared>> -> memref<2048x112xf32, #tpu.memory_space<vmem_shared>>
      tpu.enqueue_indirect_dma source(%arg7 : memref<256x112xf32, #tpu.memory_space<vmem>>) target(%dma_start3A_29 : memref<2048x112xf32, #tpu.memory_space<vmem_shared>>) offsets(%arg6 : memref<256xi32, #tpu.memory_space<vmem>>) semaphore(%run_scoped3A : memref<!tpu.dma_semaphore, #tpu.memory_space<semaphore_mem>>) {add = true}
      %dma_wait3A = arith.constant 0 : i32
      %dma_wait3A_30 = arith.constant 0 : i32
      %dma_wait3A_31 = tpu.memref_slice %arg8[%dma_wait3A, %dma_wait3A_30] : memref<2048x112xf32, #tpu.memory_space<vmem_shared>> -> memref<2048x112xf32, #tpu.memory_space<vmem_shared>>
      tpu.wait_indirect_dma semaphore(%run_scoped3A : memref<!tpu.dma_semaphore, #tpu.memory_space<semaphore_mem>>) src(%arg7 : memref<256x112xf32, #tpu.memory_space<vmem>>) dst(%dma_wait3A_31 : memref<2048x112xf32, #tpu.memory_space<vmem_shared>>)
      tpu.yield
    }) : () -> ()
    %add3A_9 = arith.constant 256 : i32
    %add3A_10 = arith.addi %add3A, %add3A_9 : i32
    "tpu.region"() ({
      %run_scoped3A = tpu.sem_alloc : memref<!tpu.dma_semaphore, #tpu.memory_space<semaphore_mem>>
      %dma_start3A = tpu.memref_slice %arg3[%add3A_10] : memref<65536xi32, #tpu.memory_space<hbm>> -> memref<256xi32, #tpu.memory_space<hbm>>
      %dma_start3A_28 = tpu.memref_slice %arg3[%add3A_10] : memref<65536xi32, #tpu.memory_space<hbm>> -> memref<256xi32, #tpu.memory_space<hbm>>
      tpu.enqueue_dma source(%dma_start3A_28 : memref<256xi32, #tpu.memory_space<hbm>>) target(%arg6 : memref<256xi32, #tpu.memory_space<vmem>>) target_semaphore(%run_scoped3A : memref<!tpu.dma_semaphore, #tpu.memory_space<semaphore_mem>>)
      %dma_wait3A = tpu.memref_slice %arg3[%add3A_10] : memref<65536xi32, #tpu.memory_space<hbm>> -> memref<256xi32, #tpu.memory_space<hbm>>
      %dma_wait3A_29 = tpu.memref_slice %arg3[%add3A_10] : memref<65536xi32, #tpu.memory_space<hbm>> -> memref<256xi32, #tpu.memory_space<hbm>>
      tpu.wait_dma2 semaphore(%run_scoped3A : memref<!tpu.dma_semaphore, #tpu.memory_space<semaphore_mem>>) src(%dma_wait3A_29 : memref<256xi32, #tpu.memory_space<hbm>>) dst(%arg6 : memref<256xi32, #tpu.memory_space<vmem>>)
      tpu.yield
    }) : () -> ()
    "tpu.region"() ({
      %run_scoped3A = tpu.sem_alloc : memref<!tpu.dma_semaphore, #tpu.memory_space<semaphore_mem>>
      %dma_start3A = arith.constant 0 : i32
      %dma_start3A_28 = tpu.memref_slice %arg2[%add3A_10, %dma_start3A] : memref<65536x112xf32, #tpu.memory_space<hbm>> -> memref<256x112xf32, #tpu.memory_space<hbm>>
      %dma_start3A_29 = arith.constant 0 : i32
      %dma_start3A_30 = tpu.memref_slice %arg2[%add3A_10, %dma_start3A_29] : memref<65536x112xf32, #tpu.memory_space<hbm>> -> memref<256x112xf32, #tpu.memory_space<hbm>>
      tpu.enqueue_dma source(%dma_start3A_30 : memref<256x112xf32, #tpu.memory_space<hbm>>) target(%arg7 : memref<256x112xf32, #tpu.memory_space<vmem>>) target_semaphore(%run_scoped3A : memref<!tpu.dma_semaphore, #tpu.memory_space<semaphore_mem>>)
      %dma_wait3A = arith.constant 0 : i32
      %dma_wait3A_31 = tpu.memref_slice %arg2[%add3A_10, %dma_wait3A] : memref<65536x112xf32, #tpu.memory_space<hbm>> -> memref<256x112xf32, #tpu.memory_space<hbm>>
      %dma_wait3A_32 = arith.constant 0 : i32
      %dma_wait3A_33 = tpu.memref_slice %arg2[%add3A_10, %dma_wait3A_32] : memref<65536x112xf32, #tpu.memory_space<hbm>> -> memref<256x112xf32, #tpu.memory_space<hbm>>
      tpu.wait_dma2 semaphore(%run_scoped3A : memref<!tpu.dma_semaphore, #tpu.memory_space<semaphore_mem>>) src(%dma_wait3A_33 : memref<256x112xf32, #tpu.memory_space<hbm>>) dst(%arg7 : memref<256x112xf32, #tpu.memory_space<vmem>>)
      tpu.yield
    }) : () -> ()
    "tpu.region"() ({
      %run_scoped3A = tpu.sem_alloc : memref<!tpu.dma_semaphore, #tpu.memory_space<semaphore_mem>>
      %dma_start3A = arith.constant 0 : i32
      %dma_start3A_28 = arith.constant 0 : i32
      %dma_start3A_29 = tpu.memref_slice %arg8[%dma_start3A, %dma_start3A_28] : memref<2048x112xf32, #tpu.memory_space<vmem_shared>> -> memref<2048x112xf32, #tpu.memory_space<vmem_shared>>
      tpu.enqueue_indirect_dma source(%arg7 : memref<256x112xf32, #tpu.memory_space<vmem>>) target(%dma_start3A_29 : memref<2048x112xf32, #tpu.memory_space<vmem_shared>>) offsets(%arg6 : memref<256xi32, #tpu.memory_space<vmem>>) semaphore(%run_scoped3A : memref<!tpu.dma_semaphore, #tpu.memory_space<semaphore_mem>>) {add = true}
      %dma_wait3A = arith.constant 0 : i32
      %dma_wait3A_30 = arith.constant 0 : i32
      %dma_wait3A_31 = tpu.memref_slice %arg8[%dma_wait3A, %dma_wait3A_30] : memref<2048x112xf32, #tpu.memory_space<vmem_shared>> -> memref<2048x112xf32, #tpu.memory_space<vmem_shared>>
      tpu.wait_indirect_dma semaphore(%run_scoped3A : memref<!tpu.dma_semaphore, #tpu.memory_space<semaphore_mem>>) src(%arg7 : memref<256x112xf32, #tpu.memory_space<vmem>>) dst(%dma_wait3A_31 : memref<2048x112xf32, #tpu.memory_space<vmem_shared>>)
      tpu.yield
    }) : () -> ()
    %add3A_11 = arith.constant 512 : i32
    %add3A_12 = arith.addi %add3A, %add3A_11 : i32
    "tpu.region"() ({
      %run_scoped3A = tpu.sem_alloc : memref<!tpu.dma_semaphore, #tpu.memory_space<semaphore_mem>>
      %dma_start3A = tpu.memref_slice %arg3[%add3A_12] : memref<65536xi32, #tpu.memory_space<hbm>> -> memref<256xi32, #tpu.memory_space<hbm>>
      %dma_start3A_28 = tpu.memref_slice %arg3[%add3A_12] : memref<65536xi32, #tpu.memory_space<hbm>> -> memref<256xi32, #tpu.memory_space<hbm>>
      tpu.enqueue_dma source(%dma_start3A_28 : memref<256xi32, #tpu.memory_space<hbm>>) target(%arg6 : memref<256xi32, #tpu.memory_space<vmem>>) target_semaphore(%run_scoped3A : memref<!tpu.dma_semaphore, #tpu.memory_space<semaphore_mem>>)
      %dma_wait3A = tpu.memref_slice %arg3[%add3A_12] : memref<65536xi32, #tpu.memory_space<hbm>> -> memref<256xi32, #tpu.memory_space<hbm>>
      %dma_wait3A_29 = tpu.memref_slice %arg3[%add3A_12] : memref<65536xi32, #tpu.memory_space<hbm>> -> memref<256xi32, #tpu.memory_space<hbm>>
      tpu.wait_dma2 semaphore(%run_scoped3A : memref<!tpu.dma_semaphore, #tpu.memory_space<semaphore_mem>>) src(%dma_wait3A_29 : memref<256xi32, #tpu.memory_space<hbm>>) dst(%arg6 : memref<256xi32, #tpu.memory_space<vmem>>)
      tpu.yield
    }) : () -> ()
    "tpu.region"() ({
      %run_scoped3A = tpu.sem_alloc : memref<!tpu.dma_semaphore, #tpu.memory_space<semaphore_mem>>
      %dma_start3A = arith.constant 0 : i32
      %dma_start3A_28 = tpu.memref_slice %arg2[%add3A_12, %dma_start3A] : memref<65536x112xf32, #tpu.memory_space<hbm>> -> memref<256x112xf32, #tpu.memory_space<hbm>>
      %dma_start3A_29 = arith.constant 0 : i32
      %dma_start3A_30 = tpu.memref_slice %arg2[%add3A_12, %dma_start3A_29] : memref<65536x112xf32, #tpu.memory_space<hbm>> -> memref<256x112xf32, #tpu.memory_space<hbm>>
      tpu.enqueue_dma source(%dma_start3A_30 : memref<256x112xf32, #tpu.memory_space<hbm>>) target(%arg7 : memref<256x112xf32, #tpu.memory_space<vmem>>) target_semaphore(%run_scoped3A : memref<!tpu.dma_semaphore, #tpu.memory_space<semaphore_mem>>)
      %dma_wait3A = arith.constant 0 : i32
      %dma_wait3A_31 = tpu.memref_slice %arg2[%add3A_12, %dma_wait3A] : memref<65536x112xf32, #tpu.memory_space<hbm>> -> memref<256x112xf32, #tpu.memory_space<hbm>>
      %dma_wait3A_32 = arith.constant 0 : i32
      %dma_wait3A_33 = tpu.memref_slice %arg2[%add3A_12, %dma_wait3A_32] : memref<65536x112xf32, #tpu.memory_space<hbm>> -> memref<256x112xf32, #tpu.memory_space<hbm>>
      tpu.wait_dma2 semaphore(%run_scoped3A : memref<!tpu.dma_semaphore, #tpu.memory_space<semaphore_mem>>) src(%dma_wait3A_33 : memref<256x112xf32, #tpu.memory_space<hbm>>) dst(%arg7 : memref<256x112xf32, #tpu.memory_space<vmem>>)
      tpu.yield
    }) : () -> ()
    "tpu.region"() ({
      %run_scoped3A = tpu.sem_alloc : memref<!tpu.dma_semaphore, #tpu.memory_space<semaphore_mem>>
      %dma_start3A = arith.constant 0 : i32
      %dma_start3A_28 = arith.constant 0 : i32
      %dma_start3A_29 = tpu.memref_slice %arg8[%dma_start3A, %dma_start3A_28] : memref<2048x112xf32, #tpu.memory_space<vmem_shared>> -> memref<2048x112xf32, #tpu.memory_space<vmem_shared>>
      tpu.enqueue_indirect_dma source(%arg7 : memref<256x112xf32, #tpu.memory_space<vmem>>) target(%dma_start3A_29 : memref<2048x112xf32, #tpu.memory_space<vmem_shared>>) offsets(%arg6 : memref<256xi32, #tpu.memory_space<vmem>>) semaphore(%run_scoped3A : memref<!tpu.dma_semaphore, #tpu.memory_space<semaphore_mem>>) {add = true}
      %dma_wait3A = arith.constant 0 : i32
      %dma_wait3A_30 = arith.constant 0 : i32
      %dma_wait3A_31 = tpu.memref_slice %arg8[%dma_wait3A, %dma_wait3A_30] : memref<2048x112xf32, #tpu.memory_space<vmem_shared>> -> memref<2048x112xf32, #tpu.memory_space<vmem_shared>>
      tpu.wait_indirect_dma semaphore(%run_scoped3A : memref<!tpu.dma_semaphore, #tpu.memory_space<semaphore_mem>>) src(%arg7 : memref<256x112xf32, #tpu.memory_space<vmem>>) dst(%dma_wait3A_31 : memref<2048x112xf32, #tpu.memory_space<vmem_shared>>)
      tpu.yield
    }) : () -> ()
    %add3A_13 = arith.constant 768 : i32
    %add3A_14 = arith.addi %add3A, %add3A_13 : i32
    "tpu.region"() ({
      %run_scoped3A = tpu.sem_alloc : memref<!tpu.dma_semaphore, #tpu.memory_space<semaphore_mem>>
      %dma_start3A = tpu.memref_slice %arg3[%add3A_14] : memref<65536xi32, #tpu.memory_space<hbm>> -> memref<256xi32, #tpu.memory_space<hbm>>
      %dma_start3A_28 = tpu.memref_slice %arg3[%add3A_14] : memref<65536xi32, #tpu.memory_space<hbm>> -> memref<256xi32, #tpu.memory_space<hbm>>
      tpu.enqueue_dma source(%dma_start3A_28 : memref<256xi32, #tpu.memory_space<hbm>>) target(%arg6 : memref<256xi32, #tpu.memory_space<vmem>>) target_semaphore(%run_scoped3A : memref<!tpu.dma_semaphore, #tpu.memory_space<semaphore_mem>>)
      %dma_wait3A = tpu.memref_slice %arg3[%add3A_14] : memref<65536xi32, #tpu.memory_space<hbm>> -> memref<256xi32, #tpu.memory_space<hbm>>
      %dma_wait3A_29 = tpu.memref_slice %arg3[%add3A_14] : memref<65536xi32, #tpu.memory_space<hbm>> -> memref<256xi32, #tpu.memory_space<hbm>>
      tpu.wait_dma2 semaphore(%run_scoped3A : memref<!tpu.dma_semaphore, #tpu.memory_space<semaphore_mem>>) src(%dma_wait3A_29 : memref<256xi32, #tpu.memory_space<hbm>>) dst(%arg6 : memref<256xi32, #tpu.memory_space<vmem>>)
      tpu.yield
    }) : () -> ()
    "tpu.region"() ({
      %run_scoped3A = tpu.sem_alloc : memref<!tpu.dma_semaphore, #tpu.memory_space<semaphore_mem>>
      %dma_start3A = arith.constant 0 : i32
      %dma_start3A_28 = tpu.memref_slice %arg2[%add3A_14, %dma_start3A] : memref<65536x112xf32, #tpu.memory_space<hbm>> -> memref<256x112xf32, #tpu.memory_space<hbm>>
      %dma_start3A_29 = arith.constant 0 : i32
      %dma_start3A_30 = tpu.memref_slice %arg2[%add3A_14, %dma_start3A_29] : memref<65536x112xf32, #tpu.memory_space<hbm>> -> memref<256x112xf32, #tpu.memory_space<hbm>>
      tpu.enqueue_dma source(%dma_start3A_30 : memref<256x112xf32, #tpu.memory_space<hbm>>) target(%arg7 : memref<256x112xf32, #tpu.memory_space<vmem>>) target_semaphore(%run_scoped3A : memref<!tpu.dma_semaphore, #tpu.memory_space<semaphore_mem>>)
      %dma_wait3A = arith.constant 0 : i32
      %dma_wait3A_31 = tpu.memref_slice %arg2[%add3A_14, %dma_wait3A] : memref<65536x112xf32, #tpu.memory_space<hbm>> -> memref<256x112xf32, #tpu.memory_space<hbm>>
      %dma_wait3A_32 = arith.constant 0 : i32
      %dma_wait3A_33 = tpu.memref_slice %arg2[%add3A_14, %dma_wait3A_32] : memref<65536x112xf32, #tpu.memory_space<hbm>> -> memref<256x112xf32, #tpu.memory_space<hbm>>
      tpu.wait_dma2 semaphore(%run_scoped3A : memref<!tpu.dma_semaphore, #tpu.memory_space<semaphore_mem>>) src(%dma_wait3A_33 : memref<256x112xf32, #tpu.memory_space<hbm>>) dst(%arg7 : memref<256x112xf32, #tpu.memory_space<vmem>>)
      tpu.yield
    }) : () -> ()
    "tpu.region"() ({
      %run_scoped3A = tpu.sem_alloc : memref<!tpu.dma_semaphore, #tpu.memory_space<semaphore_mem>>
      %dma_start3A = arith.constant 0 : i32
      %dma_start3A_28 = arith.constant 0 : i32
      %dma_start3A_29 = tpu.memref_slice %arg8[%dma_start3A, %dma_start3A_28] : memref<2048x112xf32, #tpu.memory_space<vmem_shared>> -> memref<2048x112xf32, #tpu.memory_space<vmem_shared>>
      tpu.enqueue_indirect_dma source(%arg7 : memref<256x112xf32, #tpu.memory_space<vmem>>) target(%dma_start3A_29 : memref<2048x112xf32, #tpu.memory_space<vmem_shared>>) offsets(%arg6 : memref<256xi32, #tpu.memory_space<vmem>>) semaphore(%run_scoped3A : memref<!tpu.dma_semaphore, #tpu.memory_space<semaphore_mem>>) {add = true}
      %dma_wait3A = arith.constant 0 : i32
      %dma_wait3A_30 = arith.constant 0 : i32
      %dma_wait3A_31 = tpu.memref_slice %arg8[%dma_wait3A, %dma_wait3A_30] : memref<2048x112xf32, #tpu.memory_space<vmem_shared>> -> memref<2048x112xf32, #tpu.memory_space<vmem_shared>>
      tpu.wait_indirect_dma semaphore(%run_scoped3A : memref<!tpu.dma_semaphore, #tpu.memory_space<semaphore_mem>>) src(%arg7 : memref<256x112xf32, #tpu.memory_space<vmem>>) dst(%dma_wait3A_31 : memref<2048x112xf32, #tpu.memory_space<vmem_shared>>)
      tpu.yield
    }) : () -> ()
    %add3A_15 = arith.constant 1024 : i32
    %add3A_16 = arith.addi %add3A, %add3A_15 : i32
    "tpu.region"() ({
      %run_scoped3A = tpu.sem_alloc : memref<!tpu.dma_semaphore, #tpu.memory_space<semaphore_mem>>
      %dma_start3A = tpu.memref_slice %arg3[%add3A_16] : memref<65536xi32, #tpu.memory_space<hbm>> -> memref<256xi32, #tpu.memory_space<hbm>>
      %dma_start3A_28 = tpu.memref_slice %arg3[%add3A_16] : memref<65536xi32, #tpu.memory_space<hbm>> -> memref<256xi32, #tpu.memory_space<hbm>>
      tpu.enqueue_dma source(%dma_start3A_28 : memref<256xi32, #tpu.memory_space<hbm>>) target(%arg6 : memref<256xi32, #tpu.memory_space<vmem>>) target_semaphore(%run_scoped3A : memref<!tpu.dma_semaphore, #tpu.memory_space<semaphore_mem>>)
      %dma_wait3A = tpu.memref_slice %arg3[%add3A_16] : memref<65536xi32, #tpu.memory_space<hbm>> -> memref<256xi32, #tpu.memory_space<hbm>>
      %dma_wait3A_29 = tpu.memref_slice %arg3[%add3A_16] : memref<65536xi32, #tpu.memory_space<hbm>> -> memref<256xi32, #tpu.memory_space<hbm>>
      tpu.wait_dma2 semaphore(%run_scoped3A : memref<!tpu.dma_semaphore, #tpu.memory_space<semaphore_mem>>) src(%dma_wait3A_29 : memref<256xi32, #tpu.memory_space<hbm>>) dst(%arg6 : memref<256xi32, #tpu.memory_space<vmem>>)
      tpu.yield
    }) : () -> ()
    "tpu.region"() ({
      %run_scoped3A = tpu.sem_alloc : memref<!tpu.dma_semaphore, #tpu.memory_space<semaphore_mem>>
      %dma_start3A = arith.constant 0 : i32
      %dma_start3A_28 = tpu.memref_slice %arg2[%add3A_16, %dma_start3A] : memref<65536x112xf32, #tpu.memory_space<hbm>> -> memref<256x112xf32, #tpu.memory_space<hbm>>
      %dma_start3A_29 = arith.constant 0 : i32
      %dma_start3A_30 = tpu.memref_slice %arg2[%add3A_16, %dma_start3A_29] : memref<65536x112xf32, #tpu.memory_space<hbm>> -> memref<256x112xf32, #tpu.memory_space<hbm>>
      tpu.enqueue_dma source(%dma_start3A_30 : memref<256x112xf32, #tpu.memory_space<hbm>>) target(%arg7 : memref<256x112xf32, #tpu.memory_space<vmem>>) target_semaphore(%run_scoped3A : memref<!tpu.dma_semaphore, #tpu.memory_space<semaphore_mem>>)
      %dma_wait3A = arith.constant 0 : i32
      %dma_wait3A_31 = tpu.memref_slice %arg2[%add3A_16, %dma_wait3A] : memref<65536x112xf32, #tpu.memory_space<hbm>> -> memref<256x112xf32, #tpu.memory_space<hbm>>
      %dma_wait3A_32 = arith.constant 0 : i32
      %dma_wait3A_33 = tpu.memref_slice %arg2[%add3A_16, %dma_wait3A_32] : memref<65536x112xf32, #tpu.memory_space<hbm>> -> memref<256x112xf32, #tpu.memory_space<hbm>>
      tpu.wait_dma2 semaphore(%run_scoped3A : memref<!tpu.dma_semaphore, #tpu.memory_space<semaphore_mem>>) src(%dma_wait3A_33 : memref<256x112xf32, #tpu.memory_space<hbm>>) dst(%arg7 : memref<256x112xf32, #tpu.memory_space<vmem>>)
      tpu.yield
    }) : () -> ()
    "tpu.region"() ({
      %run_scoped3A = tpu.sem_alloc : memref<!tpu.dma_semaphore, #tpu.memory_space<semaphore_mem>>
      %dma_start3A = arith.constant 0 : i32
      %dma_start3A_28 = arith.constant 0 : i32
      %dma_start3A_29 = tpu.memref_slice %arg8[%dma_start3A, %dma_start3A_28] : memref<2048x112xf32, #tpu.memory_space<vmem_shared>> -> memref<2048x112xf32, #tpu.memory_space<vmem_shared>>
      tpu.enqueue_indirect_dma source(%arg7 : memref<256x112xf32, #tpu.memory_space<vmem>>) target(%dma_start3A_29 : memref<2048x112xf32, #tpu.memory_space<vmem_shared>>) offsets(%arg6 : memref<256xi32, #tpu.memory_space<vmem>>) semaphore(%run_scoped3A : memref<!tpu.dma_semaphore, #tpu.memory_space<semaphore_mem>>) {add = true}
      %dma_wait3A = arith.constant 0 : i32
      %dma_wait3A_30 = arith.constant 0 : i32
      %dma_wait3A_31 = tpu.memref_slice %arg8[%dma_wait3A, %dma_wait3A_30] : memref<2048x112xf32, #tpu.memory_space<vmem_shared>> -> memref<2048x112xf32, #tpu.memory_space<vmem_shared>>
      tpu.wait_indirect_dma semaphore(%run_scoped3A : memref<!tpu.dma_semaphore, #tpu.memory_space<semaphore_mem>>) src(%arg7 : memref<256x112xf32, #tpu.memory_space<vmem>>) dst(%dma_wait3A_31 : memref<2048x112xf32, #tpu.memory_space<vmem_shared>>)
      tpu.yield
    }) : () -> ()
    %add3A_17 = arith.constant 1280 : i32
    %add3A_18 = arith.addi %add3A, %add3A_17 : i32
    "tpu.region"() ({
      %run_scoped3A = tpu.sem_alloc : memref<!tpu.dma_semaphore, #tpu.memory_space<semaphore_mem>>
      %dma_start3A = tpu.memref_slice %arg3[%add3A_18] : memref<65536xi32, #tpu.memory_space<hbm>> -> memref<256xi32, #tpu.memory_space<hbm>>
      %dma_start3A_28 = tpu.memref_slice %arg3[%add3A_18] : memref<65536xi32, #tpu.memory_space<hbm>> -> memref<256xi32, #tpu.memory_space<hbm>>
      tpu.enqueue_dma source(%dma_start3A_28 : memref<256xi32, #tpu.memory_space<hbm>>) target(%arg6 : memref<256xi32, #tpu.memory_space<vmem>>) target_semaphore(%run_scoped3A : memref<!tpu.dma_semaphore, #tpu.memory_space<semaphore_mem>>)
      %dma_wait3A = tpu.memref_slice %arg3[%add3A_18] : memref<65536xi32, #tpu.memory_space<hbm>> -> memref<256xi32, #tpu.memory_space<hbm>>
      %dma_wait3A_29 = tpu.memref_slice %arg3[%add3A_18] : memref<65536xi32, #tpu.memory_space<hbm>> -> memref<256xi32, #tpu.memory_space<hbm>>
      tpu.wait_dma2 semaphore(%run_scoped3A : memref<!tpu.dma_semaphore, #tpu.memory_space<semaphore_mem>>) src(%dma_wait3A_29 : memref<256xi32, #tpu.memory_space<hbm>>) dst(%arg6 : memref<256xi32, #tpu.memory_space<vmem>>)
      tpu.yield
    }) : () -> ()
    "tpu.region"() ({
      %run_scoped3A = tpu.sem_alloc : memref<!tpu.dma_semaphore, #tpu.memory_space<semaphore_mem>>
      %dma_start3A = arith.constant 0 : i32
      %dma_start3A_28 = tpu.memref_slice %arg2[%add3A_18, %dma_start3A] : memref<65536x112xf32, #tpu.memory_space<hbm>> -> memref<256x112xf32, #tpu.memory_space<hbm>>
      %dma_start3A_29 = arith.constant 0 : i32
      %dma_start3A_30 = tpu.memref_slice %arg2[%add3A_18, %dma_start3A_29] : memref<65536x112xf32, #tpu.memory_space<hbm>> -> memref<256x112xf32, #tpu.memory_space<hbm>>
      tpu.enqueue_dma source(%dma_start3A_30 : memref<256x112xf32, #tpu.memory_space<hbm>>) target(%arg7 : memref<256x112xf32, #tpu.memory_space<vmem>>) target_semaphore(%run_scoped3A : memref<!tpu.dma_semaphore, #tpu.memory_space<semaphore_mem>>)
      %dma_wait3A = arith.constant 0 : i32
      %dma_wait3A_31 = tpu.memref_slice %arg2[%add3A_18, %dma_wait3A] : memref<65536x112xf32, #tpu.memory_space<hbm>> -> memref<256x112xf32, #tpu.memory_space<hbm>>
      %dma_wait3A_32 = arith.constant 0 : i32
      %dma_wait3A_33 = tpu.memref_slice %arg2[%add3A_18, %dma_wait3A_32] : memref<65536x112xf32, #tpu.memory_space<hbm>> -> memref<256x112xf32, #tpu.memory_space<hbm>>
      tpu.wait_dma2 semaphore(%run_scoped3A : memref<!tpu.dma_semaphore, #tpu.memory_space<semaphore_mem>>) src(%dma_wait3A_33 : memref<256x112xf32, #tpu.memory_space<hbm>>) dst(%arg7 : memref<256x112xf32, #tpu.memory_space<vmem>>)
      tpu.yield
    }) : () -> ()
    "tpu.region"() ({
      %run_scoped3A = tpu.sem_alloc : memref<!tpu.dma_semaphore, #tpu.memory_space<semaphore_mem>>
      %dma_start3A = arith.constant 0 : i32
      %dma_start3A_28 = arith.constant 0 : i32
      %dma_start3A_29 = tpu.memref_slice %arg8[%dma_start3A, %dma_start3A_28] : memref<2048x112xf32, #tpu.memory_space<vmem_shared>> -> memref<2048x112xf32, #tpu.memory_space<vmem_shared>>
      tpu.enqueue_indirect_dma source(%arg7 : memref<256x112xf32, #tpu.memory_space<vmem>>) target(%dma_start3A_29 : memref<2048x112xf32, #tpu.memory_space<vmem_shared>>) offsets(%arg6 : memref<256xi32, #tpu.memory_space<vmem>>) semaphore(%run_scoped3A : memref<!tpu.dma_semaphore, #tpu.memory_space<semaphore_mem>>) {add = true}
      %dma_wait3A = arith.constant 0 : i32
      %dma_wait3A_30 = arith.constant 0 : i32
      %dma_wait3A_31 = tpu.memref_slice %arg8[%dma_wait3A, %dma_wait3A_30] : memref<2048x112xf32, #tpu.memory_space<vmem_shared>> -> memref<2048x112xf32, #tpu.memory_space<vmem_shared>>
      tpu.wait_indirect_dma semaphore(%run_scoped3A : memref<!tpu.dma_semaphore, #tpu.memory_space<semaphore_mem>>) src(%arg7 : memref<256x112xf32, #tpu.memory_space<vmem>>) dst(%dma_wait3A_31 : memref<2048x112xf32, #tpu.memory_space<vmem_shared>>)
      tpu.yield
    }) : () -> ()
    %add3A_19 = arith.constant 1536 : i32
    %add3A_20 = arith.addi %add3A, %add3A_19 : i32
    "tpu.region"() ({
      %run_scoped3A = tpu.sem_alloc : memref<!tpu.dma_semaphore, #tpu.memory_space<semaphore_mem>>
      %dma_start3A = tpu.memref_slice %arg3[%add3A_20] : memref<65536xi32, #tpu.memory_space<hbm>> -> memref<256xi32, #tpu.memory_space<hbm>>
      %dma_start3A_28 = tpu.memref_slice %arg3[%add3A_20] : memref<65536xi32, #tpu.memory_space<hbm>> -> memref<256xi32, #tpu.memory_space<hbm>>
      tpu.enqueue_dma source(%dma_start3A_28 : memref<256xi32, #tpu.memory_space<hbm>>) target(%arg6 : memref<256xi32, #tpu.memory_space<vmem>>) target_semaphore(%run_scoped3A : memref<!tpu.dma_semaphore, #tpu.memory_space<semaphore_mem>>)
      %dma_wait3A = tpu.memref_slice %arg3[%add3A_20] : memref<65536xi32, #tpu.memory_space<hbm>> -> memref<256xi32, #tpu.memory_space<hbm>>
      %dma_wait3A_29 = tpu.memref_slice %arg3[%add3A_20] : memref<65536xi32, #tpu.memory_space<hbm>> -> memref<256xi32, #tpu.memory_space<hbm>>
      tpu.wait_dma2 semaphore(%run_scoped3A : memref<!tpu.dma_semaphore, #tpu.memory_space<semaphore_mem>>) src(%dma_wait3A_29 : memref<256xi32, #tpu.memory_space<hbm>>) dst(%arg6 : memref<256xi32, #tpu.memory_space<vmem>>)
      tpu.yield
    }) : () -> ()
    "tpu.region"() ({
      %run_scoped3A = tpu.sem_alloc : memref<!tpu.dma_semaphore, #tpu.memory_space<semaphore_mem>>
      %dma_start3A = arith.constant 0 : i32
      %dma_start3A_28 = tpu.memref_slice %arg2[%add3A_20, %dma_start3A] : memref<65536x112xf32, #tpu.memory_space<hbm>> -> memref<256x112xf32, #tpu.memory_space<hbm>>
      %dma_start3A_29 = arith.constant 0 : i32
      %dma_start3A_30 = tpu.memref_slice %arg2[%add3A_20, %dma_start3A_29] : memref<65536x112xf32, #tpu.memory_space<hbm>> -> memref<256x112xf32, #tpu.memory_space<hbm>>
      tpu.enqueue_dma source(%dma_start3A_30 : memref<256x112xf32, #tpu.memory_space<hbm>>) target(%arg7 : memref<256x112xf32, #tpu.memory_space<vmem>>) target_semaphore(%run_scoped3A : memref<!tpu.dma_semaphore, #tpu.memory_space<semaphore_mem>>)
      %dma_wait3A = arith.constant 0 : i32
      %dma_wait3A_31 = tpu.memref_slice %arg2[%add3A_20, %dma_wait3A] : memref<65536x112xf32, #tpu.memory_space<hbm>> -> memref<256x112xf32, #tpu.memory_space<hbm>>
      %dma_wait3A_32 = arith.constant 0 : i32
      %dma_wait3A_33 = tpu.memref_slice %arg2[%add3A_20, %dma_wait3A_32] : memref<65536x112xf32, #tpu.memory_space<hbm>> -> memref<256x112xf32, #tpu.memory_space<hbm>>
      tpu.wait_dma2 semaphore(%run_scoped3A : memref<!tpu.dma_semaphore, #tpu.memory_space<semaphore_mem>>) src(%dma_wait3A_33 : memref<256x112xf32, #tpu.memory_space<hbm>>) dst(%arg7 : memref<256x112xf32, #tpu.memory_space<vmem>>)
      tpu.yield
    }) : () -> ()
    "tpu.region"() ({
      %run_scoped3A = tpu.sem_alloc : memref<!tpu.dma_semaphore, #tpu.memory_space<semaphore_mem>>
      %dma_start3A = arith.constant 0 : i32
      %dma_start3A_28 = arith.constant 0 : i32
      %dma_start3A_29 = tpu.memref_slice %arg8[%dma_start3A, %dma_start3A_28] : memref<2048x112xf32, #tpu.memory_space<vmem_shared>> -> memref<2048x112xf32, #tpu.memory_space<vmem_shared>>
      tpu.enqueue_indirect_dma source(%arg7 : memref<256x112xf32, #tpu.memory_space<vmem>>) target(%dma_start3A_29 : memref<2048x112xf32, #tpu.memory_space<vmem_shared>>) offsets(%arg6 : memref<256xi32, #tpu.memory_space<vmem>>) semaphore(%run_scoped3A : memref<!tpu.dma_semaphore, #tpu.memory_space<semaphore_mem>>) {add = true}
      %dma_wait3A = arith.constant 0 : i32
      %dma_wait3A_30 = arith.constant 0 : i32
      %dma_wait3A_31 = tpu.memref_slice %arg8[%dma_wait3A, %dma_wait3A_30] : memref<2048x112xf32, #tpu.memory_space<vmem_shared>> -> memref<2048x112xf32, #tpu.memory_space<vmem_shared>>
      tpu.wait_indirect_dma semaphore(%run_scoped3A : memref<!tpu.dma_semaphore, #tpu.memory_space<semaphore_mem>>) src(%arg7 : memref<256x112xf32, #tpu.memory_space<vmem>>) dst(%dma_wait3A_31 : memref<2048x112xf32, #tpu.memory_space<vmem_shared>>)
      tpu.yield
    }) : () -> ()
    %add3A_21 = arith.constant 1792 : i32
    %add3A_22 = arith.addi %add3A, %add3A_21 : i32
    "tpu.region"() ({
      %run_scoped3A = tpu.sem_alloc : memref<!tpu.dma_semaphore, #tpu.memory_space<semaphore_mem>>
      %dma_start3A = tpu.memref_slice %arg3[%add3A_22] : memref<65536xi32, #tpu.memory_space<hbm>> -> memref<256xi32, #tpu.memory_space<hbm>>
      %dma_start3A_28 = tpu.memref_slice %arg3[%add3A_22] : memref<65536xi32, #tpu.memory_space<hbm>> -> memref<256xi32, #tpu.memory_space<hbm>>
      tpu.enqueue_dma source(%dma_start3A_28 : memref<256xi32, #tpu.memory_space<hbm>>) target(%arg6 : memref<256xi32, #tpu.memory_space<vmem>>) target_semaphore(%run_scoped3A : memref<!tpu.dma_semaphore, #tpu.memory_space<semaphore_mem>>)
      %dma_wait3A = tpu.memref_slice %arg3[%add3A_22] : memref<65536xi32, #tpu.memory_space<hbm>> -> memref<256xi32, #tpu.memory_space<hbm>>
      %dma_wait3A_29 = tpu.memref_slice %arg3[%add3A_22] : memref<65536xi32, #tpu.memory_space<hbm>> -> memref<256xi32, #tpu.memory_space<hbm>>
      tpu.wait_dma2 semaphore(%run_scoped3A : memref<!tpu.dma_semaphore, #tpu.memory_space<semaphore_mem>>) src(%dma_wait3A_29 : memref<256xi32, #tpu.memory_space<hbm>>) dst(%arg6 : memref<256xi32, #tpu.memory_space<vmem>>)
      tpu.yield
    }) : () -> ()
    "tpu.region"() ({
      %run_scoped3A = tpu.sem_alloc : memref<!tpu.dma_semaphore, #tpu.memory_space<semaphore_mem>>
      %dma_start3A = arith.constant 0 : i32
      %dma_start3A_28 = tpu.memref_slice %arg2[%add3A_22, %dma_start3A] : memref<65536x112xf32, #tpu.memory_space<hbm>> -> memref<256x112xf32, #tpu.memory_space<hbm>>
      %dma_start3A_29 = arith.constant 0 : i32
      %dma_start3A_30 = tpu.memref_slice %arg2[%add3A_22, %dma_start3A_29] : memref<65536x112xf32, #tpu.memory_space<hbm>> -> memref<256x112xf32, #tpu.memory_space<hbm>>
      tpu.enqueue_dma source(%dma_start3A_30 : memref<256x112xf32, #tpu.memory_space<hbm>>) target(%arg7 : memref<256x112xf32, #tpu.memory_space<vmem>>) target_semaphore(%run_scoped3A : memref<!tpu.dma_semaphore, #tpu.memory_space<semaphore_mem>>)
      %dma_wait3A = arith.constant 0 : i32
      %dma_wait3A_31 = tpu.memref_slice %arg2[%add3A_22, %dma_wait3A] : memref<65536x112xf32, #tpu.memory_space<hbm>> -> memref<256x112xf32, #tpu.memory_space<hbm>>
      %dma_wait3A_32 = arith.constant 0 : i32
      %dma_wait3A_33 = tpu.memref_slice %arg2[%add3A_22, %dma_wait3A_32] : memref<65536x112xf32, #tpu.memory_space<hbm>> -> memref<256x112xf32, #tpu.memory_space<hbm>>
      tpu.wait_dma2 semaphore(%run_scoped3A : memref<!tpu.dma_semaphore, #tpu.memory_space<semaphore_mem>>) src(%dma_wait3A_33 : memref<256x112xf32, #tpu.memory_space<hbm>>) dst(%arg7 : memref<256x112xf32, #tpu.memory_space<vmem>>)
      tpu.yield
    }) : () -> ()
    "tpu.region"() ({
      %run_scoped3A = tpu.sem_alloc : memref<!tpu.dma_semaphore, #tpu.memory_space<semaphore_mem>>
      %dma_start3A = arith.constant 0 : i32
      %dma_start3A_28 = arith.constant 0 : i32
      %dma_start3A_29 = tpu.memref_slice %arg8[%dma_start3A, %dma_start3A_28] : memref<2048x112xf32, #tpu.memory_space<vmem_shared>> -> memref<2048x112xf32, #tpu.memory_space<vmem_shared>>
      tpu.enqueue_indirect_dma source(%arg7 : memref<256x112xf32, #tpu.memory_space<vmem>>) target(%dma_start3A_29 : memref<2048x112xf32, #tpu.memory_space<vmem_shared>>) offsets(%arg6 : memref<256xi32, #tpu.memory_space<vmem>>) semaphore(%run_scoped3A : memref<!tpu.dma_semaphore, #tpu.memory_space<semaphore_mem>>) {add = true}
      %dma_wait3A = arith.constant 0 : i32
      %dma_wait3A_30 = arith.constant 0 : i32
      %dma_wait3A_31 = tpu.memref_slice %arg8[%dma_wait3A, %dma_wait3A_30] : memref<2048x112xf32, #tpu.memory_space<vmem_shared>> -> memref<2048x112xf32, #tpu.memory_space<vmem_shared>>
      tpu.wait_indirect_dma semaphore(%run_scoped3A : memref<!tpu.dma_semaphore, #tpu.memory_space<semaphore_mem>>) src(%arg7 : memref<256x112xf32, #tpu.memory_space<vmem>>) dst(%dma_wait3A_31 : memref<2048x112xf32, #tpu.memory_space<vmem_shared>>)
      tpu.yield
    }) : () -> ()
    %barrier3A_23 = arith.constant 0 : index
    tpu.barrier barrier_id(%barrier3A_23)
    %mul3A_24 = arith.constant 128 : i32
    %mul3A_25 = arith.muli %arg1, %mul3A_24 : i32
    %mul3A_26 = arith.constant 128 : i32
    %mul3A_27 = arith.muli %arg1, %mul3A_26 : i32
    "tpu.region"() ({
      %run_scoped3A = tpu.sem_alloc : memref<!tpu.dma_semaphore, #tpu.memory_space<semaphore_mem>>
      %dma_start3A = arith.constant 0 : i32
      %dma_start3A_28 = arith.constant 0 : i32
      %dma_start3A_29 = tpu.memref_slice %arg5[%arg0, %dma_start3A, %dma_start3A_28] : memref<2x2048x112xf32, #tpu.memory_space<hbm>> -> memref<1x2048x112xf32, #tpu.memory_space<hbm>>
      %dma_start3A_30 = tpu.memref_squeeze %dma_start3A_29 : memref<1x2048x112xf32, #tpu.memory_space<hbm>> -> memref<2048x112xf32, #tpu.memory_space<hbm>>
      %dma_start3A_31 = arith.constant 0 : i32
      %dma_start3A_32 = tpu.memref_slice %dma_start3A_30[%mul3A_27, %dma_start3A_31] : memref<2048x112xf32, #tpu.memory_space<hbm>> -> memref<128x112xf32, #tpu.memory_space<hbm>>
      %dma_start3A_33 = arith.constant 0 : i32
      %dma_start3A_34 = tpu.memref_slice %arg8[%mul3A_25, %dma_start3A_33] : memref<2048x112xf32, #tpu.memory_space<vmem_shared>> -> memref<128x112xf32, #tpu.memory_space<vmem_shared>>
      tpu.enqueue_dma source(%dma_start3A_34 : memref<128x112xf32, #tpu.memory_space<vmem_shared>>) target(%dma_start3A_32 : memref<128x112xf32, #tpu.memory_space<hbm>>) target_semaphore(%run_scoped3A : memref<!tpu.dma_semaphore, #tpu.memory_space<semaphore_mem>>)
      %dma_wait3A = arith.constant 0 : i32
      %dma_wait3A_35 = arith.constant 0 : i32
      %dma_wait3A_36 = tpu.memref_slice %arg5[%arg0, %dma_wait3A, %dma_wait3A_35] : memref<2x2048x112xf32, #tpu.memory_space<hbm>> -> memref<1x2048x112xf32, #tpu.memory_space<hbm>>
      %dma_wait3A_37 = tpu.memref_squeeze %dma_wait3A_36 : memref<1x2048x112xf32, #tpu.memory_space<hbm>> -> memref<2048x112xf32, #tpu.memory_space<hbm>>
      %dma_wait3A_38 = arith.constant 0 : i32
      %dma_wait3A_39 = tpu.memref_slice %dma_wait3A_37[%mul3A_27, %dma_wait3A_38] : memref<2048x112xf32, #tpu.memory_space<hbm>> -> memref<128x112xf32, #tpu.memory_space<hbm>>
      %dma_wait3A_40 = arith.constant 0 : i32
      %dma_wait3A_41 = tpu.memref_slice %arg8[%mul3A_25, %dma_wait3A_40] : memref<2048x112xf32, #tpu.memory_space<vmem_shared>> -> memref<128x112xf32, #tpu.memory_space<vmem_shared>>
      tpu.wait_dma2 semaphore(%run_scoped3A : memref<!tpu.dma_semaphore, #tpu.memory_space<semaphore_mem>>) src(%dma_wait3A_41 : memref<128x112xf32, #tpu.memory_space<vmem_shared>>) dst(%dma_wait3A_39 : memref<128x112xf32, #tpu.memory_space<hbm>>)
      tpu.yield
    }) : () -> ()
    return
  }
}

#map = affine_map<(d0, d1) -> (0, 0)>
#map1 = affine_map<(d0, d1) -> (0)>
module attributes {stable_mosaic.version = 14 : i64} {
  func.func @k(%arg0: i32, %arg1: i32, %arg2: memref<2048x80xf32, #tpu.memory_space<hbm>>, %arg3: memref<131072xi32, #tpu.memory_space<hbm>>, %arg4: memref<131072x80xf32, #tpu.memory_space<hbm>>, %arg5: memref<512xi32, #tpu.memory_space<vmem>>, %arg6: memref<512x80xf32, #tpu.memory_space<vmem>>, %arg7: memref<!tpu.dma_semaphore, #tpu.memory_space<semaphore_mem>>) attributes {dimension_semantics = [#tpu.dimension_semantics<core_parallel>, #tpu.dimension_semantics<subcore_parallel>], iteration_bounds = array<i64: 2, 16>, scalar_prefetch = 0 : i64, scratch_operands = 3 : i64, tpu.core_type = #tpu.core_type<sc_vector_subcore>, window_params = [{transform_indices = #map}, {transform_indices = #map1}, {transform_indices = #map}]} {
    %mul3A = arith.constant 2 : i32
    %mul3A_0 = arith.muli %arg1, %mul3A : i32
    %add3A = arith.addi %mul3A_0, %arg0 : i32
    %mul3A_1 = arith.constant 4096 : i32
    %mul3A_2 = arith.muli %add3A, %mul3A_1 : i32
    %add3A_3 = arith.constant 0 : i32
    %add3A_4 = arith.addi %mul3A_2, %add3A_3 : i32
    "tpu.region"() ({
      %run_scoped3A = tpu.sem_alloc : memref<!tpu.dma_semaphore, #tpu.memory_space<semaphore_mem>>
      %dma_start3A_65 = tpu.memref_slice %arg3[%add3A_4] : memref<131072xi32, #tpu.memory_space<hbm>> -> memref<512xi32, #tpu.memory_space<hbm>>
      %dma_start3A_66 = tpu.memref_slice %arg3[%add3A_4] : memref<131072xi32, #tpu.memory_space<hbm>> -> memref<512xi32, #tpu.memory_space<hbm>>
      tpu.enqueue_dma source(%dma_start3A_66 : memref<512xi32, #tpu.memory_space<hbm>>) target(%arg5 : memref<512xi32, #tpu.memory_space<vmem>>) target_semaphore(%run_scoped3A : memref<!tpu.dma_semaphore, #tpu.memory_space<semaphore_mem>>)
      %dma_wait3A_67 = tpu.memref_slice %arg3[%add3A_4] : memref<131072xi32, #tpu.memory_space<hbm>> -> memref<512xi32, #tpu.memory_space<hbm>>
      %dma_wait3A_68 = tpu.memref_slice %arg3[%add3A_4] : memref<131072xi32, #tpu.memory_space<hbm>> -> memref<512xi32, #tpu.memory_space<hbm>>
      tpu.wait_dma2 semaphore(%run_scoped3A : memref<!tpu.dma_semaphore, #tpu.memory_space<semaphore_mem>>) src(%dma_wait3A_68 : memref<512xi32, #tpu.memory_space<hbm>>) dst(%arg5 : memref<512xi32, #tpu.memory_space<vmem>>)
      tpu.yield
    }) : () -> ()
    %dma_start3A = arith.constant 0 : i32
    %dma_start3A_5 = arith.constant 0 : i32
    %dma_start3A_6 = tpu.memref_slice %arg2[%dma_start3A, %dma_start3A_5] : memref<2048x80xf32, #tpu.memory_space<hbm>> -> memref<2048x80xf32, #tpu.memory_space<hbm>>
    tpu.enqueue_indirect_dma source(%dma_start3A_6 : memref<2048x80xf32, #tpu.memory_space<hbm>>) target(%arg6 : memref<512x80xf32, #tpu.memory_space<vmem>>) offsets(%arg5 : memref<512xi32, #tpu.memory_space<vmem>>) semaphore(%arg7 : memref<!tpu.dma_semaphore, #tpu.memory_space<semaphore_mem>>)
    %dma_wait3A = arith.constant 0 : i32
    %dma_wait3A_7 = arith.constant 0 : i32
    %dma_wait3A_8 = tpu.memref_slice %arg2[%dma_wait3A, %dma_wait3A_7] : memref<2048x80xf32, #tpu.memory_space<hbm>> -> memref<2048x80xf32, #tpu.memory_space<hbm>>
    tpu.wait_indirect_dma semaphore(%arg7 : memref<!tpu.dma_semaphore, #tpu.memory_space<semaphore_mem>>) src(%dma_wait3A_8 : memref<2048x80xf32, #tpu.memory_space<hbm>>) dst(%arg6 : memref<512x80xf32, #tpu.memory_space<vmem>>)
    "tpu.region"() ({
      %run_scoped3A = tpu.sem_alloc : memref<!tpu.dma_semaphore, #tpu.memory_space<semaphore_mem>>
      %dma_start3A_65 = arith.constant 0 : i32
      %dma_start3A_66 = tpu.memref_slice %arg4[%add3A_4, %dma_start3A_65] : memref<131072x80xf32, #tpu.memory_space<hbm>> -> memref<512x80xf32, #tpu.memory_space<hbm>>
      %dma_start3A_67 = arith.constant 0 : i32
      %dma_start3A_68 = tpu.memref_slice %arg4[%add3A_4, %dma_start3A_67] : memref<131072x80xf32, #tpu.memory_space<hbm>> -> memref<512x80xf32, #tpu.memory_space<hbm>>
      tpu.enqueue_dma source(%arg6 : memref<512x80xf32, #tpu.memory_space<vmem>>) target(%dma_start3A_68 : memref<512x80xf32, #tpu.memory_space<hbm>>) target_semaphore(%run_scoped3A : memref<!tpu.dma_semaphore, #tpu.memory_space<semaphore_mem>>)
      %dma_wait3A_69 = arith.constant 0 : i32
      %dma_wait3A_70 = tpu.memref_slice %arg4[%add3A_4, %dma_wait3A_69] : memref<131072x80xf32, #tpu.memory_space<hbm>> -> memref<512x80xf32, #tpu.memory_space<hbm>>
      %dma_wait3A_71 = arith.constant 0 : i32
      %dma_wait3A_72 = tpu.memref_slice %arg4[%add3A_4, %dma_wait3A_71] : memref<131072x80xf32, #tpu.memory_space<hbm>> -> memref<512x80xf32, #tpu.memory_space<hbm>>
      tpu.wait_dma2 semaphore(%run_scoped3A : memref<!tpu.dma_semaphore, #tpu.memory_space<semaphore_mem>>) src(%arg6 : memref<512x80xf32, #tpu.memory_space<vmem>>) dst(%dma_wait3A_72 : memref<512x80xf32, #tpu.memory_space<hbm>>)
      tpu.yield
    }) : () -> ()
    %add3A_9 = arith.constant 512 : i32
    %add3A_10 = arith.addi %mul3A_2, %add3A_9 : i32
    "tpu.region"() ({
      %run_scoped3A = tpu.sem_alloc : memref<!tpu.dma_semaphore, #tpu.memory_space<semaphore_mem>>
      %dma_start3A_65 = tpu.memref_slice %arg3[%add3A_10] : memref<131072xi32, #tpu.memory_space<hbm>> -> memref<512xi32, #tpu.memory_space<hbm>>
      %dma_start3A_66 = tpu.memref_slice %arg3[%add3A_10] : memref<131072xi32, #tpu.memory_space<hbm>> -> memref<512xi32, #tpu.memory_space<hbm>>
      tpu.enqueue_dma source(%dma_start3A_66 : memref<512xi32, #tpu.memory_space<hbm>>) target(%arg5 : memref<512xi32, #tpu.memory_space<vmem>>) target_semaphore(%run_scoped3A : memref<!tpu.dma_semaphore, #tpu.memory_space<semaphore_mem>>)
      %dma_wait3A_67 = tpu.memref_slice %arg3[%add3A_10] : memref<131072xi32, #tpu.memory_space<hbm>> -> memref<512xi32, #tpu.memory_space<hbm>>
      %dma_wait3A_68 = tpu.memref_slice %arg3[%add3A_10] : memref<131072xi32, #tpu.memory_space<hbm>> -> memref<512xi32, #tpu.memory_space<hbm>>
      tpu.wait_dma2 semaphore(%run_scoped3A : memref<!tpu.dma_semaphore, #tpu.memory_space<semaphore_mem>>) src(%dma_wait3A_68 : memref<512xi32, #tpu.memory_space<hbm>>) dst(%arg5 : memref<512xi32, #tpu.memory_space<vmem>>)
      tpu.yield
    }) : () -> ()
    %dma_start3A_11 = arith.constant 0 : i32
    %dma_start3A_12 = arith.constant 0 : i32
    %dma_start3A_13 = tpu.memref_slice %arg2[%dma_start3A_11, %dma_start3A_12] : memref<2048x80xf32, #tpu.memory_space<hbm>> -> memref<2048x80xf32, #tpu.memory_space<hbm>>
    tpu.enqueue_indirect_dma source(%dma_start3A_13 : memref<2048x80xf32, #tpu.memory_space<hbm>>) target(%arg6 : memref<512x80xf32, #tpu.memory_space<vmem>>) offsets(%arg5 : memref<512xi32, #tpu.memory_space<vmem>>) semaphore(%arg7 : memref<!tpu.dma_semaphore, #tpu.memory_space<semaphore_mem>>)
    %dma_wait3A_14 = arith.constant 0 : i32
    %dma_wait3A_15 = arith.constant 0 : i32
    %dma_wait3A_16 = tpu.memref_slice %arg2[%dma_wait3A_14, %dma_wait3A_15] : memref<2048x80xf32, #tpu.memory_space<hbm>> -> memref<2048x80xf32, #tpu.memory_space<hbm>>
    tpu.wait_indirect_dma semaphore(%arg7 : memref<!tpu.dma_semaphore, #tpu.memory_space<semaphore_mem>>) src(%dma_wait3A_16 : memref<2048x80xf32, #tpu.memory_space<hbm>>) dst(%arg6 : memref<512x80xf32, #tpu.memory_space<vmem>>)
    "tpu.region"() ({
      %run_scoped3A = tpu.sem_alloc : memref<!tpu.dma_semaphore, #tpu.memory_space<semaphore_mem>>
      %dma_start3A_65 = arith.constant 0 : i32
      %dma_start3A_66 = tpu.memref_slice %arg4[%add3A_10, %dma_start3A_65] : memref<131072x80xf32, #tpu.memory_space<hbm>> -> memref<512x80xf32, #tpu.memory_space<hbm>>
      %dma_start3A_67 = arith.constant 0 : i32
      %dma_start3A_68 = tpu.memref_slice %arg4[%add3A_10, %dma_start3A_67] : memref<131072x80xf32, #tpu.memory_space<hbm>> -> memref<512x80xf32, #tpu.memory_space<hbm>>
      tpu.enqueue_dma source(%arg6 : memref<512x80xf32, #tpu.memory_space<vmem>>) target(%dma_start3A_68 : memref<512x80xf32, #tpu.memory_space<hbm>>) target_semaphore(%run_scoped3A : memref<!tpu.dma_semaphore, #tpu.memory_space<semaphore_mem>>)
      %dma_wait3A_69 = arith.constant 0 : i32
      %dma_wait3A_70 = tpu.memref_slice %arg4[%add3A_10, %dma_wait3A_69] : memref<131072x80xf32, #tpu.memory_space<hbm>> -> memref<512x80xf32, #tpu.memory_space<hbm>>
      %dma_wait3A_71 = arith.constant 0 : i32
      %dma_wait3A_72 = tpu.memref_slice %arg4[%add3A_10, %dma_wait3A_71] : memref<131072x80xf32, #tpu.memory_space<hbm>> -> memref<512x80xf32, #tpu.memory_space<hbm>>
      tpu.wait_dma2 semaphore(%run_scoped3A : memref<!tpu.dma_semaphore, #tpu.memory_space<semaphore_mem>>) src(%arg6 : memref<512x80xf32, #tpu.memory_space<vmem>>) dst(%dma_wait3A_72 : memref<512x80xf32, #tpu.memory_space<hbm>>)
      tpu.yield
    }) : () -> ()
    %add3A_17 = arith.constant 1024 : i32
    %add3A_18 = arith.addi %mul3A_2, %add3A_17 : i32
    "tpu.region"() ({
      %run_scoped3A = tpu.sem_alloc : memref<!tpu.dma_semaphore, #tpu.memory_space<semaphore_mem>>
      %dma_start3A_65 = tpu.memref_slice %arg3[%add3A_18] : memref<131072xi32, #tpu.memory_space<hbm>> -> memref<512xi32, #tpu.memory_space<hbm>>
      %dma_start3A_66 = tpu.memref_slice %arg3[%add3A_18] : memref<131072xi32, #tpu.memory_space<hbm>> -> memref<512xi32, #tpu.memory_space<hbm>>
      tpu.enqueue_dma source(%dma_start3A_66 : memref<512xi32, #tpu.memory_space<hbm>>) target(%arg5 : memref<512xi32, #tpu.memory_space<vmem>>) target_semaphore(%run_scoped3A : memref<!tpu.dma_semaphore, #tpu.memory_space<semaphore_mem>>)
      %dma_wait3A_67 = tpu.memref_slice %arg3[%add3A_18] : memref<131072xi32, #tpu.memory_space<hbm>> -> memref<512xi32, #tpu.memory_space<hbm>>
      %dma_wait3A_68 = tpu.memref_slice %arg3[%add3A_18] : memref<131072xi32, #tpu.memory_space<hbm>> -> memref<512xi32, #tpu.memory_space<hbm>>
      tpu.wait_dma2 semaphore(%run_scoped3A : memref<!tpu.dma_semaphore, #tpu.memory_space<semaphore_mem>>) src(%dma_wait3A_68 : memref<512xi32, #tpu.memory_space<hbm>>) dst(%arg5 : memref<512xi32, #tpu.memory_space<vmem>>)
      tpu.yield
    }) : () -> ()
    %dma_start3A_19 = arith.constant 0 : i32
    %dma_start3A_20 = arith.constant 0 : i32
    %dma_start3A_21 = tpu.memref_slice %arg2[%dma_start3A_19, %dma_start3A_20] : memref<2048x80xf32, #tpu.memory_space<hbm>> -> memref<2048x80xf32, #tpu.memory_space<hbm>>
    tpu.enqueue_indirect_dma source(%dma_start3A_21 : memref<2048x80xf32, #tpu.memory_space<hbm>>) target(%arg6 : memref<512x80xf32, #tpu.memory_space<vmem>>) offsets(%arg5 : memref<512xi32, #tpu.memory_space<vmem>>) semaphore(%arg7 : memref<!tpu.dma_semaphore, #tpu.memory_space<semaphore_mem>>)
    %dma_wait3A_22 = arith.constant 0 : i32
    %dma_wait3A_23 = arith.constant 0 : i32
    %dma_wait3A_24 = tpu.memref_slice %arg2[%dma_wait3A_22, %dma_wait3A_23] : memref<2048x80xf32, #tpu.memory_space<hbm>> -> memref<2048x80xf32, #tpu.memory_space<hbm>>
    tpu.wait_indirect_dma semaphore(%arg7 : memref<!tpu.dma_semaphore, #tpu.memory_space<semaphore_mem>>) src(%dma_wait3A_24 : memref<2048x80xf32, #tpu.memory_space<hbm>>) dst(%arg6 : memref<512x80xf32, #tpu.memory_space<vmem>>)
    "tpu.region"() ({
      %run_scoped3A = tpu.sem_alloc : memref<!tpu.dma_semaphore, #tpu.memory_space<semaphore_mem>>
      %dma_start3A_65 = arith.constant 0 : i32
      %dma_start3A_66 = tpu.memref_slice %arg4[%add3A_18, %dma_start3A_65] : memref<131072x80xf32, #tpu.memory_space<hbm>> -> memref<512x80xf32, #tpu.memory_space<hbm>>
      %dma_start3A_67 = arith.constant 0 : i32
      %dma_start3A_68 = tpu.memref_slice %arg4[%add3A_18, %dma_start3A_67] : memref<131072x80xf32, #tpu.memory_space<hbm>> -> memref<512x80xf32, #tpu.memory_space<hbm>>
      tpu.enqueue_dma source(%arg6 : memref<512x80xf32, #tpu.memory_space<vmem>>) target(%dma_start3A_68 : memref<512x80xf32, #tpu.memory_space<hbm>>) target_semaphore(%run_scoped3A : memref<!tpu.dma_semaphore, #tpu.memory_space<semaphore_mem>>)
      %dma_wait3A_69 = arith.constant 0 : i32
      %dma_wait3A_70 = tpu.memref_slice %arg4[%add3A_18, %dma_wait3A_69] : memref<131072x80xf32, #tpu.memory_space<hbm>> -> memref<512x80xf32, #tpu.memory_space<hbm>>
      %dma_wait3A_71 = arith.constant 0 : i32
      %dma_wait3A_72 = tpu.memref_slice %arg4[%add3A_18, %dma_wait3A_71] : memref<131072x80xf32, #tpu.memory_space<hbm>> -> memref<512x80xf32, #tpu.memory_space<hbm>>
      tpu.wait_dma2 semaphore(%run_scoped3A : memref<!tpu.dma_semaphore, #tpu.memory_space<semaphore_mem>>) src(%arg6 : memref<512x80xf32, #tpu.memory_space<vmem>>) dst(%dma_wait3A_72 : memref<512x80xf32, #tpu.memory_space<hbm>>)
      tpu.yield
    }) : () -> ()
    %add3A_25 = arith.constant 1536 : i32
    %add3A_26 = arith.addi %mul3A_2, %add3A_25 : i32
    "tpu.region"() ({
      %run_scoped3A = tpu.sem_alloc : memref<!tpu.dma_semaphore, #tpu.memory_space<semaphore_mem>>
      %dma_start3A_65 = tpu.memref_slice %arg3[%add3A_26] : memref<131072xi32, #tpu.memory_space<hbm>> -> memref<512xi32, #tpu.memory_space<hbm>>
      %dma_start3A_66 = tpu.memref_slice %arg3[%add3A_26] : memref<131072xi32, #tpu.memory_space<hbm>> -> memref<512xi32, #tpu.memory_space<hbm>>
      tpu.enqueue_dma source(%dma_start3A_66 : memref<512xi32, #tpu.memory_space<hbm>>) target(%arg5 : memref<512xi32, #tpu.memory_space<vmem>>) target_semaphore(%run_scoped3A : memref<!tpu.dma_semaphore, #tpu.memory_space<semaphore_mem>>)
      %dma_wait3A_67 = tpu.memref_slice %arg3[%add3A_26] : memref<131072xi32, #tpu.memory_space<hbm>> -> memref<512xi32, #tpu.memory_space<hbm>>
      %dma_wait3A_68 = tpu.memref_slice %arg3[%add3A_26] : memref<131072xi32, #tpu.memory_space<hbm>> -> memref<512xi32, #tpu.memory_space<hbm>>
      tpu.wait_dma2 semaphore(%run_scoped3A : memref<!tpu.dma_semaphore, #tpu.memory_space<semaphore_mem>>) src(%dma_wait3A_68 : memref<512xi32, #tpu.memory_space<hbm>>) dst(%arg5 : memref<512xi32, #tpu.memory_space<vmem>>)
      tpu.yield
    }) : () -> ()
    %dma_start3A_27 = arith.constant 0 : i32
    %dma_start3A_28 = arith.constant 0 : i32
    %dma_start3A_29 = tpu.memref_slice %arg2[%dma_start3A_27, %dma_start3A_28] : memref<2048x80xf32, #tpu.memory_space<hbm>> -> memref<2048x80xf32, #tpu.memory_space<hbm>>
    tpu.enqueue_indirect_dma source(%dma_start3A_29 : memref<2048x80xf32, #tpu.memory_space<hbm>>) target(%arg6 : memref<512x80xf32, #tpu.memory_space<vmem>>) offsets(%arg5 : memref<512xi32, #tpu.memory_space<vmem>>) semaphore(%arg7 : memref<!tpu.dma_semaphore, #tpu.memory_space<semaphore_mem>>)
    %dma_wait3A_30 = arith.constant 0 : i32
    %dma_wait3A_31 = arith.constant 0 : i32
    %dma_wait3A_32 = tpu.memref_slice %arg2[%dma_wait3A_30, %dma_wait3A_31] : memref<2048x80xf32, #tpu.memory_space<hbm>> -> memref<2048x80xf32, #tpu.memory_space<hbm>>
    tpu.wait_indirect_dma semaphore(%arg7 : memref<!tpu.dma_semaphore, #tpu.memory_space<semaphore_mem>>) src(%dma_wait3A_32 : memref<2048x80xf32, #tpu.memory_space<hbm>>) dst(%arg6 : memref<512x80xf32, #tpu.memory_space<vmem>>)
    "tpu.region"() ({
      %run_scoped3A = tpu.sem_alloc : memref<!tpu.dma_semaphore, #tpu.memory_space<semaphore_mem>>
      %dma_start3A_65 = arith.constant 0 : i32
      %dma_start3A_66 = tpu.memref_slice %arg4[%add3A_26, %dma_start3A_65] : memref<131072x80xf32, #tpu.memory_space<hbm>> -> memref<512x80xf32, #tpu.memory_space<hbm>>
      %dma_start3A_67 = arith.constant 0 : i32
      %dma_start3A_68 = tpu.memref_slice %arg4[%add3A_26, %dma_start3A_67] : memref<131072x80xf32, #tpu.memory_space<hbm>> -> memref<512x80xf32, #tpu.memory_space<hbm>>
      tpu.enqueue_dma source(%arg6 : memref<512x80xf32, #tpu.memory_space<vmem>>) target(%dma_start3A_68 : memref<512x80xf32, #tpu.memory_space<hbm>>) target_semaphore(%run_scoped3A : memref<!tpu.dma_semaphore, #tpu.memory_space<semaphore_mem>>)
      %dma_wait3A_69 = arith.constant 0 : i32
      %dma_wait3A_70 = tpu.memref_slice %arg4[%add3A_26, %dma_wait3A_69] : memref<131072x80xf32, #tpu.memory_space<hbm>> -> memref<512x80xf32, #tpu.memory_space<hbm>>
      %dma_wait3A_71 = arith.constant 0 : i32
      %dma_wait3A_72 = tpu.memref_slice %arg4[%add3A_26, %dma_wait3A_71] : memref<131072x80xf32, #tpu.memory_space<hbm>> -> memref<512x80xf32, #tpu.memory_space<hbm>>
      tpu.wait_dma2 semaphore(%run_scoped3A : memref<!tpu.dma_semaphore, #tpu.memory_space<semaphore_mem>>) src(%arg6 : memref<512x80xf32, #tpu.memory_space<vmem>>) dst(%dma_wait3A_72 : memref<512x80xf32, #tpu.memory_space<hbm>>)
      tpu.yield
    }) : () -> ()
    %add3A_33 = arith.constant 2048 : i32
    %add3A_34 = arith.addi %mul3A_2, %add3A_33 : i32
    "tpu.region"() ({
      %run_scoped3A = tpu.sem_alloc : memref<!tpu.dma_semaphore, #tpu.memory_space<semaphore_mem>>
      %dma_start3A_65 = tpu.memref_slice %arg3[%add3A_34] : memref<131072xi32, #tpu.memory_space<hbm>> -> memref<512xi32, #tpu.memory_space<hbm>>
      %dma_start3A_66 = tpu.memref_slice %arg3[%add3A_34] : memref<131072xi32, #tpu.memory_space<hbm>> -> memref<512xi32, #tpu.memory_space<hbm>>
      tpu.enqueue_dma source(%dma_start3A_66 : memref<512xi32, #tpu.memory_space<hbm>>) target(%arg5 : memref<512xi32, #tpu.memory_space<vmem>>) target_semaphore(%run_scoped3A : memref<!tpu.dma_semaphore, #tpu.memory_space<semaphore_mem>>)
      %dma_wait3A_67 = tpu.memref_slice %arg3[%add3A_34] : memref<131072xi32, #tpu.memory_space<hbm>> -> memref<512xi32, #tpu.memory_space<hbm>>
      %dma_wait3A_68 = tpu.memref_slice %arg3[%add3A_34] : memref<131072xi32, #tpu.memory_space<hbm>> -> memref<512xi32, #tpu.memory_space<hbm>>
      tpu.wait_dma2 semaphore(%run_scoped3A : memref<!tpu.dma_semaphore, #tpu.memory_space<semaphore_mem>>) src(%dma_wait3A_68 : memref<512xi32, #tpu.memory_space<hbm>>) dst(%arg5 : memref<512xi32, #tpu.memory_space<vmem>>)
      tpu.yield
    }) : () -> ()
    %dma_start3A_35 = arith.constant 0 : i32
    %dma_start3A_36 = arith.constant 0 : i32
    %dma_start3A_37 = tpu.memref_slice %arg2[%dma_start3A_35, %dma_start3A_36] : memref<2048x80xf32, #tpu.memory_space<hbm>> -> memref<2048x80xf32, #tpu.memory_space<hbm>>
    tpu.enqueue_indirect_dma source(%dma_start3A_37 : memref<2048x80xf32, #tpu.memory_space<hbm>>) target(%arg6 : memref<512x80xf32, #tpu.memory_space<vmem>>) offsets(%arg5 : memref<512xi32, #tpu.memory_space<vmem>>) semaphore(%arg7 : memref<!tpu.dma_semaphore, #tpu.memory_space<semaphore_mem>>)
    %dma_wait3A_38 = arith.constant 0 : i32
    %dma_wait3A_39 = arith.constant 0 : i32
    %dma_wait3A_40 = tpu.memref_slice %arg2[%dma_wait3A_38, %dma_wait3A_39] : memref<2048x80xf32, #tpu.memory_space<hbm>> -> memref<2048x80xf32, #tpu.memory_space<hbm>>
    tpu.wait_indirect_dma semaphore(%arg7 : memref<!tpu.dma_semaphore, #tpu.memory_space<semaphore_mem>>) src(%dma_wait3A_40 : memref<2048x80xf32, #tpu.memory_space<hbm>>) dst(%arg6 : memref<512x80xf32, #tpu.memory_space<vmem>>)
    "tpu.region"() ({
      %run_scoped3A = tpu.sem_alloc : memref<!tpu.dma_semaphore, #tpu.memory_space<semaphore_mem>>
      %dma_start3A_65 = arith.constant 0 : i32
      %dma_start3A_66 = tpu.memref_slice %arg4[%add3A_34, %dma_start3A_65] : memref<131072x80xf32, #tpu.memory_space<hbm>> -> memref<512x80xf32, #tpu.memory_space<hbm>>
      %dma_start3A_67 = arith.constant 0 : i32
      %dma_start3A_68 = tpu.memref_slice %arg4[%add3A_34, %dma_start3A_67] : memref<131072x80xf32, #tpu.memory_space<hbm>> -> memref<512x80xf32, #tpu.memory_space<hbm>>
      tpu.enqueue_dma source(%arg6 : memref<512x80xf32, #tpu.memory_space<vmem>>) target(%dma_start3A_68 : memref<512x80xf32, #tpu.memory_space<hbm>>) target_semaphore(%run_scoped3A : memref<!tpu.dma_semaphore, #tpu.memory_space<semaphore_mem>>)
      %dma_wait3A_69 = arith.constant 0 : i32
      %dma_wait3A_70 = tpu.memref_slice %arg4[%add3A_34, %dma_wait3A_69] : memref<131072x80xf32, #tpu.memory_space<hbm>> -> memref<512x80xf32, #tpu.memory_space<hbm>>
      %dma_wait3A_71 = arith.constant 0 : i32
      %dma_wait3A_72 = tpu.memref_slice %arg4[%add3A_34, %dma_wait3A_71] : memref<131072x80xf32, #tpu.memory_space<hbm>> -> memref<512x80xf32, #tpu.memory_space<hbm>>
      tpu.wait_dma2 semaphore(%run_scoped3A : memref<!tpu.dma_semaphore, #tpu.memory_space<semaphore_mem>>) src(%arg6 : memref<512x80xf32, #tpu.memory_space<vmem>>) dst(%dma_wait3A_72 : memref<512x80xf32, #tpu.memory_space<hbm>>)
      tpu.yield
    }) : () -> ()
    %add3A_41 = arith.constant 2560 : i32
    %add3A_42 = arith.addi %mul3A_2, %add3A_41 : i32
    "tpu.region"() ({
      %run_scoped3A = tpu.sem_alloc : memref<!tpu.dma_semaphore, #tpu.memory_space<semaphore_mem>>
      %dma_start3A_65 = tpu.memref_slice %arg3[%add3A_42] : memref<131072xi32, #tpu.memory_space<hbm>> -> memref<512xi32, #tpu.memory_space<hbm>>
      %dma_start3A_66 = tpu.memref_slice %arg3[%add3A_42] : memref<131072xi32, #tpu.memory_space<hbm>> -> memref<512xi32, #tpu.memory_space<hbm>>
      tpu.enqueue_dma source(%dma_start3A_66 : memref<512xi32, #tpu.memory_space<hbm>>) target(%arg5 : memref<512xi32, #tpu.memory_space<vmem>>) target_semaphore(%run_scoped3A : memref<!tpu.dma_semaphore, #tpu.memory_space<semaphore_mem>>)
      %dma_wait3A_67 = tpu.memref_slice %arg3[%add3A_42] : memref<131072xi32, #tpu.memory_space<hbm>> -> memref<512xi32, #tpu.memory_space<hbm>>
      %dma_wait3A_68 = tpu.memref_slice %arg3[%add3A_42] : memref<131072xi32, #tpu.memory_space<hbm>> -> memref<512xi32, #tpu.memory_space<hbm>>
      tpu.wait_dma2 semaphore(%run_scoped3A : memref<!tpu.dma_semaphore, #tpu.memory_space<semaphore_mem>>) src(%dma_wait3A_68 : memref<512xi32, #tpu.memory_space<hbm>>) dst(%arg5 : memref<512xi32, #tpu.memory_space<vmem>>)
      tpu.yield
    }) : () -> ()
    %dma_start3A_43 = arith.constant 0 : i32
    %dma_start3A_44 = arith.constant 0 : i32
    %dma_start3A_45 = tpu.memref_slice %arg2[%dma_start3A_43, %dma_start3A_44] : memref<2048x80xf32, #tpu.memory_space<hbm>> -> memref<2048x80xf32, #tpu.memory_space<hbm>>
    tpu.enqueue_indirect_dma source(%dma_start3A_45 : memref<2048x80xf32, #tpu.memory_space<hbm>>) target(%arg6 : memref<512x80xf32, #tpu.memory_space<vmem>>) offsets(%arg5 : memref<512xi32, #tpu.memory_space<vmem>>) semaphore(%arg7 : memref<!tpu.dma_semaphore, #tpu.memory_space<semaphore_mem>>)
    %dma_wait3A_46 = arith.constant 0 : i32
    %dma_wait3A_47 = arith.constant 0 : i32
    %dma_wait3A_48 = tpu.memref_slice %arg2[%dma_wait3A_46, %dma_wait3A_47] : memref<2048x80xf32, #tpu.memory_space<hbm>> -> memref<2048x80xf32, #tpu.memory_space<hbm>>
    tpu.wait_indirect_dma semaphore(%arg7 : memref<!tpu.dma_semaphore, #tpu.memory_space<semaphore_mem>>) src(%dma_wait3A_48 : memref<2048x80xf32, #tpu.memory_space<hbm>>) dst(%arg6 : memref<512x80xf32, #tpu.memory_space<vmem>>)
    "tpu.region"() ({
      %run_scoped3A = tpu.sem_alloc : memref<!tpu.dma_semaphore, #tpu.memory_space<semaphore_mem>>
      %dma_start3A_65 = arith.constant 0 : i32
      %dma_start3A_66 = tpu.memref_slice %arg4[%add3A_42, %dma_start3A_65] : memref<131072x80xf32, #tpu.memory_space<hbm>> -> memref<512x80xf32, #tpu.memory_space<hbm>>
      %dma_start3A_67 = arith.constant 0 : i32
      %dma_start3A_68 = tpu.memref_slice %arg4[%add3A_42, %dma_start3A_67] : memref<131072x80xf32, #tpu.memory_space<hbm>> -> memref<512x80xf32, #tpu.memory_space<hbm>>
      tpu.enqueue_dma source(%arg6 : memref<512x80xf32, #tpu.memory_space<vmem>>) target(%dma_start3A_68 : memref<512x80xf32, #tpu.memory_space<hbm>>) target_semaphore(%run_scoped3A : memref<!tpu.dma_semaphore, #tpu.memory_space<semaphore_mem>>)
      %dma_wait3A_69 = arith.constant 0 : i32
      %dma_wait3A_70 = tpu.memref_slice %arg4[%add3A_42, %dma_wait3A_69] : memref<131072x80xf32, #tpu.memory_space<hbm>> -> memref<512x80xf32, #tpu.memory_space<hbm>>
      %dma_wait3A_71 = arith.constant 0 : i32
      %dma_wait3A_72 = tpu.memref_slice %arg4[%add3A_42, %dma_wait3A_71] : memref<131072x80xf32, #tpu.memory_space<hbm>> -> memref<512x80xf32, #tpu.memory_space<hbm>>
      tpu.wait_dma2 semaphore(%run_scoped3A : memref<!tpu.dma_semaphore, #tpu.memory_space<semaphore_mem>>) src(%arg6 : memref<512x80xf32, #tpu.memory_space<vmem>>) dst(%dma_wait3A_72 : memref<512x80xf32, #tpu.memory_space<hbm>>)
      tpu.yield
    }) : () -> ()
    %add3A_49 = arith.constant 3072 : i32
    %add3A_50 = arith.addi %mul3A_2, %add3A_49 : i32
    "tpu.region"() ({
      %run_scoped3A = tpu.sem_alloc : memref<!tpu.dma_semaphore, #tpu.memory_space<semaphore_mem>>
      %dma_start3A_65 = tpu.memref_slice %arg3[%add3A_50] : memref<131072xi32, #tpu.memory_space<hbm>> -> memref<512xi32, #tpu.memory_space<hbm>>
      %dma_start3A_66 = tpu.memref_slice %arg3[%add3A_50] : memref<131072xi32, #tpu.memory_space<hbm>> -> memref<512xi32, #tpu.memory_space<hbm>>
      tpu.enqueue_dma source(%dma_start3A_66 : memref<512xi32, #tpu.memory_space<hbm>>) target(%arg5 : memref<512xi32, #tpu.memory_space<vmem>>) target_semaphore(%run_scoped3A : memref<!tpu.dma_semaphore, #tpu.memory_space<semaphore_mem>>)
      %dma_wait3A_67 = tpu.memref_slice %arg3[%add3A_50] : memref<131072xi32, #tpu.memory_space<hbm>> -> memref<512xi32, #tpu.memory_space<hbm>>
      %dma_wait3A_68 = tpu.memref_slice %arg3[%add3A_50] : memref<131072xi32, #tpu.memory_space<hbm>> -> memref<512xi32, #tpu.memory_space<hbm>>
      tpu.wait_dma2 semaphore(%run_scoped3A : memref<!tpu.dma_semaphore, #tpu.memory_space<semaphore_mem>>) src(%dma_wait3A_68 : memref<512xi32, #tpu.memory_space<hbm>>) dst(%arg5 : memref<512xi32, #tpu.memory_space<vmem>>)
      tpu.yield
    }) : () -> ()
    %dma_start3A_51 = arith.constant 0 : i32
    %dma_start3A_52 = arith.constant 0 : i32
    %dma_start3A_53 = tpu.memref_slice %arg2[%dma_start3A_51, %dma_start3A_52] : memref<2048x80xf32, #tpu.memory_space<hbm>> -> memref<2048x80xf32, #tpu.memory_space<hbm>>
    tpu.enqueue_indirect_dma source(%dma_start3A_53 : memref<2048x80xf32, #tpu.memory_space<hbm>>) target(%arg6 : memref<512x80xf32, #tpu.memory_space<vmem>>) offsets(%arg5 : memref<512xi32, #tpu.memory_space<vmem>>) semaphore(%arg7 : memref<!tpu.dma_semaphore, #tpu.memory_space<semaphore_mem>>)
    %dma_wait3A_54 = arith.constant 0 : i32
    %dma_wait3A_55 = arith.constant 0 : i32
    %dma_wait3A_56 = tpu.memref_slice %arg2[%dma_wait3A_54, %dma_wait3A_55] : memref<2048x80xf32, #tpu.memory_space<hbm>> -> memref<2048x80xf32, #tpu.memory_space<hbm>>
    tpu.wait_indirect_dma semaphore(%arg7 : memref<!tpu.dma_semaphore, #tpu.memory_space<semaphore_mem>>) src(%dma_wait3A_56 : memref<2048x80xf32, #tpu.memory_space<hbm>>) dst(%arg6 : memref<512x80xf32, #tpu.memory_space<vmem>>)
    "tpu.region"() ({
      %run_scoped3A = tpu.sem_alloc : memref<!tpu.dma_semaphore, #tpu.memory_space<semaphore_mem>>
      %dma_start3A_65 = arith.constant 0 : i32
      %dma_start3A_66 = tpu.memref_slice %arg4[%add3A_50, %dma_start3A_65] : memref<131072x80xf32, #tpu.memory_space<hbm>> -> memref<512x80xf32, #tpu.memory_space<hbm>>
      %dma_start3A_67 = arith.constant 0 : i32
      %dma_start3A_68 = tpu.memref_slice %arg4[%add3A_50, %dma_start3A_67] : memref<131072x80xf32, #tpu.memory_space<hbm>> -> memref<512x80xf32, #tpu.memory_space<hbm>>
      tpu.enqueue_dma source(%arg6 : memref<512x80xf32, #tpu.memory_space<vmem>>) target(%dma_start3A_68 : memref<512x80xf32, #tpu.memory_space<hbm>>) target_semaphore(%run_scoped3A : memref<!tpu.dma_semaphore, #tpu.memory_space<semaphore_mem>>)
      %dma_wait3A_69 = arith.constant 0 : i32
      %dma_wait3A_70 = tpu.memref_slice %arg4[%add3A_50, %dma_wait3A_69] : memref<131072x80xf32, #tpu.memory_space<hbm>> -> memref<512x80xf32, #tpu.memory_space<hbm>>
      %dma_wait3A_71 = arith.constant 0 : i32
      %dma_wait3A_72 = tpu.memref_slice %arg4[%add3A_50, %dma_wait3A_71] : memref<131072x80xf32, #tpu.memory_space<hbm>> -> memref<512x80xf32, #tpu.memory_space<hbm>>
      tpu.wait_dma2 semaphore(%run_scoped3A : memref<!tpu.dma_semaphore, #tpu.memory_space<semaphore_mem>>) src(%arg6 : memref<512x80xf32, #tpu.memory_space<vmem>>) dst(%dma_wait3A_72 : memref<512x80xf32, #tpu.memory_space<hbm>>)
      tpu.yield
    }) : () -> ()
    %add3A_57 = arith.constant 3584 : i32
    %add3A_58 = arith.addi %mul3A_2, %add3A_57 : i32
    "tpu.region"() ({
      %run_scoped3A = tpu.sem_alloc : memref<!tpu.dma_semaphore, #tpu.memory_space<semaphore_mem>>
      %dma_start3A_65 = tpu.memref_slice %arg3[%add3A_58] : memref<131072xi32, #tpu.memory_space<hbm>> -> memref<512xi32, #tpu.memory_space<hbm>>
      %dma_start3A_66 = tpu.memref_slice %arg3[%add3A_58] : memref<131072xi32, #tpu.memory_space<hbm>> -> memref<512xi32, #tpu.memory_space<hbm>>
      tpu.enqueue_dma source(%dma_start3A_66 : memref<512xi32, #tpu.memory_space<hbm>>) target(%arg5 : memref<512xi32, #tpu.memory_space<vmem>>) target_semaphore(%run_scoped3A : memref<!tpu.dma_semaphore, #tpu.memory_space<semaphore_mem>>)
      %dma_wait3A_67 = tpu.memref_slice %arg3[%add3A_58] : memref<131072xi32, #tpu.memory_space<hbm>> -> memref<512xi32, #tpu.memory_space<hbm>>
      %dma_wait3A_68 = tpu.memref_slice %arg3[%add3A_58] : memref<131072xi32, #tpu.memory_space<hbm>> -> memref<512xi32, #tpu.memory_space<hbm>>
      tpu.wait_dma2 semaphore(%run_scoped3A : memref<!tpu.dma_semaphore, #tpu.memory_space<semaphore_mem>>) src(%dma_wait3A_68 : memref<512xi32, #tpu.memory_space<hbm>>) dst(%arg5 : memref<512xi32, #tpu.memory_space<vmem>>)
      tpu.yield
    }) : () -> ()
    %dma_start3A_59 = arith.constant 0 : i32
    %dma_start3A_60 = arith.constant 0 : i32
    %dma_start3A_61 = tpu.memref_slice %arg2[%dma_start3A_59, %dma_start3A_60] : memref<2048x80xf32, #tpu.memory_space<hbm>> -> memref<2048x80xf32, #tpu.memory_space<hbm>>
    tpu.enqueue_indirect_dma source(%dma_start3A_61 : memref<2048x80xf32, #tpu.memory_space<hbm>>) target(%arg6 : memref<512x80xf32, #tpu.memory_space<vmem>>) offsets(%arg5 : memref<512xi32, #tpu.memory_space<vmem>>) semaphore(%arg7 : memref<!tpu.dma_semaphore, #tpu.memory_space<semaphore_mem>>)
    %dma_wait3A_62 = arith.constant 0 : i32
    %dma_wait3A_63 = arith.constant 0 : i32
    %dma_wait3A_64 = tpu.memref_slice %arg2[%dma_wait3A_62, %dma_wait3A_63] : memref<2048x80xf32, #tpu.memory_space<hbm>> -> memref<2048x80xf32, #tpu.memory_space<hbm>>
    tpu.wait_indirect_dma semaphore(%arg7 : memref<!tpu.dma_semaphore, #tpu.memory_space<semaphore_mem>>) src(%dma_wait3A_64 : memref<2048x80xf32, #tpu.memory_space<hbm>>) dst(%arg6 : memref<512x80xf32, #tpu.memory_space<vmem>>)
    "tpu.region"() ({
      %run_scoped3A = tpu.sem_alloc : memref<!tpu.dma_semaphore, #tpu.memory_space<semaphore_mem>>
      %dma_start3A_65 = arith.constant 0 : i32
      %dma_start3A_66 = tpu.memref_slice %arg4[%add3A_58, %dma_start3A_65] : memref<131072x80xf32, #tpu.memory_space<hbm>> -> memref<512x80xf32, #tpu.memory_space<hbm>>
      %dma_start3A_67 = arith.constant 0 : i32
      %dma_start3A_68 = tpu.memref_slice %arg4[%add3A_58, %dma_start3A_67] : memref<131072x80xf32, #tpu.memory_space<hbm>> -> memref<512x80xf32, #tpu.memory_space<hbm>>
      tpu.enqueue_dma source(%arg6 : memref<512x80xf32, #tpu.memory_space<vmem>>) target(%dma_start3A_68 : memref<512x80xf32, #tpu.memory_space<hbm>>) target_semaphore(%run_scoped3A : memref<!tpu.dma_semaphore, #tpu.memory_space<semaphore_mem>>)
      %dma_wait3A_69 = arith.constant 0 : i32
      %dma_wait3A_70 = tpu.memref_slice %arg4[%add3A_58, %dma_wait3A_69] : memref<131072x80xf32, #tpu.memory_space<hbm>> -> memref<512x80xf32, #tpu.memory_space<hbm>>
      %dma_wait3A_71 = arith.constant 0 : i32
      %dma_wait3A_72 = tpu.memref_slice %arg4[%add3A_58, %dma_wait3A_71] : memref<131072x80xf32, #tpu.memory_space<hbm>> -> memref<512x80xf32, #tpu.memory_space<hbm>>
      tpu.wait_dma2 semaphore(%run_scoped3A : memref<!tpu.dma_semaphore, #tpu.memory_space<semaphore_mem>>) src(%arg6 : memref<512x80xf32, #tpu.memory_space<vmem>>) dst(%dma_wait3A_72 : memref<512x80xf32, #tpu.memory_space<hbm>>)
      tpu.yield
    }) : () -> ()
    return
  }
}

#map = affine_map<(d0, d1) -> (0, 0)>
#map1 = affine_map<(d0, d1) -> (0)>
#map2 = affine_map<(d0, d1) -> (0, 0, 0)>
module attributes {stable_mosaic.version = 14 : i64} {
  func.func @k(%arg0: i32, %arg1: i32, %arg2: memref<65536x64xf32, #tpu.memory_space<hbm>>, %arg3: memref<65536xi32, #tpu.memory_space<hbm>>, %arg4: memref<2048x64xf32, #tpu.memory_space<hbm>>, %arg5: memref<2x2048x64xf32, #tpu.memory_space<hbm>>, %arg6: memref<512xi32, #tpu.memory_space<vmem>>, %arg7: memref<512x64xf32, #tpu.memory_space<vmem>>, %arg8: memref<2048x64xf32, #tpu.memory_space<vmem_shared>>, %arg9: memref<!tpu.dma_semaphore, #tpu.memory_space<semaphore_mem>>) attributes {dimension_semantics = [#tpu.dimension_semantics<core_parallel>, #tpu.dimension_semantics<subcore_parallel>], iteration_bounds = array<i64: 2, 16>, scalar_prefetch = 0 : i64, scratch_operands = 4 : i64, tpu.core_type = #tpu.core_type<sc_vector_subcore>, window_params = [{transform_indices = #map}, {transform_indices = #map1}, {transform_indices = #map}, {transform_indices = #map2}]} {
    %mul3A = arith.constant 128 : i32
    %mul3A_0 = arith.muli %arg1, %mul3A : i32
    %mul3A_1 = arith.constant 128 : i32
    %mul3A_2 = arith.muli %arg1, %mul3A_1 : i32
    "tpu.region"() ({
      %run_scoped3A = tpu.sem_alloc : memref<!tpu.dma_semaphore, #tpu.memory_space<semaphore_mem>>
      %dma_start3A = arith.constant 0 : i32
      %dma_start3A_20 = tpu.memref_slice %arg8[%mul3A_2, %dma_start3A] : memref<2048x64xf32, #tpu.memory_space<vmem_shared>> -> memref<128x64xf32, #tpu.memory_space<vmem_shared>>
      %dma_start3A_21 = arith.constant 0 : i32
      %dma_start3A_22 = tpu.memref_slice %arg4[%mul3A_0, %dma_start3A_21] : memref<2048x64xf32, #tpu.memory_space<hbm>> -> memref<128x64xf32, #tpu.memory_space<hbm>>
      tpu.enqueue_dma source(%dma_start3A_22 : memref<128x64xf32, #tpu.memory_space<hbm>>) target(%dma_start3A_20 : memref<128x64xf32, #tpu.memory_space<vmem_shared>>) target_semaphore(%run_scoped3A : memref<!tpu.dma_semaphore, #tpu.memory_space<semaphore_mem>>)
      %dma_wait3A = arith.constant 0 : i32
      %dma_wait3A_23 = tpu.memref_slice %arg8[%mul3A_2, %dma_wait3A] : memref<2048x64xf32, #tpu.memory_space<vmem_shared>> -> memref<128x64xf32, #tpu.memory_space<vmem_shared>>
      %dma_wait3A_24 = arith.constant 0 : i32
      %dma_wait3A_25 = tpu.memref_slice %arg4[%mul3A_0, %dma_wait3A_24] : memref<2048x64xf32, #tpu.memory_space<hbm>> -> memref<128x64xf32, #tpu.memory_space<hbm>>
      tpu.wait_dma2 semaphore(%run_scoped3A : memref<!tpu.dma_semaphore, #tpu.memory_space<semaphore_mem>>) src(%dma_wait3A_25 : memref<128x64xf32, #tpu.memory_space<hbm>>) dst(%dma_wait3A_23 : memref<128x64xf32, #tpu.memory_space<vmem_shared>>)
      tpu.yield
    }) : () -> ()
    %barrier3A = arith.constant 0 : index
    tpu.barrier barrier_id(%barrier3A)
    %mul3A_3 = arith.constant 32768 : i32
    %mul3A_4 = arith.muli %arg0, %mul3A_3 : i32
    %mul3A_5 = arith.constant 2048 : i32
    %mul3A_6 = arith.muli %arg1, %mul3A_5 : i32
    %add3A = arith.addi %mul3A_4, %mul3A_6 : i32
    %add3A_7 = arith.constant 0 : i32
    %add3A_8 = arith.addi %add3A, %add3A_7 : i32
    "tpu.region"() ({
      %run_scoped3A = tpu.sem_alloc : memref<!tpu.dma_semaphore, #tpu.memory_space<semaphore_mem>>
      %dma_start3A = tpu.memref_slice %arg3[%add3A_8] : memref<65536xi32, #tpu.memory_space<hbm>> -> memref<512xi32, #tpu.memory_space<hbm>>
      %dma_start3A_20 = tpu.memref_slice %arg3[%add3A_8] : memref<65536xi32, #tpu.memory_space<hbm>> -> memref<512xi32, #tpu.memory_space<hbm>>
      tpu.enqueue_dma source(%dma_start3A_20 : memref<512xi32, #tpu.memory_space<hbm>>) target(%arg6 : memref<512xi32, #tpu.memory_space<vmem>>) target_semaphore(%run_scoped3A : memref<!tpu.dma_semaphore, #tpu.memory_space<semaphore_mem>>)
      %dma_wait3A = tpu.memref_slice %arg3[%add3A_8] : memref<65536xi32, #tpu.memory_space<hbm>> -> memref<512xi32, #tpu.memory_space<hbm>>
      %dma_wait3A_21 = tpu.memref_slice %arg3[%add3A_8] : memref<65536xi32, #tpu.memory_space<hbm>> -> memref<512xi32, #tpu.memory_space<hbm>>
      tpu.wait_dma2 semaphore(%run_scoped3A : memref<!tpu.dma_semaphore, #tpu.memory_space<semaphore_mem>>) src(%dma_wait3A_21 : memref<512xi32, #tpu.memory_space<hbm>>) dst(%arg6 : memref<512xi32, #tpu.memory_space<vmem>>)
      tpu.yield
    }) : () -> ()
    "tpu.region"() ({
      %run_scoped3A = tpu.sem_alloc : memref<!tpu.dma_semaphore, #tpu.memory_space<semaphore_mem>>
      %dma_start3A = arith.constant 0 : i32
      %dma_start3A_20 = tpu.memref_slice %arg2[%add3A_8, %dma_start3A] : memref<65536x64xf32, #tpu.memory_space<hbm>> -> memref<512x64xf32, #tpu.memory_space<hbm>>
      %dma_start3A_21 = arith.constant 0 : i32
      %dma_start3A_22 = tpu.memref_slice %arg2[%add3A_8, %dma_start3A_21] : memref<65536x64xf32, #tpu.memory_space<hbm>> -> memref<512x64xf32, #tpu.memory_space<hbm>>
      tpu.enqueue_dma source(%dma_start3A_22 : memref<512x64xf32, #tpu.memory_space<hbm>>) target(%arg7 : memref<512x64xf32, #tpu.memory_space<vmem>>) target_semaphore(%run_scoped3A : memref<!tpu.dma_semaphore, #tpu.memory_space<semaphore_mem>>)
      %dma_wait3A = arith.constant 0 : i32
      %dma_wait3A_23 = tpu.memref_slice %arg2[%add3A_8, %dma_wait3A] : memref<65536x64xf32, #tpu.memory_space<hbm>> -> memref<512x64xf32, #tpu.memory_space<hbm>>
      %dma_wait3A_24 = arith.constant 0 : i32
      %dma_wait3A_25 = tpu.memref_slice %arg2[%add3A_8, %dma_wait3A_24] : memref<65536x64xf32, #tpu.memory_space<hbm>> -> memref<512x64xf32, #tpu.memory_space<hbm>>
      tpu.wait_dma2 semaphore(%run_scoped3A : memref<!tpu.dma_semaphore, #tpu.memory_space<semaphore_mem>>) src(%dma_wait3A_25 : memref<512x64xf32, #tpu.memory_space<hbm>>) dst(%arg7 : memref<512x64xf32, #tpu.memory_space<vmem>>)
      tpu.yield
    }) : () -> ()
    "tpu.region"() ({
      %run_scoped3A = tpu.sem_alloc : memref<!tpu.dma_semaphore, #tpu.memory_space<semaphore_mem>>
      %dma_start3A = arith.constant 0 : i32
      %dma_start3A_20 = arith.constant 0 : i32
      %dma_start3A_21 = tpu.memref_slice %arg8[%dma_start3A, %dma_start3A_20] : memref<2048x64xf32, #tpu.memory_space<vmem_shared>> -> memref<2048x64xf32, #tpu.memory_space<vmem_shared>>
      tpu.enqueue_indirect_dma source(%arg7 : memref<512x64xf32, #tpu.memory_space<vmem>>) target(%dma_start3A_21 : memref<2048x64xf32, #tpu.memory_space<vmem_shared>>) offsets(%arg6 : memref<512xi32, #tpu.memory_space<vmem>>) semaphore(%run_scoped3A : memref<!tpu.dma_semaphore, #tpu.memory_space<semaphore_mem>>) {add = true}
      %dma_wait3A = arith.constant 0 : i32
      %dma_wait3A_22 = arith.constant 0 : i32
      %dma_wait3A_23 = tpu.memref_slice %arg8[%dma_wait3A, %dma_wait3A_22] : memref<2048x64xf32, #tpu.memory_space<vmem_shared>> -> memref<2048x64xf32, #tpu.memory_space<vmem_shared>>
      tpu.wait_indirect_dma semaphore(%run_scoped3A : memref<!tpu.dma_semaphore, #tpu.memory_space<semaphore_mem>>) src(%arg7 : memref<512x64xf32, #tpu.memory_space<vmem>>) dst(%dma_wait3A_23 : memref<2048x64xf32, #tpu.memory_space<vmem_shared>>)
      tpu.yield
    }) : () -> ()
    %add3A_9 = arith.constant 512 : i32
    %add3A_10 = arith.addi %add3A, %add3A_9 : i32
    "tpu.region"() ({
      %run_scoped3A = tpu.sem_alloc : memref<!tpu.dma_semaphore, #tpu.memory_space<semaphore_mem>>
      %dma_start3A = tpu.memref_slice %arg3[%add3A_10] : memref<65536xi32, #tpu.memory_space<hbm>> -> memref<512xi32, #tpu.memory_space<hbm>>
      %dma_start3A_20 = tpu.memref_slice %arg3[%add3A_10] : memref<65536xi32, #tpu.memory_space<hbm>> -> memref<512xi32, #tpu.memory_space<hbm>>
      tpu.enqueue_dma source(%dma_start3A_20 : memref<512xi32, #tpu.memory_space<hbm>>) target(%arg6 : memref<512xi32, #tpu.memory_space<vmem>>) target_semaphore(%run_scoped3A : memref<!tpu.dma_semaphore, #tpu.memory_space<semaphore_mem>>)
      %dma_wait3A = tpu.memref_slice %arg3[%add3A_10] : memref<65536xi32, #tpu.memory_space<hbm>> -> memref<512xi32, #tpu.memory_space<hbm>>
      %dma_wait3A_21 = tpu.memref_slice %arg3[%add3A_10] : memref<65536xi32, #tpu.memory_space<hbm>> -> memref<512xi32, #tpu.memory_space<hbm>>
      tpu.wait_dma2 semaphore(%run_scoped3A : memref<!tpu.dma_semaphore, #tpu.memory_space<semaphore_mem>>) src(%dma_wait3A_21 : memref<512xi32, #tpu.memory_space<hbm>>) dst(%arg6 : memref<512xi32, #tpu.memory_space<vmem>>)
      tpu.yield
    }) : () -> ()
    "tpu.region"() ({
      %run_scoped3A = tpu.sem_alloc : memref<!tpu.dma_semaphore, #tpu.memory_space<semaphore_mem>>
      %dma_start3A = arith.constant 0 : i32
      %dma_start3A_20 = tpu.memref_slice %arg2[%add3A_10, %dma_start3A] : memref<65536x64xf32, #tpu.memory_space<hbm>> -> memref<512x64xf32, #tpu.memory_space<hbm>>
      %dma_start3A_21 = arith.constant 0 : i32
      %dma_start3A_22 = tpu.memref_slice %arg2[%add3A_10, %dma_start3A_21] : memref<65536x64xf32, #tpu.memory_space<hbm>> -> memref<512x64xf32, #tpu.memory_space<hbm>>
      tpu.enqueue_dma source(%dma_start3A_22 : memref<512x64xf32, #tpu.memory_space<hbm>>) target(%arg7 : memref<512x64xf32, #tpu.memory_space<vmem>>) target_semaphore(%run_scoped3A : memref<!tpu.dma_semaphore, #tpu.memory_space<semaphore_mem>>)
      %dma_wait3A = arith.constant 0 : i32
      %dma_wait3A_23 = tpu.memref_slice %arg2[%add3A_10, %dma_wait3A] : memref<65536x64xf32, #tpu.memory_space<hbm>> -> memref<512x64xf32, #tpu.memory_space<hbm>>
      %dma_wait3A_24 = arith.constant 0 : i32
      %dma_wait3A_25 = tpu.memref_slice %arg2[%add3A_10, %dma_wait3A_24] : memref<65536x64xf32, #tpu.memory_space<hbm>> -> memref<512x64xf32, #tpu.memory_space<hbm>>
      tpu.wait_dma2 semaphore(%run_scoped3A : memref<!tpu.dma_semaphore, #tpu.memory_space<semaphore_mem>>) src(%dma_wait3A_25 : memref<512x64xf32, #tpu.memory_space<hbm>>) dst(%arg7 : memref<512x64xf32, #tpu.memory_space<vmem>>)
      tpu.yield
    }) : () -> ()
    "tpu.region"() ({
      %run_scoped3A = tpu.sem_alloc : memref<!tpu.dma_semaphore, #tpu.memory_space<semaphore_mem>>
      %dma_start3A = arith.constant 0 : i32
      %dma_start3A_20 = arith.constant 0 : i32
      %dma_start3A_21 = tpu.memref_slice %arg8[%dma_start3A, %dma_start3A_20] : memref<2048x64xf32, #tpu.memory_space<vmem_shared>> -> memref<2048x64xf32, #tpu.memory_space<vmem_shared>>
      tpu.enqueue_indirect_dma source(%arg7 : memref<512x64xf32, #tpu.memory_space<vmem>>) target(%dma_start3A_21 : memref<2048x64xf32, #tpu.memory_space<vmem_shared>>) offsets(%arg6 : memref<512xi32, #tpu.memory_space<vmem>>) semaphore(%run_scoped3A : memref<!tpu.dma_semaphore, #tpu.memory_space<semaphore_mem>>) {add = true}
      %dma_wait3A = arith.constant 0 : i32
      %dma_wait3A_22 = arith.constant 0 : i32
      %dma_wait3A_23 = tpu.memref_slice %arg8[%dma_wait3A, %dma_wait3A_22] : memref<2048x64xf32, #tpu.memory_space<vmem_shared>> -> memref<2048x64xf32, #tpu.memory_space<vmem_shared>>
      tpu.wait_indirect_dma semaphore(%run_scoped3A : memref<!tpu.dma_semaphore, #tpu.memory_space<semaphore_mem>>) src(%arg7 : memref<512x64xf32, #tpu.memory_space<vmem>>) dst(%dma_wait3A_23 : memref<2048x64xf32, #tpu.memory_space<vmem_shared>>)
      tpu.yield
    }) : () -> ()
    %add3A_11 = arith.constant 1024 : i32
    %add3A_12 = arith.addi %add3A, %add3A_11 : i32
    "tpu.region"() ({
      %run_scoped3A = tpu.sem_alloc : memref<!tpu.dma_semaphore, #tpu.memory_space<semaphore_mem>>
      %dma_start3A = tpu.memref_slice %arg3[%add3A_12] : memref<65536xi32, #tpu.memory_space<hbm>> -> memref<512xi32, #tpu.memory_space<hbm>>
      %dma_start3A_20 = tpu.memref_slice %arg3[%add3A_12] : memref<65536xi32, #tpu.memory_space<hbm>> -> memref<512xi32, #tpu.memory_space<hbm>>
      tpu.enqueue_dma source(%dma_start3A_20 : memref<512xi32, #tpu.memory_space<hbm>>) target(%arg6 : memref<512xi32, #tpu.memory_space<vmem>>) target_semaphore(%run_scoped3A : memref<!tpu.dma_semaphore, #tpu.memory_space<semaphore_mem>>)
      %dma_wait3A = tpu.memref_slice %arg3[%add3A_12] : memref<65536xi32, #tpu.memory_space<hbm>> -> memref<512xi32, #tpu.memory_space<hbm>>
      %dma_wait3A_21 = tpu.memref_slice %arg3[%add3A_12] : memref<65536xi32, #tpu.memory_space<hbm>> -> memref<512xi32, #tpu.memory_space<hbm>>
      tpu.wait_dma2 semaphore(%run_scoped3A : memref<!tpu.dma_semaphore, #tpu.memory_space<semaphore_mem>>) src(%dma_wait3A_21 : memref<512xi32, #tpu.memory_space<hbm>>) dst(%arg6 : memref<512xi32, #tpu.memory_space<vmem>>)
      tpu.yield
    }) : () -> ()
    "tpu.region"() ({
      %run_scoped3A = tpu.sem_alloc : memref<!tpu.dma_semaphore, #tpu.memory_space<semaphore_mem>>
      %dma_start3A = arith.constant 0 : i32
      %dma_start3A_20 = tpu.memref_slice %arg2[%add3A_12, %dma_start3A] : memref<65536x64xf32, #tpu.memory_space<hbm>> -> memref<512x64xf32, #tpu.memory_space<hbm>>
      %dma_start3A_21 = arith.constant 0 : i32
      %dma_start3A_22 = tpu.memref_slice %arg2[%add3A_12, %dma_start3A_21] : memref<65536x64xf32, #tpu.memory_space<hbm>> -> memref<512x64xf32, #tpu.memory_space<hbm>>
      tpu.enqueue_dma source(%dma_start3A_22 : memref<512x64xf32, #tpu.memory_space<hbm>>) target(%arg7 : memref<512x64xf32, #tpu.memory_space<vmem>>) target_semaphore(%run_scoped3A : memref<!tpu.dma_semaphore, #tpu.memory_space<semaphore_mem>>)
      %dma_wait3A = arith.constant 0 : i32
      %dma_wait3A_23 = tpu.memref_slice %arg2[%add3A_12, %dma_wait3A] : memref<65536x64xf32, #tpu.memory_space<hbm>> -> memref<512x64xf32, #tpu.memory_space<hbm>>
      %dma_wait3A_24 = arith.constant 0 : i32
      %dma_wait3A_25 = tpu.memref_slice %arg2[%add3A_12, %dma_wait3A_24] : memref<65536x64xf32, #tpu.memory_space<hbm>> -> memref<512x64xf32, #tpu.memory_space<hbm>>
      tpu.wait_dma2 semaphore(%run_scoped3A : memref<!tpu.dma_semaphore, #tpu.memory_space<semaphore_mem>>) src(%dma_wait3A_25 : memref<512x64xf32, #tpu.memory_space<hbm>>) dst(%arg7 : memref<512x64xf32, #tpu.memory_space<vmem>>)
      tpu.yield
    }) : () -> ()
    "tpu.region"() ({
      %run_scoped3A = tpu.sem_alloc : memref<!tpu.dma_semaphore, #tpu.memory_space<semaphore_mem>>
      %dma_start3A = arith.constant 0 : i32
      %dma_start3A_20 = arith.constant 0 : i32
      %dma_start3A_21 = tpu.memref_slice %arg8[%dma_start3A, %dma_start3A_20] : memref<2048x64xf32, #tpu.memory_space<vmem_shared>> -> memref<2048x64xf32, #tpu.memory_space<vmem_shared>>
      tpu.enqueue_indirect_dma source(%arg7 : memref<512x64xf32, #tpu.memory_space<vmem>>) target(%dma_start3A_21 : memref<2048x64xf32, #tpu.memory_space<vmem_shared>>) offsets(%arg6 : memref<512xi32, #tpu.memory_space<vmem>>) semaphore(%run_scoped3A : memref<!tpu.dma_semaphore, #tpu.memory_space<semaphore_mem>>) {add = true}
      %dma_wait3A = arith.constant 0 : i32
      %dma_wait3A_22 = arith.constant 0 : i32
      %dma_wait3A_23 = tpu.memref_slice %arg8[%dma_wait3A, %dma_wait3A_22] : memref<2048x64xf32, #tpu.memory_space<vmem_shared>> -> memref<2048x64xf32, #tpu.memory_space<vmem_shared>>
      tpu.wait_indirect_dma semaphore(%run_scoped3A : memref<!tpu.dma_semaphore, #tpu.memory_space<semaphore_mem>>) src(%arg7 : memref<512x64xf32, #tpu.memory_space<vmem>>) dst(%dma_wait3A_23 : memref<2048x64xf32, #tpu.memory_space<vmem_shared>>)
      tpu.yield
    }) : () -> ()
    %add3A_13 = arith.constant 1536 : i32
    %add3A_14 = arith.addi %add3A, %add3A_13 : i32
    "tpu.region"() ({
      %run_scoped3A = tpu.sem_alloc : memref<!tpu.dma_semaphore, #tpu.memory_space<semaphore_mem>>
      %dma_start3A = tpu.memref_slice %arg3[%add3A_14] : memref<65536xi32, #tpu.memory_space<hbm>> -> memref<512xi32, #tpu.memory_space<hbm>>
      %dma_start3A_20 = tpu.memref_slice %arg3[%add3A_14] : memref<65536xi32, #tpu.memory_space<hbm>> -> memref<512xi32, #tpu.memory_space<hbm>>
      tpu.enqueue_dma source(%dma_start3A_20 : memref<512xi32, #tpu.memory_space<hbm>>) target(%arg6 : memref<512xi32, #tpu.memory_space<vmem>>) target_semaphore(%run_scoped3A : memref<!tpu.dma_semaphore, #tpu.memory_space<semaphore_mem>>)
      %dma_wait3A = tpu.memref_slice %arg3[%add3A_14] : memref<65536xi32, #tpu.memory_space<hbm>> -> memref<512xi32, #tpu.memory_space<hbm>>
      %dma_wait3A_21 = tpu.memref_slice %arg3[%add3A_14] : memref<65536xi32, #tpu.memory_space<hbm>> -> memref<512xi32, #tpu.memory_space<hbm>>
      tpu.wait_dma2 semaphore(%run_scoped3A : memref<!tpu.dma_semaphore, #tpu.memory_space<semaphore_mem>>) src(%dma_wait3A_21 : memref<512xi32, #tpu.memory_space<hbm>>) dst(%arg6 : memref<512xi32, #tpu.memory_space<vmem>>)
      tpu.yield
    }) : () -> ()
    "tpu.region"() ({
      %run_scoped3A = tpu.sem_alloc : memref<!tpu.dma_semaphore, #tpu.memory_space<semaphore_mem>>
      %dma_start3A = arith.constant 0 : i32
      %dma_start3A_20 = tpu.memref_slice %arg2[%add3A_14, %dma_start3A] : memref<65536x64xf32, #tpu.memory_space<hbm>> -> memref<512x64xf32, #tpu.memory_space<hbm>>
      %dma_start3A_21 = arith.constant 0 : i32
      %dma_start3A_22 = tpu.memref_slice %arg2[%add3A_14, %dma_start3A_21] : memref<65536x64xf32, #tpu.memory_space<hbm>> -> memref<512x64xf32, #tpu.memory_space<hbm>>
      tpu.enqueue_dma source(%dma_start3A_22 : memref<512x64xf32, #tpu.memory_space<hbm>>) target(%arg7 : memref<512x64xf32, #tpu.memory_space<vmem>>) target_semaphore(%run_scoped3A : memref<!tpu.dma_semaphore, #tpu.memory_space<semaphore_mem>>)
      %dma_wait3A = arith.constant 0 : i32
      %dma_wait3A_23 = tpu.memref_slice %arg2[%add3A_14, %dma_wait3A] : memref<65536x64xf32, #tpu.memory_space<hbm>> -> memref<512x64xf32, #tpu.memory_space<hbm>>
      %dma_wait3A_24 = arith.constant 0 : i32
      %dma_wait3A_25 = tpu.memref_slice %arg2[%add3A_14, %dma_wait3A_24] : memref<65536x64xf32, #tpu.memory_space<hbm>> -> memref<512x64xf32, #tpu.memory_space<hbm>>
      tpu.wait_dma2 semaphore(%run_scoped3A : memref<!tpu.dma_semaphore, #tpu.memory_space<semaphore_mem>>) src(%dma_wait3A_25 : memref<512x64xf32, #tpu.memory_space<hbm>>) dst(%arg7 : memref<512x64xf32, #tpu.memory_space<vmem>>)
      tpu.yield
    }) : () -> ()
    "tpu.region"() ({
      %run_scoped3A = tpu.sem_alloc : memref<!tpu.dma_semaphore, #tpu.memory_space<semaphore_mem>>
      %dma_start3A = arith.constant 0 : i32
      %dma_start3A_20 = arith.constant 0 : i32
      %dma_start3A_21 = tpu.memref_slice %arg8[%dma_start3A, %dma_start3A_20] : memref<2048x64xf32, #tpu.memory_space<vmem_shared>> -> memref<2048x64xf32, #tpu.memory_space<vmem_shared>>
      tpu.enqueue_indirect_dma source(%arg7 : memref<512x64xf32, #tpu.memory_space<vmem>>) target(%dma_start3A_21 : memref<2048x64xf32, #tpu.memory_space<vmem_shared>>) offsets(%arg6 : memref<512xi32, #tpu.memory_space<vmem>>) semaphore(%run_scoped3A : memref<!tpu.dma_semaphore, #tpu.memory_space<semaphore_mem>>) {add = true}
      %dma_wait3A = arith.constant 0 : i32
      %dma_wait3A_22 = arith.constant 0 : i32
      %dma_wait3A_23 = tpu.memref_slice %arg8[%dma_wait3A, %dma_wait3A_22] : memref<2048x64xf32, #tpu.memory_space<vmem_shared>> -> memref<2048x64xf32, #tpu.memory_space<vmem_shared>>
      tpu.wait_indirect_dma semaphore(%run_scoped3A : memref<!tpu.dma_semaphore, #tpu.memory_space<semaphore_mem>>) src(%arg7 : memref<512x64xf32, #tpu.memory_space<vmem>>) dst(%dma_wait3A_23 : memref<2048x64xf32, #tpu.memory_space<vmem_shared>>)
      tpu.yield
    }) : () -> ()
    %barrier3A_15 = arith.constant 0 : index
    tpu.barrier barrier_id(%barrier3A_15)
    %mul3A_16 = arith.constant 128 : i32
    %mul3A_17 = arith.muli %arg1, %mul3A_16 : i32
    %mul3A_18 = arith.constant 128 : i32
    %mul3A_19 = arith.muli %arg1, %mul3A_18 : i32
    "tpu.region"() ({
      %run_scoped3A = tpu.sem_alloc : memref<!tpu.dma_semaphore, #tpu.memory_space<semaphore_mem>>
      %dma_start3A = arith.constant 0 : i32
      %dma_start3A_20 = arith.constant 0 : i32
      %dma_start3A_21 = tpu.memref_slice %arg5[%arg0, %dma_start3A, %dma_start3A_20] : memref<2x2048x64xf32, #tpu.memory_space<hbm>> -> memref<1x2048x64xf32, #tpu.memory_space<hbm>>
      %dma_start3A_22 = tpu.memref_squeeze %dma_start3A_21 : memref<1x2048x64xf32, #tpu.memory_space<hbm>> -> memref<2048x64xf32, #tpu.memory_space<hbm>>
      %dma_start3A_23 = arith.constant 0 : i32
      %dma_start3A_24 = tpu.memref_slice %dma_start3A_22[%mul3A_19, %dma_start3A_23] : memref<2048x64xf32, #tpu.memory_space<hbm>> -> memref<128x64xf32, #tpu.memory_space<hbm>>
      %dma_start3A_25 = arith.constant 0 : i32
      %dma_start3A_26 = tpu.memref_slice %arg8[%mul3A_17, %dma_start3A_25] : memref<2048x64xf32, #tpu.memory_space<vmem_shared>> -> memref<128x64xf32, #tpu.memory_space<vmem_shared>>
      tpu.enqueue_dma source(%dma_start3A_26 : memref<128x64xf32, #tpu.memory_space<vmem_shared>>) target(%dma_start3A_24 : memref<128x64xf32, #tpu.memory_space<hbm>>) target_semaphore(%run_scoped3A : memref<!tpu.dma_semaphore, #tpu.memory_space<semaphore_mem>>)
      %dma_wait3A = arith.constant 0 : i32
      %dma_wait3A_27 = arith.constant 0 : i32
      %dma_wait3A_28 = tpu.memref_slice %arg5[%arg0, %dma_wait3A, %dma_wait3A_27] : memref<2x2048x64xf32, #tpu.memory_space<hbm>> -> memref<1x2048x64xf32, #tpu.memory_space<hbm>>
      %dma_wait3A_29 = tpu.memref_squeeze %dma_wait3A_28 : memref<1x2048x64xf32, #tpu.memory_space<hbm>> -> memref<2048x64xf32, #tpu.memory_space<hbm>>
      %dma_wait3A_30 = arith.constant 0 : i32
      %dma_wait3A_31 = tpu.memref_slice %dma_wait3A_29[%mul3A_19, %dma_wait3A_30] : memref<2048x64xf32, #tpu.memory_space<hbm>> -> memref<128x64xf32, #tpu.memory_space<hbm>>
      %dma_wait3A_32 = arith.constant 0 : i32
      %dma_wait3A_33 = tpu.memref_slice %arg8[%mul3A_17, %dma_wait3A_32] : memref<2048x64xf32, #tpu.memory_space<vmem_shared>> -> memref<128x64xf32, #tpu.memory_space<vmem_shared>>
      tpu.wait_dma2 semaphore(%run_scoped3A : memref<!tpu.dma_semaphore, #tpu.memory_space<semaphore_mem>>) src(%dma_wait3A_33 : memref<128x64xf32, #tpu.memory_space<vmem_shared>>) dst(%dma_wait3A_31 : memref<128x64xf32, #tpu.memory_space<hbm>>)
      tpu.yield
    }) : () -> ()
    return
  }
}

module attributes {stable_mosaic.version = 14 : i64} {
  func.func @_pass_a_body(%arg0: i32, %arg1: memref<512x8xf32, #tpu.memory_space<vmem>>, %arg2: memref<512x80xf32, #tpu.memory_space<vmem>>, %arg3: memref<512x80xf32, #tpu.memory_space<vmem>>, %arg4: memref<1x1xf32, #tpu.memory_space<vmem>>, %arg5: memref<1x16xf32, #tpu.memory_space<vmem>>, %arg6: memref<16x48xf32, #tpu.memory_space<vmem>>, %arg7: memref<6x64xf32, #tpu.memory_space<vmem>>, %arg8: memref<64xf32, #tpu.memory_space<vmem>>, %arg9: memref<64x64xf32, #tpu.memory_space<vmem>>, %arg10: memref<64xf32, #tpu.memory_space<vmem>>, %arg11: memref<64x64xf32, #tpu.memory_space<vmem>>, %arg12: memref<64xf32, #tpu.memory_space<vmem>>, %arg13: memref<209x64xf32, #tpu.memory_space<vmem>>, %arg14: memref<64xf32, #tpu.memory_space<vmem>>, %arg15: memref<64x64xf32, #tpu.memory_space<vmem>>, %arg16: memref<64xf32, #tpu.memory_space<vmem>>, %arg17: memref<64x80xf32, #tpu.memory_space<vmem>>, %arg18: memref<80xf32, #tpu.memory_space<vmem>>, %arg19: memref<512x64xf32, #tpu.memory_space<vmem>>, %arg20: memref<512x48xf32, #tpu.memory_space<vmem>>, %arg21: memref<512x112xf32, #tpu.memory_space<vmem>>, %arg22: memref<512x8xf32, #tpu.memory_space<vmem>>) attributes {dimension_semantics = [#tpu.dimension_semantics<arbitrary>], iteration_bounds = array<i64: 128>, scalar_prefetch = 0 : i64, scratch_operands = 0 : i64, tpu.core_type = #tpu.core_type<tc>, window_params = [{transform_indices = @transform_0, window_bounds = array<i64: 512, 8>}, {transform_indices = @transform_1, window_bounds = array<i64: 512, 80>}, {transform_indices = @transform_2, window_bounds = array<i64: 512, 80>}, {pipeline_mode = #tpu.pipeline_mode<synchronous>, transform_indices = @transform_3, window_bounds = array<i64: 1, 1>}, {pipeline_mode = #tpu.pipeline_mode<synchronous>, transform_indices = @transform_4, window_bounds = array<i64: 1, 16>}, {pipeline_mode = #tpu.pipeline_mode<synchronous>, transform_indices = @transform_5, window_bounds = array<i64: 16, 48>}, {pipeline_mode = #tpu.pipeline_mode<synchronous>, transform_indices = @transform_6, window_bounds = array<i64: 6, 64>}, {pipeline_mode = #tpu.pipeline_mode<synchronous>, transform_indices = @transform_7, window_bounds = array<i64: 64>}, {pipeline_mode = #tpu.pipeline_mode<synchronous>, transform_indices = @transform_8, window_bounds = array<i64: 64, 64>}, {pipeline_mode = #tpu.pipeline_mode<synchronous>, transform_indices = @transform_9, window_bounds = array<i64: 64>}, {pipeline_mode = #tpu.pipeline_mode<synchronous>, transform_indices = @transform_10, window_bounds = array<i64: 64, 64>}, {pipeline_mode = #tpu.pipeline_mode<synchronous>, transform_indices = @transform_11, window_bounds = array<i64: 64>}, {pipeline_mode = #tpu.pipeline_mode<synchronous>, transform_indices = @transform_12, window_bounds = array<i64: 209, 64>}, {pipeline_mode = #tpu.pipeline_mode<synchronous>, transform_indices = @transform_13, window_bounds = array<i64: 64>}, {pipeline_mode = #tpu.pipeline_mode<synchronous>, transform_indices = @transform_14, window_bounds = array<i64: 64, 64>}, {pipeline_mode = #tpu.pipeline_mode<synchronous>, transform_indices = @transform_15, window_bounds = array<i64: 64>}, {pipeline_mode = #tpu.pipeline_mode<synchronous>, transform_indices = @transform_16, window_bounds = array<i64: 64, 80>}, {pipeline_mode = #tpu.pipeline_mode<synchronous>, transform_indices = @transform_17, window_bounds = array<i64: 80>}, {transform_indices = @transform_18, window_bounds = array<i64: 512, 64>}, {transform_indices = @transform_19, window_bounds = array<i64: 512, 48>}, {transform_indices = @transform_20, window_bounds = array<i64: 512, 112>}, {transform_indices = @transform_21, window_bounds = array<i64: 512, 8>}]} {
    %get3A = arith.constant 0 : index
    %get3A_0 = arith.constant 0 : index
    %get3A_1 = vector.load %arg1[%get3A, %get3A_0] : memref<512x8xf32, #tpu.memory_space<vmem>>, vector<512x8xf32>
    %slice3A = vector.extract_strided_slice %get3A_1 {offsets = [0, 0], sizes = [512, 1], strides = [1, 1]} : vector<512x8xf32> to vector<512x1xf32>
    %get3A_2 = arith.constant 0 : index
    %get3A_3 = arith.constant 0 : index
    %get3A_4 = vector.load %arg2[%get3A_2, %get3A_3] : memref<512x80xf32, #tpu.memory_space<vmem>>, vector<512x80xf32>
    %get3A_5 = arith.constant 0 : index
    %get3A_6 = arith.constant 0 : index
    %get3A_7 = vector.load %arg3[%get3A_5, %get3A_6] : memref<512x80xf32, #tpu.memory_space<vmem>>, vector<512x80xf32>
    %slice3A_8 = vector.extract_strided_slice %get3A_4 {offsets = [0, 0], sizes = [512, 64], strides = [1, 1]} : vector<512x80xf32> to vector<512x64xf32>
    %slice3A_9 = vector.extract_strided_slice %get3A_4 {offsets = [0, 64], sizes = [512, 2], strides = [1, 1]} : vector<512x80xf32> to vector<512x2xf32>
    %slice3A_10 = vector.extract_strided_slice %get3A_7 {offsets = [0, 0], sizes = [512, 64], strides = [1, 1]} : vector<512x80xf32> to vector<512x64xf32>
    %slice3A_11 = vector.extract_strided_slice %get3A_7 {offsets = [0, 64], sizes = [512, 2], strides = [1, 1]} : vector<512x80xf32> to vector<512x2xf32>
    %slice3A_12 = vector.extract_strided_slice %get3A_4 {offsets = [0, 66], sizes = [512, 3], strides = [1, 1]} : vector<512x80xf32> to vector<512x3xf32>
    %slice3A_13 = vector.extract_strided_slice %get3A_7 {offsets = [0, 66], sizes = [512, 3], strides = [1, 1]} : vector<512x80xf32> to vector<512x3xf32>
    %sub3A = arith.subf %slice3A_12, %slice3A_13 : vector<512x3xf32>
    %round3A = math.roundeven %sub3A : vector<512x3xf32>
    %sub3A_14 = arith.subf %sub3A, %round3A : vector<512x3xf32>
    %mul3A = arith.constant 6.66666651 : f32
    %mul3A_15 = vector.broadcast %mul3A : f32 to vector<512x3xf32>
    %mul3A_16 = arith.mulf %sub3A_14, %mul3A_15 : vector<512x3xf32>
    %slice3A_17 = vector.extract_strided_slice %slice3A_9 {offsets = [0, 0], sizes = [512, 1], strides = [1, 1]} : vector<512x2xf32> to vector<512x1xf32>
    %slice3A_18 = vector.extract_strided_slice %slice3A_11 {offsets = [0, 0], sizes = [512, 1], strides = [1, 1]} : vector<512x2xf32> to vector<512x1xf32>
    %add3A = arith.addf %slice3A_17, %slice3A_18 : vector<512x1xf32>
    %gt3A = arith.constant 0.000000e+00 : f32
    %gt3A_19 = vector.broadcast %gt3A : f32 to vector<512x1xf32>
    %gt3A_20 = arith.cmpf ogt, %add3A, %gt3A_19 : vector<512x1xf32>
    %jit3A = arith.constant 0.694444418 : f32
    %jit3A_21 = arith.constant 1.000000e+00 : f32
    %broadcast_in_dim3A = vector.broadcast %jit3A : f32 to vector<512x1xf32>
    %broadcast_in_dim3A_22 = vector.broadcast %jit3A_21 : f32 to vector<512x1xf32>
    %select_n3A = arith.select %gt3A_20, %broadcast_in_dim3A, %broadcast_in_dim3A_22 : vector<512x1xi1>, vector<512x1xf32>
    %mul3A_23 = arith.mulf %mul3A_16, %mul3A_16 : vector<512x3xf32>
    %reduce_sum3A = arith.constant dense<0.000000e+00> : vector<512xf32>
    %reduce_sum3A_24 = vector.multi_reduction <add>, %mul3A_23, %reduce_sum3A [1] : vector<512x3xf32> to vector<512xf32>
    %broadcast_in_dim3A_25 = vector.shape_cast %reduce_sum3A_24 : vector<512xf32> to vector<512x1xf32>
    %mul3A_26 = arith.mulf %broadcast_in_dim3A_25, %select_n3A : vector<512x1xf32>
    %get3A_27 = arith.constant 0 : index
    %get3A_28 = arith.constant 0 : index
    %get3A_29 = vector.load %arg4[%get3A_27, %get3A_28] : memref<1x1xf32, #tpu.memory_space<vmem>>, vector<1x1xf32>
    %get3A_30 = vector.extract %get3A_29[0, 0] : f32 from vector<1x1xf32>
    %broadcast_in_dim3A_31 = vector.broadcast %get3A_30 : f32 to vector<512x1xf32>
    %concatenate3A = tpu.concatenate %mul3A_26, %slice3A_9, %slice3A_11, %broadcast_in_dim3A_31 in 1 : vector<512x1xf32>, vector<512x2xf32>, vector<512x2xf32>, vector<512x1xf32> -> vector<512x6xf32>
    %get3A_32 = arith.constant 0 : index
    %get3A_33 = arith.constant 0 : index
    %get3A_34 = vector.load %arg7[%get3A_32, %get3A_33] : memref<6x64xf32, #tpu.memory_space<vmem>>, vector<6x64xf32>
    %get3A_35 = arith.constant 0 : index
    %get3A_36 = vector.load %arg8[%get3A_35] : memref<64xf32, #tpu.memory_space<vmem>>, vector<64xf32>
    %get3A_37 = arith.constant 0 : index
    %get3A_38 = arith.constant 0 : index
    %get3A_39 = vector.load %arg9[%get3A_37, %get3A_38] : memref<64x64xf32, #tpu.memory_space<vmem>>, vector<64x64xf32>
    %get3A_40 = arith.constant 0 : index
    %get3A_41 = vector.load %arg10[%get3A_40] : memref<64xf32, #tpu.memory_space<vmem>>, vector<64xf32>
    %get3A_42 = arith.constant 0 : index
    %get3A_43 = arith.constant 0 : index
    %get3A_44 = vector.load %arg11[%get3A_42, %get3A_43] : memref<64x64xf32, #tpu.memory_space<vmem>>, vector<64x64xf32>
    %get3A_45 = arith.constant 0 : index
    %get3A_46 = vector.load %arg12[%get3A_45] : memref<64xf32, #tpu.memory_space<vmem>>, vector<64xf32>
    %dot_general3A = arith.constant dense<0.000000e+00> : vector<512x64xf32>
    %dot_general3A_47 = tpu.matmul %concatenate3A, %get3A_34, %dot_general3A {dimension_numbers = #tpu.dot_dimension_numbers<[1], [0], [0], [1], [0, 0, 1, 1], [], []>, transpose_lhs_hint = false} : vector<512x6xf32>, vector<6x64xf32>, vector<512x64xf32> -> vector<512x64xf32>
    %broadcast_in_dim3A_48 = vector.shape_cast %get3A_36 : vector<64xf32> to vector<1x64xf32>
    %add3A_49 = vector.broadcast %broadcast_in_dim3A_48 : vector<1x64xf32> to vector<512x64xf32>
    %add3A_50 = arith.addf %dot_general3A_47, %add3A_49 : vector<512x64xf32>
    %logistic3A = arith.negf %add3A_50 : vector<512x64xf32>
    %logistic3A_51 = math.exp %logistic3A : vector<512x64xf32>
    %logistic3A_52 = arith.constant 1.000000e+00 : f32
    %logistic3A_53 = vector.broadcast %logistic3A_52 : f32 to vector<512x64xf32>
    %logistic3A_54 = arith.addf %logistic3A_53, %logistic3A_51 : vector<512x64xf32>
    %logistic3A_55 = arith.divf %logistic3A_53, %logistic3A_54 : vector<512x64xf32>
    %mul3A_56 = arith.mulf %add3A_50, %logistic3A_55 : vector<512x64xf32>
    %dot_general3A_57 = arith.constant dense<0.000000e+00> : vector<512x64xf32>
    %dot_general3A_58 = tpu.matmul %mul3A_56, %get3A_39, %dot_general3A_57 {dimension_numbers = #tpu.dot_dimension_numbers<[1], [0], [0], [1], [0, 0, 1, 1], [], []>, transpose_lhs_hint = false} : vector<512x64xf32>, vector<64x64xf32>, vector<512x64xf32> -> vector<512x64xf32>
    %broadcast_in_dim3A_59 = vector.shape_cast %get3A_41 : vector<64xf32> to vector<1x64xf32>
    %add3A_60 = vector.broadcast %broadcast_in_dim3A_59 : vector<1x64xf32> to vector<512x64xf32>
    %add3A_61 = arith.addf %dot_general3A_58, %add3A_60 : vector<512x64xf32>
    %logistic3A_62 = arith.negf %add3A_61 : vector<512x64xf32>
    %logistic3A_63 = math.exp %logistic3A_62 : vector<512x64xf32>
    %logistic3A_64 = arith.constant 1.000000e+00 : f32
    %logistic3A_65 = vector.broadcast %logistic3A_64 : f32 to vector<512x64xf32>
    %logistic3A_66 = arith.addf %logistic3A_65, %logistic3A_63 : vector<512x64xf32>
    %logistic3A_67 = arith.divf %logistic3A_65, %logistic3A_66 : vector<512x64xf32>
    %mul3A_68 = arith.mulf %add3A_61, %logistic3A_67 : vector<512x64xf32>
    %dot_general3A_69 = arith.constant dense<0.000000e+00> : vector<512x64xf32>
    %dot_general3A_70 = tpu.matmul %mul3A_68, %get3A_44, %dot_general3A_69 {dimension_numbers = #tpu.dot_dimension_numbers<[1], [0], [0], [1], [0, 0, 1, 1], [], []>, transpose_lhs_hint = false} : vector<512x64xf32>, vector<64x64xf32>, vector<512x64xf32> -> vector<512x64xf32>
    %broadcast_in_dim3A_71 = vector.shape_cast %get3A_46 : vector<64xf32> to vector<1x64xf32>
    %add3A_72 = vector.broadcast %broadcast_in_dim3A_71 : vector<1x64xf32> to vector<512x64xf32>
    %add3A_73 = arith.addf %dot_general3A_70, %add3A_72 : vector<512x64xf32>
    %get3A_74 = arith.constant 0 : index
    %get3A_75 = arith.constant 0 : index
    %get3A_76 = vector.load %arg5[%get3A_74, %get3A_75] : memref<1x16xf32, #tpu.memory_space<vmem>>, vector<1x16xf32>
    %slice3A_77 = vector.extract_strided_slice %mul3A_16 {offsets = [0, 0], sizes = [512, 1], strides = [1, 1]} : vector<512x3xf32> to vector<512x1xf32>
    %mul3A_78 = vector.broadcast %slice3A_77 : vector<512x1xf32> to vector<512x16xf32>
    %mul3A_79 = vector.broadcast %get3A_76 : vector<1x16xf32> to vector<512x16xf32>
    %mul3A_80 = arith.mulf %mul3A_78, %mul3A_79 : vector<512x16xf32>
    %slice3A_81 = vector.extract_strided_slice %mul3A_16 {offsets = [0, 1], sizes = [512, 1], strides = [1, 1]} : vector<512x3xf32> to vector<512x1xf32>
    %mul3A_82 = vector.broadcast %slice3A_81 : vector<512x1xf32> to vector<512x16xf32>
    %mul3A_83 = vector.broadcast %get3A_76 : vector<1x16xf32> to vector<512x16xf32>
    %mul3A_84 = arith.mulf %mul3A_82, %mul3A_83 : vector<512x16xf32>
    %slice3A_85 = vector.extract_strided_slice %mul3A_16 {offsets = [0, 2], sizes = [512, 1], strides = [1, 1]} : vector<512x3xf32> to vector<512x1xf32>
    %mul3A_86 = vector.broadcast %slice3A_85 : vector<512x1xf32> to vector<512x16xf32>
    %mul3A_87 = vector.broadcast %get3A_76 : vector<1x16xf32> to vector<512x16xf32>
    %mul3A_88 = arith.mulf %mul3A_86, %mul3A_87 : vector<512x16xf32>
    %concatenate3A_89 = tpu.concatenate %mul3A_80, %mul3A_84, %mul3A_88 in 1 : vector<512x16xf32>, vector<512x16xf32>, vector<512x16xf32> -> vector<512x48xf32>
    %mul3A_90 = arith.mulf %mul3A_16, %mul3A_16 : vector<512x3xf32>
    %reduce_sum3A_91 = arith.constant dense<0.000000e+00> : vector<512xf32>
    %reduce_sum3A_92 = vector.multi_reduction <add>, %mul3A_90, %reduce_sum3A_91 [1] : vector<512x3xf32> to vector<512xf32>
    %broadcast_in_dim3A_93 = vector.shape_cast %reduce_sum3A_92 : vector<512xf32> to vector<512x1xf32>
    %mul3A_94 = arith.mulf %get3A_76, %get3A_76 : vector<1x16xf32>
    %mul3A_95 = vector.broadcast %broadcast_in_dim3A_93 : vector<512x1xf32> to vector<512x16xf32>
    %mul3A_96 = vector.broadcast %mul3A_94 : vector<1x16xf32> to vector<512x16xf32>
    %mul3A_97 = arith.mulf %mul3A_95, %mul3A_96 : vector<512x16xf32>
    %concatenate3A_98 = tpu.concatenate %mul3A_97, %slice3A_8, %slice3A_10, %add3A_73, %broadcast_in_dim3A_31 in 1 : vector<512x16xf32>, vector<512x64xf32>, vector<512x64xf32>, vector<512x64xf32>, vector<512x1xf32> -> vector<512x209xf32>
    %get3A_99 = arith.constant 0 : index
    %get3A_100 = arith.constant 0 : index
    %get3A_101 = vector.load %arg13[%get3A_99, %get3A_100] : memref<209x64xf32, #tpu.memory_space<vmem>>, vector<209x64xf32>
    %get3A_102 = arith.constant 0 : index
    %get3A_103 = vector.load %arg14[%get3A_102] : memref<64xf32, #tpu.memory_space<vmem>>, vector<64xf32>
    %get3A_104 = arith.constant 0 : index
    %get3A_105 = arith.constant 0 : index
    %get3A_106 = vector.load %arg15[%get3A_104, %get3A_105] : memref<64x64xf32, #tpu.memory_space<vmem>>, vector<64x64xf32>
    %get3A_107 = arith.constant 0 : index
    %get3A_108 = vector.load %arg16[%get3A_107] : memref<64xf32, #tpu.memory_space<vmem>>, vector<64xf32>
    %get3A_109 = arith.constant 0 : index
    %get3A_110 = arith.constant 0 : index
    %get3A_111 = vector.load %arg17[%get3A_109, %get3A_110] : memref<64x80xf32, #tpu.memory_space<vmem>>, vector<64x80xf32>
    %get3A_112 = arith.constant 0 : index
    %get3A_113 = vector.load %arg18[%get3A_112] : memref<80xf32, #tpu.memory_space<vmem>>, vector<80xf32>
    %dot_general3A_114 = arith.constant dense<0.000000e+00> : vector<512x64xf32>
    %dot_general3A_115 = tpu.matmul %concatenate3A_98, %get3A_101, %dot_general3A_114 {dimension_numbers = #tpu.dot_dimension_numbers<[1], [0], [0], [1], [0, 0, 1, 1], [], []>, transpose_lhs_hint = false} : vector<512x209xf32>, vector<209x64xf32>, vector<512x64xf32> -> vector<512x64xf32>
    %broadcast_in_dim3A_116 = vector.shape_cast %get3A_103 : vector<64xf32> to vector<1x64xf32>
    %add3A_117 = vector.broadcast %broadcast_in_dim3A_116 : vector<1x64xf32> to vector<512x64xf32>
    %add3A_118 = arith.addf %dot_general3A_115, %add3A_117 : vector<512x64xf32>
    %logistic3A_119 = arith.negf %add3A_118 : vector<512x64xf32>
    %logistic3A_120 = math.exp %logistic3A_119 : vector<512x64xf32>
    %logistic3A_121 = arith.constant 1.000000e+00 : f32
    %logistic3A_122 = vector.broadcast %logistic3A_121 : f32 to vector<512x64xf32>
    %logistic3A_123 = arith.addf %logistic3A_122, %logistic3A_120 : vector<512x64xf32>
    %logistic3A_124 = arith.divf %logistic3A_122, %logistic3A_123 : vector<512x64xf32>
    %mul3A_125 = arith.mulf %add3A_118, %logistic3A_124 : vector<512x64xf32>
    %dot_general3A_126 = arith.constant dense<0.000000e+00> : vector<512x64xf32>
    %dot_general3A_127 = tpu.matmul %mul3A_125, %get3A_106, %dot_general3A_126 {dimension_numbers = #tpu.dot_dimension_numbers<[1], [0], [0], [1], [0, 0, 1, 1], [], []>, transpose_lhs_hint = false} : vector<512x64xf32>, vector<64x64xf32>, vector<512x64xf32> -> vector<512x64xf32>
    %broadcast_in_dim3A_128 = vector.shape_cast %get3A_108 : vector<64xf32> to vector<1x64xf32>
    %add3A_129 = vector.broadcast %broadcast_in_dim3A_128 : vector<1x64xf32> to vector<512x64xf32>
    %add3A_130 = arith.addf %dot_general3A_127, %add3A_129 : vector<512x64xf32>
    %logistic3A_131 = arith.negf %add3A_130 : vector<512x64xf32>
    %logistic3A_132 = math.exp %logistic3A_131 : vector<512x64xf32>
    %logistic3A_133 = arith.constant 1.000000e+00 : f32
    %logistic3A_134 = vector.broadcast %logistic3A_133 : f32 to vector<512x64xf32>
    %logistic3A_135 = arith.addf %logistic3A_134, %logistic3A_132 : vector<512x64xf32>
    %logistic3A_136 = arith.divf %logistic3A_134, %logistic3A_135 : vector<512x64xf32>
    %mul3A_137 = arith.mulf %add3A_130, %logistic3A_136 : vector<512x64xf32>
    %dot_general3A_138 = arith.constant dense<0.000000e+00> : vector<512x80xf32>
    %dot_general3A_139 = tpu.matmul %mul3A_137, %get3A_111, %dot_general3A_138 {dimension_numbers = #tpu.dot_dimension_numbers<[1], [0], [0], [1], [0, 0, 1, 1], [], []>, transpose_lhs_hint = false} : vector<512x64xf32>, vector<64x80xf32>, vector<512x80xf32> -> vector<512x80xf32>
    %broadcast_in_dim3A_140 = vector.shape_cast %get3A_113 : vector<80xf32> to vector<1x80xf32>
    %add3A_141 = vector.broadcast %broadcast_in_dim3A_140 : vector<1x80xf32> to vector<512x80xf32>
    %add3A_142 = arith.addf %dot_general3A_139, %add3A_141 : vector<512x80xf32>
    %mul3A_143 = arith.constant 3.14159274 : f32
    %mul3A_144 = vector.broadcast %mul3A_143 : f32 to vector<512x1xf32>
    %mul3A_145 = arith.mulf %mul3A_26, %mul3A_144 : vector<512x1xf32>
    %cos3A = math.cos %mul3A_145 : vector<512x1xf32>
    %add3A_146 = arith.constant 1.000000e+00 : f32
    %add3A_147 = vector.broadcast %add3A_146 : f32 to vector<512x1xf32>
    %add3A_148 = arith.addf %cos3A, %add3A_147 : vector<512x1xf32>
    %mul3A_149 = arith.constant 5.000000e-01 : f32
    %mul3A_150 = vector.broadcast %mul3A_149 : f32 to vector<512x1xf32>
    %mul3A_151 = arith.mulf %mul3A_150, %add3A_148 : vector<512x1xf32>
    %mul3A_152 = arith.mulf %mul3A_151, %slice3A : vector<512x1xf32>
    %slice3A_153 = vector.extract_strided_slice %add3A_142 {offsets = [0, 0], sizes = [512, 64], strides = [1, 1]} : vector<512x80xf32> to vector<512x64xf32>
    %mul3A_154 = vector.broadcast %mul3A_152 : vector<512x1xf32> to vector<512x64xf32>
    %mul3A_155 = arith.mulf %slice3A_153, %mul3A_154 : vector<512x64xf32>
    %slice3A_156 = vector.extract_strided_slice %add3A_142 {offsets = [0, 64], sizes = [512, 16], strides = [1, 1]} : vector<512x80xf32> to vector<512x16xf32>
    %mul3A_157 = vector.broadcast %mul3A_152 : vector<512x1xf32> to vector<512x16xf32>
    %mul3A_158 = arith.mulf %slice3A_156, %mul3A_157 : vector<512x16xf32>
    %get3A_159 = arith.constant 0 : index
    %get3A_160 = arith.constant 0 : index
    %get3A_161 = vector.load %arg6[%get3A_159, %get3A_160] : memref<16x48xf32, #tpu.memory_space<vmem>>, vector<16x48xf32>
    %dot_general3A_162 = arith.constant dense<0.000000e+00> : vector<512x48xf32>
    %dot_general3A_163 = tpu.matmul %mul3A_158, %get3A_161, %dot_general3A_162 {dimension_numbers = #tpu.dot_dimension_numbers<[1], [0], [0], [1], [0, 0, 1, 1], [], []>, transpose_lhs_hint = false} : vector<512x16xf32>, vector<16x48xf32>, vector<512x48xf32> -> vector<512x48xf32>
    %swap3A = arith.constant 0 : index
    %swap3A_164 = arith.constant 0 : index
    %swap3A_165 = vector.load %arg19[%swap3A, %swap3A_164] : memref<512x64xf32, #tpu.memory_space<vmem>>, vector<512x64xf32>
    tpu.vector_store %arg19[%swap3A, %swap3A_164], %add3A_73 {strides = array<i32>} : memref<512x64xf32, #tpu.memory_space<vmem>>, vector<512x64xf32>,
    %swap3A_166 = arith.constant 0 : index
    %swap3A_167 = arith.constant 0 : index
    %swap3A_168 = vector.load %arg20[%swap3A_166, %swap3A_167] : memref<512x48xf32, #tpu.memory_space<vmem>>, vector<512x48xf32>
    tpu.vector_store %arg20[%swap3A_166, %swap3A_167], %concatenate3A_89 {strides = array<i32>} : memref<512x48xf32, #tpu.memory_space<vmem>>, vector<512x48xf32>,
    %mul3A_169 = arith.mulf %mul3A_155, %slice3A_8 : vector<512x64xf32>
    %mul3A_170 = arith.mulf %concatenate3A_89, %dot_general3A_163 : vector<512x48xf32>
    %concatenate3A_171 = tpu.concatenate %mul3A_169, %mul3A_170 in 1 : vector<512x64xf32>, vector<512x48xf32> -> vector<512x112xf32>
    %swap3A_172 = arith.constant 0 : index
    %swap3A_173 = arith.constant 0 : index
    %swap3A_174 = vector.load %arg21[%swap3A_172, %swap3A_173] : memref<512x112xf32, #tpu.memory_space<vmem>>, vector<512x112xf32>
    tpu.vector_store %arg21[%swap3A_172, %swap3A_173], %concatenate3A_171 {strides = array<i32>} : memref<512x112xf32, #tpu.memory_space<vmem>>, vector<512x112xf32>,
    %broadcast_in_dim3A_175 = arith.constant 0.000000e+00 : f32
    %broadcast_in_dim3A_176 = vector.broadcast %broadcast_in_dim3A_175 : f32 to vector<512x7xf32>
    %concatenate3A_177 = tpu.concatenate %mul3A_152, %broadcast_in_dim3A_176 in 1 : vector<512x1xf32>, vector<512x7xf32> -> vector<512x8xf32>
    %swap3A_178 = arith.constant 0 : index
    %swap3A_179 = arith.constant 0 : index
    %swap3A_180 = vector.load %arg22[%swap3A_178, %swap3A_179] : memref<512x8xf32, #tpu.memory_space<vmem>>, vector<512x8xf32>
    tpu.vector_store %arg22[%swap3A_178, %swap3A_179], %concatenate3A_177 {strides = array<i32>} : memref<512x8xf32, #tpu.memory_space<vmem>>, vector<512x8xf32>,
    return
  }
  func.func @transform_0(%arg0: i32) -> (i32, i32) {
    %add3A = arith.constant 0 : i32
    %add3A_0 = arith.addi %arg0, %add3A : i32
    %c0_i32 = arith.constant 0 : i32
    %c0_i32_1 = arith.constant 0 : i32
    return %add3A_0, %c0_i32 : i32, i32
  }
  func.func @transform_1(%arg0: i32) -> (i32, i32) {
    %add3A = arith.constant 0 : i32
    %add3A_0 = arith.addi %arg0, %add3A : i32
    %c0_i32 = arith.constant 0 : i32
    %c0_i32_1 = arith.constant 0 : i32
    return %add3A_0, %c0_i32 : i32, i32
  }
  func.func @transform_2(%arg0: i32) -> (i32, i32) {
    %add3A = arith.constant 128 : i32
    %add3A_0 = arith.addi %arg0, %add3A : i32
    %c0_i32 = arith.constant 0 : i32
    %c0_i32_1 = arith.constant 0 : i32
    return %add3A_0, %c0_i32 : i32, i32
  }
  func.func @transform_3(%arg0: i32) -> (i32, i32) {
    %c0_i32 = arith.constant 0 : i32
    %c0_i32_0 = arith.constant 0 : i32
    %c0_i32_1 = arith.constant 0 : i32
    return %c0_i32, %c0_i32_0 : i32, i32
  }
  func.func @transform_4(%arg0: i32) -> (i32, i32) {
    %c0_i32 = arith.constant 0 : i32
    %c0_i32_0 = arith.constant 0 : i32
    %c0_i32_1 = arith.constant 0 : i32
    return %c0_i32, %c0_i32_0 : i32, i32
  }
  func.func @transform_5(%arg0: i32) -> (i32, i32) {
    %c0_i32 = arith.constant 0 : i32
    %c0_i32_0 = arith.constant 0 : i32
    %c0_i32_1 = arith.constant 0 : i32
    return %c0_i32, %c0_i32_0 : i32, i32
  }
  func.func @transform_6(%arg0: i32) -> (i32, i32) {
    %c0_i32 = arith.constant 0 : i32
    %c0_i32_0 = arith.constant 0 : i32
    %c0_i32_1 = arith.constant 0 : i32
    return %c0_i32, %c0_i32_0 : i32, i32
  }
  func.func @transform_7(%arg0: i32) -> i32 {
    %c0_i32 = arith.constant 0 : i32
    %c0_i32_0 = arith.constant 0 : i32
    return %c0_i32 : i32
  }
  func.func @transform_8(%arg0: i32) -> (i32, i32) {
    %c0_i32 = arith.constant 0 : i32
    %c0_i32_0 = arith.constant 0 : i32
    %c0_i32_1 = arith.constant 0 : i32
    return %c0_i32, %c0_i32_0 : i32, i32
  }
  func.func @transform_9(%arg0: i32) -> i32 {
    %c0_i32 = arith.constant 0 : i32
    %c0_i32_0 = arith.constant 0 : i32
    return %c0_i32 : i32
  }
  func.func @transform_10(%arg0: i32) -> (i32, i32) {
    %c0_i32 = arith.constant 0 : i32
    %c0_i32_0 = arith.constant 0 : i32
    %c0_i32_1 = arith.constant 0 : i32
    return %c0_i32, %c0_i32_0 : i32, i32
  }
  func.func @transform_11(%arg0: i32) -> i32 {
    %c0_i32 = arith.constant 0 : i32
    %c0_i32_0 = arith.constant 0 : i32
    return %c0_i32 : i32
  }
  func.func @transform_12(%arg0: i32) -> (i32, i32) {
    %c0_i32 = arith.constant 0 : i32
    %c0_i32_0 = arith.constant 0 : i32
    %c0_i32_1 = arith.constant 0 : i32
    return %c0_i32, %c0_i32_0 : i32, i32
  }
  func.func @transform_13(%arg0: i32) -> i32 {
    %c0_i32 = arith.constant 0 : i32
    %c0_i32_0 = arith.constant 0 : i32
    return %c0_i32 : i32
  }
  func.func @transform_14(%arg0: i32) -> (i32, i32) {
    %c0_i32 = arith.constant 0 : i32
    %c0_i32_0 = arith.constant 0 : i32
    %c0_i32_1 = arith.constant 0 : i32
    return %c0_i32, %c0_i32_0 : i32, i32
  }
  func.func @transform_15(%arg0: i32) -> i32 {
    %c0_i32 = arith.constant 0 : i32
    %c0_i32_0 = arith.constant 0 : i32
    return %c0_i32 : i32
  }
  func.func @transform_16(%arg0: i32) -> (i32, i32) {
    %c0_i32 = arith.constant 0 : i32
    %c0_i32_0 = arith.constant 0 : i32
    %c0_i32_1 = arith.constant 0 : i32
    return %c0_i32, %c0_i32_0 : i32, i32
  }
  func.func @transform_17(%arg0: i32) -> i32 {
    %c0_i32 = arith.constant 0 : i32
    %c0_i32_0 = arith.constant 0 : i32
    return %c0_i32 : i32
  }
  func.func @transform_18(%arg0: i32) -> (i32, i32) {
    %c0_i32 = arith.constant 0 : i32
    %c0_i32_0 = arith.constant 0 : i32
    return %arg0, %c0_i32 : i32, i32
  }
  func.func @transform_19(%arg0: i32) -> (i32, i32) {
    %c0_i32 = arith.constant 0 : i32
    %c0_i32_0 = arith.constant 0 : i32
    return %arg0, %c0_i32 : i32, i32
  }
  func.func @transform_20(%arg0: i32) -> (i32, i32) {
    %c0_i32 = arith.constant 0 : i32
    %c0_i32_0 = arith.constant 0 : i32
    return %arg0, %c0_i32 : i32, i32
  }
  func.func @transform_21(%arg0: i32) -> (i32, i32) {
    %c0_i32 = arith.constant 0 : i32
    %c0_i32_0 = arith.constant 0 : i32
    return %arg0, %c0_i32 : i32, i32
  }
}

module attributes {stable_mosaic.version = 14 : i64} {
  func.func @_pass_b_body(%arg0: i32, %arg1: memref<512x8xf32, #tpu.memory_space<vmem>>, %arg2: memref<512x64xf32, #tpu.memory_space<vmem>>, %arg3: memref<512x48xf32, #tpu.memory_space<vmem>>, %arg4: memref<512x176xf32, #tpu.memory_space<vmem>>, %arg5: memref<512x176xf32, #tpu.memory_space<vmem>>, %arg6: memref<1x1xf32, #tpu.memory_space<vmem>>, %arg7: memref<16x48xf32, #tpu.memory_space<vmem>>, %arg8: memref<144x48xf32, #tpu.memory_space<vmem>>, %arg9: memref<192x64xf32, #tpu.memory_space<vmem>>, %arg10: memref<64xf32, #tpu.memory_space<vmem>>, %arg11: memref<64x64xf32, #tpu.memory_space<vmem>>, %arg12: memref<64xf32, #tpu.memory_space<vmem>>, %arg13: memref<64x64xf32, #tpu.memory_space<vmem>>, %arg14: memref<64xf32, #tpu.memory_space<vmem>>, %arg15: memref<289x64xf32, #tpu.memory_space<vmem>>, %arg16: memref<64xf32, #tpu.memory_space<vmem>>, %arg17: memref<64x64xf32, #tpu.memory_space<vmem>>, %arg18: memref<64xf32, #tpu.memory_space<vmem>>, %arg19: memref<64x64xf32, #tpu.memory_space<vmem>>, %arg20: memref<64xf32, #tpu.memory_space<vmem>>, %arg21: memref<512x64xf32, #tpu.memory_space<vmem>>) attributes {dimension_semantics = [#tpu.dimension_semantics<arbitrary>], iteration_bounds = array<i64: 128>, scalar_prefetch = 0 : i64, scratch_operands = 0 : i64, tpu.core_type = #tpu.core_type<tc>, window_params = [{transform_indices = @transform_0, window_bounds = array<i64: 512, 8>}, {transform_indices = @transform_1, window_bounds = array<i64: 512, 64>}, {transform_indices = @transform_2, window_bounds = array<i64: 512, 48>}, {transform_indices = @transform_3, window_bounds = array<i64: 512, 176>}, {transform_indices = @transform_4, window_bounds = array<i64: 512, 176>}, {pipeline_mode = #tpu.pipeline_mode<synchronous>, transform_indices = @transform_5, window_bounds = array<i64: 1, 1>}, {pipeline_mode = #tpu.pipeline_mode<synchronous>, transform_indices = @transform_6, window_bounds = array<i64: 16, 48>}, {pipeline_mode = #tpu.pipeline_mode<synchronous>, transform_indices = @transform_7, window_bounds = array<i64: 144, 48>}, {pipeline_mode = #tpu.pipeline_mode<synchronous>, transform_indices = @transform_8, window_bounds = array<i64: 192, 64>}, {pipeline_mode = #tpu.pipeline_mode<synchronous>, transform_indices = @transform_9, window_bounds = array<i64: 64>}, {pipeline_mode = #tpu.pipeline_mode<synchronous>, transform_indices = @transform_10, window_bounds = array<i64: 64, 64>}, {pipeline_mode = #tpu.pipeline_mode<synchronous>, transform_indices = @transform_11, window_bounds = array<i64: 64>}, {pipeline_mode = #tpu.pipeline_mode<synchronous>, transform_indices = @transform_12, window_bounds = array<i64: 64, 64>}, {pipeline_mode = #tpu.pipeline_mode<synchronous>, transform_indices = @transform_13, window_bounds = array<i64: 64>}, {pipeline_mode = #tpu.pipeline_mode<synchronous>, transform_indices = @transform_14, window_bounds = array<i64: 289, 64>}, {pipeline_mode = #tpu.pipeline_mode<synchronous>, transform_indices = @transform_15, window_bounds = array<i64: 64>}, {pipeline_mode = #tpu.pipeline_mode<synchronous>, transform_indices = @transform_16, window_bounds = array<i64: 64, 64>}, {pipeline_mode = #tpu.pipeline_mode<synchronous>, transform_indices = @transform_17, window_bounds = array<i64: 64>}, {pipeline_mode = #tpu.pipeline_mode<synchronous>, transform_indices = @transform_18, window_bounds = array<i64: 64, 64>}, {pipeline_mode = #tpu.pipeline_mode<synchronous>, transform_indices = @transform_19, window_bounds = array<i64: 64>}, {transform_indices = @transform_20, window_bounds = array<i64: 512, 64>}]} {
    %get3A = arith.constant 0 : index
    %get3A_0 = arith.constant 0 : index
    %get3A_1 = vector.load %arg1[%get3A, %get3A_0] : memref<512x8xf32, #tpu.memory_space<vmem>>, vector<512x8xf32>
    %slice3A = vector.extract_strided_slice %get3A_1 {offsets = [0, 0], sizes = [512, 1], strides = [1, 1]} : vector<512x8xf32> to vector<512x1xf32>
    %get3A_2 = arith.constant 0 : index
    %get3A_3 = arith.constant 0 : index
    %get3A_4 = vector.load %arg2[%get3A_2, %get3A_3] : memref<512x64xf32, #tpu.memory_space<vmem>>, vector<512x64xf32>
    %get3A_5 = arith.constant 0 : index
    %get3A_6 = arith.constant 0 : index
    %get3A_7 = vector.load %arg3[%get3A_5, %get3A_6] : memref<512x48xf32, #tpu.memory_space<vmem>>, vector<512x48xf32>
    %get3A_8 = arith.constant 0 : index
    %get3A_9 = arith.constant 0 : index
    %get3A_10 = vector.load %arg4[%get3A_8, %get3A_9] : memref<512x176xf32, #tpu.memory_space<vmem>>, vector<512x176xf32>
    %get3A_11 = arith.constant 0 : index
    %get3A_12 = arith.constant 0 : index
    %get3A_13 = vector.load %arg5[%get3A_11, %get3A_12] : memref<512x176xf32, #tpu.memory_space<vmem>>, vector<512x176xf32>
    %slice3A_14 = vector.extract_strided_slice %get3A_10 {offsets = [0, 0], sizes = [512, 64], strides = [1, 1]} : vector<512x176xf32> to vector<512x64xf32>
    %slice3A_15 = vector.extract_strided_slice %get3A_10 {offsets = [0, 64], sizes = [512, 64], strides = [1, 1]} : vector<512x176xf32> to vector<512x64xf32>
    %slice3A_16 = vector.extract_strided_slice %get3A_10 {offsets = [0, 128], sizes = [512, 48], strides = [1, 1]} : vector<512x176xf32> to vector<512x48xf32>
    %slice3A_17 = vector.extract_strided_slice %get3A_13 {offsets = [0, 0], sizes = [512, 64], strides = [1, 1]} : vector<512x176xf32> to vector<512x64xf32>
    %slice3A_18 = vector.extract_strided_slice %get3A_13 {offsets = [0, 64], sizes = [512, 64], strides = [1, 1]} : vector<512x176xf32> to vector<512x64xf32>
    %slice3A_19 = vector.extract_strided_slice %get3A_13 {offsets = [0, 128], sizes = [512, 48], strides = [1, 1]} : vector<512x176xf32> to vector<512x48xf32>
    %get3A_20 = arith.constant 0 : index
    %get3A_21 = arith.constant 0 : index
    %get3A_22 = vector.load %arg6[%get3A_20, %get3A_21] : memref<1x1xf32, #tpu.memory_space<vmem>>, vector<1x1xf32>
    %get3A_23 = vector.extract %get3A_22[0, 0] : f32 from vector<1x1xf32>
    %broadcast_in_dim3A = vector.broadcast %get3A_23 : f32 to vector<512x1xf32>
    %concatenate3A = tpu.concatenate %get3A_4, %slice3A_14, %slice3A_17 in 1 : vector<512x64xf32>, vector<512x64xf32>, vector<512x64xf32> -> vector<512x192xf32>
    %get3A_24 = arith.constant 0 : index
    %get3A_25 = arith.constant 0 : index
    %get3A_26 = vector.load %arg9[%get3A_24, %get3A_25] : memref<192x64xf32, #tpu.memory_space<vmem>>, vector<192x64xf32>
    %get3A_27 = arith.constant 0 : index
    %get3A_28 = vector.load %arg10[%get3A_27] : memref<64xf32, #tpu.memory_space<vmem>>, vector<64xf32>
    %get3A_29 = arith.constant 0 : index
    %get3A_30 = arith.constant 0 : index
    %get3A_31 = vector.load %arg11[%get3A_29, %get3A_30] : memref<64x64xf32, #tpu.memory_space<vmem>>, vector<64x64xf32>
    %get3A_32 = arith.constant 0 : index
    %get3A_33 = vector.load %arg12[%get3A_32] : memref<64xf32, #tpu.memory_space<vmem>>, vector<64xf32>
    %get3A_34 = arith.constant 0 : index
    %get3A_35 = arith.constant 0 : index
    %get3A_36 = vector.load %arg13[%get3A_34, %get3A_35] : memref<64x64xf32, #tpu.memory_space<vmem>>, vector<64x64xf32>
    %get3A_37 = arith.constant 0 : index
    %get3A_38 = vector.load %arg14[%get3A_37] : memref<64xf32, #tpu.memory_space<vmem>>, vector<64xf32>
    %dot_general3A = arith.constant dense<0.000000e+00> : vector<512x64xf32>
    %dot_general3A_39 = tpu.matmul %concatenate3A, %get3A_26, %dot_general3A {dimension_numbers = #tpu.dot_dimension_numbers<[1], [0], [0], [1], [0, 0, 1, 1], [], []>, transpose_lhs_hint = false} : vector<512x192xf32>, vector<192x64xf32>, vector<512x64xf32> -> vector<512x64xf32>
    %broadcast_in_dim3A_40 = vector.shape_cast %get3A_28 : vector<64xf32> to vector<1x64xf32>
    %add3A = vector.broadcast %broadcast_in_dim3A_40 : vector<1x64xf32> to vector<512x64xf32>
    %add3A_41 = arith.addf %dot_general3A_39, %add3A : vector<512x64xf32>
    %logistic3A = arith.negf %add3A_41 : vector<512x64xf32>
    %logistic3A_42 = math.exp %logistic3A : vector<512x64xf32>
    %logistic3A_43 = arith.constant 1.000000e+00 : f32
    %logistic3A_44 = vector.broadcast %logistic3A_43 : f32 to vector<512x64xf32>
    %logistic3A_45 = arith.addf %logistic3A_44, %logistic3A_42 : vector<512x64xf32>
    %logistic3A_46 = arith.divf %logistic3A_44, %logistic3A_45 : vector<512x64xf32>
    %mul3A = arith.mulf %add3A_41, %logistic3A_46 : vector<512x64xf32>
    %dot_general3A_47 = arith.constant dense<0.000000e+00> : vector<512x64xf32>
    %dot_general3A_48 = tpu.matmul %mul3A, %get3A_31, %dot_general3A_47 {dimension_numbers = #tpu.dot_dimension_numbers<[1], [0], [0], [1], [0, 0, 1, 1], [], []>, transpose_lhs_hint = false} : vector<512x64xf32>, vector<64x64xf32>, vector<512x64xf32> -> vector<512x64xf32>
    %broadcast_in_dim3A_49 = vector.shape_cast %get3A_33 : vector<64xf32> to vector<1x64xf32>
    %add3A_50 = vector.broadcast %broadcast_in_dim3A_49 : vector<1x64xf32> to vector<512x64xf32>
    %add3A_51 = arith.addf %dot_general3A_48, %add3A_50 : vector<512x64xf32>
    %logistic3A_52 = arith.negf %add3A_51 : vector<512x64xf32>
    %logistic3A_53 = math.exp %logistic3A_52 : vector<512x64xf32>
    %logistic3A_54 = arith.constant 1.000000e+00 : f32
    %logistic3A_55 = vector.broadcast %logistic3A_54 : f32 to vector<512x64xf32>
    %logistic3A_56 = arith.addf %logistic3A_55, %logistic3A_53 : vector<512x64xf32>
    %logistic3A_57 = arith.divf %logistic3A_55, %logistic3A_56 : vector<512x64xf32>
    %mul3A_58 = arith.mulf %add3A_51, %logistic3A_57 : vector<512x64xf32>
    %dot_general3A_59 = arith.constant dense<0.000000e+00> : vector<512x64xf32>
    %dot_general3A_60 = tpu.matmul %mul3A_58, %get3A_36, %dot_general3A_59 {dimension_numbers = #tpu.dot_dimension_numbers<[1], [0], [0], [1], [0, 0, 1, 1], [], []>, transpose_lhs_hint = false} : vector<512x64xf32>, vector<64x64xf32>, vector<512x64xf32> -> vector<512x64xf32>
    %broadcast_in_dim3A_61 = vector.shape_cast %get3A_38 : vector<64xf32> to vector<1x64xf32>
    %add3A_62 = vector.broadcast %broadcast_in_dim3A_61 : vector<1x64xf32> to vector<512x64xf32>
    %add3A_63 = arith.addf %dot_general3A_60, %add3A_62 : vector<512x64xf32>
    %add3A_64 = arith.addf %get3A_4, %add3A_63 : vector<512x64xf32>
    %concatenate3A_65 = tpu.concatenate %get3A_7, %slice3A_16, %slice3A_19 in 1 : vector<512x48xf32>, vector<512x48xf32>, vector<512x48xf32> -> vector<512x144xf32>
    %get3A_66 = arith.constant 0 : index
    %get3A_67 = arith.constant 0 : index
    %get3A_68 = vector.load %arg8[%get3A_66, %get3A_67] : memref<144x48xf32, #tpu.memory_space<vmem>>, vector<144x48xf32>
    %dot_general3A_69 = arith.constant dense<0.000000e+00> : vector<512x48xf32>
    %dot_general3A_70 = tpu.matmul %concatenate3A_65, %get3A_68, %dot_general3A_69 {dimension_numbers = #tpu.dot_dimension_numbers<[1], [0], [0], [1], [0, 0, 1, 1], [], []>, transpose_lhs_hint = false} : vector<512x144xf32>, vector<144x48xf32>, vector<512x48xf32> -> vector<512x48xf32>
    %add3A_71 = arith.addf %get3A_7, %dot_general3A_70 : vector<512x48xf32>
    %get3A_72 = arith.constant 0 : index
    %get3A_73 = arith.constant 0 : index
    %get3A_74 = vector.load %arg7[%get3A_72, %get3A_73] : memref<16x48xf32, #tpu.memory_space<vmem>>, vector<16x48xf32>
    %transpose3A = tpu.transpose %get3A_74, [1, 0] : vector<16x48xf32> -> vector<48x16xf32>
    %mul3A_75 = arith.mulf %slice3A_19, %add3A_71 : vector<512x48xf32>
    %dot_general3A_76 = arith.constant dense<0.000000e+00> : vector<512x16xf32>
    %dot_general3A_77 = tpu.matmul %mul3A_75, %transpose3A, %dot_general3A_76 {dimension_numbers = #tpu.dot_dimension_numbers<[1], [0], [0], [1], [0, 0, 1, 1], [], []>, transpose_lhs_hint = false} : vector<512x48xf32>, vector<48x16xf32>, vector<512x16xf32> -> vector<512x16xf32>
    %mul3A_78 = arith.mulf %slice3A_16, %add3A_71 : vector<512x48xf32>
    %dot_general3A_79 = arith.constant dense<0.000000e+00> : vector<512x16xf32>
    %dot_general3A_80 = tpu.matmul %mul3A_78, %transpose3A, %dot_general3A_79 {dimension_numbers = #tpu.dot_dimension_numbers<[1], [0], [0], [1], [0, 0, 1, 1], [], []>, transpose_lhs_hint = false} : vector<512x48xf32>, vector<48x16xf32>, vector<512x16xf32> -> vector<512x16xf32>
    %mul3A_81 = arith.mulf %slice3A_16, %slice3A_19 : vector<512x48xf32>
    %dot_general3A_82 = arith.constant dense<0.000000e+00> : vector<512x16xf32>
    %dot_general3A_83 = tpu.matmul %mul3A_81, %transpose3A, %dot_general3A_82 {dimension_numbers = #tpu.dot_dimension_numbers<[1], [0], [0], [1], [0, 0, 1, 1], [], []>, transpose_lhs_hint = false} : vector<512x48xf32>, vector<48x16xf32>, vector<512x16xf32> -> vector<512x16xf32>
    %mul3A_84 = arith.mulf %slice3A_16, %slice3A_16 : vector<512x48xf32>
    %dot_general3A_85 = arith.constant dense<0.000000e+00> : vector<512x16xf32>
    %dot_general3A_86 = tpu.matmul %mul3A_84, %transpose3A, %dot_general3A_85 {dimension_numbers = #tpu.dot_dimension_numbers<[1], [0], [0], [1], [0, 0, 1, 1], [], []>, transpose_lhs_hint = false} : vector<512x48xf32>, vector<48x16xf32>, vector<512x16xf32> -> vector<512x16xf32>
    %mul3A_87 = arith.mulf %slice3A_19, %slice3A_19 : vector<512x48xf32>
    %dot_general3A_88 = arith.constant dense<0.000000e+00> : vector<512x16xf32>
    %dot_general3A_89 = tpu.matmul %mul3A_87, %transpose3A, %dot_general3A_88 {dimension_numbers = #tpu.dot_dimension_numbers<[1], [0], [0], [1], [0, 0, 1, 1], [], []>, transpose_lhs_hint = false} : vector<512x48xf32>, vector<48x16xf32>, vector<512x16xf32> -> vector<512x16xf32>
    %mul3A_90 = arith.mulf %add3A_71, %add3A_71 : vector<512x48xf32>
    %dot_general3A_91 = arith.constant dense<0.000000e+00> : vector<512x16xf32>
    %dot_general3A_92 = tpu.matmul %mul3A_90, %transpose3A, %dot_general3A_91 {dimension_numbers = #tpu.dot_dimension_numbers<[1], [0], [0], [1], [0, 0, 1, 1], [], []>, transpose_lhs_hint = false} : vector<512x48xf32>, vector<48x16xf32>, vector<512x16xf32> -> vector<512x16xf32>
    %concatenate3A_93 = tpu.concatenate %dot_general3A_77, %dot_general3A_80, %dot_general3A_83, %dot_general3A_86, %dot_general3A_89, %dot_general3A_92, %slice3A_15, %slice3A_18, %add3A_64, %broadcast_in_dim3A in 1 : vector<512x16xf32>, vector<512x16xf32>, vector<512x16xf32>, vector<512x16xf32>, vector<512x16xf32>, vector<512x16xf32>, vector<512x64xf32>, vector<512x64xf32>, vector<512x64xf32>, vector<512x1xf32> -> vector<512x289xf32>
    %get3A_94 = arith.constant 0 : index
    %get3A_95 = arith.constant 0 : index
    %get3A_96 = vector.load %arg15[%get3A_94, %get3A_95] : memref<289x64xf32, #tpu.memory_space<vmem>>, vector<289x64xf32>
    %get3A_97 = arith.constant 0 : index
    %get3A_98 = vector.load %arg16[%get3A_97] : memref<64xf32, #tpu.memory_space<vmem>>, vector<64xf32>
    %get3A_99 = arith.constant 0 : index
    %get3A_100 = arith.constant 0 : index
    %get3A_101 = vector.load %arg17[%get3A_99, %get3A_100] : memref<64x64xf32, #tpu.memory_space<vmem>>, vector<64x64xf32>
    %get3A_102 = arith.constant 0 : index
    %get3A_103 = vector.load %arg18[%get3A_102] : memref<64xf32, #tpu.memory_space<vmem>>, vector<64xf32>
    %get3A_104 = arith.constant 0 : index
    %get3A_105 = arith.constant 0 : index
    %get3A_106 = vector.load %arg19[%get3A_104, %get3A_105] : memref<64x64xf32, #tpu.memory_space<vmem>>, vector<64x64xf32>
    %get3A_107 = arith.constant 0 : index
    %get3A_108 = vector.load %arg20[%get3A_107] : memref<64xf32, #tpu.memory_space<vmem>>, vector<64xf32>
    %dot_general3A_109 = arith.constant dense<0.000000e+00> : vector<512x64xf32>
    %dot_general3A_110 = tpu.matmul %concatenate3A_93, %get3A_96, %dot_general3A_109 {dimension_numbers = #tpu.dot_dimension_numbers<[1], [0], [0], [1], [0, 0, 1, 1], [], []>, transpose_lhs_hint = false} : vector<512x289xf32>, vector<289x64xf32>, vector<512x64xf32> -> vector<512x64xf32>
    %broadcast_in_dim3A_111 = vector.shape_cast %get3A_98 : vector<64xf32> to vector<1x64xf32>
    %add3A_112 = vector.broadcast %broadcast_in_dim3A_111 : vector<1x64xf32> to vector<512x64xf32>
    %add3A_113 = arith.addf %dot_general3A_110, %add3A_112 : vector<512x64xf32>
    %logistic3A_114 = arith.negf %add3A_113 : vector<512x64xf32>
    %logistic3A_115 = math.exp %logistic3A_114 : vector<512x64xf32>
    %logistic3A_116 = arith.constant 1.000000e+00 : f32
    %logistic3A_117 = vector.broadcast %logistic3A_116 : f32 to vector<512x64xf32>
    %logistic3A_118 = arith.addf %logistic3A_117, %logistic3A_115 : vector<512x64xf32>
    %logistic3A_119 = arith.divf %logistic3A_117, %logistic3A_118 : vector<512x64xf32>
    %mul3A_120 = arith.mulf %add3A_113, %logistic3A_119 : vector<512x64xf32>
    %dot_general3A_121 = arith.constant dense<0.000000e+00> : vector<512x64xf32>
    %dot_general3A_122 = tpu.matmul %mul3A_120, %get3A_101, %dot_general3A_121 {dimension_numbers = #tpu.dot_dimension_numbers<[1], [0], [0], [1], [0, 0, 1, 1], [], []>, transpose_lhs_hint = false} : vector<512x64xf32>, vector<64x64xf32>, vector<512x64xf32> -> vector<512x64xf32>
    %broadcast_in_dim3A_123 = vector.shape_cast %get3A_103 : vector<64xf32> to vector<1x64xf32>
    %add3A_124 = vector.broadcast %broadcast_in_dim3A_123 : vector<1x64xf32> to vector<512x64xf32>
    %add3A_125 = arith.addf %dot_general3A_122, %add3A_124 : vector<512x64xf32>
    %logistic3A_126 = arith.negf %add3A_125 : vector<512x64xf32>
    %logistic3A_127 = math.exp %logistic3A_126 : vector<512x64xf32>
    %logistic3A_128 = arith.constant 1.000000e+00 : f32
    %logistic3A_129 = vector.broadcast %logistic3A_128 : f32 to vector<512x64xf32>
    %logistic3A_130 = arith.addf %logistic3A_129, %logistic3A_127 : vector<512x64xf32>
    %logistic3A_131 = arith.divf %logistic3A_129, %logistic3A_130 : vector<512x64xf32>
    %mul3A_132 = arith.mulf %add3A_125, %logistic3A_131 : vector<512x64xf32>
    %dot_general3A_133 = arith.constant dense<0.000000e+00> : vector<512x64xf32>
    %dot_general3A_134 = tpu.matmul %mul3A_132, %get3A_106, %dot_general3A_133 {dimension_numbers = #tpu.dot_dimension_numbers<[1], [0], [0], [1], [0, 0, 1, 1], [], []>, transpose_lhs_hint = false} : vector<512x64xf32>, vector<64x64xf32>, vector<512x64xf32> -> vector<512x64xf32>
    %broadcast_in_dim3A_135 = vector.shape_cast %get3A_108 : vector<64xf32> to vector<1x64xf32>
    %add3A_136 = vector.broadcast %broadcast_in_dim3A_135 : vector<1x64xf32> to vector<512x64xf32>
    %add3A_137 = arith.addf %dot_general3A_134, %add3A_136 : vector<512x64xf32>
    %mul3A_138 = vector.broadcast %slice3A : vector<512x1xf32> to vector<512x64xf32>
    %mul3A_139 = arith.mulf %add3A_137, %mul3A_138 : vector<512x64xf32>
    %mul3A_140 = arith.mulf %mul3A_139, %slice3A_15 : vector<512x64xf32>
    %swap3A = arith.constant 0 : index
    %swap3A_141 = arith.constant 0 : index
    %swap3A_142 = vector.load %arg21[%swap3A, %swap3A_141] : memref<512x64xf32, #tpu.memory_space<vmem>>, vector<512x64xf32>
    tpu.vector_store %arg21[%swap3A, %swap3A_141], %mul3A_140 {strides = array<i32>} : memref<512x64xf32, #tpu.memory_space<vmem>>, vector<512x64xf32>,
    return
  }
  func.func @transform_0(%arg0: i32) -> (i32, i32) {
    %add3A = arith.constant 0 : i32
    %add3A_0 = arith.addi %arg0, %add3A : i32
    %c0_i32 = arith.constant 0 : i32
    %c0_i32_1 = arith.constant 0 : i32
    return %add3A_0, %c0_i32 : i32, i32
  }
  func.func @transform_1(%arg0: i32) -> (i32, i32) {
    %add3A = arith.constant 0 : i32
    %add3A_0 = arith.addi %arg0, %add3A : i32
    %c0_i32 = arith.constant 0 : i32
    %c0_i32_1 = arith.constant 0 : i32
    return %add3A_0, %c0_i32 : i32, i32
  }
  func.func @transform_2(%arg0: i32) -> (i32, i32) {
    %add3A = arith.constant 0 : i32
    %add3A_0 = arith.addi %arg0, %add3A : i32
    %c0_i32 = arith.constant 0 : i32
    %c0_i32_1 = arith.constant 0 : i32
    return %add3A_0, %c0_i32 : i32, i32
  }
  func.func @transform_3(%arg0: i32) -> (i32, i32) {
    %add3A = arith.constant 0 : i32
    %add3A_0 = arith.addi %arg0, %add3A : i32
    %c0_i32 = arith.constant 0 : i32
    %c0_i32_1 = arith.constant 0 : i32
    return %add3A_0, %c0_i32 : i32, i32
  }
  func.func @transform_4(%arg0: i32) -> (i32, i32) {
    %add3A = arith.constant 128 : i32
    %add3A_0 = arith.addi %arg0, %add3A : i32
    %c0_i32 = arith.constant 0 : i32
    %c0_i32_1 = arith.constant 0 : i32
    return %add3A_0, %c0_i32 : i32, i32
  }
  func.func @transform_5(%arg0: i32) -> (i32, i32) {
    %c0_i32 = arith.constant 0 : i32
    %c0_i32_0 = arith.constant 0 : i32
    %c0_i32_1 = arith.constant 0 : i32
    return %c0_i32, %c0_i32_0 : i32, i32
  }
  func.func @transform_6(%arg0: i32) -> (i32, i32) {
    %c0_i32 = arith.constant 0 : i32
    %c0_i32_0 = arith.constant 0 : i32
    %c0_i32_1 = arith.constant 0 : i32
    return %c0_i32, %c0_i32_0 : i32, i32
  }
  func.func @transform_7(%arg0: i32) -> (i32, i32) {
    %c0_i32 = arith.constant 0 : i32
    %c0_i32_0 = arith.constant 0 : i32
    %c0_i32_1 = arith.constant 0 : i32
    return %c0_i32, %c0_i32_0 : i32, i32
  }
  func.func @transform_8(%arg0: i32) -> (i32, i32) {
    %c0_i32 = arith.constant 0 : i32
    %c0_i32_0 = arith.constant 0 : i32
    %c0_i32_1 = arith.constant 0 : i32
    return %c0_i32, %c0_i32_0 : i32, i32
  }
  func.func @transform_9(%arg0: i32) -> i32 {
    %c0_i32 = arith.constant 0 : i32
    %c0_i32_0 = arith.constant 0 : i32
    return %c0_i32 : i32
  }
  func.func @transform_10(%arg0: i32) -> (i32, i32) {
    %c0_i32 = arith.constant 0 : i32
    %c0_i32_0 = arith.constant 0 : i32
    %c0_i32_1 = arith.constant 0 : i32
    return %c0_i32, %c0_i32_0 : i32, i32
  }
  func.func @transform_11(%arg0: i32) -> i32 {
    %c0_i32 = arith.constant 0 : i32
    %c0_i32_0 = arith.constant 0 : i32
    return %c0_i32 : i32
  }
  func.func @transform_12(%arg0: i32) -> (i32, i32) {
    %c0_i32 = arith.constant 0 : i32
    %c0_i32_0 = arith.constant 0 : i32
    %c0_i32_1 = arith.constant 0 : i32
    return %c0_i32, %c0_i32_0 : i32, i32
  }
  func.func @transform_13(%arg0: i32) -> i32 {
    %c0_i32 = arith.constant 0 : i32
    %c0_i32_0 = arith.constant 0 : i32
    return %c0_i32 : i32
  }
  func.func @transform_14(%arg0: i32) -> (i32, i32) {
    %c0_i32 = arith.constant 0 : i32
    %c0_i32_0 = arith.constant 0 : i32
    %c0_i32_1 = arith.constant 0 : i32
    return %c0_i32, %c0_i32_0 : i32, i32
  }
  func.func @transform_15(%arg0: i32) -> i32 {
    %c0_i32 = arith.constant 0 : i32
    %c0_i32_0 = arith.constant 0 : i32
    return %c0_i32 : i32
  }
  func.func @transform_16(%arg0: i32) -> (i32, i32) {
    %c0_i32 = arith.constant 0 : i32
    %c0_i32_0 = arith.constant 0 : i32
    %c0_i32_1 = arith.constant 0 : i32
    return %c0_i32, %c0_i32_0 : i32, i32
  }
  func.func @transform_17(%arg0: i32) -> i32 {
    %c0_i32 = arith.constant 0 : i32
    %c0_i32_0 = arith.constant 0 : i32
    return %c0_i32 : i32
  }
  func.func @transform_18(%arg0: i32) -> (i32, i32) {
    %c0_i32 = arith.constant 0 : i32
    %c0_i32_0 = arith.constant 0 : i32
    %c0_i32_1 = arith.constant 0 : i32
    return %c0_i32, %c0_i32_0 : i32, i32
  }
  func.func @transform_19(%arg0: i32) -> i32 {
    %c0_i32 = arith.constant 0 : i32
    %c0_i32_0 = arith.constant 0 : i32
    return %c0_i32 : i32
  }
  func.func @transform_20(%arg0: i32) -> (i32, i32) {
    %c0_i32 = arith.constant 0 : i32
    %c0_i32_0 = arith.constant 0 : i32
    return %arg0, %c0_i32 : i32, i32
  }
}

</mosaic_0001>

<sc_bundles>
// kernel: kernel.12.cloned.1.call-start
scs
__scs_entry_jumppad:
0x0: {  	(pc) =	sbr.rel $0x88, $3  }
0x1: {  	(tag) =	ssettag $0x0;
	lr =	simm.s32 $0x1  }
0x2: {  	[smem:$0x3F77] =	sst lr;
	_ =	strace $0xD0000000  }
0x3: {  	_ = 	snop  }
0x4: {  	_ = 	snop  }
0x5: {  	_ = 	snop  }
0x6: {  	_ = 	snop  }
0x7: {  	_ = 	snop  }
__scs_overlays_trampoline_lowered:
0x8: {  	[smem:$0x3F86] =	sst s0  }
0x9: {  	[smem:$0x3F87] =	sst s1  }
0xa: {  	[smem:$0x3F88] =	sst s2  }
0xb: {  	[smem:$0x3F89] =	sst s3  }
0xc: {  	[smem:$0x3F8A] =	sst s4  }
0xd: {  	[smem:$0x3F8B] =	sst s5  }
0xe: {  	[smem:$0x3F8C] =	sst s6  }
0xf: {  	[smem:$0x3F8D] =	sst s7  }
0x10: {  	[smem:$0x3F8E] =	sst s8  }
0x11: {  	[smem:$0x3F8F] =	sst s9;
	s0 =	simm.s32 @!p0 $0x0  }
0x12: {  	s1 =	sld [smem:$0x3F75];
	s0 =	simm.s32 @p0 $0x1  }
0x13: {  	[smem:$0x3F90] =	sst s0;
	s0 =	simm.s32 @!p1 $0x0  }
0x14: {  	s2 =	sld [smem:$0x3F74];
	s0 =	simm.s32 @p1 $0x1  }
0x15: {  	[smem:$0x3F91] =	sst s0;
	s0 =	simm.s32 @!p2 $0x0  }
0x16: {  	s3 =	sld [smem:$0x3FDB];
	s0 =	simm.s32 @p2 $0x1  }
0x17: {  	s4 =	simm.s32 $0x1BF5;
	[smem:$0x3F93] =	sst s0  }
0x18: {  	s0 =	sld [smem:$0x3F76];
	_ =	swait.ge [sflag:s4], $0x0  }
0x19: {  	s7 =	sld [smem:$0x3F77]  }
0x1a: {  	s8 =	sadd.s32 $0xFFFFE003, lr  }
0x1b: {  	s9 =	sadd.s32 $0xFFFFFEF7, lr;
	s5 =	simm.s32 $0xFFFFFFFF;
	p2 =	slt.u32 s8, $0xFFFFF086  }
0x1c: {  	p1 =	slt.u32 s9, $0xF7A;
	s5 =	simm.s32 @!p2 $0x0  }
0x1d: {  	s5 =	simm.s32 @p1 $0x1;
	p0 =	seq.s32 s7, s2  }
0x1e: {  	s7 =	smul.u32 @!p0 $0xF7A, s2;
	p2 =	seq.s32 @!p0 s5, $0x0  }
0x1f: {  	s9 =	smul.u32 $0xF7A, s1;
	s8 =	simm.s32 @!p0 $0x1BF5;
	p2 =	por !p2, p0  }
0x20: {  	[sflag:s8] =	ssyncset.s32 @!p0 $0xFFFFF086;
	s6 =	sadd.s32 @!p0 s3, s7;
	s7 =	simm.s32 @!p0 $0x108  }
0x21: {  	s3 =	sadd.s32 s3, s9;
	s6 =	sadd.s32 @!p0 $0x88, s6;
	s7 =	simm.s32 @p2 $0x1082  }
0x22: {  	[simem:s7], [sflag:s8] =	dma.local @!p0 [hbm:s6], $0xF7A  }
0x23: {  	s9 =	sor.u32 $0xD0000000, s2;
	s6 =	simm.s32 $0x108;
	_ =	swait.ge @!p0 [sflag:s8], $0x0  }
0x24: {  	s3 =	sadd.s32 $0x88, s3;
	s6 =	simm.s32 @!p1 $0x1082;
	[sflag:s4] =	ssyncset.s32 $0xFFFFF086  }
0x25: {  	[simem:s6], [sflag:s4] =	dma.local [hbm:s3], $0xF7A  }
0x26: {  	[smem:$0x3F77] =	sst s1;
	(tag) =	ssettag s2;
	_ =	strace s9  }
0x27: {  	s1 =	sld [smem:$0x3F87]  }
0x28: {  	s2 =	sld [smem:$0x3F88]  }
0x29: {  	s4 =	sld [smem:$0x3F8A]  }
0x2a: {  	p0 =	seq.s32 s5, $0x0;
	s5 =	sld [smem:$0x3F8B]  }
0x2b: {  	s6 =	sld [smem:$0x3F8C]  }
0x2c: {  	s7 =	sld [smem:$0x3F8D]  }
0x2d: {  	s3 =	simm.s32 $0x108;
	s8 =	sld [smem:$0x3F8E]  }
0x2e: {  	s3 =	simm.s32 @!p0 $0x1082;
	s9 =	sld [smem:$0x3F8F]  }
0x2f: {  	lr =	sadd.s32 s0, s3;
	s0 =	sld [smem:$0x3F86]  }
0x30: {  	s3 =	sld [smem:$0x3F89]  }
0x31: {  	[smem:$0x3F92] =	sst s10  }
0x32: {  	s10 =	sld [smem:$0x3F90];
	_ =	sdelay $0x3  }
0x33: {  	p0 =	seq.s32 s10, $0x1;
	s10 =	sld [smem:$0x3F92];
	_ =	sdelay $0x3  }
0x34: {  	[smem:$0x3F92] =	sst s10  }
0x35: {  	s10 =	sld [smem:$0x3F91];
	_ =	sdelay $0x3  }
0x36: {  	p1 =	seq.s32 s10, $0x1;
	s10 =	sld [smem:$0x3F92];
	_ =	sdelay $0x3  }
0x37: {  	[smem:$0x3F92] =	sst s10  }
0x38: {  	s10 =	sld [smem:$0x3F93]  }
0x39: {  	_ = 	snop;
	(pc) =	sbr.ind lr, $3  }
0x3a: {  	_ = 	snop  }
0x3b: {  	_ = 	snop  }
0x3c: {  	p2 =	seq.s32 s10, $0x1;
	s10 =	sld [smem:$0x3F92]  }
0x3d: {  	_ =	shalt  }
0x3e: {  	_ =	shalt  }
0x3f: {  	_ =	shalt  }
0x40: {  	_ =	shalt  }
0x41: {  	_ =	shalt  }
0x42: {  	_ =	shalt  }
0x43: {  	_ =	shalt  }
0x44: {  	_ =	shalt  }
0x45: {  	_ =	shalt  }
0x46: {  	_ =	shalt  }
0x47: {  	_ =	shalt  }
0x48: {  	_ =	shalt  }
0x49: {  	_ =	shalt  }
0x4a: {  	_ =	shalt  }
0x4b: {  	_ =	shalt  }
0x4c: {  	_ =	shalt  }
0x4d: {  	_ =	shalt  }
0x4e: {  	_ =	shalt  }
0x4f: {  	_ =	shalt  }
0x50: {  	_ =	shalt  }
0x51: {  	_ =	shalt  }
0x52: {  	_ =	shalt  }
0x53: {  	_ =	shalt  }
0x54: {  	_ =	shalt  }
0x55: {  	_ =	shalt  }
0x56: {  	_ =	shalt  }
0x57: {  	_ =	shalt  }
0x58: {  	_ =	shalt  }
0x59: {  	_ =	shalt  }
0x5a: {  	_ =	shalt  }
0x5b: {  	_ =	shalt  }
0x5c: {  	_ =	shalt  }
0x5d: {  	_ =	shalt  }
0x5e: {  	_ =	shalt  }
0x5f: {  	_ =	shalt  }
0x60: {  	_ =	shalt  }
0x61: {  	_ =	shalt  }
0x62: {  	_ =	shalt  }
0x63: {  	_ =	shalt  }
0x64: {  	_ =	shalt  }
0x65: {  	_ =	shalt  }
0x66: {  	_ =	shalt  }
0x67: {  	_ =	shalt  }
0x68: {  	_ =	shalt  }
0x69: {  	_ =	shalt  }
0x6a: {  	_ =	shalt  }
0x6b: {  	_ =	shalt  }
0x6c: {  	_ =	shalt  }
0x6d: {  	_ =	shalt  }
0x6e: {  	_ =	shalt  }
0x6f: {  	_ =	shalt  }
0x70: {  	_ =	shalt  }
0x71: {  	_ =	shalt  }
0x72: {  	_ =	shalt  }
0x73: {  	_ =	shalt  }
0x74: {  	_ =	shalt  }
0x75: {  	_ =	shalt  }
0x76: {  	_ =	shalt  }
0x77: {  	_ =	shalt  }
0x78: {  	_ =	shalt  }
0x79: {  	_ =	shalt  }
0x7a: {  	_ =	shalt  }
0x7b: {  	_ =	shalt  }
0x7c: {  	_ =	shalt  }
0x7d: {  	_ =	shalt  }
0x7e: {  	_ =	shalt  }
0x7f: {  	_ =	shalt  }
0x80: {  	_ =	shalt  }
0x81: {  	_ =	shalt  }
0x82: {  	_ =	shalt  }
0x83: {  	_ =	shalt  }
0x84: {  	_ =	shalt  }
0x85: {  	_ =	shalt  }
0x86: {  	_ =	shalt  }
0x87: {  	_ =	shalt  }
.Lfunc_end0:
.L_simem_size_0:
called_computation.1_lowered:
.L_overlay_start_0:
0x88: {  	s2 =	sld [smem:$0x3FD9]  }
0x89: {  	s3 =	sld [smem:$0x3FFE];
	_ =	sdelay $0x1  }
0x8a: {  	s1 =	srdreg.scid  }
0x8b: {  	s0 =	sand.u32 $0x1, s1  }
0x8c: {  	s16 =	sshll.u32 s0, $0xA;
	s2 =	sadd.s32 s3, s2  }
0x8d: {  	s2 =	sadd.s32 s2, s16  }
0x8e: {  	[smem:$0x3F9E] =	sst s2  }
0x8f: {  	_ = 	snop  }
0x90: {  	(tm) =	ssettm $0x1  }
0x91: {  	s17 =	sld [smem:$0x3FFB];
	_ =	sdelay $0x3  }
0x92: {  	_ =	strace s17  }
0x93: {  	s2 =	sld [smem:$0x3FFC];
	_ =	sdelay $0x3  }
0x94: {  	_ =	strace s2  }
0x95: {  	s2 =	sld [smem:$0x3FFD];
	_ =	sdelay $0x3  }
0x96: {  	_ =	strace s2  }
0x97: {  	_ =	strace $0x8FFFFFFF  }
0x98: {  	s18 =	sld [smem:$0x3FDB];
	_ =	sdelay $0x1  }
0x99: {  	s19 =	simm.s32 $_scs_section_size  }
0x9a: {  	s4 =	simm.s32 $_size__tile_overlayer_lowered;
	s5 =	simm.s32 $_tile_overlayer_lowered  }
0x9b: {  	s22 =	simm.s32 $0x1BFF;
	s21 =	sshll.u32 s5, $0x1;
	s2 =	sadd.s32 s19, s18  }
0x9c: {  	s6 =	simm.s32 $0x0;
	s20 =	sshll.u32 s4, $0x1;
	s4 =	sadd.s32 s21, s2  }
0x9d: {  	[timem:s6], [sflag:s22] =	dma.local [hbm:s4], s20  }
0x9e: {  	_ =	swait.ge [sflag:s22], s20  }
0x9f: {  	s3 =	ssub.s32 $0x0, s20;
	[sflag:s22] =	ssyncset.done $0x0  }
0xa0: {  	[sflag:s22] =	ssyncadd.s32 s3;
	_ =	sdelay $0x1  }
0xa1: {  	s23 =	simm.s32 $0x1B8B  }
0xa2: {  	_ =	swait.ge [sflag:s23], $0x1  }
0xa3: {  	[sflag:s23] =	ssyncset.done $0x0  }
0xa4: {  	s25 =	simm.s32 $0x1B8E;
	s24 =	sld [smem:$0x3FFE];
	[sflag:s23] =	ssyncadd.s32 $0xFFFFFFFF  }
0xa5: {  	s26 =	simm.s32 $execute0_lowered;
	[smem:$0x3FD2] =	sst s25  }
0xa6: {  	s4 =	sshll.u32 s26, $0x1;
	_ =	strace $0x80000049;
	[dreg:$0x1] =	wrdreg $0xFFFFFFFF  }
0xa7: {  	s28 =	simm.s32 $_size_execute0_lowered;
	s2 =	sadd.s32 s2, s4;
	[dreg:$0x0] =	wrdreg $0x0  }
0xa8: {  	s4 =	sshll.u32 s28, $0x1;
	[dreg:$0x2] =	wrdreg s2  }
0xa9: {  	[dreg:$0x3] =	wrdreg s4  }
0xaa: {  	[dreg:$0x4] =	wrdreg $0xC0  }
0xab: {  	_ =	task [dreg:s6], $0x5FFFF  }
0xac: {  	[dreg:$0x1] =	wrdreg $0xFFFFFFFF  }
0xad: {  	[dreg:$0x0] =	wrdreg $0x60  }
0xae: {  	[dreg:$0x2] =	wrdreg s24  }
0xaf: {  	[dreg:$0x3] =	wrdreg $0x9  }
0xb0: {  	_ =	task.clear_ibuf [dreg:s6], $0x4FFFF;
	_ =	strace $0x90000049  }
0xb1: {  	s29 =	simm.s32 $0x9;
	_ =	strace $0x8000004B  }
0xb2: {  	_ =	swait.ge [sflag:s29], $0x1  }
0xb3: {  	[sflag:s29] =	ssyncadd.s32 $0xFFFFFFFF  }
0xb4: {  	_ =	strace $0x9000004B  }
0xb5: {  	_ =	sfence  }
0xb6: {  	s30 =	sld [smem:$0x0];
	_ =	sdelay $0x2  }
0xb7: {  	s31 =	sshll.u32 s1, $0xD;
	s1 =	sshrl.u32 s1, $0x2  }
0xb8: {  	s3 =	sand.u32 $0x4000, s31;
	s1 =	sadd.s32 s1, s30  }
0xb9: {  	s0 =	sor.u32 s3, s0;
	s1 =	sshll.u32 s1, $0x11  }
0xba: {  	s0 =	sor.u32 s1, s0  }
0xbb: {  	s0 =	sadd.s32 $0x8F2B, s0  }
0xbc: {  	[sflag:s0] =	ssyncadd.remote.s32 $0x1  }
0xbd: {  	_ =	sfence.sel $0xFFFF  }
0xbe: {  	[dreg:$0x0] =	wrdreg $0xFFFFFFFF;
	(pc) =	sbr.abs _section_cstart, $3  }
0xbf: {  	[dreg:$0x1] =	wrdreg $0xFFFFFFFF  }
0xc0: {  	_ =	task.clear_ibuf [dreg:s6], $0x2FFFF;
	_ =	strace $0x9FFFFFFF  }
0xc1: {  	(tm) =	ssettm $0x7FFFFFFF  }
tec
execute0_lowered:
.L_overlay_start_1:
0x0: {  	(tag) =	ssettag $0x1  }
0x1: {  	s1 =	srdreg.scid  }
0x2: {  	s0 =	stileid.u32;
	s22 =	sand.u32 $0x1, s1  }
0x3: {  	s8 =	rddreg [dreg:$0x0];
	s3 =	sshll.u32 s0, $0xD;
	s4 =	sshll.u32 s22, $0xC  }
0x4: {  	s2 =	simm.s32 $0x0;
	s1 =	rddreg [dreg:$0x1];
	s24 =	sor.u32 s4, s3  }
0x5: {  	[smem:$0x7FF] =	sst s2;
	s21 =	sadd.s32 $0x16E00, s8;
	s3 =	sshrl.u32 s24, $0x3  }
0x6: {  	_ =	strace $0x8000004A;
	s4 =	sadd.s32 s21, s3;
	s3 =	simm.s32 $0x2  }
0x7: {  	[tilespmem:s2], [sflag:$0x2] =	stream.linear.gather [hbm4b:s4+s2], $0x200, $0x38;
	[tilespmem:$0xA200] =	vst v63  }
0x8: {  	_ =	swait.ge [sflag:s3], $0x200  }
0x9: {  	s6 =	simm.s32 $0x200;
	[sflag:s3] =	ssyncset.done $0x0  }
0xa: {  	s7 =	simm.s32 $0x1;
	s5 =	sadd.s32 $0x11E00, s8;
	[sflag:s3] =	ssyncadd.s32 $0xFFFFFE00  }
0xb: {  	[tilespmem:s6], [sflag:$0x1] =	stream.indirect.gather [hbm4b:s5+s6], $0x50, s2, s6, $0xb8;
	[tilespmem:$0xA200] =	vst v63  }
0xc: {  	s9 =	smul.u32 $0xA, s24;
	_ =	swait.ge [sflag:s7], $0xA000  }
0xd: {  	s23 =	sadd.s32 $0x1AE00, s8;
	[sflag:s7] =	ssyncset.done $0x0  }
0xe: {  	s8 =	sadd.s32 s23, s9;
	[sflag:s7] =	ssyncadd.s32 $0xFFFF6000  }
0xf: {  	[hbm4b:s8+s2] =	stream.linear.scatter [tilespmem:s6], [sflag:$0x2], $0xA000, $0x38;
	[tilespmem:$0xA200] =	vst v63  }
0x10: {  	s10 =	sor.u32 $0x200, s24;
	_ =	swait.ge [sflag:s3], $0xA000  }
0x11: {  	s29 =	sshrl.u32 s10, $0x3;
	[sflag:s3] =	ssyncset.done $0x0  }
0x12: {  	s9 =	sadd.s32 s21, s29;
	[sflag:s3] =	ssyncadd.s32 $0xFFFF6000  }
0x13: {  	[tilespmem:s2], [sflag:$0x2] =	stream.linear.gather [hbm4b:s9+s2], $0x200, $0x38;
	[tilespmem:$0xA200] =	vst v63  }
0x14: {  	_ =	swait.ge [sflag:s3], $0x200  }
0x15: {  	[sflag:s3] =	ssyncset.done $0x0  }
0x16: {  	[sflag:s3] =	ssyncadd.s32 $0xFFFFFE00  }
0x17: {  	[tilespmem:s6], [sflag:$0x1] =	stream.indirect.gather [hbm4b:s5+s6], $0x50, s2, s6, $0xb8;
	[tilespmem:$0xA200] =	vst v63  }
0x18: {  	s10 =	smul.u32 $0xA, s10;
	_ =	swait.ge [sflag:s7], $0xA000  }
0x19: {  	[sflag:s7] =	ssyncset.done $0x0  }
0x1a: {  	s10 =	sadd.s32 s23, s10;
	[sflag:s7] =	ssyncadd.s32 $0xFFFF6000  }
0x1b: {  	[hbm4b:s10+s2] =	stream.linear.scatter [tilespmem:s6], [sflag:$0x2], $0xA000, $0x38;
	[tilespmem:$0xA200] =	vst v63  }
0x1c: {  	s12 =	sor.u32 $0x400, s24;
	_ =	swait.ge [sflag:s3], $0xA000  }
0x1d: {  	s11 =	sshrl.u32 s12, $0x3;
	[sflag:s3] =	ssyncset.done $0x0  }
0x1e: {  	s11 =	sadd.s32 s21, s11;
	[sflag:s3] =	ssyncadd.s32 $0xFFFF6000  }
0x1f: {  	[tilespmem:s2], [sflag:$0x2] =	stream.linear.gather [hbm4b:s11+s2], $0x200, $0x38;
	[tilespmem:$0xA200] =	vst v63  }
0x20: {  	_ =	swait.ge [sflag:s3], $0x200  }
0x21: {  	[sflag:s3] =	ssyncset.done $0x0  }
0x22: {  	[sflag:s3] =	ssyncadd.s32 $0xFFFFFE00  }
0x23: {  	[tilespmem:s6], [sflag:$0x1] =	stream.indirect.gather [hbm4b:s5+s6], $0x50, s2, s6, $0xb8;
	[tilespmem:$0xA200] =	vst v63  }
0x24: {  	s12 =	smul.u32 $0xA, s12;
	_ =	swait.ge [sflag:s7], $0xA000  }
0x25: {  	[sflag:s7] =	ssyncset.done $0x0  }
0x26: {  	s12 =	sadd.s32 s23, s12;
	[sflag:s7] =	ssyncadd.s32 $0xFFFF6000  }
0x27: {  	[hbm4b:s12+s2] =	stream.linear.scatter [tilespmem:s6], [sflag:$0x2], $0xA000, $0x38;
	[tilespmem:$0xA200] =	vst v63  }
0x28: {  	s14 =	sor.u32 $0x600, s24;
	_ =	swait.ge [sflag:s3], $0xA000  }
0x29: {  	s13 =	sshrl.u32 s14, $0x3;
	[sflag:s3] =	ssyncset.done $0x0  }
0x2a: {  	s13 =	sadd.s32 s21, s13;
	[sflag:s3] =	ssyncadd.s32 $0xFFFF6000  }
0x2b: {  	[tilespmem:s2], [sflag:$0x2] =	stream.linear.gather [hbm4b:s13+s2], $0x200, $0x38;
	[tilespmem:$0xA200] =	vst v63  }
0x2c: {  	_ =	swait.ge [sflag:s3], $0x200  }
0x2d: {  	[sflag:s3] =	ssyncset.done $0x0  }
0x2e: {  	[sflag:s3] =	ssyncadd.s32 $0xFFFFFE00  }
0x2f: {  	[tilespmem:s6], [sflag:$0x1] =	stream.indirect.gather [hbm4b:s5+s6], $0x50, s2, s6, $0xb8;
	[tilespmem:$0xA200] =	vst v63  }
0x30: {  	s14 =	smul.u32 $0xA, s14;
	_ =	swait.ge [sflag:s7], $0xA000  }
0x31: {  	[sflag:s7] =	ssyncset.done $0x0  }
0x32: {  	s14 =	sadd.s32 s23, s14;
	[sflag:s7] =	ssyncadd.s32 $0xFFFF6000  }
0x33: {  	[hbm4b:s14+s2] =	stream.linear.scatter [tilespmem:s6], [sflag:$0x2], $0xA000, $0x38;
	[tilespmem:$0xA200] =	vst v63  }
0x34: {  	s16 =	sor.u32 $0x800, s24;
	_ =	swait.ge [sflag:s3], $0xA000  }
0x35: {  	s15 =	sshrl.u32 s16, $0x3;
	[sflag:s3] =	ssyncset.done $0x0  }
0x36: {  	s15 =	sadd.s32 s21, s15;
	[sflag:s3] =	ssyncadd.s32 $0xFFFF6000  }
0x37: {  	[tilespmem:s2], [sflag:$0x2] =	stream.linear.gather [hbm4b:s15+s2], $0x200, $0x38;
	[tilespmem:$0xA200] =	vst v63  }
0x38: {  	_ =	swait.ge [sflag:s3], $0x200  }
0x39: {  	[sflag:s3] =	ssyncset.done $0x0  }
0x3a: {  	[sflag:s3] =	ssyncadd.s32 $0xFFFFFE00  }
0x3b: {  	[tilespmem:s6], [sflag:$0x1] =	stream.indirect.gather [hbm4b:s5+s6], $0x50, s2, s6, $0xb8;
	[tilespmem:$0xA200] =	vst v63  }
0x3c: {  	s16 =	smul.u32 $0xA, s16;
	_ =	swait.ge [sflag:s7], $0xA000  }
0x3d: {  	[sflag:s7] =	ssyncset.done $0x0  }
0x3e: {  	s16 =	sadd.s32 s23, s16;
	[sflag:s7] =	ssyncadd.s32 $0xFFFF6000  }
0x3f: {  	[hbm4b:s16+s2] =	stream.linear.scatter [tilespmem:s6], [sflag:$0x2], $0xA000, $0x38;
	[tilespmem:$0xA200] =	vst v63  }
0x40: {  	s18 =	sor.u32 $0xA00, s24;
	_ =	swait.ge [sflag:s3], $0xA000  }
0x41: {  	s17 =	sshrl.u32 s18, $0x3;
	[sflag:s3] =	ssyncset.done $0x0  }
0x42: {  	s17 =	sadd.s32 s21, s17;
	[sflag:s3] =	ssyncadd.s32 $0xFFFF6000  }
0x43: {  	[tilespmem:s2], [sflag:$0x2] =	stream.linear.gather [hbm4b:s17+s2], $0x200, $0x38;
	[tilespmem:$0xA200] =	vst v63  }
0x44: {  	_ =	swait.ge [sflag:s3], $0x200  }
0x45: {  	[sflag:s3] =	ssyncset.done $0x0  }
0x46: {  	[sflag:s3] =	ssyncadd.s32 $0xFFFFFE00  }
0x47: {  	[tilespmem:s6], [sflag:$0x1] =	stream.indirect.gather [hbm4b:s5+s6], $0x50, s2, s6, $0xb8;
	[tilespmem:$0xA200] =	vst v63  }
0x48: {  	s18 =	smul.u32 $0xA, s18;
	_ =	swait.ge [sflag:s7], $0xA000  }
0x49: {  	[sflag:s7] =	ssyncset.done $0x0  }
0x4a: {  	s18 =	sadd.s32 s23, s18;
	[sflag:s7] =	ssyncadd.s32 $0xFFFF6000  }
0x4b: {  	[hbm4b:s18+s2] =	stream.linear.scatter [tilespmem:s6], [sflag:$0x2], $0xA000, $0x38;
	[tilespmem:$0xA200] =	vst v63  }
0x4c: {  	s20 =	sor.u32 $0xC00, s24;
	_ =	swait.ge [sflag:s3], $0xA000  }
0x4d: {  	s19 =	sshrl.u32 s20, $0x3;
	[sflag:s3] =	ssyncset.done $0x0  }
0x4e: {  	s19 =	sadd.s32 s21, s19;
	[sflag:s3] =	ssyncadd.s32 $0xFFFF6000  }
0x4f: {  	[tilespmem:s2], [sflag:$0x2] =	stream.linear.gather [hbm4b:s19+s2], $0x200, $0x38;
	[tilespmem:$0xA200] =	vst v63  }
0x50: {  	_ =	swait.ge [sflag:s3], $0x200  }
0x51: {  	[sflag:s3] =	ssyncset.done $0x0  }
0x52: {  	[sflag:s3] =	ssyncadd.s32 $0xFFFFFE00  }
0x53: {  	[tilespmem:s6], [sflag:$0x1] =	stream.indirect.gather [hbm4b:s5+s6], $0x50, s2, s6, $0xb8;
	[tilespmem:$0xA200] =	vst v63  }
0x54: {  	s20 =	smul.u32 $0xA, s20;
	_ =	swait.ge [sflag:s7], $0xA000  }
0x55: {  	[sflag:s7] =	ssyncset.done $0x0  }
0x56: {  	s20 =	sadd.s32 s23, s20;
	[sflag:s7] =	ssyncadd.s32 $0xFFFF6000  }
0x57: {  	[hbm4b:s20+s2] =	stream.linear.scatter [tilespmem:s6], [sflag:$0x2], $0xA000, $0x38;
	[tilespmem:$0xA200] =	vst v63  }
0x58: {  	s24 =	sor.u32 $0xE00, s24;
	_ =	swait.ge [sflag:s3], $0xA000  }
0x59: {  	s25 =	sshrl.u32 s24, $0x3;
	[sflag:s3] =	ssyncset.done $0x0  }
0x5a: {  	s22 =	ssub.s32 $0x2, s22;
	s21 =	sadd.s32 s21, s25;
	[sflag:s3] =	ssyncadd.s32 $0xFFFF6000  }
0x5b: {  	[tilespmem:s2], [sflag:$0x2] =	stream.linear.gather [hbm4b:s21+s2], $0x200, $0x38;
	[tilespmem:$0xA200] =	vst v63  }
0x5c: {  	s30 =	sshrl.u32 s22, $0x1;
	_ =	swait.ge [sflag:s3], $0x200  }
0x5d: {  	s25 =	ssub.s32 s22, s30;
	[sflag:s3] =	ssyncset.done $0x0  }
0x5e: {  	s31 =	smax.u32 s25, $0x1;
	[sflag:s3] =	ssyncadd.s32 $0xFFFFFE00  }
0x5f: {  	[tilespmem:s6], [sflag:$0x1] =	stream.indirect.gather [hbm4b:s5+s6], $0x50, s2, s6, $0xb8;
	[tilespmem:$0xA200] =	vst v63  }
0x60: {  	s24 =	smul.u32 $0xA, s24;
	p0 =	sne.s32 s31, $0x1;
	_ =	swait.ge [sflag:s7], $0xA000  }
.Ltmp0:
0x61: {  	[sflag:s7] =	ssyncset.done $0x0;
	(pc) =	sbr.rel @!p0 .LBB2_2-.Ltmp0, $4  }
0x62: {  	s22 =	sadd.s32 s23, s24;
	[sflag:s7] =	ssyncadd.s32 $0xFFFF6000  }
0x63: {  	[hbm4b:s22+s2] =	stream.linear.scatter [tilespmem:s6], [sflag:$0x2], $0xA000, $0x38;
	[tilespmem:$0xA200] =	vst v63  }
0x64: {  	_ =	swait.ge [sflag:s3], $0xA000  }
0x65: {  	s23 =	sadd.s32 $0xFFFFFFFF, s31;
	[sflag:s3] =	ssyncset.done $0x0  }
.LBB2_1:
0x66: {  	p0 =	sne.s32 s23, $0x1;
	s23 =	sadd.s32 $0xFFFFFFFF, s23;
	[sflag:s3] =	ssyncadd.s32 $0xFFFF6000  }
0x67: {  	[tilespmem:s2], [sflag:$0x2] =	stream.linear.gather [hbm4b:s4+s2], $0x200, $0x38;
	[tilespmem:$0xA200] =	vst v63  }
0x68: {  	_ =	swait.ge [sflag:s3], $0x200  }
0x69: {  	[sflag:s3] =	ssyncset.done $0x0  }
0x6a: {  	[sflag:s3] =	ssyncadd.s32 $0xFFFFFE00  }
0x6b: {  	[tilespmem:s6], [sflag:$0x1] =	stream.indirect.gather [hbm4b:s5+s6], $0x50, s2, s6, $0xb8;
	[tilespmem:$0xA200] =	vst v63  }
0x6c: {  	_ =	swait.ge [sflag:s7], $0xA000  }
0x6d: {  	[sflag:s7] =	ssyncset.done $0x0  }
0x6e: {  	[sflag:s7] =	ssyncadd.s32 $0xFFFF6000  }
0x6f: {  	[hbm4b:s8+s2] =	stream.linear.scatter [tilespmem:s6], [sflag:$0x2], $0xA000, $0x38;
	[tilespmem:$0xA200] =	vst v63  }
0x70: {  	_ =	swait.ge [sflag:s3], $0xA000  }
0x71: {  	[sflag:s3] =	ssyncset.done $0x0  }
0x72: {  	[sflag:s3] =	ssyncadd.s32 $0xFFFF6000  }
0x73: {  	[tilespmem:s2], [sflag:$0x2] =	stream.linear.gather [hbm4b:s9+s2], $0x200, $0x38;
	[tilespmem:$0xA200] =	vst v63  }
0x74: {  	_ =	swait.ge [sflag:s3], $0x200  }
0x75: {  	[sflag:s3] =	ssyncset.done $0x0  }
0x76: {  	[sflag:s3] =	ssyncadd.s32 $0xFFFFFE00  }
0x77: {  	[tilespmem:s6], [sflag:$0x1] =	stream.indirect.gather [hbm4b:s5+s6], $0x50, s2, s6, $0xb8;
	[tilespmem:$0xA200] =	vst v63  }
0x78: {  	_ =	swait.ge [sflag:s7], $0xA000  }
0x79: {  	[sflag:s7] =	ssyncset.done $0x0  }
0x7a: {  	[sflag:s7] =	ssyncadd.s32 $0xFFFF6000  }
0x7b: {  	[hbm4b:s10+s2] =	stream.linear.scatter [tilespmem:s6], [sflag:$0x2], $0xA000, $0x38;
	[tilespmem:$0xA200] =	vst v63  }
0x7c: {  	_ =	swait.ge [sflag:s3], $0xA000  }
0x7d: {  	[sflag:s3] =	ssyncset.done $0x0  }
0x7e: {  	[sflag:s3] =	ssyncadd.s32 $0xFFFF6000  }
0x7f: {  	[tilespmem:s2], [sflag:$0x2] =	stream.linear.gather [hbm4b:s11+s2], $0x200, $0x38;
	[tilespmem:$0xA200] =	vst v63  }
0x80: {  	_ =	swait.ge [sflag:s3], $0x200  }
0x81: {  	[sflag:s3] =	ssyncset.done $0x0  }
0x82: {  	[sflag:s3] =	ssyncadd.s32 $0xFFFFFE00  }
0x83: {  	[tilespmem:s6], [sflag:$0x1] =	stream.indirect.gather [hbm4b:s5+s6], $0x50, s2, s6, $0xb8;
	[tilespmem:$0xA200] =	vst v63  }
0x84: {  	_ =	swait.ge [sflag:s7], $0xA000  }
0x85: {  	[sflag:s7] =	ssyncset.done $0x0  }
0x86: {  	[sflag:s7] =	ssyncadd.s32 $0xFFFF6000  }
0x87: {  	[hbm4b:s12+s2] =	stream.linear.scatter [tilespmem:s6], [sflag:$0x2], $0xA000, $0x38;
	[tilespmem:$0xA200] =	vst v63  }
0x88: {  	_ =	swait.ge [sflag:s3], $0xA000  }
0x89: {  	[sflag:s3] =	ssyncset.done $0x0  }
0x8a: {  	[sflag:s3] =	ssyncadd.s32 $0xFFFF6000  }
0x8b: {  	[tilespmem:s2], [sflag:$0x2] =	stream.linear.gather [hbm4b:s13+s2], $0x200, $0x38;
	[tilespmem:$0xA200] =	vst v63  }
0x8c: {  	_ =	swait.ge [sflag:s3], $0x200  }
0x8d: {  	[sflag:s3] =	ssyncset.done $0x0  }
0x8e: {  	[sflag:s3] =	ssyncadd.s32 $0xFFFFFE00  }
0x8f: {  	[tilespmem:s6], [sflag:$0x1] =	stream.indirect.gather [hbm4b:s5+s6], $0x50, s2, s6, $0xb8;
	[tilespmem:$0xA200] =	vst v63  }
0x90: {  	_ =	swait.ge [sflag:s7], $0xA000  }
0x91: {  	[sflag:s7] =	ssyncset.done $0x0  }
0x92: {  	[sflag:s7] =	ssyncadd.s32 $0xFFFF6000  }
0x93: {  	[hbm4b:s14+s2] =	stream.linear.scatter [tilespmem:s6], [sflag:$0x2], $0xA000, $0x38;
	[tilespmem:$0xA200] =	vst v63  }
0x94: {  	_ =	swait.ge [sflag:s3], $0xA000  }
0x95: {  	[sflag:s3] =	ssyncset.done $0x0  }
0x96: {  	[sflag:s3] =	ssyncadd.s32 $0xFFFF6000  }
0x97: {  	[tilespmem:s2], [sflag:$0x2] =	stream.linear.gather [hbm4b:s15+s2], $0x200, $0x38;
	[tilespmem:$0xA200] =	vst v63  }
0x98: {  	_ =	swait.ge [sflag:s3], $0x200  }
0x99: {  	[sflag:s3] =	ssyncset.done $0x0  }
0x9a: {  	[sflag:s3] =	ssyncadd.s32 $0xFFFFFE00  }
0x9b: {  	[tilespmem:s6], [sflag:$0x1] =	stream.indirect.gather [hbm4b:s5+s6], $0x50, s2, s6, $0xb8;
	[tilespmem:$0xA200] =	vst v63  }
0x9c: {  	_ =	swait.ge [sflag:s7], $0xA000  }
0x9d: {  	[sflag:s7] =	ssyncset.done $0x0  }
0x9e: {  	[sflag:s7] =	ssyncadd.s32 $0xFFFF6000  }
0x9f: {  	[hbm4b:s16+s2] =	stream.linear.scatter [tilespmem:s6], [sflag:$0x2], $0xA000, $0x38;
	[tilespmem:$0xA200] =	vst v63  }
0xa0: {  	_ =	swait.ge [sflag:s3], $0xA000  }
0xa1: {  	[sflag:s3] =	ssyncset.done $0x0  }
0xa2: {  	[sflag:s3] =	ssyncadd.s32 $0xFFFF6000  }
0xa3: {  	[tilespmem:s2], [sflag:$0x2] =	stream.linear.gather [hbm4b:s17+s2], $0x200, $0x38;
	[tilespmem:$0xA200] =	vst v63  }
0xa4: {  	_ =	swait.ge [sflag:s3], $0x200  }
0xa5: {  	[sflag:s3] =	ssyncset.done $0x0  }
0xa6: {  	[sflag:s3] =	ssyncadd.s32 $0xFFFFFE00  }
0xa7: {  	[tilespmem:s6], [sflag:$0x1] =	stream.indirect.gather [hbm4b:s5+s6], $0x50, s2, s6, $0xb8;
	[tilespmem:$0xA200] =	vst v63  }
0xa8: {  	_ =	swait.ge [sflag:s7], $0xA000  }
0xa9: {  	[sflag:s7] =	ssyncset.done $0x0  }
0xaa: {  	[sflag:s7] =	ssyncadd.s32 $0xFFFF6000  }
0xab: {  	[hbm4b:s18+s2] =	stream.linear.scatter [tilespmem:s6], [sflag:$0x2], $0xA000, $0x38;
	[tilespmem:$0xA200] =	vst v63  }
0xac: {  	_ =	swait.ge [sflag:s3], $0xA000  }
0xad: {  	[sflag:s3] =	ssyncset.done $0x0  }
0xae: {  	[sflag:s3] =	ssyncadd.s32 $0xFFFF6000  }
0xaf: {  	[tilespmem:s2], [sflag:$0x2] =	stream.linear.gather [hbm4b:s19+s2], $0x200, $0x38;
	[tilespmem:$0xA200] =	vst v63  }
0xb0: {  	_ =	swait.ge [sflag:s3], $0x200  }
0xb1: {  	[sflag:s3] =	ssyncset.done $0x0  }
0xb2: {  	[sflag:s3] =	ssyncadd.s32 $0xFFFFFE00  }
0xb3: {  	[tilespmem:s6], [sflag:$0x1] =	stream.indirect.gather [hbm4b:s5+s6], $0x50, s2, s6, $0xb8;
	[tilespmem:$0xA200] =	vst v63  }
0xb4: {  	_ =	swait.ge [sflag:s7], $0xA000  }
0xb5: {  	[sflag:s7] =	ssyncset.done $0x0  }
0xb6: {  	[sflag:s7] =	ssyncadd.s32 $0xFFFF6000  }
0xb7: {  	[hbm4b:s20+s2] =	stream.linear.scatter [tilespmem:s6], [sflag:$0x2], $0xA000, $0x38;
	[tilespmem:$0xA200] =	vst v63  }
0xb8: {  	_ =	swait.ge [sflag:s3], $0xA000  }
0xb9: {  	[sflag:s3] =	ssyncset.done $0x0  }
0xba: {  	[sflag:s3] =	ssyncadd.s32 $0xFFFF6000  }
0xbb: {  	[tilespmem:s2], [sflag:$0x2] =	stream.linear.gather [hbm4b:s21+s2], $0x200, $0x38;
	[tilespmem:$0xA200] =	vst v63  }
0xbc: {  	_ =	swait.ge [sflag:s3], $0x200  }
0xbd: {  	[sflag:s3] =	ssyncset.done $0x0  }
0xbe: {  	[sflag:s3] =	ssyncadd.s32 $0xFFFFFE00  }
0xbf: {  	[tilespmem:s6], [sflag:$0x1] =	stream.indirect.gather [hbm4b:s5+s6], $0x50, s2, s6, $0xb8;
	[tilespmem:$0xA200] =	vst v63  }
0xc0: {  	_ =	swait.ge [sflag:s7], $0xA000  }
.Ltmp1:
0xc1: {  	[sflag:s7] =	ssyncset.done $0x0;
	(pc) =	sbr.rel @p0 .LBB2_1-.Ltmp1, $4  }
0xc2: {  	[sflag:s7] =	ssyncadd.s32 $0xFFFF6000  }
0xc3: {  	[hbm4b:s22+s2] =	stream.linear.scatter [tilespmem:s6], [sflag:$0x2], $0xA000, $0x38;
	[tilespmem:$0xA200] =	vst v63  }
0xc4: {  	_ =	swait.ge [sflag:s3], $0xA000  }
0xc5: {  	[sflag:s3] =	ssyncset.done $0x0  }
.LBB2_2:
0xc6: {  	[sflag:s3] =	ssyncadd.s32 $0xFFFF6000  }
0xc7: {  	_ =	sfence.sel $0x180000  }
0xc8: {  	[bflag:$0x0] =	sbarrier.arrive $0xFFFF  }
0xc9: {  	p0 =	sne.s32 s0, $0x0;
	_ =	strace $0x9000004A  }
0xca: {  	s0 =	sadd.s32 @!p0 $0x100000, s1;
	[bflag:$0x2] =	sbarrier.arrive $0xFFFF  }
0xcb: {  	[sflag:s0] =	ssyncadd.tile.s32 @!p0 $0x1;
	_ =	shalt  }
.Lfunc_end2:
_tile_overlayer_lowered:
.L_overlay_start_2:
0xcc: {  	(tag) =	ssettag $0x2  }
0xcd: {  	s0 =	rddreg [dreg:$0x0];
	s2 =	stileid.u32  }
0xce: {  	s1 =	rddreg [dreg:$0x1];
	p0 =	sne.s32 s2, $0x0  }
0xcf: {  	s3 =	rddreg [dreg:$0x2];
	[bflag:$0x3] =	sbarrier.arrive $0xFFFF;
	s2 =	simm.s32 @!p0 $0x1C02  }
0xd0: {  	[timem:s3], [sflag:s2] =	dma.local @!p0 [hbm:s0], s1  }
0xd1: {  	s0 =	simm.s32 @!p0 $0x2  }
0xd2: {  	_ =	swait.ge @!p0 [sflag:s0], s1  }
0xd3: {  	s1 =	ssub.s32 @!p0 $0x0, s1;
	[sflag:s0] =	ssyncset.done @!p0 $0x0  }
0xd4: {  	[sflag:s0] =	ssyncadd.s32 @!p0 s1  }
0xd5: {  	[bflag:$0x3] =	sbarrier.arrive $0xFFFF  }
0xd6: {  	_ =	shalt  }

// kernel: kernel.15.cloned.1.call-start
scs
__scs_entry_jumppad:
0x0: {  	(pc) =	sbr.rel $0x88, $3  }
0x1: {  	(tag) =	ssettag $0x0;
	lr =	simm.s32 $0x1  }
0x2: {  	[smem:$0x3F77] =	sst lr;
	_ =	strace $0xD0000000  }
0x3: {  	_ = 	snop  }
0x4: {  	_ = 	snop  }
0x5: {  	_ = 	snop  }
0x6: {  	_ = 	snop  }
0x7: {  	_ = 	snop  }
__scs_overlays_trampoline_lowered:
0x8: {  	[smem:$0x3F86] =	sst s0  }
0x9: {  	[smem:$0x3F87] =	sst s1  }
0xa: {  	[smem:$0x3F88] =	sst s2  }
0xb: {  	[smem:$0x3F89] =	sst s3  }
0xc: {  	[smem:$0x3F8A] =	sst s4  }
0xd: {  	[smem:$0x3F8B] =	sst s5  }
0xe: {  	[smem:$0x3F8C] =	sst s6  }
0xf: {  	[smem:$0x3F8D] =	sst s7  }
0x10: {  	[smem:$0x3F8E] =	sst s8  }
0x11: {  	[smem:$0x3F8F] =	sst s9;
	s0 =	simm.s32 @!p0 $0x0  }
0x12: {  	s1 =	sld [smem:$0x3F75];
	s0 =	simm.s32 @p0 $0x1  }
0x13: {  	[smem:$0x3F90] =	sst s0;
	s0 =	simm.s32 @!p1 $0x0  }
0x14: {  	s2 =	sld [smem:$0x3F74];
	s0 =	simm.s32 @p1 $0x1  }
0x15: {  	[smem:$0x3F91] =	sst s0;
	s0 =	simm.s32 @!p2 $0x0  }
0x16: {  	s3 =	sld [smem:$0x3FDB];
	s0 =	simm.s32 @p2 $0x1  }
0x17: {  	s4 =	simm.s32 $0x1BF5;
	[smem:$0x3F93] =	sst s0  }
0x18: {  	s0 =	sld [smem:$0x3F76];
	_ =	swait.ge [sflag:s4], $0x0  }
0x19: {  	s7 =	sld [smem:$0x3F77]  }
0x1a: {  	s8 =	sadd.s32 $0xFFFFE003, lr  }
0x1b: {  	s9 =	sadd.s32 $0xFFFFFEF7, lr;
	s5 =	simm.s32 $0xFFFFFFFF;
	p2 =	slt.u32 s8, $0xFFFFF086  }
0x1c: {  	p1 =	slt.u32 s9, $0xF7A;
	s5 =	simm.s32 @!p2 $0x0  }
0x1d: {  	s5 =	simm.s32 @p1 $0x1;
	p0 =	seq.s32 s7, s2  }
0x1e: {  	s7 =	smul.u32 @!p0 $0xF7A, s2;
	p2 =	seq.s32 @!p0 s5, $0x0  }
0x1f: {  	s9 =	smul.u32 $0xF7A, s1;
	s8 =	simm.s32 @!p0 $0x1BF5;
	p2 =	por !p2, p0  }
0x20: {  	[sflag:s8] =	ssyncset.s32 @!p0 $0xFFFFF086;
	s6 =	sadd.s32 @!p0 s3, s7;
	s7 =	simm.s32 @!p0 $0x108  }
0x21: {  	s3 =	sadd.s32 s3, s9;
	s6 =	sadd.s32 @!p0 $0x88, s6;
	s7 =	simm.s32 @p2 $0x1082  }
0x22: {  	[simem:s7], [sflag:s8] =	dma.local @!p0 [hbm:s6], $0xF7A  }
0x23: {  	s9 =	sor.u32 $0xD0000000, s2;
	s6 =	simm.s32 $0x108;
	_ =	swait.ge @!p0 [sflag:s8], $0x0  }
0x24: {  	s3 =	sadd.s32 $0x88, s3;
	s6 =	simm.s32 @!p1 $0x1082;
	[sflag:s4] =	ssyncset.s32 $0xFFFFF086  }
0x25: {  	[simem:s6], [sflag:s4] =	dma.local [hbm:s3], $0xF7A  }
0x26: {  	[smem:$0x3F77] =	sst s1;
	(tag) =	ssettag s2;
	_ =	strace s9  }
0x27: {  	s1 =	sld [smem:$0x3F87]  }
0x28: {  	s2 =	sld [smem:$0x3F88]  }
0x29: {  	s4 =	sld [smem:$0x3F8A]  }
0x2a: {  	p0 =	seq.s32 s5, $0x0;
	s5 =	sld [smem:$0x3F8B]  }
0x2b: {  	s6 =	sld [smem:$0x3F8C]  }
0x2c: {  	s7 =	sld [smem:$0x3F8D]  }
0x2d: {  	s3 =	simm.s32 $0x108;
	s8 =	sld [smem:$0x3F8E]  }
0x2e: {  	s3 =	simm.s32 @!p0 $0x1082;
	s9 =	sld [smem:$0x3F8F]  }
0x2f: {  	lr =	sadd.s32 s0, s3;
	s0 =	sld [smem:$0x3F86]  }
0x30: {  	s3 =	sld [smem:$0x3F89]  }
0x31: {  	[smem:$0x3F92] =	sst s10  }
0x32: {  	s10 =	sld [smem:$0x3F90];
	_ =	sdelay $0x3  }
0x33: {  	p0 =	seq.s32 s10, $0x1;
	s10 =	sld [smem:$0x3F92];
	_ =	sdelay $0x3  }
0x34: {  	[smem:$0x3F92] =	sst s10  }
0x35: {  	s10 =	sld [smem:$0x3F91];
	_ =	sdelay $0x3  }
0x36: {  	p1 =	seq.s32 s10, $0x1;
	s10 =	sld [smem:$0x3F92];
	_ =	sdelay $0x3  }
0x37: {  	[smem:$0x3F92] =	sst s10  }
0x38: {  	s10 =	sld [smem:$0x3F93]  }
0x39: {  	_ = 	snop;
	(pc) =	sbr.ind lr, $3  }
0x3a: {  	_ = 	snop  }
0x3b: {  	_ = 	snop  }
0x3c: {  	p2 =	seq.s32 s10, $0x1;
	s10 =	sld [smem:$0x3F92]  }
0x3d: {  	_ =	shalt  }
0x3e: {  	_ =	shalt  }
0x3f: {  	_ =	shalt  }
0x40: {  	_ =	shalt  }
0x41: {  	_ =	shalt  }
0x42: {  	_ =	shalt  }
0x43: {  	_ =	shalt  }
0x44: {  	_ =	shalt  }
0x45: {  	_ =	shalt  }
0x46: {  	_ =	shalt  }
0x47: {  	_ =	shalt  }
0x48: {  	_ =	shalt  }
0x49: {  	_ =	shalt  }
0x4a: {  	_ =	shalt  }
0x4b: {  	_ =	shalt  }
0x4c: {  	_ =	shalt  }
0x4d: {  	_ =	shalt  }
0x4e: {  	_ =	shalt  }
0x4f: {  	_ =	shalt  }
0x50: {  	_ =	shalt  }
0x51: {  	_ =	shalt  }
0x52: {  	_ =	shalt  }
0x53: {  	_ =	shalt  }
0x54: {  	_ =	shalt  }
0x55: {  	_ =	shalt  }
0x56: {  	_ =	shalt  }
0x57: {  	_ =	shalt  }
0x58: {  	_ =	shalt  }
0x59: {  	_ =	shalt  }
0x5a: {  	_ =	shalt  }
0x5b: {  	_ =	shalt  }
0x5c: {  	_ =	shalt  }
0x5d: {  	_ =	shalt  }
0x5e: {  	_ =	shalt  }
0x5f: {  	_ =	shalt  }
0x60: {  	_ =	shalt  }
0x61: {  	_ =	shalt  }
0x62: {  	_ =	shalt  }
0x63: {  	_ =	shalt  }
0x64: {  	_ =	shalt  }
0x65: {  	_ =	shalt  }
0x66: {  	_ =	shalt  }
0x67: {  	_ =	shalt  }
0x68: {  	_ =	shalt  }
0x69: {  	_ =	shalt  }
0x6a: {  	_ =	shalt  }
0x6b: {  	_ =	shalt  }
0x6c: {  	_ =	shalt  }
0x6d: {  	_ =	shalt  }
0x6e: {  	_ =	shalt  }
0x6f: {  	_ =	shalt  }
0x70: {  	_ =	shalt  }
0x71: {  	_ =	shalt  }
0x72: {  	_ =	shalt  }
0x73: {  	_ =	shalt  }
0x74: {  	_ =	shalt  }
0x75: {  	_ =	shalt  }
0x76: {  	_ =	shalt  }
0x77: {  	_ =	shalt  }
0x78: {  	_ =	shalt  }
0x79: {  	_ =	shalt  }
0x7a: {  	_ =	shalt  }
0x7b: {  	_ =	shalt  }
0x7c: {  	_ =	shalt  }
0x7d: {  	_ =	shalt  }
0x7e: {  	_ =	shalt  }
0x7f: {  	_ =	shalt  }
0x80: {  	_ =	shalt  }
0x81: {  	_ =	shalt  }
0x82: {  	_ =	shalt  }
0x83: {  	_ =	shalt  }
0x84: {  	_ =	shalt  }
0x85: {  	_ =	shalt  }
0x86: {  	_ =	shalt  }
0x87: {  	_ =	shalt  }
.Lfunc_end0:
.L_simem_size_0:
called_computation.2_lowered:
.L_overlay_start_0:
0x88: {  	s2 =	sld [smem:$0x3FD9]  }
0x89: {  	s3 =	sld [smem:$0x3FFE];
	_ =	sdelay $0x1  }
0x8a: {  	s1 =	srdreg.scid  }
0x8b: {  	s0 =	sand.u32 $0x1, s1  }
0x8c: {  	s16 =	sshll.u32 s0, $0xA;
	s2 =	sadd.s32 s3, s2  }
0x8d: {  	s2 =	sadd.s32 s2, s16  }
0x8e: {  	[smem:$0x3F9E] =	sst s2  }
0x8f: {  	_ = 	snop  }
0x90: {  	(tm) =	ssettm $0x1  }
0x91: {  	s17 =	sld [smem:$0x3FFB];
	_ =	sdelay $0x3  }
0x92: {  	_ =	strace s17  }
0x93: {  	s2 =	sld [smem:$0x3FFC];
	_ =	sdelay $0x3  }
0x94: {  	_ =	strace s2  }
0x95: {  	s2 =	sld [smem:$0x3FFD];
	_ =	sdelay $0x3  }
0x96: {  	_ =	strace s2  }
0x97: {  	_ =	strace $0x8FFFFFFF  }
0x98: {  	s18 =	sld [smem:$0x3FDB];
	_ =	sdelay $0x1  }
0x99: {  	s19 =	simm.s32 $_scs_section_size  }
0x9a: {  	s4 =	simm.s32 $_size__tile_overlayer_lowered;
	s5 =	simm.s32 $_tile_overlayer_lowered  }
0x9b: {  	s22 =	simm.s32 $0x1BFF;
	s21 =	sshll.u32 s5, $0x1;
	s2 =	sadd.s32 s19, s18  }
0x9c: {  	s6 =	simm.s32 $0x0;
	s20 =	sshll.u32 s4, $0x1;
	s4 =	sadd.s32 s21, s2  }
0x9d: {  	[timem:s6], [sflag:s22] =	dma.local [hbm:s4], s20  }
0x9e: {  	_ =	swait.ge [sflag:s22], s20  }
0x9f: {  	s3 =	ssub.s32 $0x0, s20;
	[sflag:s22] =	ssyncset.done $0x0  }
0xa0: {  	[sflag:s22] =	ssyncadd.s32 s3;
	_ =	sdelay $0x1  }
0xa1: {  	s23 =	simm.s32 $0x1B8B  }
0xa2: {  	_ =	swait.ge [sflag:s23], $0x1  }
0xa3: {  	[sflag:s23] =	ssyncset.done $0x0  }
0xa4: {  	s25 =	simm.s32 $0x1B8E;
	s24 =	sld [smem:$0x3FFE];
	[sflag:s23] =	ssyncadd.s32 $0xFFFFFFFF  }
0xa5: {  	s26 =	simm.s32 $execute0_lowered;
	[smem:$0x3FD2] =	sst s25  }
0xa6: {  	s4 =	sshll.u32 s26, $0x1;
	_ =	strace $0x8000004C;
	[dreg:$0x1] =	wrdreg $0xFFFFFFFF  }
0xa7: {  	s28 =	simm.s32 $_size_execute0_lowered;
	s2 =	sadd.s32 s2, s4;
	[dreg:$0x0] =	wrdreg $0x0  }
0xa8: {  	s4 =	sshll.u32 s28, $0x1;
	[dreg:$0x2] =	wrdreg s2  }
0xa9: {  	[dreg:$0x3] =	wrdreg s4  }
0xaa: {  	[dreg:$0x4] =	wrdreg $0xC0  }
0xab: {  	_ =	task [dreg:s6], $0x5FFFF  }
0xac: {  	[dreg:$0x1] =	wrdreg $0xFFFFFFFF  }
0xad: {  	[dreg:$0x0] =	wrdreg $0x60  }
0xae: {  	[dreg:$0x2] =	wrdreg s24  }
0xaf: {  	[dreg:$0x3] =	wrdreg $0x71000  }
0xb0: {  	[dreg:$0x4] =	wrdreg $0x9  }
0xb1: {  	_ =	task.clear_ibuf [dreg:s6], $0x5FFFF;
	_ =	strace $0x9000004C  }
0xb2: {  	s29 =	simm.s32 $0x9;
	_ =	strace $0x8000004E  }
0xb3: {  	_ =	swait.ge [sflag:s29], $0x1  }
0xb4: {  	[sflag:s29] =	ssyncadd.s32 $0xFFFFFFFF  }
0xb5: {  	_ =	strace $0x9000004E  }
0xb6: {  	_ =	sfence  }
0xb7: {  	s30 =	sld [smem:$0x0];
	_ =	sdelay $0x2  }
0xb8: {  	s31 =	sshll.u32 s1, $0xD;
	s1 =	sshrl.u32 s1, $0x2  }
0xb9: {  	s3 =	sand.u32 $0x4000, s31;
	s1 =	sadd.s32 s1, s30  }
0xba: {  	s0 =	sor.u32 s3, s0;
	s1 =	sshll.u32 s1, $0x11  }
0xbb: {  	s0 =	sor.u32 s1, s0  }
0xbc: {  	s0 =	sadd.s32 $0x8F2B, s0  }
0xbd: {  	[sflag:s0] =	ssyncadd.remote.s32 $0x1  }
0xbe: {  	_ =	sfence.sel $0xFFFF  }
0xbf: {  	[dreg:$0x0] =	wrdreg $0xFFFFFFFF;
	(pc) =	sbr.abs _section_cstart, $3  }
0xc0: {  	[dreg:$0x1] =	wrdreg $0xFFFFFFFF  }
0xc1: {  	_ =	task.clear_ibuf [dreg:s6], $0x2FFFF;
	_ =	strace $0x9FFFFFFF  }
0xc2: {  	(tm) =	ssettm $0x7FFFFFFF  }
0xc3: {  	_ =	shalt  }
tec
execute0_lowered:
.L_overlay_start_1:
0x0: {  	(tag) =	ssettag $0x1  }
0x1: {  	s25 =	rddreg [dreg:$0x0]  }
0x2: {  	s2 =	rddreg [dreg:$0x1]  }
0x3: {  	s0 =	stileid.u32;
	s1 =	rddreg [dreg:$0x2]  }
0x4: {  	s3 =	simm.s32 $0x0;
	s5 =	srdreg.scid;
	s4 =	smul.u32 $0x3800, s0  }
0x5: {  	[smem:$0x7FF] =	sst s3;
	s28 =	sand.u32 $0x1, s5  }
0x6: {  	s30 =	sshll.u32 s0, $0x6;
	_ =	strace $0x8000004D;
	s26 =	sshrl.u32 s4, $0x3  }
0x7: {  	s5 =	sor.u32 $0x1C01, s30;
	s7 =	sadd.s32 s4, s2;
	s6 =	sadd.s32 s26, s25  }
0x8: {  	s7 =	sshrl.u32 s7, $0x3;
	s4 =	sadd.s32 $0x1AE00, s6;
	s6 =	simm.s32 $0x1  }
0x9: {  	[spmem:s7], [sflag:s5] =	dma.local [hbm:s4], $0x700  }
0xa: {  	s9 =	sshll.u32 s0, $0xB;
	s8 =	sshll.u32 s28, $0xF;
	_ =	swait.ge [sflag:s6], $0x700  }
0xb: {  	s29 =	sor.u32 s9, s8;
	[sflag:s6] =	ssyncset.done $0x0  }
0xc: {  	s23 =	sadd.s32 $0x5800, s25;
	s8 =	sshrl.u32 s29, $0x3;
	[sflag:s6] =	ssyncadd.s32 $0xFFFFF900  }
0xd: {  	s8 =	sadd.s32 s23, s8;
	[bflag:$0x0] =	sbarrier.arrive $0xFFFF  }
0xe: {  	[tilespmem:s3], [sflag:$0x1] =	stream.linear.gather [hbm4b:s8+s3], $0x100, $0x38;
	[tilespmem:$0xA900] =	vst v63  }
0xf: {  	s9 =	smul.u32 $0xE, s29;
	_ =	swait.ge [sflag:s6], $0x100  }
0x10: {  	s24 =	sadd.s32 $0x21AE00, s25;
	[sflag:s6] =	ssyncset.done $0x0  }
0x11: {  	s10 =	simm.s32 $0x100;
	s9 =	sadd.s32 s24, s9;
	[sflag:s6] =	ssyncadd.s32 $0xFFFFFF00  }
0x12: {  	[tilespmem:s10], [sflag:$0x1] =	stream.linear.gather [hbm4b:s9+s3], $0x7000, $0x38;
	[tilespmem:$0xA900] =	vst v63  }
0x13: {  	_ =	swait.ge [sflag:s6], $0x7000  }
0x14: {  	[sflag:s6] =	ssyncset.done $0x0  }
0x15: {  	[sflag:s6] =	ssyncadd.s32 $0xFFFF9000  }
0x16: {  	[spmem:s2] =	stream.indirect.scatter.add.f32 [tilespmem:s10], [sflag:$0x1], $0x70, s3, s10, $0xb8;
	[tilespmem:$0xA900] =	vst v63  }
0x17: {  	s12 =	sor.u32 $0x100, s29;
	_ =	swait.ge [sflag:s6], $0x7000  }
0x18: {  	s11 =	sshrl.u32 s12, $0x3;
	[sflag:s6] =	ssyncset.done $0x0  }
0x19: {  	s11 =	sadd.s32 s23, s11;
	[sflag:s6] =	ssyncadd.s32 $0xFFFF9000  }
0x1a: {  	[tilespmem:s3], [sflag:$0x1] =	stream.linear.gather [hbm4b:s11+s3], $0x100, $0x38;
	[tilespmem:$0xA900] =	vst v63  }
0x1b: {  	s12 =	smul.u32 $0xE, s12;
	_ =	swait.ge [sflag:s6], $0x100  }
0x1c: {  	[sflag:s6] =	ssyncset.done $0x0  }
0x1d: {  	s12 =	sadd.s32 s24, s12;
	[sflag:s6] =	ssyncadd.s32 $0xFFFFFF00  }
0x1e: {  	[tilespmem:s10], [sflag:$0x1] =	stream.linear.gather [hbm4b:s12+s3], $0x7000, $0x38;
	[tilespmem:$0xA900] =	vst v63  }
0x1f: {  	_ =	swait.ge [sflag:s6], $0x7000  }
0x20: {  	[sflag:s6] =	ssyncset.done $0x0  }
0x21: {  	[sflag:s6] =	ssyncadd.s32 $0xFFFF9000  }
0x22: {  	[spmem:s2] =	stream.indirect.scatter.add.f32 [tilespmem:s10], [sflag:$0x1], $0x70, s3, s10, $0xb8;
	[tilespmem:$0xA900] =	vst v63  }
0x23: {  	s14 =	sor.u32 $0x200, s29;
	_ =	swait.ge [sflag:s6], $0x7000  }
0x24: {  	s13 =	sshrl.u32 s14, $0x3;
	[sflag:s6] =	ssyncset.done $0x0  }
0x25: {  	s13 =	sadd.s32 s23, s13;
	[sflag:s6] =	ssyncadd.s32 $0xFFFF9000  }
0x26: {  	[tilespmem:s3], [sflag:$0x1] =	stream.linear.gather [hbm4b:s13+s3], $0x100, $0x38;
	[tilespmem:$0xA900] =	vst v63  }
0x27: {  	s14 =	smul.u32 $0xE, s14;
	_ =	swait.ge [sflag:s6], $0x100  }
0x28: {  	[sflag:s6] =	ssyncset.done $0x0  }
0x29: {  	s14 =	sadd.s32 s24, s14;
	[sflag:s6] =	ssyncadd.s32 $0xFFFFFF00  }
0x2a: {  	[tilespmem:s10], [sflag:$0x1] =	stream.linear.gather [hbm4b:s14+s3], $0x7000, $0x38;
	[tilespmem:$0xA900] =	vst v63  }
0x2b: {  	_ =	swait.ge [sflag:s6], $0x7000  }
0x2c: {  	[sflag:s6] =	ssyncset.done $0x0  }
0x2d: {  	[sflag:s6] =	ssyncadd.s32 $0xFFFF9000  }
0x2e: {  	[spmem:s2] =	stream.indirect.scatter.add.f32 [tilespmem:s10], [sflag:$0x1], $0x70, s3, s10, $0xb8;
	[tilespmem:$0xA900] =	vst v63  }
0x2f: {  	s16 =	sor.u32 $0x300, s29;
	_ =	swait.ge [sflag:s6], $0x7000  }
0x30: {  	s15 =	sshrl.u32 s16, $0x3;
	[sflag:s6] =	ssyncset.done $0x0  }
0x31: {  	s15 =	sadd.s32 s23, s15;
	[sflag:s6] =	ssyncadd.s32 $0xFFFF9000  }
0x32: {  	[tilespmem:s3], [sflag:$0x1] =	stream.linear.gather [hbm4b:s15+s3], $0x100, $0x38;
	[tilespmem:$0xA900] =	vst v63  }
0x33: {  	s16 =	smul.u32 $0xE, s16;
	_ =	swait.ge [sflag:s6], $0x100  }
0x34: {  	[sflag:s6] =	ssyncset.done $0x0  }
0x35: {  	s16 =	sadd.s32 s24, s16;
	[sflag:s6] =	ssyncadd.s32 $0xFFFFFF00  }
0x36: {  	[tilespmem:s10], [sflag:$0x1] =	stream.linear.gather [hbm4b:s16+s3], $0x7000, $0x38;
	[tilespmem:$0xA900] =	vst v63  }
0x37: {  	_ =	swait.ge [sflag:s6], $0x7000  }
0x38: {  	[sflag:s6] =	ssyncset.done $0x0  }
0x39: {  	[sflag:s6] =	ssyncadd.s32 $0xFFFF9000  }
0x3a: {  	[spmem:s2] =	stream.indirect.scatter.add.f32 [tilespmem:s10], [sflag:$0x1], $0x70, s3, s10, $0xb8;
	[tilespmem:$0xA900] =	vst v63  }
0x3b: {  	s18 =	sor.u32 $0x400, s29;
	_ =	swait.ge [sflag:s6], $0x7000  }
0x3c: {  	s17 =	sshrl.u32 s18, $0x3;
	[sflag:s6] =	ssyncset.done $0x0  }
0x3d: {  	s17 =	sadd.s32 s23, s17;
	[sflag:s6] =	ssyncadd.s32 $0xFFFF9000  }
0x3e: {  	[tilespmem:s3], [sflag:$0x1] =	stream.linear.gather [hbm4b:s17+s3], $0x100, $0x38;
	[tilespmem:$0xA900] =	vst v63  }
0x3f: {  	s18 =	smul.u32 $0xE, s18;
	_ =	swait.ge [sflag:s6], $0x100  }
0x40: {  	[sflag:s6] =	ssyncset.done $0x0  }
0x41: {  	s18 =	sadd.s32 s24, s18;
	[sflag:s6] =	ssyncadd.s32 $0xFFFFFF00  }
0x42: {  	[tilespmem:s10], [sflag:$0x1] =	stream.linear.gather [hbm4b:s18+s3], $0x7000, $0x38;
	[tilespmem:$0xA900] =	vst v63  }
0x43: {  	_ =	swait.ge [sflag:s6], $0x7000  }
0x44: {  	[sflag:s6] =	ssyncset.done $0x0  }
0x45: {  	[sflag:s6] =	ssyncadd.s32 $0xFFFF9000  }
0x46: {  	[spmem:s2] =	stream.indirect.scatter.add.f32 [tilespmem:s10], [sflag:$0x1], $0x70, s3, s10, $0xb8;
	[tilespmem:$0xA900] =	vst v63  }
0x47: {  	s20 =	sor.u32 $0x500, s29;
	_ =	swait.ge [sflag:s6], $0x7000  }
0x48: {  	s19 =	sshrl.u32 s20, $0x3;
	[sflag:s6] =	ssyncset.done $0x0  }
0x49: {  	s19 =	sadd.s32 s23, s19;
	[sflag:s6] =	ssyncadd.s32 $0xFFFF9000  }
0x4a: {  	[tilespmem:s3], [sflag:$0x1] =	stream.linear.gather [hbm4b:s19+s3], $0x100, $0x38;
	[tilespmem:$0xA900] =	vst v63  }
0x4b: {  	s20 =	smul.u32 $0xE, s20;
	_ =	swait.ge [sflag:s6], $0x100  }
0x4c: {  	[sflag:s6] =	ssyncset.done $0x0  }
0x4d: {  	s20 =	sadd.s32 s24, s20;
	[sflag:s6] =	ssyncadd.s32 $0xFFFFFF00  }
0x4e: {  	[tilespmem:s10], [sflag:$0x1] =	stream.linear.gather [hbm4b:s20+s3], $0x7000, $0x38;
	[tilespmem:$0xA900] =	vst v63  }
0x4f: {  	_ =	swait.ge [sflag:s6], $0x7000  }
0x50: {  	[sflag:s6] =	ssyncset.done $0x0  }
0x51: {  	[sflag:s6] =	ssyncadd.s32 $0xFFFF9000  }
0x52: {  	[spmem:s2] =	stream.indirect.scatter.add.f32 [tilespmem:s10], [sflag:$0x1], $0x70, s3, s10, $0xb8;
	[tilespmem:$0xA900] =	vst v63  }
0x53: {  	s22 =	sor.u32 $0x600, s29;
	_ =	swait.ge [sflag:s6], $0x7000  }
0x54: {  	s21 =	sshrl.u32 s22, $0x3;
	[sflag:s6] =	ssyncset.done $0x0  }
0x55: {  	s21 =	sadd.s32 s23, s21;
	[sflag:s6] =	ssyncadd.s32 $0xFFFF9000  }
0x56: {  	[tilespmem:s3], [sflag:$0x1] =	stream.linear.gather [hbm4b:s21+s3], $0x100, $0x38;
	[tilespmem:$0xA900] =	vst v63  }
0x57: {  	s22 =	smul.u32 $0xE, s22;
	_ =	swait.ge [sflag:s6], $0x100  }
0x58: {  	[sflag:s6] =	ssyncset.done $0x0  }
0x59: {  	s22 =	sadd.s32 s24, s22;
	[sflag:s6] =	ssyncadd.s32 $0xFFFFFF00  }
0x5a: {  	[tilespmem:s10], [sflag:$0x1] =	stream.linear.gather [hbm4b:s22+s3], $0x7000, $0x38;
	[tilespmem:$0xA900] =	vst v63  }
0x5b: {  	_ =	swait.ge [sflag:s6], $0x7000  }
0x5c: {  	[sflag:s6] =	ssyncset.done $0x0  }
0x5d: {  	[sflag:s6] =	ssyncadd.s32 $0xFFFF9000  }
0x5e: {  	[spmem:s2] =	stream.indirect.scatter.add.f32 [tilespmem:s10], [sflag:$0x1], $0x70, s3, s10, $0xb8;
	[tilespmem:$0xA900] =	vst v63  }
0x5f: {  	s29 =	sor.u32 $0x700, s29;
	_ =	swait.ge [sflag:s6], $0x7000  }
0x60: {  	s30 =	sshrl.u32 s29, $0x3;
	[sflag:s6] =	ssyncset.done $0x0  }
0x61: {  	s23 =	sadd.s32 s23, s30;
	[sflag:s6] =	ssyncadd.s32 $0xFFFF9000  }
0x62: {  	[tilespmem:s3], [sflag:$0x1] =	stream.linear.gather [hbm4b:s23+s3], $0x100, $0x38;
	[tilespmem:$0xA900] =	vst v63  }
0x63: {  	s29 =	smul.u32 $0xE, s29;
	_ =	swait.ge [sflag:s6], $0x100  }
0x64: {  	[sflag:s6] =	ssyncset.done $0x0  }
0x65: {  	s24 =	sadd.s32 s24, s29;
	[sflag:s6] =	ssyncadd.s32 $0xFFFFFF00  }
0x66: {  	[tilespmem:s10], [sflag:$0x1] =	stream.linear.gather [hbm4b:s24+s3], $0x7000, $0x38;
	[tilespmem:$0xA900] =	vst v63  }
0x67: {  	s31 =	smul.u32 $0x7000, s28;
	s28 =	ssub.s32 $0x2, s28;
	_ =	swait.ge [sflag:s6], $0x7000  }
0x68: {  	s30 =	sshrl.u32 s28, $0x1;
	[sflag:s6] =	ssyncset.done $0x0  }
0x69: {  	s28 =	ssub.s32 s28, s30;
	[sflag:s6] =	ssyncadd.s32 $0xFFFF9000  }
0x6a: {  	[spmem:s2] =	stream.indirect.scatter.add.f32 [tilespmem:s10], [sflag:$0x1], $0x70, s3, s10, $0xb8;
	[tilespmem:$0xA900] =	vst v63  }
0x6b: {  	s25 =	sadd.s32 s31, s25;
	s31 =	smax.u32 s28, $0x1;
	_ =	swait.ge [sflag:s6], $0x7000  }
0x6c: {  	p0 =	sne.s32 s31, $0x1;
	[sflag:s6] =	ssyncset.done $0x0  }
.Ltmp0:
0x6d: {  	s25 =	sadd.s32 $0x21E00, s25;
	[sflag:s6] =	ssyncadd.s32 $0xFFFF9000;
	(pc) =	sbr.rel @!p0 .LBB2_2-.Ltmp0, $4  }
0x6e: {  	s25 =	sadd.s32 s26, s25;
	[bflag:$0x0] =	sbarrier.arrive $0xFFFF  }
0x6f: {  	[hbm:s25], [sflag:s5] =	dma.local [spmem:s7], $0x700  }
0x70: {  	_ =	swait.ge [sflag:s6], $0x700  }
0x71: {  	s26 =	sadd.s32 $0xFFFFFFFF, s31;
	[sflag:s6] =	ssyncset.done $0x0  }
.LBB2_1:
0x72: {  	p0 =	sne.s32 s26, $0x1;
	s26 =	sadd.s32 $0xFFFFFFFF, s26;
	[sflag:s6] =	ssyncadd.s32 $0xFFFFF900  }
0x73: {  	[spmem:s7], [sflag:s5] =	dma.local [hbm:s4], $0x700  }
0x74: {  	_ =	swait.ge [sflag:s6], $0x700  }
0x75: {  	[sflag:s6] =	ssyncset.done $0x0  }
0x76: {  	[sflag:s6] =	ssyncadd.s32 $0xFFFFF900  }
0x77: {  	[bflag:$0x0] =	sbarrier.arrive $0xFFFF  }
0x78: {  	[tilespmem:s3], [sflag:$0x1] =	stream.linear.gather [hbm4b:s8+s3], $0x100, $0x38;
	[tilespmem:$0xA900] =	vst v63  }
0x79: {  	_ =	swait.ge [sflag:s6], $0x100  }
0x7a: {  	[sflag:s6] =	ssyncset.done $0x0  }
0x7b: {  	[sflag:s6] =	ssyncadd.s32 $0xFFFFFF00  }
0x7c: {  	[tilespmem:s10], [sflag:$0x1] =	stream.linear.gather [hbm4b:s9+s3], $0x7000, $0x38;
	[tilespmem:$0xA900] =	vst v63  }
0x7d: {  	_ =	swait.ge [sflag:s6], $0x7000  }
0x7e: {  	[sflag:s6] =	ssyncset.done $0x0  }
0x7f: {  	[sflag:s6] =	ssyncadd.s32 $0xFFFF9000  }
0x80: {  	[spmem:s2] =	stream.indirect.scatter.add.f32 [tilespmem:s10], [sflag:$0x1], $0x70, s3, s10, $0xb8;
	[tilespmem:$0xA900] =	vst v63  }
0x81: {  	_ =	swait.ge [sflag:s6], $0x7000  }
0x82: {  	[sflag:s6] =	ssyncset.done $0x0  }
0x83: {  	[sflag:s6] =	ssyncadd.s32 $0xFFFF9000  }
0x84: {  	[tilespmem:s3], [sflag:$0x1] =	stream.linear.gather [hbm4b:s11+s3], $0x100, $0x38;
	[tilespmem:$0xA900] =	vst v63  }
0x85: {  	_ =	swait.ge [sflag:s6], $0x100  }
0x86: {  	[sflag:s6] =	ssyncset.done $0x0  }
0x87: {  	[sflag:s6] =	ssyncadd.s32 $0xFFFFFF00  }
0x88: {  	[tilespmem:s10], [sflag:$0x1] =	stream.linear.gather [hbm4b:s12+s3], $0x7000, $0x38;
	[tilespmem:$0xA900] =	vst v63  }
0x89: {  	_ =	swait.ge [sflag:s6], $0x7000  }
0x8a: {  	[sflag:s6] =	ssyncset.done $0x0  }
0x8b: {  	[sflag:s6] =	ssyncadd.s32 $0xFFFF9000  }
0x8c: {  	[spmem:s2] =	stream.indirect.scatter.add.f32 [tilespmem:s10], [sflag:$0x1], $0x70, s3, s10, $0xb8;
	[tilespmem:$0xA900] =	vst v63  }
0x8d: {  	_ =	swait.ge [sflag:s6], $0x7000  }
0x8e: {  	[sflag:s6] =	ssyncset.done $0x0  }
0x8f: {  	[sflag:s6] =	ssyncadd.s32 $0xFFFF9000  }
0x90: {  	[tilespmem:s3], [sflag:$0x1] =	stream.linear.gather [hbm4b:s13+s3], $0x100, $0x38;
	[tilespmem:$0xA900] =	vst v63  }
0x91: {  	_ =	swait.ge [sflag:s6], $0x100  }
0x92: {  	[sflag:s6] =	ssyncset.done $0x0  }
0x93: {  	[sflag:s6] =	ssyncadd.s32 $0xFFFFFF00  }
0x94: {  	[tilespmem:s10], [sflag:$0x1] =	stream.linear.gather [hbm4b:s14+s3], $0x7000, $0x38;
	[tilespmem:$0xA900] =	vst v63  }
0x95: {  	_ =	swait.ge [sflag:s6], $0x7000  }
0x96: {  	[sflag:s6] =	ssyncset.done $0x0  }
0x97: {  	[sflag:s6] =	ssyncadd.s32 $0xFFFF9000  }
0x98: {  	[spmem:s2] =	stream.indirect.scatter.add.f32 [tilespmem:s10], [sflag:$0x1], $0x70, s3, s10, $0xb8;
	[tilespmem:$0xA900] =	vst v63  }
0x99: {  	_ =	swait.ge [sflag:s6], $0x7000  }
0x9a: {  	[sflag:s6] =	ssyncset.done $0x0  }
0x9b: {  	[sflag:s6] =	ssyncadd.s32 $0xFFFF9000  }
0x9c: {  	[tilespmem:s3], [sflag:$0x1] =	stream.linear.gather [hbm4b:s15+s3], $0x100, $0x38;
	[tilespmem:$0xA900] =	vst v63  }
0x9d: {  	_ =	swait.ge [sflag:s6], $0x100  }
0x9e: {  	[sflag:s6] =	ssyncset.done $0x0  }
0x9f: {  	[sflag:s6] =	ssyncadd.s32 $0xFFFFFF00  }
0xa0: {  	[tilespmem:s10], [sflag:$0x1] =	stream.linear.gather [hbm4b:s16+s3], $0x7000, $0x38;
	[tilespmem:$0xA900] =	vst v63  }
0xa1: {  	_ =	swait.ge [sflag:s6], $0x7000  }
0xa2: {  	[sflag:s6] =	ssyncset.done $0x0  }
0xa3: {  	[sflag:s6] =	ssyncadd.s32 $0xFFFF9000  }
0xa4: {  	[spmem:s2] =	stream.indirect.scatter.add.f32 [tilespmem:s10], [sflag:$0x1], $0x70, s3, s10, $0xb8;
	[tilespmem:$0xA900] =	vst v63  }
0xa5: {  	_ =	swait.ge [sflag:s6], $0x7000  }
0xa6: {  	[sflag:s6] =	ssyncset.done $0x0  }
0xa7: {  	[sflag:s6] =	ssyncadd.s32 $0xFFFF9000  }
0xa8: {  	[tilespmem:s3], [sflag:$0x1] =	stream.linear.gather [hbm4b:s17+s3], $0x100, $0x38;
	[tilespmem:$0xA900] =	vst v63  }
0xa9: {  	_ =	swait.ge [sflag:s6], $0x100  }
0xaa: {  	[sflag:s6] =	ssyncset.done $0x0  }
0xab: {  	[sflag:s6] =	ssyncadd.s32 $0xFFFFFF00  }
0xac: {  	[tilespmem:s10], [sflag:$0x1] =	stream.linear.gather [hbm4b:s18+s3], $0x7000, $0x38;
	[tilespmem:$0xA900] =	vst v63  }
0xad: {  	_ =	swait.ge [sflag:s6], $0x7000  }
0xae: {  	[sflag:s6] =	ssyncset.done $0x0  }
0xaf: {  	[sflag:s6] =	ssyncadd.s32 $0xFFFF9000  }
0xb0: {  	[spmem:s2] =	stream.indirect.scatter.add.f32 [tilespmem:s10], [sflag:$0x1], $0x70, s3, s10, $0xb8;
	[tilespmem:$0xA900] =	vst v63  }
0xb1: {  	_ =	swait.ge [sflag:s6], $0x7000  }
0xb2: {  	[sflag:s6] =	ssyncset.done $0x0  }
0xb3: {  	[sflag:s6] =	ssyncadd.s32 $0xFFFF9000  }
0xb4: {  	[tilespmem:s3], [sflag:$0x1] =	stream.linear.gather [hbm4b:s19+s3], $0x100, $0x38;
	[tilespmem:$0xA900] =	vst v63  }
0xb5: {  	_ =	swait.ge [sflag:s6], $0x100  }
0xb6: {  	[sflag:s6] =	ssyncset.done $0x0  }
0xb7: {  	[sflag:s6] =	ssyncadd.s32 $0xFFFFFF00  }
0xb8: {  	[tilespmem:s10], [sflag:$0x1] =	stream.linear.gather [hbm4b:s20+s3], $0x7000, $0x38;
	[tilespmem:$0xA900] =	vst v63  }
0xb9: {  	_ =	swait.ge [sflag:s6], $0x7000  }
0xba: {  	[sflag:s6] =	ssyncset.done $0x0  }
0xbb: {  	[sflag:s6] =	ssyncadd.s32 $0xFFFF9000  }
0xbc: {  	[spmem:s2] =	stream.indirect.scatter.add.f32 [tilespmem:s10], [sflag:$0x1], $0x70, s3, s10, $0xb8;
	[tilespmem:$0xA900] =	vst v63  }
0xbd: {  	_ =	swait.ge [sflag:s6], $0x7000  }
0xbe: {  	[sflag:s6] =	ssyncset.done $0x0  }
0xbf: {  	[sflag:s6] =	ssyncadd.s32 $0xFFFF9000  }
0xc0: {  	[tilespmem:s3], [sflag:$0x1] =	stream.linear.gather [hbm4b:s21+s3], $0x100, $0x38;
	[tilespmem:$0xA900] =	vst v63  }
0xc1: {  	_ =	swait.ge [sflag:s6], $0x100  }
0xc2: {  	[sflag:s6] =	ssyncset.done $0x0  }
0xc3: {  	[sflag:s6] =	ssyncadd.s32 $0xFFFFFF00  }
0xc4: {  	[tilespmem:s10], [sflag:$0x1] =	stream.linear.gather [hbm4b:s22+s3], $0x7000, $0x38;
	[tilespmem:$0xA900] =	vst v63  }
0xc5: {  	_ =	swait.ge [sflag:s6], $0x7000  }
0xc6: {  	[sflag:s6] =	ssyncset.done $0x0  }
0xc7: {  	[sflag:s6] =	ssyncadd.s32 $0xFFFF9000  }
0xc8: {  	[spmem:s2] =	stream.indirect.scatter.add.f32 [tilespmem:s10], [sflag:$0x1], $0x70, s3, s10, $0xb8;
	[tilespmem:$0xA900] =	vst v63  }
0xc9: {  	_ =	swait.ge [sflag:s6], $0x7000  }
0xca: {  	[sflag:s6] =	ssyncset.done $0x0  }
0xcb: {  	[sflag:s6] =	ssyncadd.s32 $0xFFFF9000  }
0xcc: {  	[tilespmem:s3], [sflag:$0x1] =	stream.linear.gather [hbm4b:s23+s3], $0x100, $0x38;
	[tilespmem:$0xA900] =	vst v63  }
0xcd: {  	_ =	swait.ge [sflag:s6], $0x100  }
0xce: {  	[sflag:s6] =	ssyncset.done $0x0  }
0xcf: {  	[sflag:s6] =	ssyncadd.s32 $0xFFFFFF00  }
0xd0: {  	[tilespmem:s10], [sflag:$0x1] =	stream.linear.gather [hbm4b:s24+s3], $0x7000, $0x38;
	[tilespmem:$0xA900] =	vst v63  }
0xd1: {  	_ =	swait.ge [sflag:s6], $0x7000  }
0xd2: {  	[sflag:s6] =	ssyncset.done $0x0  }
0xd3: {  	[sflag:s6] =	ssyncadd.s32 $0xFFFF9000  }
0xd4: {  	[spmem:s2] =	stream.indirect.scatter.add.f32 [tilespmem:s10], [sflag:$0x1], $0x70, s3, s10, $0xb8;
	[tilespmem:$0xA900] =	vst v63  }
0xd5: {  	_ =	swait.ge [sflag:s6], $0x7000  }
0xd6: {  	[sflag:s6] =	ssyncset.done $0x0  }
.Ltmp1:
0xd7: {  	[sflag:s6] =	ssyncadd.s32 $0xFFFF9000;
	(pc) =	sbr.rel @p0 .LBB2_1-.Ltmp1, $4  }
0xd8: {  	[bflag:$0x0] =	sbarrier.arrive $0xFFFF  }
0xd9: {  	[hbm:s25], [sflag:s5] =	dma.local [spmem:s7], $0x700  }
0xda: {  	_ =	swait.ge [sflag:s6], $0x700  }
0xdb: {  	[sflag:s6] =	ssyncset.done $0x0  }
.LBB2_2:
0xdc: {  	[sflag:s6] =	ssyncadd.s32 $0xFFFFF900  }
0xdd: {  	_ =	sfence.sel $0x180000  }
0xde: {  	[bflag:$0x0] =	sbarrier.arrive $0xFFFF  }
0xdf: {  	p0 =	sne.s32 s0, $0x0;
	_ =	strace $0x9000004D  }
0xe0: {  	s0 =	sadd.s32 @!p0 $0x100000, s1;
	[bflag:$0x2] =	sbarrier.arrive $0xFFFF  }
0xe1: {  	[sflag:s0] =	ssyncadd.tile.s32 @!p0 $0x1;
	_ =	shalt  }
.Lfunc_end2:
_tile_overlayer_lowered:
.L_overlay_start_2:
0xe2: {  	(tag) =	ssettag $0x2  }
0xe3: {  	s0 =	rddreg [dreg:$0x0];
	s2 =	stileid.u32  }
0xe4: {  	s1 =	rddreg [dreg:$0x1];
	p0 =	sne.s32 s2, $0x0  }
0xe5: {  	s3 =	rddreg [dreg:$0x2];
	[bflag:$0x3] =	sbarrier.arrive $0xFFFF;
	s2 =	simm.s32 @!p0 $0x1C01  }
0xe6: {  	[timem:s3], [sflag:s2] =	dma.local @!p0 [hbm:s0], s1  }
0xe7: {  	s0 =	simm.s32 @!p0 $0x1  }
0xe8: {  	_ =	swait.ge @!p0 [sflag:s0], s1  }
0xe9: {  	s1 =	ssub.s32 @!p0 $0x0, s1;
	[sflag:s0] =	ssyncset.done @!p0 $0x0  }
0xea: {  	[sflag:s0] =	ssyncadd.s32 @!p0 s1  }
0xeb: {  	[bflag:$0x3] =	sbarrier.arrive $0xFFFF  }
0xec: {  	_ =	shalt  }

// kernel: kernel.18.cloned.1.call-start
scs
__scs_entry_jumppad:
0x0: {  	(pc) =	sbr.rel $0x88, $3  }
0x1: {  	(tag) =	ssettag $0x0;
	lr =	simm.s32 $0x1  }
0x2: {  	[smem:$0x3F77] =	sst lr;
	_ =	strace $0xD0000000  }
0x3: {  	_ = 	snop  }
0x4: {  	_ = 	snop  }
0x5: {  	_ = 	snop  }
0x6: {  	_ = 	snop  }
0x7: {  	_ = 	snop  }
__scs_overlays_trampoline_lowered:
0x8: {  	[smem:$0x3F86] =	sst s0  }
0x9: {  	[smem:$0x3F87] =	sst s1  }
0xa: {  	[smem:$0x3F88] =	sst s2  }
0xb: {  	[smem:$0x3F89] =	sst s3  }
0xc: {  	[smem:$0x3F8A] =	sst s4  }
0xd: {  	[smem:$0x3F8B] =	sst s5  }
0xe: {  	[smem:$0x3F8C] =	sst s6  }
0xf: {  	[smem:$0x3F8D] =	sst s7  }
0x10: {  	[smem:$0x3F8E] =	sst s8  }
0x11: {  	[smem:$0x3F8F] =	sst s9;
	s0 =	simm.s32 @!p0 $0x0  }
0x12: {  	s1 =	sld [smem:$0x3F75];
	s0 =	simm.s32 @p0 $0x1  }
0x13: {  	[smem:$0x3F90] =	sst s0;
	s0 =	simm.s32 @!p1 $0x0  }
0x14: {  	s2 =	sld [smem:$0x3F74];
	s0 =	simm.s32 @p1 $0x1  }
0x15: {  	[smem:$0x3F91] =	sst s0;
	s0 =	simm.s32 @!p2 $0x0  }
0x16: {  	s3 =	sld [smem:$0x3FDB];
	s0 =	simm.s32 @p2 $0x1  }
0x17: {  	s4 =	simm.s32 $0x1BF5;
	[smem:$0x3F93] =	sst s0  }
0x18: {  	s0 =	sld [smem:$0x3F76];
	_ =	swait.ge [sflag:s4], $0x0  }
0x19: {  	s7 =	sld [smem:$0x3F77]  }
0x1a: {  	s8 =	sadd.s32 $0xFFFFE003, lr  }
0x1b: {  	s9 =	sadd.s32 $0xFFFFFEF7, lr;
	s5 =	simm.s32 $0xFFFFFFFF;
	p2 =	slt.u32 s8, $0xFFFFF086  }
0x1c: {  	p1 =	slt.u32 s9, $0xF7A;
	s5 =	simm.s32 @!p2 $0x0  }
0x1d: {  	s5 =	simm.s32 @p1 $0x1;
	p0 =	seq.s32 s7, s2  }
0x1e: {  	s7 =	smul.u32 @!p0 $0xF7A, s2;
	p2 =	seq.s32 @!p0 s5, $0x0  }
0x1f: {  	s9 =	smul.u32 $0xF7A, s1;
	s8 =	simm.s32 @!p0 $0x1BF5;
	p2 =	por !p2, p0  }
0x20: {  	[sflag:s8] =	ssyncset.s32 @!p0 $0xFFFFF086;
	s6 =	sadd.s32 @!p0 s3, s7;
	s7 =	simm.s32 @!p0 $0x108  }
0x21: {  	s3 =	sadd.s32 s3, s9;
	s6 =	sadd.s32 @!p0 $0x88, s6;
	s7 =	simm.s32 @p2 $0x1082  }
0x22: {  	[simem:s7], [sflag:s8] =	dma.local @!p0 [hbm:s6], $0xF7A  }
0x23: {  	s9 =	sor.u32 $0xD0000000, s2;
	s6 =	simm.s32 $0x108;
	_ =	swait.ge @!p0 [sflag:s8], $0x0  }
0x24: {  	s3 =	sadd.s32 $0x88, s3;
	s6 =	simm.s32 @!p1 $0x1082;
	[sflag:s4] =	ssyncset.s32 $0xFFFFF086  }
0x25: {  	[simem:s6], [sflag:s4] =	dma.local [hbm:s3], $0xF7A  }
0x26: {  	[smem:$0x3F77] =	sst s1;
	(tag) =	ssettag s2;
	_ =	strace s9  }
0x27: {  	s1 =	sld [smem:$0x3F87]  }
0x28: {  	s2 =	sld [smem:$0x3F88]  }
0x29: {  	s4 =	sld [smem:$0x3F8A]  }
0x2a: {  	p0 =	seq.s32 s5, $0x0;
	s5 =	sld [smem:$0x3F8B]  }
0x2b: {  	s6 =	sld [smem:$0x3F8C]  }
0x2c: {  	s7 =	sld [smem:$0x3F8D]  }
0x2d: {  	s3 =	simm.s32 $0x108;
	s8 =	sld [smem:$0x3F8E]  }
0x2e: {  	s3 =	simm.s32 @!p0 $0x1082;
	s9 =	sld [smem:$0x3F8F]  }
0x2f: {  	lr =	sadd.s32 s0, s3;
	s0 =	sld [smem:$0x3F86]  }
0x30: {  	s3 =	sld [smem:$0x3F89]  }
0x31: {  	[smem:$0x3F92] =	sst s10  }
0x32: {  	s10 =	sld [smem:$0x3F90];
	_ =	sdelay $0x3  }
0x33: {  	p0 =	seq.s32 s10, $0x1;
	s10 =	sld [smem:$0x3F92];
	_ =	sdelay $0x3  }
0x34: {  	[smem:$0x3F92] =	sst s10  }
0x35: {  	s10 =	sld [smem:$0x3F91];
	_ =	sdelay $0x3  }
0x36: {  	p1 =	seq.s32 s10, $0x1;
	s10 =	sld [smem:$0x3F92];
	_ =	sdelay $0x3  }
0x37: {  	[smem:$0x3F92] =	sst s10  }
0x38: {  	s10 =	sld [smem:$0x3F93]  }
0x39: {  	_ = 	snop;
	(pc) =	sbr.ind lr, $3  }
0x3a: {  	_ = 	snop  }
0x3b: {  	_ = 	snop  }
0x3c: {  	p2 =	seq.s32 s10, $0x1;
	s10 =	sld [smem:$0x3F92]  }
0x3d: {  	_ =	shalt  }
0x3e: {  	_ =	shalt  }
0x3f: {  	_ =	shalt  }
0x40: {  	_ =	shalt  }
0x41: {  	_ =	shalt  }
0x42: {  	_ =	shalt  }
0x43: {  	_ =	shalt  }
0x44: {  	_ =	shalt  }
0x45: {  	_ =	shalt  }
0x46: {  	_ =	shalt  }
0x47: {  	_ =	shalt  }
0x48: {  	_ =	shalt  }
0x49: {  	_ =	shalt  }
0x4a: {  	_ =	shalt  }
0x4b: {  	_ =	shalt  }
0x4c: {  	_ =	shalt  }
0x4d: {  	_ =	shalt  }
0x4e: {  	_ =	shalt  }
0x4f: {  	_ =	shalt  }
0x50: {  	_ =	shalt  }
0x51: {  	_ =	shalt  }
0x52: {  	_ =	shalt  }
0x53: {  	_ =	shalt  }
0x54: {  	_ =	shalt  }
0x55: {  	_ =	shalt  }
0x56: {  	_ =	shalt  }
0x57: {  	_ =	shalt  }
0x58: {  	_ =	shalt  }
0x59: {  	_ =	shalt  }
0x5a: {  	_ =	shalt  }
0x5b: {  	_ =	shalt  }
0x5c: {  	_ =	shalt  }
0x5d: {  	_ =	shalt  }
0x5e: {  	_ =	shalt  }
0x5f: {  	_ =	shalt  }
0x60: {  	_ =	shalt  }
0x61: {  	_ =	shalt  }
0x62: {  	_ =	shalt  }
0x63: {  	_ =	shalt  }
0x64: {  	_ =	shalt  }
0x65: {  	_ =	shalt  }
0x66: {  	_ =	shalt  }
0x67: {  	_ =	shalt  }
0x68: {  	_ =	shalt  }
0x69: {  	_ =	shalt  }
0x6a: {  	_ =	shalt  }
0x6b: {  	_ =	shalt  }
0x6c: {  	_ =	shalt  }
0x6d: {  	_ =	shalt  }
0x6e: {  	_ =	shalt  }
0x6f: {  	_ =	shalt  }
0x70: {  	_ =	shalt  }
0x71: {  	_ =	shalt  }
0x72: {  	_ =	shalt  }
0x73: {  	_ =	shalt  }
0x74: {  	_ =	shalt  }
0x75: {  	_ =	shalt  }
0x76: {  	_ =	shalt  }
0x77: {  	_ =	shalt  }
0x78: {  	_ =	shalt  }
0x79: {  	_ =	shalt  }
0x7a: {  	_ =	shalt  }
0x7b: {  	_ =	shalt  }
0x7c: {  	_ =	shalt  }
0x7d: {  	_ =	shalt  }
0x7e: {  	_ =	shalt  }
0x7f: {  	_ =	shalt  }
0x80: {  	_ =	shalt  }
0x81: {  	_ =	shalt  }
0x82: {  	_ =	shalt  }
0x83: {  	_ =	shalt  }
0x84: {  	_ =	shalt  }
0x85: {  	_ =	shalt  }
0x86: {  	_ =	shalt  }
0x87: {  	_ =	shalt  }
.Lfunc_end0:
.L_simem_size_0:
called_computation.3_lowered:
.L_overlay_start_0:
0x88: {  	s2 =	sld [smem:$0x3FD9]  }
0x89: {  	s3 =	sld [smem:$0x3FFE];
	_ =	sdelay $0x1  }
0x8a: {  	s1 =	srdreg.scid  }
0x8b: {  	s0 =	sand.u32 $0x1, s1  }
0x8c: {  	s16 =	sshll.u32 s0, $0xA;
	s2 =	sadd.s32 s3, s2  }
0x8d: {  	s2 =	sadd.s32 s2, s16  }
0x8e: {  	[smem:$0x3F9E] =	sst s2  }
0x8f: {  	_ = 	snop  }
0x90: {  	(tm) =	ssettm $0x1  }
0x91: {  	s17 =	sld [smem:$0x3FFB];
	_ =	sdelay $0x3  }
0x92: {  	_ =	strace s17  }
0x93: {  	s2 =	sld [smem:$0x3FFC];
	_ =	sdelay $0x3  }
0x94: {  	_ =	strace s2  }
0x95: {  	s2 =	sld [smem:$0x3FFD];
	_ =	sdelay $0x3  }
0x96: {  	_ =	strace s2  }
0x97: {  	_ =	strace $0x8FFFFFFF  }
0x98: {  	s18 =	sld [smem:$0x3FDB];
	_ =	sdelay $0x1  }
0x99: {  	s19 =	simm.s32 $_scs_section_size  }
0x9a: {  	s4 =	simm.s32 $_size__tile_overlayer_lowered;
	s5 =	simm.s32 $_tile_overlayer_lowered  }
0x9b: {  	s22 =	simm.s32 $0x1BFF;
	s21 =	sshll.u32 s5, $0x1;
	s2 =	sadd.s32 s19, s18  }
0x9c: {  	s6 =	simm.s32 $0x0;
	s20 =	sshll.u32 s4, $0x1;
	s4 =	sadd.s32 s21, s2  }
0x9d: {  	[timem:s6], [sflag:s22] =	dma.local [hbm:s4], s20  }
0x9e: {  	_ =	swait.ge [sflag:s22], s20  }
0x9f: {  	s3 =	ssub.s32 $0x0, s20;
	[sflag:s22] =	ssyncset.done $0x0  }
0xa0: {  	[sflag:s22] =	ssyncadd.s32 s3;
	_ =	sdelay $0x1  }
0xa1: {  	s23 =	simm.s32 $0x1B8B  }
0xa2: {  	_ =	swait.ge [sflag:s23], $0x1  }
0xa3: {  	[sflag:s23] =	ssyncset.done $0x0  }
0xa4: {  	s25 =	simm.s32 $0x1B8E;
	s24 =	sld [smem:$0x3FFE];
	[sflag:s23] =	ssyncadd.s32 $0xFFFFFFFF  }
0xa5: {  	s26 =	simm.s32 $execute0_lowered;
	[smem:$0x3FD2] =	sst s25  }
0xa6: {  	s4 =	sshll.u32 s26, $0x1;
	_ =	strace $0x8000004F;
	[dreg:$0x1] =	wrdreg $0xFFFFFFFF  }
0xa7: {  	s28 =	simm.s32 $_size_execute0_lowered;
	s2 =	sadd.s32 s2, s4;
	[dreg:$0x0] =	wrdreg $0x0  }
0xa8: {  	s4 =	sshll.u32 s28, $0x1;
	[dreg:$0x2] =	wrdreg s2  }
0xa9: {  	[dreg:$0x3] =	wrdreg s4  }
0xaa: {  	[dreg:$0x4] =	wrdreg $0xC0  }
0xab: {  	_ =	task [dreg:s6], $0x5FFFF  }
0xac: {  	[dreg:$0x1] =	wrdreg $0xFFFFFFFF  }
0xad: {  	[dreg:$0x0] =	wrdreg $0x60  }
0xae: {  	[dreg:$0x2] =	wrdreg s24  }
0xaf: {  	[dreg:$0x3] =	wrdreg $0x9  }
0xb0: {  	_ =	task.clear_ibuf [dreg:s6], $0x4FFFF;
	_ =	strace $0x9000004F  }
0xb1: {  	s29 =	simm.s32 $0x9;
	_ =	strace $0x80000051  }
0xb2: {  	_ =	swait.ge [sflag:s29], $0x1  }
0xb3: {  	[sflag:s29] =	ssyncadd.s32 $0xFFFFFFFF  }
0xb4: {  	_ =	strace $0x90000051  }
0xb5: {  	_ =	sfence  }
0xb6: {  	s30 =	sld [smem:$0x0];
	_ =	sdelay $0x2  }
0xb7: {  	s31 =	sshll.u32 s1, $0xD;
	s1 =	sshrl.u32 s1, $0x2  }
0xb8: {  	s3 =	sand.u32 $0x4000, s31;
	s1 =	sadd.s32 s1, s30  }
0xb9: {  	s0 =	sor.u32 s3, s0;
	s1 =	sshll.u32 s1, $0x11  }
0xba: {  	s0 =	sor.u32 s1, s0  }
0xbb: {  	s0 =	sadd.s32 $0x8F2B, s0  }
0xbc: {  	[sflag:s0] =	ssyncadd.remote.s32 $0x1  }
0xbd: {  	_ =	sfence.sel $0xFFFF  }
0xbe: {  	[dreg:$0x0] =	wrdreg $0xFFFFFFFF;
	(pc) =	sbr.abs _section_cstart, $3  }
0xbf: {  	[dreg:$0x1] =	wrdreg $0xFFFFFFFF  }
0xc0: {  	_ =	task.clear_ibuf [dreg:s6], $0x2FFFF;
	_ =	strace $0x9FFFFFFF  }
0xc1: {  	(tm) =	ssettm $0x7FFFFFFF  }
tec
execute0_lowered:
.L_overlay_start_1:
0x0: {  	(tag) =	ssettag $0x1  }
0x1: {  	s4 =	rddreg [dreg:$0x0];
	s0 =	srdreg.scid  }
0x2: {  	s2 =	simm.s32 $0x0;
	s1 =	stileid.u32;
	s31 =	sand.u32 $0x1, s0  }
0x3: {  	[smem:$0x7FF] =	sst s2;
	s1 =	sshll.u32 s1, $0xD;
	s3 =	sshll.u32 s31, $0xC  }
0x4: {  	s30 =	sadd.s32 $0x16E00, s4;
	s0 =	sadd.s32 $0x21AE00, s4;
	s1 =	sor.u32 s3, s1  }
0x5: {  	_ =	strace $0x80000050;
	s3 =	sshrl.u32 s1, $0x3;
	s5 =	smul.u32 $0x16, s1  }
0x6: {  	s6 =	sor.u32 $0x100, s1;
	s13 =	sor.u32 $0x200, s1;
	s3 =	sadd.s32 s30, s3  }
0x7: {  	s10 =	sshrl.u32 s6, $0x3;
	[dreg:$0x2] =	wrdreg s3;
	s9 =	sadd.s32 s0, s5  }
0x8: {  	s14 =	sshrl.u32 s13, $0x3;
	s11 =	sadd.s32 s30, s10;
	[dreg:$0x3] =	wrdreg s9  }
0x9: {  	s12 =	smul.u32 $0x16, s6;
	s15 =	sadd.s32 s30, s14;
	[dreg:$0x4] =	wrdreg s11  }
0xa: {  	s16 =	sor.u32 $0x300, s1;
	s3 =	smul.u32 $0x16, s13;
	[dreg:$0x6] =	wrdreg s15  }
0xb: {  	s17 =	sshrl.u32 s16, $0x3;
	s5 =	sadd.s32 s0, s12;
	s18 =	rddreg [dreg:$0x2]  }
0xc: {  	[dreg:$0x5] =	wrdreg s5;
	s3 =	sadd.s32 s0, s3;
	s5 =	smul.u32 $0x16, s16  }
0xd: {  	[tilespmem:s2], [sflag:$0x2] =	stream.linear.gather [hbm4b:s18+s2], $0x100, $0x38;
	[tilespmem:$0xB100] =	vst v63  }
0xe: {  	[dreg:$0x7] =	wrdreg s3;
	s3 =	sadd.s32 s30, s17  }
0xf: {  	[dreg:$0x8] =	wrdreg s3;
	s19 =	sadd.s32 s0, s5  }
0x10: {  	s3 =	simm.s32 $0x2;
	[dreg:$0x9] =	wrdreg s19  }
0x11: {  	_ =	swait.ge [sflag:s3], $0x100  }
0x12: {  	s4 =	sadd.s32 $0x1AE00, s4;
	[sflag:s3] =	ssyncset.done $0x0  }
0x13: {  	s6 =	simm.s32 $0x1;
	s5 =	simm.s32 $0x100;
	[sflag:s3] =	ssyncadd.s32 $0xFFFFFF00  }
0x14: {  	[tilespmem:s5], [sflag:$0x1] =	stream.indirect.gather [hbm4b:s4+s5], $0xB0, s2, s5, $0xb8;
	[tilespmem:$0xB100] =	vst v63  }
0x15: {  	_ =	swait.ge [sflag:s6], $0xB000  }
0x16: {  	[sflag:s6] =	ssyncset.done $0x0  }
0x17: {  	s7 =	rddreg [dreg:$0x3];
	[sflag:s6] =	ssyncadd.s32 $0xFFFF5000  }
0x18: {  	[hbm4b:s7+s2] =	stream.linear.scatter [tilespmem:s5], [sflag:$0x2], $0xB000, $0x38;
	[tilespmem:$0xB100] =	vst v63  }
0x19: {  	_ =	swait.ge [sflag:s3], $0xB000  }
0x1a: {  	[sflag:s3] =	ssyncset.done $0x0  }
0x1b: {  	s20 =	rddreg [dreg:$0x4];
	[sflag:s3] =	ssyncadd.s32 $0xFFFF5000  }
0x1c: {  	[tilespmem:s2], [sflag:$0x2] =	stream.linear.gather [hbm4b:s20+s2], $0x100, $0x38;
	[tilespmem:$0xB100] =	vst v63  }
0x1d: {  	_ =	swait.ge [sflag:s3], $0x100  }
0x1e: {  	[sflag:s3] =	ssyncset.done $0x0  }
0x1f: {  	[sflag:s3] =	ssyncadd.s32 $0xFFFFFF00  }
0x20: {  	[tilespmem:s5], [sflag:$0x1] =	stream.indirect.gather [hbm4b:s4+s5], $0xB0, s2, s5, $0xb8;
	[tilespmem:$0xB100] =	vst v63  }
0x21: {  	_ =	swait.ge [sflag:s6], $0xB000  }
0x22: {  	[sflag:s6] =	ssyncset.done $0x0  }
0x23: {  	s21 =	rddreg [dreg:$0x5];
	[sflag:s6] =	ssyncadd.s32 $0xFFFF5000  }
0x24: {  	[hbm4b:s21+s2] =	stream.linear.scatter [tilespmem:s5], [sflag:$0x2], $0xB000, $0x38;
	[tilespmem:$0xB100] =	vst v63  }
0x25: {  	_ =	swait.ge [sflag:s3], $0xB000  }
0x26: {  	[sflag:s3] =	ssyncset.done $0x0  }
0x27: {  	s22 =	rddreg [dreg:$0x6];
	[sflag:s3] =	ssyncadd.s32 $0xFFFF5000  }
0x28: {  	[tilespmem:s2], [sflag:$0x2] =	stream.linear.gather [hbm4b:s22+s2], $0x100, $0x38;
	[tilespmem:$0xB100] =	vst v63  }
0x29: {  	_ =	swait.ge [sflag:s3], $0x100  }
0x2a: {  	[sflag:s3] =	ssyncset.done $0x0  }
0x2b: {  	[sflag:s3] =	ssyncadd.s32 $0xFFFFFF00  }
0x2c: {  	[tilespmem:s5], [sflag:$0x1] =	stream.indirect.gather [hbm4b:s4+s5], $0xB0, s2, s5, $0xb8;
	[tilespmem:$0xB100] =	vst v63  }
0x2d: {  	_ =	swait.ge [sflag:s6], $0xB000  }
0x2e: {  	[sflag:s6] =	ssyncset.done $0x0  }
0x2f: {  	s23 =	rddreg [dreg:$0x7];
	[sflag:s6] =	ssyncadd.s32 $0xFFFF5000  }
0x30: {  	[hbm4b:s23+s2] =	stream.linear.scatter [tilespmem:s5], [sflag:$0x2], $0xB000, $0x38;
	[tilespmem:$0xB100] =	vst v63  }
0x31: {  	_ =	swait.ge [sflag:s3], $0xB000  }
0x32: {  	[sflag:s3] =	ssyncset.done $0x0  }
0x33: {  	s24 =	rddreg [dreg:$0x8];
	[sflag:s3] =	ssyncadd.s32 $0xFFFF5000  }
0x34: {  	[tilespmem:s2], [sflag:$0x2] =	stream.linear.gather [hbm4b:s24+s2], $0x100, $0x38;
	[tilespmem:$0xB100] =	vst v63  }
0x35: {  	_ =	swait.ge [sflag:s3], $0x100  }
0x36: {  	[sflag:s3] =	ssyncset.done $0x0  }
0x37: {  	[sflag:s3] =	ssyncadd.s32 $0xFFFFFF00  }
0x38: {  	[tilespmem:s5], [sflag:$0x1] =	stream.indirect.gather [hbm4b:s4+s5], $0xB0, s2, s5, $0xb8;
	[tilespmem:$0xB100] =	vst v63  }
0x39: {  	_ =	swait.ge [sflag:s6], $0xB000  }
0x3a: {  	[sflag:s6] =	ssyncset.done $0x0  }
0x3b: {  	s25 =	rddreg [dreg:$0x9];
	[sflag:s6] =	ssyncadd.s32 $0xFFFF5000  }
0x3c: {  	[hbm4b:s25+s2] =	stream.linear.scatter [tilespmem:s5], [sflag:$0x2], $0xB000, $0x38;
	[tilespmem:$0xB100] =	vst v63  }
0x3d: {  	s8 =	sor.u32 $0x400, s1;
	_ =	swait.ge [sflag:s3], $0xB000  }
0x3e: {  	s26 =	sshrl.u32 s8, $0x3;
	[sflag:s3] =	ssyncset.done $0x0  }
0x3f: {  	s7 =	sadd.s32 s30, s26;
	[sflag:s3] =	ssyncadd.s32 $0xFFFF5000  }
0x40: {  	[tilespmem:s2], [sflag:$0x2] =	stream.linear.gather [hbm4b:s7+s2], $0x100, $0x38;
	[tilespmem:$0xB100] =	vst v63  }
0x41: {  	_ =	swait.ge [sflag:s3], $0x100  }
0x42: {  	[sflag:s3] =	ssyncset.done $0x0  }
0x43: {  	[sflag:s3] =	ssyncadd.s32 $0xFFFFFF00  }
0x44: {  	[tilespmem:s5], [sflag:$0x1] =	stream.indirect.gather [hbm4b:s4+s5], $0xB0, s2, s5, $0xb8;
	[tilespmem:$0xB100] =	vst v63  }
0x45: {  	s8 =	smul.u32 $0x16, s8;
	_ =	swait.ge [sflag:s6], $0xB000  }
0x46: {  	[sflag:s6] =	ssyncset.done $0x0  }
0x47: {  	s8 =	sadd.s32 s0, s8;
	[sflag:s6] =	ssyncadd.s32 $0xFFFF5000  }
0x48: {  	[hbm4b:s8+s2] =	stream.linear.scatter [tilespmem:s5], [sflag:$0x2], $0xB000, $0x38;
	[tilespmem:$0xB100] =	vst v63  }
0x49: {  	s10 =	sor.u32 $0x500, s1;
	_ =	swait.ge [sflag:s3], $0xB000  }
0x4a: {  	s9 =	sshrl.u32 s10, $0x3;
	[sflag:s3] =	ssyncset.done $0x0  }
0x4b: {  	s9 =	sadd.s32 s30, s9;
	[sflag:s3] =	ssyncadd.s32 $0xFFFF5000  }
0x4c: {  	[tilespmem:s2], [sflag:$0x2] =	stream.linear.gather [hbm4b:s9+s2], $0x100, $0x38;
	[tilespmem:$0xB100] =	vst v63  }
0x4d: {  	_ =	swait.ge [sflag:s3], $0x100  }
0x4e: {  	[sflag:s3] =	ssyncset.done $0x0  }
0x4f: {  	[sflag:s3] =	ssyncadd.s32 $0xFFFFFF00  }
0x50: {  	[tilespmem:s5], [sflag:$0x1] =	stream.indirect.gather [hbm4b:s4+s5], $0xB0, s2, s5, $0xb8;
	[tilespmem:$0xB100] =	vst v63  }
0x51: {  	s10 =	smul.u32 $0x16, s10;
	_ =	swait.ge [sflag:s6], $0xB000  }
0x52: {  	[sflag:s6] =	ssyncset.done $0x0  }
0x53: {  	s10 =	sadd.s32 s0, s10;
	[sflag:s6] =	ssyncadd.s32 $0xFFFF5000  }
0x54: {  	[hbm4b:s10+s2] =	stream.linear.scatter [tilespmem:s5], [sflag:$0x2], $0xB000, $0x38;
	[tilespmem:$0xB100] =	vst v63  }
0x55: {  	s12 =	sor.u32 $0x600, s1;
	_ =	swait.ge [sflag:s3], $0xB000  }
0x56: {  	s11 =	sshrl.u32 s12, $0x3;
	[sflag:s3] =	ssyncset.done $0x0  }
0x57: {  	s11 =	sadd.s32 s30, s11;
	[sflag:s3] =	ssyncadd.s32 $0xFFFF5000  }
0x58: {  	[tilespmem:s2], [sflag:$0x2] =	stream.linear.gather [hbm4b:s11+s2], $0x100, $0x38;
	[tilespmem:$0xB100] =	vst v63  }
0x59: {  	_ =	swait.ge [sflag:s3], $0x100  }
0x5a: {  	[sflag:s3] =	ssyncset.done $0x0  }
0x5b: {  	[sflag:s3] =	ssyncadd.s32 $0xFFFFFF00  }
0x5c: {  	[tilespmem:s5], [sflag:$0x1] =	stream.indirect.gather [hbm4b:s4+s5], $0xB0, s2, s5, $0xb8;
	[tilespmem:$0xB100] =	vst v63  }
0x5d: {  	s12 =	smul.u32 $0x16, s12;
	_ =	swait.ge [sflag:s6], $0xB000  }
0x5e: {  	[sflag:s6] =	ssyncset.done $0x0  }
0x5f: {  	s12 =	sadd.s32 s0, s12;
	[sflag:s6] =	ssyncadd.s32 $0xFFFF5000  }
0x60: {  	[hbm4b:s12+s2] =	stream.linear.scatter [tilespmem:s5], [sflag:$0x2], $0xB000, $0x38;
	[tilespmem:$0xB100] =	vst v63  }
0x61: {  	s14 =	sor.u32 $0x700, s1;
	_ =	swait.ge [sflag:s3], $0xB000  }
0x62: {  	s13 =	sshrl.u32 s14, $0x3;
	[sflag:s3] =	ssyncset.done $0x0  }
0x63: {  	s13 =	sadd.s32 s30, s13;
	[sflag:s3] =	ssyncadd.s32 $0xFFFF5000  }
0x64: {  	[tilespmem:s2], [sflag:$0x2] =	stream.linear.gather [hbm4b:s13+s2], $0x100, $0x38;
	[tilespmem:$0xB100] =	vst v63  }
0x65: {  	_ =	swait.ge [sflag:s3], $0x100  }
0x66: {  	[sflag:s3] =	ssyncset.done $0x0  }
0x67: {  	[sflag:s3] =	ssyncadd.s32 $0xFFFFFF00  }
0x68: {  	[tilespmem:s5], [sflag:$0x1] =	stream.indirect.gather [hbm4b:s4+s5], $0xB0, s2, s5, $0xb8;
	[tilespmem:$0xB100] =	vst v63  }
0x69: {  	s14 =	smul.u32 $0x16, s14;
	_ =	swait.ge [sflag:s6], $0xB000  }
0x6a: {  	[sflag:s6] =	ssyncset.done $0x0  }
0x6b: {  	s14 =	sadd.s32 s0, s14;
	[sflag:s6] =	ssyncadd.s32 $0xFFFF5000  }
0x6c: {  	[hbm4b:s14+s2] =	stream.linear.scatter [tilespmem:s5], [sflag:$0x2], $0xB000, $0x38;
	[tilespmem:$0xB100] =	vst v63  }
0x6d: {  	s16 =	sor.u32 $0x800, s1;
	_ =	swait.ge [sflag:s3], $0xB000  }
0x6e: {  	s15 =	sshrl.u32 s16, $0x3;
	[sflag:s3] =	ssyncset.done $0x0  }
0x6f: {  	s15 =	sadd.s32 s30, s15;
	[sflag:s3] =	ssyncadd.s32 $0xFFFF5000  }
0x70: {  	[tilespmem:s2], [sflag:$0x2] =	stream.linear.gather [hbm4b:s15+s2], $0x100, $0x38;
	[tilespmem:$0xB100] =	vst v63  }
0x71: {  	_ =	swait.ge [sflag:s3], $0x100  }
0x72: {  	[sflag:s3] =	ssyncset.done $0x0  }
0x73: {  	[sflag:s3] =	ssyncadd.s32 $0xFFFFFF00  }
0x74: {  	[tilespmem:s5], [sflag:$0x1] =	stream.indirect.gather [hbm4b:s4+s5], $0xB0, s2, s5, $0xb8;
	[tilespmem:$0xB100] =	vst v63  }
0x75: {  	s16 =	smul.u32 $0x16, s16;
	_ =	swait.ge [sflag:s6], $0xB000  }
0x76: {  	[sflag:s6] =	ssyncset.done $0x0  }
0x77: {  	s16 =	sadd.s32 s0, s16;
	[sflag:s6] =	ssyncadd.s32 $0xFFFF5000  }
0x78: {  	[hbm4b:s16+s2] =	stream.linear.scatter [tilespmem:s5], [sflag:$0x2], $0xB000, $0x38;
	[tilespmem:$0xB100] =	vst v63  }
0x79: {  	s18 =	sor.u32 $0x900, s1;
	_ =	swait.ge [sflag:s3], $0xB000  }
0x7a: {  	s17 =	sshrl.u32 s18, $0x3;
	[sflag:s3] =	ssyncset.done $0x0  }
0x7b: {  	s17 =	sadd.s32 s30, s17;
	[sflag:s3] =	ssyncadd.s32 $0xFFFF5000  }
0x7c: {  	[tilespmem:s2], [sflag:$0x2] =	stream.linear.gather [hbm4b:s17+s2], $0x100, $0x38;
	[tilespmem:$0xB100] =	vst v63  }
0x7d: {  	_ =	swait.ge [sflag:s3], $0x100  }
0x7e: {  	[sflag:s3] =	ssyncset.done $0x0  }
0x7f: {  	[sflag:s3] =	ssyncadd.s32 $0xFFFFFF00  }
0x80: {  	[tilespmem:s5], [sflag:$0x1] =	stream.indirect.gather [hbm4b:s4+s5], $0xB0, s2, s5, $0xb8;
	[tilespmem:$0xB100] =	vst v63  }
0x81: {  	s18 =	smul.u32 $0x16, s18;
	_ =	swait.ge [sflag:s6], $0xB000  }
0x82: {  	[sflag:s6] =	ssyncset.done $0x0  }
0x83: {  	s18 =	sadd.s32 s0, s18;
	[sflag:s6] =	ssyncadd.s32 $0xFFFF5000  }
0x84: {  	[hbm4b:s18+s2] =	stream.linear.scatter [tilespmem:s5], [sflag:$0x2], $0xB000, $0x38;
	[tilespmem:$0xB100] =	vst v63  }
0x85: {  	s20 =	sor.u32 $0xA00, s1;
	_ =	swait.ge [sflag:s3], $0xB000  }
0x86: {  	s19 =	sshrl.u32 s20, $0x3;
	[sflag:s3] =	ssyncset.done $0x0  }
0x87: {  	s19 =	sadd.s32 s30, s19;
	[sflag:s3] =	ssyncadd.s32 $0xFFFF5000  }
0x88: {  	[tilespmem:s2], [sflag:$0x2] =	stream.linear.gather [hbm4b:s19+s2], $0x100, $0x38;
	[tilespmem:$0xB100] =	vst v63  }
0x89: {  	_ =	swait.ge [sflag:s3], $0x100  }
0x8a: {  	[sflag:s3] =	ssyncset.done $0x0  }
0x8b: {  	[sflag:s3] =	ssyncadd.s32 $0xFFFFFF00  }
0x8c: {  	[tilespmem:s5], [sflag:$0x1] =	stream.indirect.gather [hbm4b:s4+s5], $0xB0, s2, s5, $0xb8;
	[tilespmem:$0xB100] =	vst v63  }
0x8d: {  	s20 =	smul.u32 $0x16, s20;
	_ =	swait.ge [sflag:s6], $0xB000  }
0x8e: {  	[sflag:s6] =	ssyncset.done $0x0  }
0x8f: {  	s20 =	sadd.s32 s0, s20;
	[sflag:s6] =	ssyncadd.s32 $0xFFFF5000  }
0x90: {  	[hbm4b:s20+s2] =	stream.linear.scatter [tilespmem:s5], [sflag:$0x2], $0xB000, $0x38;
	[tilespmem:$0xB100] =	vst v63  }
0x91: {  	s22 =	sor.u32 $0xB00, s1;
	_ =	swait.ge [sflag:s3], $0xB000  }
0x92: {  	s21 =	sshrl.u32 s22, $0x3;
	[sflag:s3] =	ssyncset.done $0x0  }
0x93: {  	s21 =	sadd.s32 s30, s21;
	[sflag:s3] =	ssyncadd.s32 $0xFFFF5000  }
0x94: {  	[tilespmem:s2], [sflag:$0x2] =	stream.linear.gather [hbm4b:s21+s2], $0x100, $0x38;
	[tilespmem:$0xB100] =	vst v63  }
0x95: {  	_ =	swait.ge [sflag:s3], $0x100  }
0x96: {  	[sflag:s3] =	ssyncset.done $0x0  }
0x97: {  	[sflag:s3] =	ssyncadd.s32 $0xFFFFFF00  }
0x98: {  	[tilespmem:s5], [sflag:$0x1] =	stream.indirect.gather [hbm4b:s4+s5], $0xB0, s2, s5, $0xb8;
	[tilespmem:$0xB100] =	vst v63  }
0x99: {  	s22 =	smul.u32 $0x16, s22;
	_ =	swait.ge [sflag:s6], $0xB000  }
0x9a: {  	[sflag:s6] =	ssyncset.done $0x0  }
0x9b: {  	s22 =	sadd.s32 s0, s22;
	[sflag:s6] =	ssyncadd.s32 $0xFFFF5000  }
0x9c: {  	[hbm4b:s22+s2] =	stream.linear.scatter [tilespmem:s5], [sflag:$0x2], $0xB000, $0x38;
	[tilespmem:$0xB100] =	vst v63  }
0x9d: {  	s24 =	sor.u32 $0xC00, s1;
	_ =	swait.ge [sflag:s3], $0xB000  }
0x9e: {  	s23 =	sshrl.u32 s24, $0x3;
	[sflag:s3] =	ssyncset.done $0x0  }
0x9f: {  	s23 =	sadd.s32 s30, s23;
	[sflag:s3] =	ssyncadd.s32 $0xFFFF5000  }
0xa0: {  	[tilespmem:s2], [sflag:$0x2] =	stream.linear.gather [hbm4b:s23+s2], $0x100, $0x38;
	[tilespmem:$0xB100] =	vst v63  }
0xa1: {  	_ =	swait.ge [sflag:s3], $0x100  }
0xa2: {  	[sflag:s3] =	ssyncset.done $0x0  }
0xa3: {  	[sflag:s3] =	ssyncadd.s32 $0xFFFFFF00  }
0xa4: {  	[tilespmem:s5], [sflag:$0x1] =	stream.indirect.gather [hbm4b:s4+s5], $0xB0, s2, s5, $0xb8;
	[tilespmem:$0xB100] =	vst v63  }
0xa5: {  	s24 =	smul.u32 $0x16, s24;
	_ =	swait.ge [sflag:s6], $0xB000  }
0xa6: {  	[sflag:s6] =	ssyncset.done $0x0  }
0xa7: {  	s24 =	sadd.s32 s0, s24;
	[sflag:s6] =	ssyncadd.s32 $0xFFFF5000  }
0xa8: {  	[hbm4b:s24+s2] =	stream.linear.scatter [tilespmem:s5], [sflag:$0x2], $0xB000, $0x38;
	[tilespmem:$0xB100] =	vst v63  }
0xa9: {  	s26 =	sor.u32 $0xD00, s1;
	_ =	swait.ge [sflag:s3], $0xB000  }
0xaa: {  	s25 =	sshrl.u32 s26, $0x3;
	[sflag:s3] =	ssyncset.done $0x0  }
0xab: {  	s25 =	sadd.s32 s30, s25;
	[sflag:s3] =	ssyncadd.s32 $0xFFFF5000  }
0xac: {  	[tilespmem:s2], [sflag:$0x2] =	stream.linear.gather [hbm4b:s25+s2], $0x100, $0x38;
	[tilespmem:$0xB100] =	vst v63  }
0xad: {  	_ =	swait.ge [sflag:s3], $0x100  }
0xae: {  	[sflag:s3] =	ssyncset.done $0x0  }
0xaf: {  	[sflag:s3] =	ssyncadd.s32 $0xFFFFFF00  }
0xb0: {  	[tilespmem:s5], [sflag:$0x1] =	stream.indirect.gather [hbm4b:s4+s5], $0xB0, s2, s5, $0xb8;
	[tilespmem:$0xB100] =	vst v63  }
0xb1: {  	s26 =	smul.u32 $0x16, s26;
	_ =	swait.ge [sflag:s6], $0xB000  }
0xb2: {  	[sflag:s6] =	ssyncset.done $0x0  }
0xb3: {  	s26 =	sadd.s32 s0, s26;
	[dreg:$0xa] =	wrdreg s0;
	[sflag:s6] =	ssyncadd.s32 $0xFFFF5000  }
0xb4: {  	[hbm4b:s26+s2] =	stream.linear.scatter [tilespmem:s5], [sflag:$0x2], $0xB000, $0x38;
	[tilespmem:$0xB100] =	vst v63  }
0xb5: {  	s29 =	sor.u32 $0xE00, s1;
	_ =	swait.ge [sflag:s3], $0xB000  }
0xb6: {  	s28 =	sshrl.u32 s29, $0x3;
	[sflag:s3] =	ssyncset.done $0x0  }
0xb7: {  	s28 =	sadd.s32 s30, s28;
	[sflag:s3] =	ssyncadd.s32 $0xFFFF5000  }
0xb8: {  	[tilespmem:s2], [sflag:$0x2] =	stream.linear.gather [hbm4b:s28+s2], $0x100, $0x38;
	[tilespmem:$0xB100] =	vst v63  }
0xb9: {  	_ =	swait.ge [sflag:s3], $0x100  }
0xba: {  	[sflag:s3] =	ssyncset.done $0x0  }
0xbb: {  	[sflag:s3] =	ssyncadd.s32 $0xFFFFFF00  }
0xbc: {  	[tilespmem:s5], [sflag:$0x1] =	stream.indirect.gather [hbm4b:s4+s5], $0xB0, s2, s5, $0xb8;
	[tilespmem:$0xB100] =	vst v63  }
0xbd: {  	s29 =	smul.u32 $0x16, s29;
	_ =	swait.ge [sflag:s6], $0xB000  }
0xbe: {  	[sflag:s6] =	ssyncset.done $0x0  }
0xbf: {  	s29 =	sadd.s32 s0, s29;
	s1 =	sor.u32 $0xF00, s1;
	[sflag:s6] =	ssyncadd.s32 $0xFFFF5000  }
0xc0: {  	[hbm4b:s29+s2] =	stream.linear.scatter [tilespmem:s5], [sflag:$0x2], $0xB000, $0x38;
	[tilespmem:$0xB100] =	vst v63  }
0xc1: {  	s0 =	sshrl.u32 s1, $0x3;
	_ =	swait.ge [sflag:s3], $0xB000  }
0xc2: {  	s30 =	sadd.s32 s30, s0;
	s0 =	ssub.s32 $0x2, s31;
	[sflag:s3] =	ssyncset.done $0x0  }
0xc3: {  	s31 =	sshrl.u32 s0, $0x1;
	[sflag:s3] =	ssyncadd.s32 $0xFFFF5000  }
0xc4: {  	[tilespmem:s2], [sflag:$0x2] =	stream.linear.gather [hbm4b:s30+s2], $0x100, $0x38;
	[tilespmem:$0xB100] =	vst v63  }
0xc5: {  	s0 =	ssub.s32 s0, s31;
	_ =	swait.ge [sflag:s3], $0x100  }
0xc6: {  	s0 =	smax.u32 s0, $0x1;
	[sflag:s3] =	ssyncset.done $0x0  }
0xc7: {  	s1 =	smul.u32 $0x16, s1;
	p0 =	sne.s32 s0, $0x1;
	[sflag:s3] =	ssyncadd.s32 $0xFFFFFF00  }
0xc8: {  	[tilespmem:s5], [sflag:$0x1] =	stream.indirect.gather [hbm4b:s4+s5], $0xB0, s2, s5, $0xb8;
	[tilespmem:$0xB100] =	vst v63  }
.Ltmp0:
0xc9: {  	_ =	swait.ge [sflag:s6], $0xB000;
	(pc) =	sbr.rel @!p0 .LBB2_2-.Ltmp0, $4  }
0xca: {  	[sflag:s6] =	ssyncset.done $0x0;
	s31 =	rddreg [dreg:$0xa]  }
0xcb: {  	s31 =	sadd.s32 s31, s1;
	[sflag:s6] =	ssyncadd.s32 $0xFFFF5000  }
0xcc: {  	[hbm4b:s31+s2] =	stream.linear.scatter [tilespmem:s5], [sflag:$0x2], $0xB000, $0x38;
	[tilespmem:$0xB100] =	vst v63  }
0xcd: {  	s0 =	sadd.s32 $0xFFFFFFFF, s0;
	_ =	swait.ge [sflag:s3], $0xB000  }
.LBB2_1:
0xce: {  	[sflag:s3] =	ssyncset.done $0x0  }
0xcf: {  	s1 =	rddreg [dreg:$0x2];
	[sflag:s3] =	ssyncadd.s32 $0xFFFF5000  }
0xd0: {  	[tilespmem:s2], [sflag:$0x2] =	stream.linear.gather [hbm4b:s1+s2], $0x100, $0x38;
	[tilespmem:$0xB100] =	vst v63  }
0xd1: {  	_ =	swait.ge [sflag:s3], $0x100  }
0xd2: {  	[sflag:s3] =	ssyncset.done $0x0  }
0xd3: {  	[sflag:s3] =	ssyncadd.s32 $0xFFFFFF00  }
0xd4: {  	[tilespmem:s5], [sflag:$0x1] =	stream.indirect.gather [hbm4b:s4+s5], $0xB0, s2, s5, $0xb8;
	[tilespmem:$0xB100] =	vst v63  }
0xd5: {  	_ =	swait.ge [sflag:s6], $0xB000  }
0xd6: {  	[sflag:s6] =	ssyncset.done $0x0  }
0xd7: {  	s1 =	rddreg [dreg:$0x3];
	[sflag:s6] =	ssyncadd.s32 $0xFFFF5000  }
0xd8: {  	[hbm4b:s1+s2] =	stream.linear.scatter [tilespmem:s5], [sflag:$0x2], $0xB000, $0x38;
	[tilespmem:$0xB100] =	vst v63  }
0xd9: {  	_ =	swait.ge [sflag:s3], $0xB000  }
0xda: {  	[sflag:s3] =	ssyncset.done $0x0  }
0xdb: {  	s1 =	rddreg [dreg:$0x4];
	[sflag:s3] =	ssyncadd.s32 $0xFFFF5000  }
0xdc: {  	[tilespmem:s2], [sflag:$0x2] =	stream.linear.gather [hbm4b:s1+s2], $0x100, $0x38;
	[tilespmem:$0xB100] =	vst v63  }
0xdd: {  	_ =	swait.ge [sflag:s3], $0x100  }
0xde: {  	[sflag:s3] =	ssyncset.done $0x0  }
0xdf: {  	[sflag:s3] =	ssyncadd.s32 $0xFFFFFF00  }
0xe0: {  	[tilespmem:s5], [sflag:$0x1] =	stream.indirect.gather [hbm4b:s4+s5], $0xB0, s2, s5, $0xb8;
	[tilespmem:$0xB100] =	vst v63  }
0xe1: {  	_ =	swait.ge [sflag:s6], $0xB000  }
0xe2: {  	[sflag:s6] =	ssyncset.done $0x0  }
0xe3: {  	s1 =	rddreg [dreg:$0x5];
	[sflag:s6] =	ssyncadd.s32 $0xFFFF5000  }
0xe4: {  	[hbm4b:s1+s2] =	stream.linear.scatter [tilespmem:s5], [sflag:$0x2], $0xB000, $0x38;
	[tilespmem:$0xB100] =	vst v63  }
0xe5: {  	_ =	swait.ge [sflag:s3], $0xB000  }
0xe6: {  	[sflag:s3] =	ssyncset.done $0x0  }
0xe7: {  	s1 =	rddreg [dreg:$0x6];
	[sflag:s3] =	ssyncadd.s32 $0xFFFF5000  }
0xe8: {  	[tilespmem:s2], [sflag:$0x2] =	stream.linear.gather [hbm4b:s1+s2], $0x100, $0x38;
	[tilespmem:$0xB100] =	vst v63  }
0xe9: {  	_ =	swait.ge [sflag:s3], $0x100  }
0xea: {  	[sflag:s3] =	ssyncset.done $0x0  }
0xeb: {  	[sflag:s3] =	ssyncadd.s32 $0xFFFFFF00  }
0xec: {  	[tilespmem:s5], [sflag:$0x1] =	stream.indirect.gather [hbm4b:s4+s5], $0xB0, s2, s5, $0xb8;
	[tilespmem:$0xB100] =	vst v63  }
0xed: {  	_ =	swait.ge [sflag:s6], $0xB000  }
0xee: {  	[sflag:s6] =	ssyncset.done $0x0  }
0xef: {  	s1 =	rddreg [dreg:$0x7];
	[sflag:s6] =	ssyncadd.s32 $0xFFFF5000  }
0xf0: {  	[hbm4b:s1+s2] =	stream.linear.scatter [tilespmem:s5], [sflag:$0x2], $0xB000, $0x38;
	[tilespmem:$0xB100] =	vst v63  }
0xf1: {  	_ =	swait.ge [sflag:s3], $0xB000  }
0xf2: {  	[sflag:s3] =	ssyncset.done $0x0  }
0xf3: {  	s1 =	rddreg [dreg:$0x8];
	[sflag:s3] =	ssyncadd.s32 $0xFFFF5000  }
0xf4: {  	[tilespmem:s2], [sflag:$0x2] =	stream.linear.gather [hbm4b:s1+s2], $0x100, $0x38;
	[tilespmem:$0xB100] =	vst v63  }
0xf5: {  	_ =	swait.ge [sflag:s3], $0x100  }
0xf6: {  	[sflag:s3] =	ssyncset.done $0x0  }
0xf7: {  	[sflag:s3] =	ssyncadd.s32 $0xFFFFFF00  }
0xf8: {  	[tilespmem:s5], [sflag:$0x1] =	stream.indirect.gather [hbm4b:s4+s5], $0xB0, s2, s5, $0xb8;
	[tilespmem:$0xB100] =	vst v63  }
0xf9: {  	_ =	swait.ge [sflag:s6], $0xB000  }
0xfa: {  	[sflag:s6] =	ssyncset.done $0x0  }
0xfb: {  	s1 =	rddreg [dreg:$0x9];
	[sflag:s6] =	ssyncadd.s32 $0xFFFF5000  }
0xfc: {  	[hbm4b:s1+s2] =	stream.linear.scatter [tilespmem:s5], [sflag:$0x2], $0xB000, $0x38;
	[tilespmem:$0xB100] =	vst v63  }
0xfd: {  	_ =	swait.ge [sflag:s3], $0xB000  }
0xfe: {  	[sflag:s3] =	ssyncset.done $0x0  }
0xff: {  	[sflag:s3] =	ssyncadd.s32 $0xFFFF5000  }
0x100: {  	[tilespmem:s2], [sflag:$0x2] =	stream.linear.gather [hbm4b:s7+s2], $0x100, $0x38;
	[tilespmem:$0xB100] =	vst v63  }
0x101: {  	_ =	swait.ge [sflag:s3], $0x100  }
0x102: {  	[sflag:s3] =	ssyncset.done $0x0  }
0x103: {  	[sflag:s3] =	ssyncadd.s32 $0xFFFFFF00  }
0x104: {  	[tilespmem:s5], [sflag:$0x1] =	stream.indirect.gather [hbm4b:s4+s5], $0xB0, s2, s5, $0xb8;
	[tilespmem:$0xB100] =	vst v63  }
0x105: {  	_ =	swait.ge [sflag:s6], $0xB000  }
0x106: {  	[sflag:s6] =	ssyncset.done $0x0  }
0x107: {  	[sflag:s6] =	ssyncadd.s32 $0xFFFF5000  }
0x108: {  	[hbm4b:s8+s2] =	stream.linear.scatter [tilespmem:s5], [sflag:$0x2], $0xB000, $0x38;
	[tilespmem:$0xB100] =	vst v63  }
0x109: {  	_ =	swait.ge [sflag:s3], $0xB000  }
0x10a: {  	[sflag:s3] =	ssyncset.done $0x0  }
0x10b: {  	[sflag:s3] =	ssyncadd.s32 $0xFFFF5000  }
0x10c: {  	[tilespmem:s2], [sflag:$0x2] =	stream.linear.gather [hbm4b:s9+s2], $0x100, $0x38;
	[tilespmem:$0xB100] =	vst v63  }
0x10d: {  	_ =	swait.ge [sflag:s3], $0x100  }
0x10e: {  	[sflag:s3] =	ssyncset.done $0x0  }
0x10f: {  	[sflag:s3] =	ssyncadd.s32 $0xFFFFFF00  }
0x110: {  	[tilespmem:s5], [sflag:$0x1] =	stream.indirect.gather [hbm4b:s4+s5], $0xB0, s2, s5, $0xb8;
	[tilespmem:$0xB100] =	vst v63  }
0x111: {  	_ =	swait.ge [sflag:s6], $0xB000  }
0x112: {  	[sflag:s6] =	ssyncset.done $0x0  }
0x113: {  	[sflag:s6] =	ssyncadd.s32 $0xFFFF5000  }
0x114: {  	[hbm4b:s10+s2] =	stream.linear.scatter [tilespmem:s5], [sflag:$0x2], $0xB000, $0x38;
	[tilespmem:$0xB100] =	vst v63  }
0x115: {  	_ =	swait.ge [sflag:s3], $0xB000  }
0x116: {  	[sflag:s3] =	ssyncset.done $0x0  }
0x117: {  	[sflag:s3] =	ssyncadd.s32 $0xFFFF5000  }
0x118: {  	[tilespmem:s2], [sflag:$0x2] =	stream.linear.gather [hbm4b:s11+s2], $0x100, $0x38;
	[tilespmem:$0xB100] =	vst v63  }
0x119: {  	_ =	swait.ge [sflag:s3], $0x100  }
0x11a: {  	[sflag:s3] =	ssyncset.done $0x0  }
0x11b: {  	[sflag:s3] =	ssyncadd.s32 $0xFFFFFF00  }
0x11c: {  	[tilespmem:s5], [sflag:$0x1] =	stream.indirect.gather [hbm4b:s4+s5], $0xB0, s2, s5, $0xb8;
	[tilespmem:$0xB100] =	vst v63  }
0x11d: {  	_ =	swait.ge [sflag:s6], $0xB000  }
0x11e: {  	[sflag:s6] =	ssyncset.done $0x0  }
0x11f: {  	[sflag:s6] =	ssyncadd.s32 $0xFFFF5000  }
0x120: {  	[hbm4b:s12+s2] =	stream.linear.scatter [tilespmem:s5], [sflag:$0x2], $0xB000, $0x38;
	[tilespmem:$0xB100] =	vst v63  }
0x121: {  	_ =	swait.ge [sflag:s3], $0xB000  }
0x122: {  	[sflag:s3] =	ssyncset.done $0x0  }
0x123: {  	[sflag:s3] =	ssyncadd.s32 $0xFFFF5000  }
0x124: {  	[tilespmem:s2], [sflag:$0x2] =	stream.linear.gather [hbm4b:s13+s2], $0x100, $0x38;
	[tilespmem:$0xB100] =	vst v63  }
0x125: {  	_ =	swait.ge [sflag:s3], $0x100  }
0x126: {  	[sflag:s3] =	ssyncset.done $0x0  }
0x127: {  	[sflag:s3] =	ssyncadd.s32 $0xFFFFFF00  }
0x128: {  	[tilespmem:s5], [sflag:$0x1] =	stream.indirect.gather [hbm4b:s4+s5], $0xB0, s2, s5, $0xb8;
	[tilespmem:$0xB100] =	vst v63  }
0x129: {  	_ =	swait.ge [sflag:s6], $0xB000  }
0x12a: {  	[sflag:s6] =	ssyncset.done $0x0  }
0x12b: {  	[sflag:s6] =	ssyncadd.s32 $0xFFFF5000  }
0x12c: {  	[hbm4b:s14+s2] =	stream.linear.scatter [tilespmem:s5], [sflag:$0x2], $0xB000, $0x38;
	[tilespmem:$0xB100] =	vst v63  }
0x12d: {  	_ =	swait.ge [sflag:s3], $0xB000  }
0x12e: {  	[sflag:s3] =	ssyncset.done $0x0  }
0x12f: {  	[sflag:s3] =	ssyncadd.s32 $0xFFFF5000  }
0x130: {  	[tilespmem:s2], [sflag:$0x2] =	stream.linear.gather [hbm4b:s15+s2], $0x100, $0x38;
	[tilespmem:$0xB100] =	vst v63  }
0x131: {  	_ =	swait.ge [sflag:s3], $0x100  }
0x132: {  	[sflag:s3] =	ssyncset.done $0x0  }
0x133: {  	[sflag:s3] =	ssyncadd.s32 $0xFFFFFF00  }
0x134: {  	[tilespmem:s5], [sflag:$0x1] =	stream.indirect.gather [hbm4b:s4+s5], $0xB0, s2, s5, $0xb8;
	[tilespmem:$0xB100] =	vst v63  }
0x135: {  	_ =	swait.ge [sflag:s6], $0xB000  }
0x136: {  	[sflag:s6] =	ssyncset.done $0x0  }
0x137: {  	[sflag:s6] =	ssyncadd.s32 $0xFFFF5000  }
0x138: {  	[hbm4b:s16+s2] =	stream.linear.scatter [tilespmem:s5], [sflag:$0x2], $0xB000, $0x38;
	[tilespmem:$0xB100] =	vst v63  }
0x139: {  	_ =	swait.ge [sflag:s3], $0xB000  }
0x13a: {  	[sflag:s3] =	ssyncset.done $0x0  }
0x13b: {  	[sflag:s3] =	ssyncadd.s32 $0xFFFF5000  }
0x13c: {  	[tilespmem:s2], [sflag:$0x2] =	stream.linear.gather [hbm4b:s17+s2], $0x100, $0x38;
	[tilespmem:$0xB100] =	vst v63  }
0x13d: {  	_ =	swait.ge [sflag:s3], $0x100  }
0x13e: {  	[sflag:s3] =	ssyncset.done $0x0  }
0x13f: {  	[sflag:s3] =	ssyncadd.s32 $0xFFFFFF00  }
0x140: {  	[tilespmem:s5], [sflag:$0x1] =	stream.indirect.gather [hbm4b:s4+s5], $0xB0, s2, s5, $0xb8;
	[tilespmem:$0xB100] =	vst v63  }
0x141: {  	_ =	swait.ge [sflag:s6], $0xB000  }
0x142: {  	[sflag:s6] =	ssyncset.done $0x0  }
0x143: {  	[sflag:s6] =	ssyncadd.s32 $0xFFFF5000  }
0x144: {  	[hbm4b:s18+s2] =	stream.linear.scatter [tilespmem:s5], [sflag:$0x2], $0xB000, $0x38;
	[tilespmem:$0xB100] =	vst v63  }
0x145: {  	_ =	swait.ge [sflag:s3], $0xB000  }
0x146: {  	[sflag:s3] =	ssyncset.done $0x0  }
0x147: {  	[sflag:s3] =	ssyncadd.s32 $0xFFFF5000  }
0x148: {  	[tilespmem:s2], [sflag:$0x2] =	stream.linear.gather [hbm4b:s19+s2], $0x100, $0x38;
	[tilespmem:$0xB100] =	vst v63  }
0x149: {  	_ =	swait.ge [sflag:s3], $0x100  }
0x14a: {  	[sflag:s3] =	ssyncset.done $0x0  }
0x14b: {  	[sflag:s3] =	ssyncadd.s32 $0xFFFFFF00  }
0x14c: {  	[tilespmem:s5], [sflag:$0x1] =	stream.indirect.gather [hbm4b:s4+s5], $0xB0, s2, s5, $0xb8;
	[tilespmem:$0xB100] =	vst v63  }
0x14d: {  	_ =	swait.ge [sflag:s6], $0xB000  }
0x14e: {  	[sflag:s6] =	ssyncset.done $0x0  }
0x14f: {  	[sflag:s6] =	ssyncadd.s32 $0xFFFF5000  }
0x150: {  	[hbm4b:s20+s2] =	stream.linear.scatter [tilespmem:s5], [sflag:$0x2], $0xB000, $0x38;
	[tilespmem:$0xB100] =	vst v63  }
0x151: {  	_ =	swait.ge [sflag:s3], $0xB000  }
0x152: {  	[sflag:s3] =	ssyncset.done $0x0  }
0x153: {  	[sflag:s3] =	ssyncadd.s32 $0xFFFF5000  }
0x154: {  	[tilespmem:s2], [sflag:$0x2] =	stream.linear.gather [hbm4b:s21+s2], $0x100, $0x38;
	[tilespmem:$0xB100] =	vst v63  }
0x155: {  	_ =	swait.ge [sflag:s3], $0x100  }
0x156: {  	[sflag:s3] =	ssyncset.done $0x0  }
0x157: {  	[sflag:s3] =	ssyncadd.s32 $0xFFFFFF00  }
0x158: {  	[tilespmem:s5], [sflag:$0x1] =	stream.indirect.gather [hbm4b:s4+s5], $0xB0, s2, s5, $0xb8;
	[tilespmem:$0xB100] =	vst v63  }
0x159: {  	_ =	swait.ge [sflag:s6], $0xB000  }
0x15a: {  	[sflag:s6] =	ssyncset.done $0x0  }
0x15b: {  	[sflag:s6] =	ssyncadd.s32 $0xFFFF5000  }
0x15c: {  	[hbm4b:s22+s2] =	stream.linear.scatter [tilespmem:s5], [sflag:$0x2], $0xB000, $0x38;
	[tilespmem:$0xB100] =	vst v63  }
0x15d: {  	_ =	swait.ge [sflag:s3], $0xB000  }
0x15e: {  	[sflag:s3] =	ssyncset.done $0x0  }
0x15f: {  	[sflag:s3] =	ssyncadd.s32 $0xFFFF5000  }
0x160: {  	[tilespmem:s2], [sflag:$0x2] =	stream.linear.gather [hbm4b:s23+s2], $0x100, $0x38;
	[tilespmem:$0xB100] =	vst v63  }
0x161: {  	_ =	swait.ge [sflag:s3], $0x100  }
0x162: {  	[sflag:s3] =	ssyncset.done $0x0  }
0x163: {  	[sflag:s3] =	ssyncadd.s32 $0xFFFFFF00  }
0x164: {  	[tilespmem:s5], [sflag:$0x1] =	stream.indirect.gather [hbm4b:s4+s5], $0xB0, s2, s5, $0xb8;
	[tilespmem:$0xB100] =	vst v63  }
0x165: {  	_ =	swait.ge [sflag:s6], $0xB000  }
0x166: {  	[sflag:s6] =	ssyncset.done $0x0  }
0x167: {  	[sflag:s6] =	ssyncadd.s32 $0xFFFF5000  }
0x168: {  	[hbm4b:s24+s2] =	stream.linear.scatter [tilespmem:s5], [sflag:$0x2], $0xB000, $0x38;
	[tilespmem:$0xB100] =	vst v63  }
0x169: {  	_ =	swait.ge [sflag:s3], $0xB000  }
0x16a: {  	[sflag:s3] =	ssyncset.done $0x0  }
0x16b: {  	[sflag:s3] =	ssyncadd.s32 $0xFFFF5000  }
0x16c: {  	[tilespmem:s2], [sflag:$0x2] =	stream.linear.gather [hbm4b:s25+s2], $0x100, $0x38;
	[tilespmem:$0xB100] =	vst v63  }
0x16d: {  	_ =	swait.ge [sflag:s3], $0x100  }
0x16e: {  	[sflag:s3] =	ssyncset.done $0x0  }
0x16f: {  	[sflag:s3] =	ssyncadd.s32 $0xFFFFFF00  }
0x170: {  	[tilespmem:s5], [sflag:$0x1] =	stream.indirect.gather [hbm4b:s4+s5], $0xB0, s2, s5, $0xb8;
	[tilespmem:$0xB100] =	vst v63  }
0x171: {  	_ =	swait.ge [sflag:s6], $0xB000  }
0x172: {  	[sflag:s6] =	ssyncset.done $0x0  }
0x173: {  	[sflag:s6] =	ssyncadd.s32 $0xFFFF5000  }
0x174: {  	[hbm4b:s26+s2] =	stream.linear.scatter [tilespmem:s5], [sflag:$0x2], $0xB000, $0x38;
	[tilespmem:$0xB100] =	vst v63  }
0x175: {  	_ =	swait.ge [sflag:s3], $0xB000  }
0x176: {  	[sflag:s3] =	ssyncset.done $0x0  }
0x177: {  	[sflag:s3] =	ssyncadd.s32 $0xFFFF5000  }
0x178: {  	[tilespmem:s2], [sflag:$0x2] =	stream.linear.gather [hbm4b:s28+s2], $0x100, $0x38;
	[tilespmem:$0xB100] =	vst v63  }
0x179: {  	_ =	swait.ge [sflag:s3], $0x100  }
0x17a: {  	[sflag:s3] =	ssyncset.done $0x0  }
0x17b: {  	[sflag:s3] =	ssyncadd.s32 $0xFFFFFF00  }
0x17c: {  	[tilespmem:s5], [sflag:$0x1] =	stream.indirect.gather [hbm4b:s4+s5], $0xB0, s2, s5, $0xb8;
	[tilespmem:$0xB100] =	vst v63  }
0x17d: {  	_ =	swait.ge [sflag:s6], $0xB000  }
0x17e: {  	[sflag:s6] =	ssyncset.done $0x0  }
0x17f: {  	[sflag:s6] =	ssyncadd.s32 $0xFFFF5000  }
0x180: {  	[hbm4b:s29+s2] =	stream.linear.scatter [tilespmem:s5], [sflag:$0x2], $0xB000, $0x38;
	[tilespmem:$0xB100] =	vst v63  }
0x181: {  	_ =	swait.ge [sflag:s3], $0xB000  }
0x182: {  	[sflag:s3] =	ssyncset.done $0x0  }
0x183: {  	[sflag:s3] =	ssyncadd.s32 $0xFFFF5000  }
0x184: {  	[tilespmem:s2], [sflag:$0x2] =	stream.linear.gather [hbm4b:s30+s2], $0x100, $0x38;
	[tilespmem:$0xB100] =	vst v63  }
0x185: {  	_ =	swait.ge [sflag:s3], $0x100  }
0x186: {  	[sflag:s3] =	ssyncset.done $0x0  }
0x187: {  	p0 =	sne.s32 s0, $0x1;
	[sflag:s3] =	ssyncadd.s32 $0xFFFFFF00  }
0x188: {  	[tilespmem:s5], [sflag:$0x1] =	stream.indirect.gather [hbm4b:s4+s5], $0xB0, s2, s5, $0xb8;
	[tilespmem:$0xB100] =	vst v63  }
.Ltmp1:
0x189: {  	_ =	swait.ge [sflag:s6], $0xB000;
	(pc) =	sbr.rel @p0 .LBB2_1-.Ltmp1, $4  }
0x18a: {  	[sflag:s6] =	ssyncset.done $0x0  }
0x18b: {  	[sflag:s6] =	ssyncadd.s32 $0xFFFF5000  }
0x18c: {  	[hbm4b:s31+s2] =	stream.linear.scatter [tilespmem:s5], [sflag:$0x2], $0xB000, $0x38;
	[tilespmem:$0xB100] =	vst v63  }
0x18d: {  	s0 =	sadd.s32 $0xFFFFFFFF, s0;
	_ =	swait.ge [sflag:s3], $0xB000  }
.LBB2_2:
0x18e: {  	[sflag:s3] =	ssyncset.done $0x0  }
0x18f: {  	[sflag:s3] =	ssyncadd.s32 $0xFFFF5000  }
0x190: {  	_ =	sfence.sel $0x180000  }
0x191: {  	[bflag:$0x0] =	sbarrier.arrive $0xFFFF  }
0x192: {  	_ =	strace $0x90000050  }
0x193: {  	s0 =	stileid.u32;
	[bflag:$0x2] =	sbarrier.arrive $0xFFFF  }
0x194: {  	p0 =	sne.s32 s0, $0x0;
	s0 =	rddreg [dreg:$0x1]  }
0x195: {  	s0 =	sadd.s32 @!p0 $0x100000, s0  }
0x196: {  	[sflag:s0] =	ssyncadd.tile.s32 @!p0 $0x1;
	_ =	shalt  }
.Lfunc_end2:
_tile_overlayer_lowered:
.L_overlay_start_2:
0x197: {  	(tag) =	ssettag $0x2  }
0x198: {  	s0 =	rddreg [dreg:$0x0];
	s2 =	stileid.u32  }
0x199: {  	s1 =	rddreg [dreg:$0x1];
	p0 =	sne.s32 s2, $0x0  }
0x19a: {  	s3 =	rddreg [dreg:$0x2];
	[bflag:$0x3] =	sbarrier.arrive $0xFFFF;
	s2 =	simm.s32 @!p0 $0x1C02  }
0x19b: {  	[timem:s3], [sflag:s2] =	dma.local @!p0 [hbm:s0], s1  }
0x19c: {  	s0 =	simm.s32 @!p0 $0x2  }
0x19d: {  	_ =	swait.ge @!p0 [sflag:s0], s1  }
0x19e: {  	s1 =	ssub.s32 @!p0 $0x0, s1;
	[sflag:s0] =	ssyncset.done @!p0 $0x0  }
0x19f: {  	[sflag:s0] =	ssyncadd.s32 @!p0 s1  }
0x1a0: {  	[bflag:$0x3] =	sbarrier.arrive $0xFFFF  }
0x1a1: {  	_ =	shalt  }

// kernel: kernel.21.cloned.1.call-start
scs
__scs_entry_jumppad:
0x0: {  	(pc) =	sbr.rel $0x88, $3  }
0x1: {  	(tag) =	ssettag $0x0;
	lr =	simm.s32 $0x1  }
0x2: {  	[smem:$0x3F77] =	sst lr;
	_ =	strace $0xD0000000  }
0x3: {  	_ = 	snop  }
0x4: {  	_ = 	snop  }
0x5: {  	_ = 	snop  }
0x6: {  	_ = 	snop  }
0x7: {  	_ = 	snop  }
__scs_overlays_trampoline_lowered:
0x8: {  	[smem:$0x3F86] =	sst s0  }
0x9: {  	[smem:$0x3F87] =	sst s1  }
0xa: {  	[smem:$0x3F88] =	sst s2  }
0xb: {  	[smem:$0x3F89] =	sst s3  }
0xc: {  	[smem:$0x3F8A] =	sst s4  }
0xd: {  	[smem:$0x3F8B] =	sst s5  }
0xe: {  	[smem:$0x3F8C] =	sst s6  }
0xf: {  	[smem:$0x3F8D] =	sst s7  }
0x10: {  	[smem:$0x3F8E] =	sst s8  }
0x11: {  	[smem:$0x3F8F] =	sst s9;
	s0 =	simm.s32 @!p0 $0x0  }
0x12: {  	s1 =	sld [smem:$0x3F75];
	s0 =	simm.s32 @p0 $0x1  }
0x13: {  	[smem:$0x3F90] =	sst s0;
	s0 =	simm.s32 @!p1 $0x0  }
0x14: {  	s2 =	sld [smem:$0x3F74];
	s0 =	simm.s32 @p1 $0x1  }
0x15: {  	[smem:$0x3F91] =	sst s0;
	s0 =	simm.s32 @!p2 $0x0  }
0x16: {  	s3 =	sld [smem:$0x3FDB];
	s0 =	simm.s32 @p2 $0x1  }
0x17: {  	s4 =	simm.s32 $0x1BF5;
	[smem:$0x3F93] =	sst s0  }
0x18: {  	s0 =	sld [smem:$0x3F76];
	_ =	swait.ge [sflag:s4], $0x0  }
0x19: {  	s7 =	sld [smem:$0x3F77]  }
0x1a: {  	s8 =	sadd.s32 $0xFFFFE003, lr  }
0x1b: {  	s9 =	sadd.s32 $0xFFFFFEF7, lr;
	s5 =	simm.s32 $0xFFFFFFFF;
	p2 =	slt.u32 s8, $0xFFFFF086  }
0x1c: {  	p1 =	slt.u32 s9, $0xF7A;
	s5 =	simm.s32 @!p2 $0x0  }
0x1d: {  	s5 =	simm.s32 @p1 $0x1;
	p0 =	seq.s32 s7, s2  }
0x1e: {  	s7 =	smul.u32 @!p0 $0xF7A, s2;
	p2 =	seq.s32 @!p0 s5, $0x0  }
0x1f: {  	s9 =	smul.u32 $0xF7A, s1;
	s8 =	simm.s32 @!p0 $0x1BF5;
	p2 =	por !p2, p0  }
0x20: {  	[sflag:s8] =	ssyncset.s32 @!p0 $0xFFFFF086;
	s6 =	sadd.s32 @!p0 s3, s7;
	s7 =	simm.s32 @!p0 $0x108  }
0x21: {  	s3 =	sadd.s32 s3, s9;
	s6 =	sadd.s32 @!p0 $0x88, s6;
	s7 =	simm.s32 @p2 $0x1082  }
0x22: {  	[simem:s7], [sflag:s8] =	dma.local @!p0 [hbm:s6], $0xF7A  }
0x23: {  	s9 =	sor.u32 $0xD0000000, s2;
	s6 =	simm.s32 $0x108;
	_ =	swait.ge @!p0 [sflag:s8], $0x0  }
0x24: {  	s3 =	sadd.s32 $0x88, s3;
	s6 =	simm.s32 @!p1 $0x1082;
	[sflag:s4] =	ssyncset.s32 $0xFFFFF086  }
0x25: {  	[simem:s6], [sflag:s4] =	dma.local [hbm:s3], $0xF7A  }
0x26: {  	[smem:$0x3F77] =	sst s1;
	(tag) =	ssettag s2;
	_ =	strace s9  }
0x27: {  	s1 =	sld [smem:$0x3F87]  }
0x28: {  	s2 =	sld [smem:$0x3F88]  }
0x29: {  	s4 =	sld [smem:$0x3F8A]  }
0x2a: {  	p0 =	seq.s32 s5, $0x0;
	s5 =	sld [smem:$0x3F8B]  }
0x2b: {  	s6 =	sld [smem:$0x3F8C]  }
0x2c: {  	s7 =	sld [smem:$0x3F8D]  }
0x2d: {  	s3 =	simm.s32 $0x108;
	s8 =	sld [smem:$0x3F8E]  }
0x2e: {  	s3 =	simm.s32 @!p0 $0x1082;
	s9 =	sld [smem:$0x3F8F]  }
0x2f: {  	lr =	sadd.s32 s0, s3;
	s0 =	sld [smem:$0x3F86]  }
0x30: {  	s3 =	sld [smem:$0x3F89]  }
0x31: {  	[smem:$0x3F92] =	sst s10  }
0x32: {  	s10 =	sld [smem:$0x3F90];
	_ =	sdelay $0x3  }
0x33: {  	p0 =	seq.s32 s10, $0x1;
	s10 =	sld [smem:$0x3F92];
	_ =	sdelay $0x3  }
0x34: {  	[smem:$0x3F92] =	sst s10  }
0x35: {  	s10 =	sld [smem:$0x3F91];
	_ =	sdelay $0x3  }
0x36: {  	p1 =	seq.s32 s10, $0x1;
	s10 =	sld [smem:$0x3F92];
	_ =	sdelay $0x3  }
0x37: {  	[smem:$0x3F92] =	sst s10  }
0x38: {  	s10 =	sld [smem:$0x3F93]  }
0x39: {  	_ = 	snop;
	(pc) =	sbr.ind lr, $3  }
0x3a: {  	_ = 	snop  }
0x3b: {  	_ = 	snop  }
0x3c: {  	p2 =	seq.s32 s10, $0x1;
	s10 =	sld [smem:$0x3F92]  }
0x3d: {  	_ =	shalt  }
0x3e: {  	_ =	shalt  }
0x3f: {  	_ =	shalt  }
0x40: {  	_ =	shalt  }
0x41: {  	_ =	shalt  }
0x42: {  	_ =	shalt  }
0x43: {  	_ =	shalt  }
0x44: {  	_ =	shalt  }
0x45: {  	_ =	shalt  }
0x46: {  	_ =	shalt  }
0x47: {  	_ =	shalt  }
0x48: {  	_ =	shalt  }
0x49: {  	_ =	shalt  }
0x4a: {  	_ =	shalt  }
0x4b: {  	_ =	shalt  }
0x4c: {  	_ =	shalt  }
0x4d: {  	_ =	shalt  }
0x4e: {  	_ =	shalt  }
0x4f: {  	_ =	shalt  }
0x50: {  	_ =	shalt  }
0x51: {  	_ =	shalt  }
0x52: {  	_ =	shalt  }
0x53: {  	_ =	shalt  }
0x54: {  	_ =	shalt  }
0x55: {  	_ =	shalt  }
0x56: {  	_ =	shalt  }
0x57: {  	_ =	shalt  }
0x58: {  	_ =	shalt  }
0x59: {  	_ =	shalt  }
0x5a: {  	_ =	shalt  }
0x5b: {  	_ =	shalt  }
0x5c: {  	_ =	shalt  }
0x5d: {  	_ =	shalt  }
0x5e: {  	_ =	shalt  }
0x5f: {  	_ =	shalt  }
0x60: {  	_ =	shalt  }
0x61: {  	_ =	shalt  }
0x62: {  	_ =	shalt  }
0x63: {  	_ =	shalt  }
0x64: {  	_ =	shalt  }
0x65: {  	_ =	shalt  }
0x66: {  	_ =	shalt  }
0x67: {  	_ =	shalt  }
0x68: {  	_ =	shalt  }
0x69: {  	_ =	shalt  }
0x6a: {  	_ =	shalt  }
0x6b: {  	_ =	shalt  }
0x6c: {  	_ =	shalt  }
0x6d: {  	_ =	shalt  }
0x6e: {  	_ =	shalt  }
0x6f: {  	_ =	shalt  }
0x70: {  	_ =	shalt  }
0x71: {  	_ =	shalt  }
0x72: {  	_ =	shalt  }
0x73: {  	_ =	shalt  }
0x74: {  	_ =	shalt  }
0x75: {  	_ =	shalt  }
0x76: {  	_ =	shalt  }
0x77: {  	_ =	shalt  }
0x78: {  	_ =	shalt  }
0x79: {  	_ =	shalt  }
0x7a: {  	_ =	shalt  }
0x7b: {  	_ =	shalt  }
0x7c: {  	_ =	shalt  }
0x7d: {  	_ =	shalt  }
0x7e: {  	_ =	shalt  }
0x7f: {  	_ =	shalt  }
0x80: {  	_ =	shalt  }
0x81: {  	_ =	shalt  }
0x82: {  	_ =	shalt  }
0x83: {  	_ =	shalt  }
0x84: {  	_ =	shalt  }
0x85: {  	_ =	shalt  }
0x86: {  	_ =	shalt  }
0x87: {  	_ =	shalt  }
.Lfunc_end0:
.L_simem_size_0:
called_computation.4_lowered:
.L_overlay_start_0:
0x88: {  	s2 =	sld [smem:$0x3FD9]  }
0x89: {  	s3 =	sld [smem:$0x3FFE];
	_ =	sdelay $0x1  }
0x8a: {  	s1 =	srdreg.scid  }
0x8b: {  	s0 =	sand.u32 $0x1, s1  }
0x8c: {  	s16 =	sshll.u32 s0, $0xA;
	s2 =	sadd.s32 s3, s2  }
0x8d: {  	s2 =	sadd.s32 s2, s16  }
0x8e: {  	[smem:$0x3F9E] =	sst s2  }
0x8f: {  	_ = 	snop  }
0x90: {  	(tm) =	ssettm $0x1  }
0x91: {  	s17 =	sld [smem:$0x3FFB];
	_ =	sdelay $0x3  }
0x92: {  	_ =	strace s17  }
0x93: {  	s2 =	sld [smem:$0x3FFC];
	_ =	sdelay $0x3  }
0x94: {  	_ =	strace s2  }
0x95: {  	s2 =	sld [smem:$0x3FFD];
	_ =	sdelay $0x3  }
0x96: {  	_ =	strace s2  }
0x97: {  	_ =	strace $0x8FFFFFFF  }
0x98: {  	s18 =	sld [smem:$0x3FDB];
	_ =	sdelay $0x1  }
0x99: {  	s19 =	simm.s32 $_scs_section_size  }
0x9a: {  	s4 =	simm.s32 $_size__tile_overlayer_lowered;
	s5 =	simm.s32 $_tile_overlayer_lowered  }
0x9b: {  	s22 =	simm.s32 $0x1BFF;
	s21 =	sshll.u32 s5, $0x1;
	s2 =	sadd.s32 s19, s18  }
0x9c: {  	s6 =	simm.s32 $0x0;
	s20 =	sshll.u32 s4, $0x1;
	s4 =	sadd.s32 s21, s2  }
0x9d: {  	[timem:s6], [sflag:s22] =	dma.local [hbm:s4], s20  }
0x9e: {  	_ =	swait.ge [sflag:s22], s20  }
0x9f: {  	s3 =	ssub.s32 $0x0, s20;
	[sflag:s22] =	ssyncset.done $0x0  }
0xa0: {  	[sflag:s22] =	ssyncadd.s32 s3;
	_ =	sdelay $0x1  }
0xa1: {  	s23 =	simm.s32 $0x1B8B  }
0xa2: {  	_ =	swait.ge [sflag:s23], $0x1  }
0xa3: {  	[sflag:s23] =	ssyncset.done $0x0  }
0xa4: {  	s25 =	simm.s32 $0x1B8E;
	s24 =	sld [smem:$0x3FFE];
	[sflag:s23] =	ssyncadd.s32 $0xFFFFFFFF  }
0xa5: {  	s26 =	simm.s32 $execute0_lowered;
	[smem:$0x3FD2] =	sst s25  }
0xa6: {  	s4 =	sshll.u32 s26, $0x1;
	_ =	strace $0x80000052;
	[dreg:$0x1] =	wrdreg $0xFFFFFFFF  }
0xa7: {  	s28 =	simm.s32 $_size_execute0_lowered;
	s2 =	sadd.s32 s2, s4;
	[dreg:$0x0] =	wrdreg $0x0  }
0xa8: {  	s4 =	sshll.u32 s28, $0x1;
	[dreg:$0x2] =	wrdreg s2  }
0xa9: {  	[dreg:$0x3] =	wrdreg s4  }
0xaa: {  	[dreg:$0x4] =	wrdreg $0xC0  }
0xab: {  	_ =	task [dreg:s6], $0x5FFFF  }
0xac: {  	[dreg:$0x1] =	wrdreg $0xFFFFFFFF  }
0xad: {  	[dreg:$0x0] =	wrdreg $0x60  }
0xae: {  	[dreg:$0x2] =	wrdreg s24  }
0xaf: {  	[dreg:$0x3] =	wrdreg $0x82000  }
0xb0: {  	[dreg:$0x4] =	wrdreg $0x9  }
0xb1: {  	_ =	task.clear_ibuf [dreg:s6], $0x5FFFF;
	_ =	strace $0x90000052  }
0xb2: {  	s29 =	simm.s32 $0x9;
	_ =	strace $0x80000054  }
0xb3: {  	_ =	swait.ge [sflag:s29], $0x1  }
0xb4: {  	[sflag:s29] =	ssyncadd.s32 $0xFFFFFFFF  }
0xb5: {  	_ =	strace $0x90000054  }
0xb6: {  	_ =	sfence  }
0xb7: {  	s30 =	sld [smem:$0x0];
	_ =	sdelay $0x2  }
0xb8: {  	s31 =	sshll.u32 s1, $0xD;
	s1 =	sshrl.u32 s1, $0x2  }
0xb9: {  	s3 =	sand.u32 $0x4000, s31;
	s1 =	sadd.s32 s1, s30  }
0xba: {  	s0 =	sor.u32 s3, s0;
	s1 =	sshll.u32 s1, $0x11  }
0xbb: {  	s0 =	sor.u32 s1, s0  }
0xbc: {  	s0 =	sadd.s32 $0x8F2B, s0  }
0xbd: {  	[sflag:s0] =	ssyncadd.remote.s32 $0x1  }
0xbe: {  	_ =	sfence.sel $0xFFFF  }
0xbf: {  	[dreg:$0x0] =	wrdreg $0xFFFFFFFF;
	(pc) =	sbr.abs _section_cstart, $3  }
0xc0: {  	[dreg:$0x1] =	wrdreg $0xFFFFFFFF  }
0xc1: {  	_ =	task.clear_ibuf [dreg:s6], $0x2FFFF;
	_ =	strace $0x9FFFFFFF  }
0xc2: {  	(tm) =	ssettm $0x7FFFFFFF  }
0xc3: {  	_ =	shalt  }
tec
execute0_lowered:
.L_overlay_start_1:
0x0: {  	(tag) =	ssettag $0x1  }
0x1: {  	s18 =	rddreg [dreg:$0x0]  }
0x2: {  	s2 =	rddreg [dreg:$0x1]  }
0x3: {  	s0 =	rddreg [dreg:$0x2]  }
0x4: {  	s3 =	simm.s32 $0x0;
	s1 =	stileid.u32;
	s4 =	srdreg.scid  }
0x5: {  	[smem:$0x7FF] =	sst s3;
	s17 =	sshll.u32 s1, $0xA;
	s19 =	sand.u32 $0x1, s4  }
0x6: {  	s26 =	sshll.u32 s1, $0xD;
	s28 =	sshll.u32 s1, $0x6;
	s5 =	sadd.s32 s17, s18  }
0x7: {  	_ =	strace $0x80000053;
	s6 =	sadd.s32 s26, s2;
	s4 =	sadd.s32 $0x11E00, s5  }
0x8: {  	s5 =	sor.u32 $0x1C01, s28;
	s7 =	sshrl.u32 s6, $0x3;
	s6 =	simm.s32 $0x1  }
0x9: {  	[spmem:s7], [sflag:s5] =	dma.local [hbm:s4], $0x400  }
0xa: {  	s9 =	sshll.u32 s1, $0xB;
	s8 =	sshll.u32 s19, $0xF;
	_ =	swait.ge [sflag:s6], $0x400  }
0xb: {  	s15 =	sor.u32 s9, s8;
	[sflag:s6] =	ssyncset.done $0x0  }
0xc: {  	s16 =	sadd.s32 $0x5800, s18;
	s8 =	sshrl.u32 s15, $0x3;
	[sflag:s6] =	ssyncadd.s32 $0xFFFFFC00  }
0xd: {  	s8 =	sadd.s32 s16, s8;
	[bflag:$0x0] =	sbarrier.arrive $0xFFFF  }
0xe: {  	[tilespmem:s3], [sflag:$0x1] =	stream.linear.gather [hbm4b:s8+s3], $0x200, $0x38;
	[tilespmem:$0xA200] =	vst v63  }
0xf: {  	_ =	swait.ge [sflag:s6], $0x200  }
0x10: {  	s20 =	sadd.s32 $0x111E00, s18;
	s9 =	sshll.u32 s15, $0x3;
	[sflag:s6] =	ssyncset.done $0x0  }
0x11: {  	s10 =	simm.s32 $0x200;
	s9 =	sadd.s32 s20, s9;
	[sflag:s6] =	ssyncadd.s32 $0xFFFFFE00  }
0x12: {  	[tilespmem:s10], [sflag:$0x1] =	stream.linear.gather [hbm4b:s9+s3], $0x8000, $0x38;
	[tilespmem:$0xA200] =	vst v63  }
0x13: {  	_ =	swait.ge [sflag:s6], $0x8000  }
0x14: {  	[sflag:s6] =	ssyncset.done $0x0  }
0x15: {  	[sflag:s6] =	ssyncadd.s32 $0xFFFF8000  }
0x16: {  	[spmem:s2] =	stream.indirect.scatter.add.f32 [tilespmem:s10], [sflag:$0x1], $0x40, s3, s10, $0xb8;
	[tilespmem:$0xA200] =	vst v63  }
0x17: {  	s12 =	sor.u32 $0x200, s15;
	_ =	swait.ge [sflag:s6], $0x8000  }
0x18: {  	s11 =	sshrl.u32 s12, $0x3;
	[sflag:s6] =	ssyncset.done $0x0  }
0x19: {  	s11 =	sadd.s32 s16, s11;
	[sflag:s6] =	ssyncadd.s32 $0xFFFF8000  }
0x1a: {  	[tilespmem:s3], [sflag:$0x1] =	stream.linear.gather [hbm4b:s11+s3], $0x200, $0x38;
	[tilespmem:$0xA200] =	vst v63  }
0x1b: {  	_ =	swait.ge [sflag:s6], $0x200  }
0x1c: {  	s12 =	sshll.u32 s12, $0x3;
	[sflag:s6] =	ssyncset.done $0x0  }
0x1d: {  	s12 =	sadd.s32 s20, s12;
	[sflag:s6] =	ssyncadd.s32 $0xFFFFFE00  }
0x1e: {  	[tilespmem:s10], [sflag:$0x1] =	stream.linear.gather [hbm4b:s12+s3], $0x8000, $0x38;
	[tilespmem:$0xA200] =	vst v63  }
0x1f: {  	_ =	swait.ge [sflag:s6], $0x8000  }
0x20: {  	[sflag:s6] =	ssyncset.done $0x0  }
0x21: {  	[sflag:s6] =	ssyncadd.s32 $0xFFFF8000  }
0x22: {  	[spmem:s2] =	stream.indirect.scatter.add.f32 [tilespmem:s10], [sflag:$0x1], $0x40, s3, s10, $0xb8;
	[tilespmem:$0xA200] =	vst v63  }
0x23: {  	s14 =	sor.u32 $0x400, s15;
	_ =	swait.ge [sflag:s6], $0x8000  }
0x24: {  	s13 =	sshrl.u32 s14, $0x3;
	[sflag:s6] =	ssyncset.done $0x0  }
0x25: {  	s13 =	sadd.s32 s16, s13;
	[sflag:s6] =	ssyncadd.s32 $0xFFFF8000  }
0x26: {  	[tilespmem:s3], [sflag:$0x1] =	stream.linear.gather [hbm4b:s13+s3], $0x200, $0x38;
	[tilespmem:$0xA200] =	vst v63  }
0x27: {  	_ =	swait.ge [sflag:s6], $0x200  }
0x28: {  	s14 =	sshll.u32 s14, $0x3;
	[sflag:s6] =	ssyncset.done $0x0  }
0x29: {  	s14 =	sadd.s32 s20, s14;
	[sflag:s6] =	ssyncadd.s32 $0xFFFFFE00  }
0x2a: {  	[tilespmem:s10], [sflag:$0x1] =	stream.linear.gather [hbm4b:s14+s3], $0x8000, $0x38;
	[tilespmem:$0xA200] =	vst v63  }
0x2b: {  	_ =	swait.ge [sflag:s6], $0x8000  }
0x2c: {  	[sflag:s6] =	ssyncset.done $0x0  }
0x2d: {  	[sflag:s6] =	ssyncadd.s32 $0xFFFF8000  }
0x2e: {  	[spmem:s2] =	stream.indirect.scatter.add.f32 [tilespmem:s10], [sflag:$0x1], $0x40, s3, s10, $0xb8;
	[tilespmem:$0xA200] =	vst v63  }
0x2f: {  	s21 =	sor.u32 $0x600, s15;
	_ =	swait.ge [sflag:s6], $0x8000  }
0x30: {  	s15 =	sshrl.u32 s21, $0x3;
	[sflag:s6] =	ssyncset.done $0x0  }
0x31: {  	s15 =	sadd.s32 s16, s15;
	[sflag:s6] =	ssyncadd.s32 $0xFFFF8000  }
0x32: {  	[tilespmem:s3], [sflag:$0x1] =	stream.linear.gather [hbm4b:s15+s3], $0x200, $0x38;
	[tilespmem:$0xA200] =	vst v63  }
0x33: {  	_ =	swait.ge [sflag:s6], $0x200  }
0x34: {  	s29 =	sshll.u32 s21, $0x3;
	[sflag:s6] =	ssyncset.done $0x0  }
0x35: {  	s16 =	sadd.s32 s20, s29;
	[sflag:s6] =	ssyncadd.s32 $0xFFFFFE00  }
0x36: {  	[tilespmem:s10], [sflag:$0x1] =	stream.linear.gather [hbm4b:s16+s3], $0x8000, $0x38;
	[tilespmem:$0xA200] =	vst v63  }
0x37: {  	s30 =	sshll.u32 s19, $0xE;
	s19 =	ssub.s32 $0x2, s19;
	_ =	swait.ge [sflag:s6], $0x8000  }
0x38: {  	s31 =	sshrl.u32 s19, $0x1;
	[sflag:s6] =	ssyncset.done $0x0  }
0x39: {  	s19 =	ssub.s32 s19, s31;
	[sflag:s6] =	ssyncadd.s32 $0xFFFF8000  }
0x3a: {  	[spmem:s2] =	stream.indirect.scatter.add.f32 [tilespmem:s10], [sflag:$0x1], $0x40, s3, s10, $0xb8;
	[tilespmem:$0xA200] =	vst v63  }
0x3b: {  	s19 =	smax.u32 s19, $0x1;
	_ =	swait.ge [sflag:s6], $0x8000  }
0x3c: {  	s18 =	sadd.s32 s30, s18;
	p0 =	sne.s32 s19, $0x1;
	[sflag:s6] =	ssyncset.done $0x0  }
.Ltmp0:
0x3d: {  	s18 =	sadd.s32 $0x15E00, s18;
	[sflag:s6] =	ssyncadd.s32 $0xFFFF8000;
	(pc) =	sbr.rel @!p0 .LBB2_2-.Ltmp0, $4  }
0x3e: {  	s17 =	sadd.s32 s17, s18;
	[bflag:$0x0] =	sbarrier.arrive $0xFFFF  }
0x3f: {  	[hbm:s17], [sflag:s5] =	dma.local [spmem:s7], $0x400  }
0x40: {  	_ =	swait.ge [sflag:s6], $0x400  }
0x41: {  	s18 =	sadd.s32 $0xFFFFFFFF, s19;
	[sflag:s6] =	ssyncset.done $0x0  }
.LBB2_1:
0x42: {  	p0 =	sne.s32 s18, $0x1;
	s18 =	sadd.s32 $0xFFFFFFFF, s18;
	[sflag:s6] =	ssyncadd.s32 $0xFFFFFC00  }
0x43: {  	[spmem:s7], [sflag:s5] =	dma.local [hbm:s4], $0x400  }
0x44: {  	_ =	swait.ge [sflag:s6], $0x400  }
0x45: {  	[sflag:s6] =	ssyncset.done $0x0  }
0x46: {  	[sflag:s6] =	ssyncadd.s32 $0xFFFFFC00  }
0x47: {  	[bflag:$0x0] =	sbarrier.arrive $0xFFFF  }
0x48: {  	[tilespmem:s3], [sflag:$0x1] =	stream.linear.gather [hbm4b:s8+s3], $0x200, $0x38;
	[tilespmem:$0xA200] =	vst v63  }
0x49: {  	_ =	swait.ge [sflag:s6], $0x200  }
0x4a: {  	[sflag:s6] =	ssyncset.done $0x0  }
0x4b: {  	[sflag:s6] =	ssyncadd.s32 $0xFFFFFE00  }
0x4c: {  	[tilespmem:s10], [sflag:$0x1] =	stream.linear.gather [hbm4b:s9+s3], $0x8000, $0x38;
	[tilespmem:$0xA200] =	vst v63  }
0x4d: {  	_ =	swait.ge [sflag:s6], $0x8000  }
0x4e: {  	[sflag:s6] =	ssyncset.done $0x0  }
0x4f: {  	[sflag:s6] =	ssyncadd.s32 $0xFFFF8000  }
0x50: {  	[spmem:s2] =	stream.indirect.scatter.add.f32 [tilespmem:s10], [sflag:$0x1], $0x40, s3, s10, $0xb8;
	[tilespmem:$0xA200] =	vst v63  }
0x51: {  	_ =	swait.ge [sflag:s6], $0x8000  }
0x52: {  	[sflag:s6] =	ssyncset.done $0x0  }
0x53: {  	[sflag:s6] =	ssyncadd.s32 $0xFFFF8000  }
0x54: {  	[tilespmem:s3], [sflag:$0x1] =	stream.linear.gather [hbm4b:s11+s3], $0x200, $0x38;
	[tilespmem:$0xA200] =	vst v63  }
0x55: {  	_ =	swait.ge [sflag:s6], $0x200  }
0x56: {  	[sflag:s6] =	ssyncset.done $0x0  }
0x57: {  	[sflag:s6] =	ssyncadd.s32 $0xFFFFFE00  }
0x58: {  	[tilespmem:s10], [sflag:$0x1] =	stream.linear.gather [hbm4b:s12+s3], $0x8000, $0x38;
	[tilespmem:$0xA200] =	vst v63  }
0x59: {  	_ =	swait.ge [sflag:s6], $0x8000  }
0x5a: {  	[sflag:s6] =	ssyncset.done $0x0  }
0x5b: {  	[sflag:s6] =	ssyncadd.s32 $0xFFFF8000  }
0x5c: {  	[spmem:s2] =	stream.indirect.scatter.add.f32 [tilespmem:s10], [sflag:$0x1], $0x40, s3, s10, $0xb8;
	[tilespmem:$0xA200] =	vst v63  }
0x5d: {  	_ =	swait.ge [sflag:s6], $0x8000  }
0x5e: {  	[sflag:s6] =	ssyncset.done $0x0  }
0x5f: {  	[sflag:s6] =	ssyncadd.s32 $0xFFFF8000  }
0x60: {  	[tilespmem:s3], [sflag:$0x1] =	stream.linear.gather [hbm4b:s13+s3], $0x200, $0x38;
	[tilespmem:$0xA200] =	vst v63  }
0x61: {  	_ =	swait.ge [sflag:s6], $0x200  }
0x62: {  	[sflag:s6] =	ssyncset.done $0x0  }
0x63: {  	[sflag:s6] =	ssyncadd.s32 $0xFFFFFE00  }
0x64: {  	[tilespmem:s10], [sflag:$0x1] =	stream.linear.gather [hbm4b:s14+s3], $0x8000, $0x38;
	[tilespmem:$0xA200] =	vst v63  }
0x65: {  	_ =	swait.ge [sflag:s6], $0x8000  }
0x66: {  	[sflag:s6] =	ssyncset.done $0x0  }
0x67: {  	[sflag:s6] =	ssyncadd.s32 $0xFFFF8000  }
0x68: {  	[spmem:s2] =	stream.indirect.scatter.add.f32 [tilespmem:s10], [sflag:$0x1], $0x40, s3, s10, $0xb8;
	[tilespmem:$0xA200] =	vst v63  }
0x69: {  	_ =	swait.ge [sflag:s6], $0x8000  }
0x6a: {  	[sflag:s6] =	ssyncset.done $0x0  }
0x6b: {  	[sflag:s6] =	ssyncadd.s32 $0xFFFF8000  }
0x6c: {  	[tilespmem:s3], [sflag:$0x1] =	stream.linear.gather [hbm4b:s15+s3], $0x200, $0x38;
	[tilespmem:$0xA200] =	vst v63  }
0x6d: {  	_ =	swait.ge [sflag:s6], $0x200  }
0x6e: {  	[sflag:s6] =	ssyncset.done $0x0  }
0x6f: {  	[sflag:s6] =	ssyncadd.s32 $0xFFFFFE00  }
0x70: {  	[tilespmem:s10], [sflag:$0x1] =	stream.linear.gather [hbm4b:s16+s3], $0x8000, $0x38;
	[tilespmem:$0xA200] =	vst v63  }
0x71: {  	_ =	swait.ge [sflag:s6], $0x8000  }
0x72: {  	[sflag:s6] =	ssyncset.done $0x0  }
0x73: {  	[sflag:s6] =	ssyncadd.s32 $0xFFFF8000  }
0x74: {  	[spmem:s2] =	stream.indirect.scatter.add.f32 [tilespmem:s10], [sflag:$0x1], $0x40, s3, s10, $0xb8;
	[tilespmem:$0xA200] =	vst v63  }
0x75: {  	_ =	swait.ge [sflag:s6], $0x8000  }
0x76: {  	[sflag:s6] =	ssyncset.done $0x0  }
.Ltmp1:
0x77: {  	[sflag:s6] =	ssyncadd.s32 $0xFFFF8000;
	(pc) =	sbr.rel @p0 .LBB2_1-.Ltmp1, $4  }
0x78: {  	[bflag:$0x0] =	sbarrier.arrive $0xFFFF  }
0x79: {  	[hbm:s17], [sflag:s5] =	dma.local [spmem:s7], $0x400  }
0x7a: {  	_ =	swait.ge [sflag:s6], $0x400  }
0x7b: {  	[sflag:s6] =	ssyncset.done $0x0  }
.LBB2_2:
0x7c: {  	[sflag:s6] =	ssyncadd.s32 $0xFFFFFC00  }
0x7d: {  	_ =	sfence.sel $0x180000  }
0x7e: {  	[bflag:$0x0] =	sbarrier.arrive $0xFFFF  }
0x7f: {  	p0 =	sne.s32 s1, $0x0;
	_ =	strace $0x90000053  }
0x80: {  	s0 =	sadd.s32 @!p0 $0x100000, s0;
	[bflag:$0x2] =	sbarrier.arrive $0xFFFF  }
0x81: {  	[sflag:s0] =	ssyncadd.tile.s32 @!p0 $0x1;
	_ =	shalt  }
.Lfunc_end2:
_tile_overlayer_lowered:
.L_overlay_start_2:
0x82: {  	(tag) =	ssettag $0x2  }
0x83: {  	s0 =	rddreg [dreg:$0x0];
	s2 =	stileid.u32  }
0x84: {  	s1 =	rddreg [dreg:$0x1];
	p0 =	sne.s32 s2, $0x0  }
0x85: {  	s3 =	rddreg [dreg:$0x2];
	[bflag:$0x3] =	sbarrier.arrive $0xFFFF;
	s2 =	simm.s32 @!p0 $0x1C01  }
0x86: {  	[timem:s3], [sflag:s2] =	dma.local @!p0 [hbm:s0], s1  }
0x87: {  	s0 =	simm.s32 @!p0 $0x1  }
0x88: {  	_ =	swait.ge @!p0 [sflag:s0], s1  }
0x89: {  	s1 =	ssub.s32 @!p0 $0x0, s1;
	[sflag:s0] =	ssyncset.done @!p0 $0x0  }
0x8a: {  	[sflag:s0] =	ssyncadd.s32 @!p0 s1  }
0x8b: {  	[bflag:$0x3] =	sbarrier.arrive $0xFFFF  }
0x8c: {  	_ =	shalt  }

// kernel: kernel.9.cloned.1.call-start
scs
__scs_entry_jumppad:
0x0: {  	(pc) =	sbr.rel $0x88, $3  }
0x1: {  	(tag) =	ssettag $0x0;
	lr =	simm.s32 $0x1  }
0x2: {  	[smem:$0x3F77] =	sst lr;
	_ =	strace $0xD0000000  }
0x3: {  	_ = 	snop  }
0x4: {  	_ = 	snop  }
0x5: {  	_ = 	snop  }
0x6: {  	_ = 	snop  }
0x7: {  	_ = 	snop  }
__scs_overlays_trampoline_lowered:
0x8: {  	[smem:$0x3F86] =	sst s0  }
0x9: {  	[smem:$0x3F87] =	sst s1  }
0xa: {  	[smem:$0x3F88] =	sst s2  }
0xb: {  	[smem:$0x3F89] =	sst s3  }
0xc: {  	[smem:$0x3F8A] =	sst s4  }
0xd: {  	[smem:$0x3F8B] =	sst s5  }
0xe: {  	[smem:$0x3F8C] =	sst s6  }
0xf: {  	[smem:$0x3F8D] =	sst s7  }
0x10: {  	[smem:$0x3F8E] =	sst s8  }
0x11: {  	[smem:$0x3F8F] =	sst s9;
	s0 =	simm.s32 @!p0 $0x0  }
0x12: {  	s1 =	sld [smem:$0x3F75];
	s0 =	simm.s32 @p0 $0x1  }
0x13: {  	[smem:$0x3F90] =	sst s0;
	s0 =	simm.s32 @!p1 $0x0  }
0x14: {  	s2 =	sld [smem:$0x3F74];
	s0 =	simm.s32 @p1 $0x1  }
0x15: {  	[smem:$0x3F91] =	sst s0;
	s0 =	simm.s32 @!p2 $0x0  }
0x16: {  	s3 =	sld [smem:$0x3FDB];
	s0 =	simm.s32 @p2 $0x1  }
0x17: {  	s4 =	simm.s32 $0x1BF5;
	[smem:$0x3F93] =	sst s0  }
0x18: {  	s0 =	sld [smem:$0x3F76];
	_ =	swait.ge [sflag:s4], $0x0  }
0x19: {  	s7 =	sld [smem:$0x3F77]  }
0x1a: {  	s8 =	sadd.s32 $0xFFFFE003, lr  }
0x1b: {  	s9 =	sadd.s32 $0xFFFFFEF7, lr;
	s5 =	simm.s32 $0xFFFFFFFF;
	p2 =	slt.u32 s8, $0xFFFFF086  }
0x1c: {  	p1 =	slt.u32 s9, $0xF7A;
	s5 =	simm.s32 @!p2 $0x0  }
0x1d: {  	s5 =	simm.s32 @p1 $0x1;
	p0 =	seq.s32 s7, s2  }
0x1e: {  	s7 =	smul.u32 @!p0 $0xF7A, s2;
	p2 =	seq.s32 @!p0 s5, $0x0  }
0x1f: {  	s9 =	smul.u32 $0xF7A, s1;
	s8 =	simm.s32 @!p0 $0x1BF5;
	p2 =	por !p2, p0  }
0x20: {  	[sflag:s8] =	ssyncset.s32 @!p0 $0xFFFFF086;
	s6 =	sadd.s32 @!p0 s3, s7;
	s7 =	simm.s32 @!p0 $0x108  }
0x21: {  	s3 =	sadd.s32 s3, s9;
	s6 =	sadd.s32 @!p0 $0x88, s6;
	s7 =	simm.s32 @p2 $0x1082  }
0x22: {  	[simem:s7], [sflag:s8] =	dma.local @!p0 [hbm:s6], $0xF7A  }
0x23: {  	s9 =	sor.u32 $0xD0000000, s2;
	s6 =	simm.s32 $0x108;
	_ =	swait.ge @!p0 [sflag:s8], $0x0  }
0x24: {  	s3 =	sadd.s32 $0x88, s3;
	s6 =	simm.s32 @!p1 $0x1082;
	[sflag:s4] =	ssyncset.s32 $0xFFFFF086  }
0x25: {  	[simem:s6], [sflag:s4] =	dma.local [hbm:s3], $0xF7A  }
0x26: {  	[smem:$0x3F77] =	sst s1;
	(tag) =	ssettag s2;
	_ =	strace s9  }
0x27: {  	s1 =	sld [smem:$0x3F87]  }
0x28: {  	s2 =	sld [smem:$0x3F88]  }
0x29: {  	s4 =	sld [smem:$0x3F8A]  }
0x2a: {  	p0 =	seq.s32 s5, $0x0;
	s5 =	sld [smem:$0x3F8B]  }
0x2b: {  	s6 =	sld [smem:$0x3F8C]  }
0x2c: {  	s7 =	sld [smem:$0x3F8D]  }
0x2d: {  	s3 =	simm.s32 $0x108;
	s8 =	sld [smem:$0x3F8E]  }
0x2e: {  	s3 =	simm.s32 @!p0 $0x1082;
	s9 =	sld [smem:$0x3F8F]  }
0x2f: {  	lr =	sadd.s32 s0, s3;
	s0 =	sld [smem:$0x3F86]  }
0x30: {  	s3 =	sld [smem:$0x3F89]  }
0x31: {  	[smem:$0x3F92] =	sst s10  }
0x32: {  	s10 =	sld [smem:$0x3F90];
	_ =	sdelay $0x3  }
0x33: {  	p0 =	seq.s32 s10, $0x1;
	s10 =	sld [smem:$0x3F92];
	_ =	sdelay $0x3  }
0x34: {  	[smem:$0x3F92] =	sst s10  }
0x35: {  	s10 =	sld [smem:$0x3F91];
	_ =	sdelay $0x3  }
0x36: {  	p1 =	seq.s32 s10, $0x1;
	s10 =	sld [smem:$0x3F92];
	_ =	sdelay $0x3  }
0x37: {  	[smem:$0x3F92] =	sst s10  }
0x38: {  	s10 =	sld [smem:$0x3F93]  }
0x39: {  	_ = 	snop;
	(pc) =	sbr.ind lr, $3  }
0x3a: {  	_ = 	snop  }
0x3b: {  	_ = 	snop  }
0x3c: {  	p2 =	seq.s32 s10, $0x1;
	s10 =	sld [smem:$0x3F92]  }
0x3d: {  	_ =	shalt  }
0x3e: {  	_ =	shalt  }
0x3f: {  	_ =	shalt  }
0x40: {  	_ =	shalt  }
0x41: {  	_ =	shalt  }
0x42: {  	_ =	shalt  }
0x43: {  	_ =	shalt  }
0x44: {  	_ =	shalt  }
0x45: {  	_ =	shalt  }
0x46: {  	_ =	shalt  }
0x47: {  	_ =	shalt  }
0x48: {  	_ =	shalt  }
0x49: {  	_ =	shalt  }
0x4a: {  	_ =	shalt  }
0x4b: {  	_ =	shalt  }
0x4c: {  	_ =	shalt  }
0x4d: {  	_ =	shalt  }
0x4e: {  	_ =	shalt  }
0x4f: {  	_ =	shalt  }
0x50: {  	_ =	shalt  }
0x51: {  	_ =	shalt  }
0x52: {  	_ =	shalt  }
0x53: {  	_ =	shalt  }
0x54: {  	_ =	shalt  }
0x55: {  	_ =	shalt  }
0x56: {  	_ =	shalt  }
0x57: {  	_ =	shalt  }
0x58: {  	_ =	shalt  }
0x59: {  	_ =	shalt  }
0x5a: {  	_ =	shalt  }
0x5b: {  	_ =	shalt  }
0x5c: {  	_ =	shalt  }
0x5d: {  	_ =	shalt  }
0x5e: {  	_ =	shalt  }
0x5f: {  	_ =	shalt  }
0x60: {  	_ =	shalt  }
0x61: {  	_ =	shalt  }
0x62: {  	_ =	shalt  }
0x63: {  	_ =	shalt  }
0x64: {  	_ =	shalt  }
0x65: {  	_ =	shalt  }
0x66: {  	_ =	shalt  }
0x67: {  	_ =	shalt  }
0x68: {  	_ =	shalt  }
0x69: {  	_ =	shalt  }
0x6a: {  	_ =	shalt  }
0x6b: {  	_ =	shalt  }
0x6c: {  	_ =	shalt  }
0x6d: {  	_ =	shalt  }
0x6e: {  	_ =	shalt  }
0x6f: {  	_ =	shalt  }
0x70: {  	_ =	shalt  }
0x71: {  	_ =	shalt  }
0x72: {  	_ =	shalt  }
0x73: {  	_ =	shalt  }
0x74: {  	_ =	shalt  }
0x75: {  	_ =	shalt  }
0x76: {  	_ =	shalt  }
0x77: {  	_ =	shalt  }
0x78: {  	_ =	shalt  }
0x79: {  	_ =	shalt  }
0x7a: {  	_ =	shalt  }
0x7b: {  	_ =	shalt  }
0x7c: {  	_ =	shalt  }
0x7d: {  	_ =	shalt  }
0x7e: {  	_ =	shalt  }
0x7f: {  	_ =	shalt  }
0x80: {  	_ =	shalt  }
0x81: {  	_ =	shalt  }
0x82: {  	_ =	shalt  }
0x83: {  	_ =	shalt  }
0x84: {  	_ =	shalt  }
0x85: {  	_ =	shalt  }
0x86: {  	_ =	shalt  }
0x87: {  	_ =	shalt  }
.Lfunc_end0:
.L_simem_size_0:
called_computation_lowered:
.L_overlay_start_0:
0x88: {  	s2 =	sld [smem:$0x3FD9]  }
0x89: {  	s3 =	sld [smem:$0x3FFE];
	_ =	sdelay $0x1  }
0x8a: {  	s1 =	srdreg.scid  }
0x8b: {  	s0 =	sand.u32 $0x1, s1  }
0x8c: {  	s16 =	sshll.u32 s0, $0xA;
	s2 =	sadd.s32 s3, s2  }
0x8d: {  	s2 =	sadd.s32 s2, s16  }
0x8e: {  	[smem:$0x3F9E] =	sst s2  }
0x8f: {  	_ = 	snop  }
0x90: {  	(tm) =	ssettm $0x1  }
0x91: {  	s17 =	sld [smem:$0x3FFB];
	_ =	sdelay $0x3  }
0x92: {  	_ =	strace s17  }
0x93: {  	s2 =	sld [smem:$0x3FFC];
	_ =	sdelay $0x3  }
0x94: {  	_ =	strace s2  }
0x95: {  	s2 =	sld [smem:$0x3FFD];
	_ =	sdelay $0x3  }
0x96: {  	_ =	strace s2  }
0x97: {  	_ =	strace $0x8FFFFFFF  }
0x98: {  	s18 =	sld [smem:$0x3FDB];
	_ =	sdelay $0x1  }
0x99: {  	s19 =	simm.s32 $_scs_section_size  }
0x9a: {  	s4 =	simm.s32 $_size__tile_overlayer_lowered;
	s5 =	simm.s32 $_tile_overlayer_lowered  }
0x9b: {  	s22 =	simm.s32 $0x1BFF;
	s21 =	sshll.u32 s5, $0x1;
	s2 =	sadd.s32 s19, s18  }
0x9c: {  	s6 =	simm.s32 $0x0;
	s20 =	sshll.u32 s4, $0x1;
	s4 =	sadd.s32 s21, s2  }
0x9d: {  	[timem:s6], [sflag:s22] =	dma.local [hbm:s4], s20  }
0x9e: {  	_ =	swait.ge [sflag:s22], s20  }
0x9f: {  	s3 =	ssub.s32 $0x0, s20;
	[sflag:s22] =	ssyncset.done $0x0  }
0xa0: {  	[sflag:s22] =	ssyncadd.s32 s3;
	_ =	sdelay $0x1  }
0xa1: {  	s23 =	simm.s32 $0x1B8B  }
0xa2: {  	_ =	swait.ge [sflag:s23], $0x1  }
0xa3: {  	[sflag:s23] =	ssyncset.done $0x0  }
0xa4: {  	s25 =	simm.s32 $0x1B8E;
	s24 =	sld [smem:$0x3FFE];
	[sflag:s23] =	ssyncadd.s32 $0xFFFFFFFF  }
0xa5: {  	s26 =	simm.s32 $execute0_lowered;
	[smem:$0x3FD2] =	sst s25  }
0xa6: {  	s4 =	sshll.u32 s26, $0x1;
	_ =	strace $0x80000046;
	[dreg:$0x1] =	wrdreg $0xFFFFFFFF  }
0xa7: {  	s28 =	simm.s32 $_size_execute0_lowered;
	s2 =	sadd.s32 s2, s4;
	[dreg:$0x0] =	wrdreg $0x0  }
0xa8: {  	s4 =	sshll.u32 s28, $0x1;
	[dreg:$0x2] =	wrdreg s2  }
0xa9: {  	[dreg:$0x3] =	wrdreg s4  }
0xaa: {  	[dreg:$0x4] =	wrdreg $0xC0  }
0xab: {  	_ =	task [dreg:s6], $0x5FFFF  }
0xac: {  	[dreg:$0x1] =	wrdreg $0xFFFFFFFF  }
0xad: {  	[dreg:$0x0] =	wrdreg $0x60  }
0xae: {  	[dreg:$0x2] =	wrdreg s24  }
0xaf: {  	[dreg:$0x3] =	wrdreg $0x9  }
0xb0: {  	_ =	task.clear_ibuf [dreg:s6], $0x4FFFF;
	_ =	strace $0x90000046  }
0xb1: {  	s29 =	simm.s32 $0x9;
	_ =	strace $0x80000048  }
0xb2: {  	_ =	swait.ge [sflag:s29], $0x1  }
0xb3: {  	[sflag:s29] =	ssyncadd.s32 $0xFFFFFFFF  }
0xb4: {  	_ =	strace $0x90000048  }
0xb5: {  	_ =	sfence  }
0xb6: {  	s30 =	sld [smem:$0x0];
	_ =	sdelay $0x2  }
0xb7: {  	s31 =	sshll.u32 s1, $0xD;
	s1 =	sshrl.u32 s1, $0x2  }
0xb8: {  	s3 =	sand.u32 $0x4000, s31;
	s1 =	sadd.s32 s1, s30  }
0xb9: {  	s0 =	sor.u32 s3, s0;
	s1 =	sshll.u32 s1, $0x11  }
0xba: {  	s0 =	sor.u32 s1, s0  }
0xbb: {  	s0 =	sadd.s32 $0x8F2B, s0  }
0xbc: {  	[sflag:s0] =	ssyncadd.remote.s32 $0x1  }
0xbd: {  	_ =	sfence.sel $0xFFFF  }
0xbe: {  	[dreg:$0x0] =	wrdreg $0xFFFFFFFF;
	(pc) =	sbr.abs _section_cstart, $3  }
0xbf: {  	[dreg:$0x1] =	wrdreg $0xFFFFFFFF  }
0xc0: {  	_ =	task.clear_ibuf [dreg:s6], $0x2FFFF;
	_ =	strace $0x9FFFFFFF  }
0xc1: {  	(tm) =	ssettm $0x7FFFFFFF  }
tec
execute0_lowered:
.L_overlay_start_1:
0x0: {  	(tag) =	ssettag $0x1  }
0x1: {  	s5 =	rddreg [dreg:$0x0]  }
0x2: {  	s0 =	rddreg [dreg:$0x1];
	s2 =	srdreg.scid;
	s1 =	simm.s32 $0x0  }
0x3: {  	s12 =	stileid.u32;
	s14 =	simm.s32 $0x1830;
	s15 =	simm.s32 $0x28B0  }
0x4: {  	s16 =	simm.s32 $0x1;
	s17 =	simm.s32 $0x0;
	s10 =	sand.u32 $0x1, s2  }
0x5: {  	[smem:$0x7FF] =	sst s1;
	s4 =	sshll.u32 s12, $0xB;
	s3 =	sadd.s32 $0x5800, s5  }
0x6: {  	s13 =	sshll.u32 s12, $0x6;
	p0 =	sne.s32 s12, $0x0;
	s12 =	simm.s32 $0x3930  }
0x7: {  	s2 =	sshll.u32 s10, $0xF;
	_ =	strace $0x80000047;
	s7 =	ssub.s32 $0x2, s10  }
.Ltmp0:
0x8: {  	s10 =	sshll.u32 s10, $0xA;
	s6 =	sor.u32 s4, s2;
	(pc) =	sbr.rel .LBB2_1-.Ltmp0, $4  }
0x9: {  	s4 =	sadd.s32 $0x7C00, s5;
	s5 =	sadd.s32 $0x5C00, s5;
	s8 =	sshrl.u32 s7, $0x1  }
0xa: {  	s10 =	sor.u32 s13, s10;
	s6 =	sshrl.u32 s6, $0x3;
	s11 =	ssub.s32 s7, s8  }
0xb: {  	s13 =	simm.s32 $0x2;
	s6 =	sadd.s32 s4, s6;
	s11 =	smax.u32 s11, $0x1  }
0xc: {  	v0 =	vimm.s32 $0xFFFFFFD6;
	v1 =	vlaneseq.u32;
	v2 =	vimm.s32 $0x0;
	s7 =	sadd.s32 $0x40, s6;
	s8 =	sadd.s32 $0x80, s6;
	s9 =	sadd.s32 $0xC0, s6  }
.LBB2_14:
0xd: {  	s23 =	smov.u32 s20  }
.LBB2_18:
0xe: {  	s21 =	sadd.s32 @p1 $0x10, s23  }
0xf: {  	s22 =	sadd.s32 s4, s19;
	[sflag:s13] =	ssyncadd.s32 @p1 $0xFFFFFFF0;
	s20 =	smov.u32 @p1 s21  }
0x10: {  	[hbm4b:s22+s1] =	stream.linear.scatter [tilespmem:s20], [sflag:$0x2], $0x10, $0x38;
	[tilespmem:$0x3B30] =	vst v63  }
0x11: {  	_ =	swait.ge [sflag:s13], $0x10  }
0x12: {  	[sflag:s13] =	ssyncset.done $0x0  }
0x13: {  	s31 =	sadd.s32 s5, s19;
	[sflag:s13] =	ssyncadd.s32 $0xFFFFFFF0  }
0x14: {  	[hbm4b:s31+s1] =	stream.linear.scatter [tilespmem:s18], [sflag:$0x2], $0x10, $0x38;
	[tilespmem:$0x3B30] =	vst v63  }
0x15: {  	_ =	swait.ge [sflag:s13], $0x10  }
0x16: {  	[sflag:s13] =	ssyncset.done $0x0  }
0x17: {  	[sflag:s13] =	ssyncadd.s32 $0xFFFFFFF0  }
.LBB2_19:
0x18: {  	s17 =	sadd.s32 $0x1, s17  }
0x19: {  	p1 =	sne.s32 s17, s11  }
.Ltmp1:
0x1a: {  	_ = 	snop;
	(pc) =	sbr.rel @!p1 .LBB2_20-.Ltmp1, $1  }
0x1b: {  	_ =	sdelay $0x3  }
.LBB2_1:
0x1c: {  	[tilespmem:$0x3930] =	vst v0  }
0x1d: {  	[tilespmem:$0x3940] =	vst v0  }
0x1e: {  	[tilespmem:$0x3950] =	vst v0  }
0x1f: {  	[tilespmem:$0x3960] =	vst v0  }
0x20: {  	[tilespmem:$0x3970] =	vst v0  }
0x21: {  	[tilespmem:$0x3980] =	vst v0  }
0x22: {  	[tilespmem:$0x3990] =	vst v0  }
0x23: {  	[tilespmem:$0x39A0] =	vst v0  }
0x24: {  	[tilespmem:$0x39B0] =	vst v0  }
0x25: {  	[tilespmem:$0x39C0] =	vst v0  }
0x26: {  	[tilespmem:$0x39D0] =	vst v0  }
0x27: {  	[tilespmem:$0x39E0] =	vst v0  }
0x28: {  	[tilespmem:$0x39F0] =	vst v0  }
0x29: {  	[tilespmem:$0x3A00] =	vst v0  }
0x2a: {  	[tilespmem:$0x3A10] =	vst v0  }
0x2b: {  	[tilespmem:$0x3A20] =	vst v0  }
0x2c: {  	[tilespmem:$0x3A30] =	vst v0  }
0x2d: {  	[tilespmem:$0x3A40] =	vst v0  }
0x2e: {  	[tilespmem:$0x3A50] =	vst v0  }
0x2f: {  	[tilespmem:$0x3A60] =	vst v0  }
0x30: {  	[tilespmem:$0x3A70] =	vst v0  }
0x31: {  	[tilespmem:$0x3A80] =	vst v0  }
0x32: {  	[tilespmem:$0x3A90] =	vst v0  }
0x33: {  	[tilespmem:$0x3AA0] =	vst v0  }
0x34: {  	[tilespmem:$0x3AB0] =	vst v0  }
0x35: {  	[tilespmem:$0x3AC0] =	vst v0  }
0x36: {  	[tilespmem:$0x3AD0] =	vst v0  }
0x37: {  	[tilespmem:$0x3AE0] =	vst v0  }
0x38: {  	[tilespmem:$0x3AF0] =	vst v0  }
0x39: {  	[tilespmem:$0x3B00] =	vst v0  }
0x3a: {  	s18 =	simm.s32 @!p0 $0x0;
	[tilespmem:$0x3B10] =	vst v0  }
0x3b: {  	[tilespmem:$0x3B20] =	vst v0;
	[smem:$0x0] =	sst @!p0 s18  }
0x3c: {  	[hbm4b:s6+s1] =	stream.linear.scatter [tilespmem:s12], [sflag:$0x2], $0x200, $0x38;
	[tilespmem:$0x3B30] =	vst v63  }
0x3d: {  	_ =	swait.ge [sflag:s13], $0x200  }
0x3e: {  	[sflag:s13] =	ssyncset.done $0x0  }
0x3f: {  	[sflag:s13] =	ssyncadd.s32 $0xFFFFFE00  }
0x40: {  	[hbm4b:s7+s1] =	stream.linear.scatter [tilespmem:s12], [sflag:$0x2], $0x200, $0x38;
	[tilespmem:$0x3B30] =	vst v63  }
0x41: {  	_ =	swait.ge [sflag:s13], $0x200  }
0x42: {  	[sflag:s13] =	ssyncset.done $0x0  }
0x43: {  	[sflag:s13] =	ssyncadd.s32 $0xFFFFFE00  }
0x44: {  	[hbm4b:s8+s1] =	stream.linear.scatter [tilespmem:s12], [sflag:$0x2], $0x200, $0x38;
	[tilespmem:$0x3B30] =	vst v63  }
0x45: {  	_ =	swait.ge [sflag:s13], $0x200  }
0x46: {  	[sflag:s13] =	ssyncset.done $0x0  }
0x47: {  	[sflag:s13] =	ssyncadd.s32 $0xFFFFFE00  }
0x48: {  	[hbm4b:s9+s1] =	stream.linear.scatter [tilespmem:s12], [sflag:$0x2], $0x200, $0x38;
	[tilespmem:$0x3B30] =	vst v63  }
0x49: {  	_ =	swait.ge [sflag:s13], $0x200  }
0x4a: {  	[sflag:s13] =	ssyncset.done $0x0  }
0x4b: {  	[sflag:s13] =	ssyncadd.s32 $0xFFFFFE00  }
0x4c: {  	[tilespmem:s1], [sflag:$0x2] =	stream.linear.gather [hbm4b:s3+s1], $0x1830, $0x38;
	[tilespmem:$0x3B30] =	vst v63  }
0x4d: {  	_ =	swait.ge [sflag:s13], $0x1830  }
0x4e: {  	[sflag:s13] =	ssyncset.done $0x0  }
0x4f: {  	[sflag:s13] =	ssyncadd.s32 $0xFFFFE7D0  }
0x50: {  	s19 =	simm.s32 $0x0;
	s18 =	simm.s32 $0x0;
	[bflag:$0x0] =	sbarrier.arrive $0xFFFF  }
.LBB2_2:
0x51: {  	s20 =	sadd.s32 s10, s19  }
0x52: {  	v3 =	vmov s20  }
0x53: {  	v4 =	vand.u32 $0x7FF, v3  }
0x54: {  	v5 =	vadd.s32 $0x810, v4  }
0x55: {  	v7 =	vadd.s32 $0x1020, v4  }
0x56: {  	s22 =	simm.s32 $0x810  }
0x57: {  	s21 =	simm.s32 $0x0;
	v8 =	vld [tilespmem:s22+$0xFFFFF7F0]  }
0x58: {  	v4 =	vld.idx.msk [tilespmem:v3+s21+$0x0], $0xffff  }
0x59: {  	v6 =	vld.idx.msk [tilespmem:v5+s21+$0x0], $0xffff  }
0x5a: {  	v5 =	vld.idx.msk [tilespmem:v7+s21+$0x0], $0xffff  }
0x5b: {  	v7 =	vld [tilespmem:s22+$0x0]  }
0x5c: {  	v9 =	vld [tilespmem:s22+$0x810];
	_ =	sdelay $0x1  }
0x5d: {  	v8 =	vsub.f32 v4, v8;
	_ =	sdelay $0x1  }
0x5e: {  	v7 =	vsub.f32 v6, v7;
	vm0 =	vgt.f32 v8, $5.000000000e-01  }
0x5f: {  	vm1 =	vlt.f32 v8, $-5.000000000e-01;
	v9 =	vsub.f32 v5, v9;
	v10 =	vsel vm0, $0x3F800000, v2  }
0x60: {  	v11 =	vsel vm1, $0x3F800000, v2;
	vm10 =	vgt.f32 v7, $5.000000000e-01;
	vm2 =	vlt.f32 v7, $-5.000000000e-01  }
0x61: {  	v10 =	vsub.f32 v10, v11;
	v12 =	vsel vm10, $0x3F800000, v2;
	v13 =	vsel vm2, $0x3F800000, v2  }
0x62: {  	vm11 =	vgt.f32 v9, $5.000000000e-01;
	vm12 =	vlt.f32 v9, $-5.000000000e-01;
	v11 =	vsub.f32 v12, v13  }
0x63: {  	v63 =	vsel vm12, $0x3F800000, v2;
	v8 =	vsub.f32 v8, v10;
	v10 =	vsel vm11, $0x3F800000, v2  }
0x64: {  	v10 =	vsub.f32 v10, v63;
	v7 =	vsub.f32 v7, v11;
	_ =	sdelay $0x1  }
0x65: {  	v8 =	vmul.f32 v8, v8;
	v9 =	vsub.f32 v9, v10;
	v7 =	vmul.f32 v7, v7;
	_ =	sdelay $0x1  }
0x66: {  	v7 =	vadd.f32 v7, v8;
	v8 =	vmul.f32 v9, v9;
	_ =	sdelay $0x1  }
0x67: {  	v7 =	vadd.f32 v8, v7  }
0x68: {  	p1 =	seq.s32 s20, $0x0;
	s20 =	simm.f32 $6.944444180e-01  }
0x69: {  	s20 =	simm.s32 @!p1 $0x3F800000;
	v8 =	vmul.f32 $4.444444270e+01, v7  }
0x6a: {  	v7 =	vmov s20  }
0x6b: {  	v8 =	vmul.f32 v8, v7;
	_ =	sdelay $0x1  }
0x6c: {  	v9 =	vmov s21;
	v10 =	vmul.f32 $6.944444180e-01, v8  }
0x6d: {  	vm13 =	veq.s32 v9, v1  }
0x6e: {  	v9 =	vor.u32 s21, v1;
	v8 =	vsel vm13, v10, v8  }
0x6f: {  	vm14 =	vne.s32 v9, v3;
	vm15 =	vlt.f32 v8, $1.000000000e+00  }
0x70: {  	vm0 =	vmand vm14, vm15  }
0x71: {  	v8 =	vsel vm0, $0x1, v2  }
0x72: {  	(xrf0) =	vadd.scan.msk.s32 $0xffff, v8;
	_ =	sdelay $0x2  }
0x73: {  	v8 =	vmov s18  }
0x74: {  	v8 =	vadd.s32 $0xFFFFFFFF, v8  }
0x75: {  	v8 =	vbroadcast v8, $0x0  }
0x76: {  	v10, _, _ =	vpop (xrf0)  }
0x77: {  	v8 =	vadd.s32 v10, v8;
	(v2sf) =	vpush v10, $0xF;
	_ =	sdelay $0x4  }
0x78: {  	[tilespmem:v8+s14+$0x0] =	vst.idx.msk vm0, v3  }
0x79: {  	s21 =	simm.s32 $0x820;
	[tilespmem:v8+s15+$0x0] =	vst.idx.msk vm0, v9  }
0x7a: {  	v8 =	vld [tilespmem:s21+$0xFFFFF7F0]  }
0x7b: {  	v11 =	vld [tilespmem:s21+$0x0]  }
0x7c: {  	v10 =	vld [tilespmem:s21+$0x810];
	_ =	sdelay $0x2  }
0x7d: {  	v9 =	vsub.f32 v4, v8  }
0x7e: {  	s22 =	simm.s32 $0x20;
	s20 =	simm.s32 $0x10;
	v8 =	vsub.f32 v6, v11  }
.LBB2_3:
0x7f: {  	p1 =	sne.s32 s22, $0x7F0;
	vm0 =	vgt.f32 v9, $5.000000000e-01;
	vm1 =	vlt.f32 v9, $-5.000000000e-01;
	v10 =	vsub.f32 v5, v10;
	s23 =	smov.u32 s22;
	s22 =	sadd.s32 $0x10, s22  }
0x80: {  	v11 =	vsel vm0, $0x3F800000, v2;
	vm0 =	vgt.f32 v8, $5.000000000e-01;
	vm2 =	vlt.f32 v8, $-5.000000000e-01;
	s24 =	spop (v2sf)  }
0x81: {  	v12 =	vsel vm1, $0x3F800000, v2;
	v13 =	vsel vm0, $0x3F800000, v2;
	v14 =	vsel vm2, $0x3F800000, v2;
	s18 =	sadd.s32 s18, s24  }
0x82: {  	v11 =	vsub.f32 v11, v12;
	vm0 =	vgt.f32 v10, $5.000000000e-01;
	v12 =	vsub.f32 v13, v14  }
0x83: {  	vm1 =	vlt.f32 v10, $-5.000000000e-01;
	v13 =	vmov s18  }
0x84: {  	v14 =	vsel vm1, $0x3F800000, v2;
	v9 =	vsub.f32 v9, v11;
	v11 =	vsel vm0, $0x3F800000, v2  }
0x85: {  	v8 =	vsub.f32 v8, v12;
	v11 =	vsub.f32 v11, v14;
	v12 =	vadd.s32 $0xFFFFFFFF, v13  }
0x86: {  	v9 =	vmul.f32 v9, v9  }
0x87: {  	v8 =	vmul.f32 v8, v8;
	v10 =	vsub.f32 v10, v11;
	_ =	sdelay $0x1  }
0x88: {  	v8 =	vadd.f32 v8, v9;
	v9 =	vmul.f32 v10, v10;
	_ =	sdelay $0x1  }
0x89: {  	v8 =	vadd.f32 v9, v8;
	_ =	sdelay $0x1  }
0x8a: {  	v8 =	vmul.f32 $4.444444270e+01, v8;
	_ =	sdelay $0x1  }
0x8b: {  	v8 =	vmul.f32 v8, v7  }
0x8c: {  	v9 =	vmov s20  }
0x8d: {  	vm0 =	veq.s32 v9, v1;
	v9 =	vmul.f32 $6.944444180e-01, v8  }
0x8e: {  	v10 =	vor.u32 s20, v1;
	s20 =	smov.u32 s23  }
0x8f: {  	v8 =	vsel vm0, v9, v8;
	vm0 =	vne.s32 v10, v3  }
0x90: {  	vm1 =	vlt.f32 v8, $1.000000000e+00  }
0x91: {  	vm0 =	vmand vm0, vm1  }
0x92: {  	v8 =	vsel vm0, $0x1, v2  }
0x93: {  	(xrf0) =	vadd.scan.msk.s32 $0xffff, v8;
	_ =	sdelay $0x3  }
0x94: {  	v8 =	vbroadcast v12, $0x0;
	_ =	sdelay $0x1  }
0x95: {  	v9, _, _ =	vpop (xrf0)  }
0x96: {  	v8 =	vadd.s32 v9, v8;
	(v2sf) =	vpush v9, $0xF;
	_ =	sdelay $0x3  }
0x97: {  	s21 =	sadd.s32 $0x10, s21  }
0x98: {  	[tilespmem:v8+s14+$0x0] =	vst.idx.msk vm0, v3  }
0x99: {  	[tilespmem:v8+s15+$0x0] =	vst.idx.msk vm0, v10  }
0x9a: {  	v8 =	vld [tilespmem:s21+$0xFFFFF7F0]  }
0x9b: {  	v11 =	vld [tilespmem:s21+$0x0]  }
.Ltmp2:
0x9c: {  	v10 =	vld [tilespmem:s21+$0x810];
	(pc) =	sbr.rel @p1 .LBB2_3-.Ltmp2, $3  }
0x9d: {  	_ =	sdelay $0x1  }
0x9e: {  	v9 =	vsub.f32 v4, v8  }
0x9f: {  	v8 =	vsub.f32 v6, v11  }
0xa0: {  	vm0 =	vgt.f32 v9, $5.000000000e-01  }
0xa1: {  	vm1 =	vlt.f32 v9, $-5.000000000e-01;
	v4 =	vsub.f32 v5, v10;
	v53 =	vsel vm0, $0x3F800000, v2  }
0xa2: {  	vm10 =	vgt.f32 v8, $5.000000000e-01;
	vm2 =	vlt.f32 v8, $-5.000000000e-01;
	v6 =	vsel vm1, $0x3F800000, v2  }
0xa3: {  	v54 =	vsel vm10, $0x3F800000, v2;
	v11 =	vsel vm2, $0x3F800000, v2;
	v5 =	vsub.f32 v53, v6  }
0xa4: {  	vm11 =	vgt.f32 v4, $5.000000000e-01;
	vm12 =	vlt.f32 v4, $-5.000000000e-01;
	v55 =	vsub.f32 v54, v11  }
0xa5: {  	v56 =	vsel vm11, $0x3F800000, v2;
	v57 =	vsel vm12, $0x3F800000, v2;
	v5 =	vsub.f32 v9, v5  }
0xa6: {  	v58 =	vsub.f32 v56, v57;
	v6 =	vsub.f32 v8, v55;
	_ =	sdelay $0x1  }
0xa7: {  	v5 =	vmul.f32 v5, v5;
	v4 =	vsub.f32 v4, v58;
	v6 =	vmul.f32 v6, v6;
	_ =	sdelay $0x1  }
0xa8: {  	v4 =	vmul.f32 v4, v4;
	v5 =	vadd.f32 v6, v5;
	_ =	sdelay $0x1  }
0xa9: {  	v4 =	vadd.f32 v4, v5;
	_ =	sdelay $0x1  }
0xaa: {  	v4 =	vmul.f32 $4.444444270e+01, v4;
	_ =	sdelay $0x1  }
0xab: {  	v4 =	vmul.f32 v4, v7;
	_ =	sdelay $0x1  }
0xac: {  	v59 =	vmov s20;
	v60 =	vmul.f32 $6.944444180e-01, v4  }
0xad: {  	vm13 =	veq.s32 v59, v1  }
0xae: {  	v61 =	vor.u32 s20, v1;
	v4 =	vsel vm13, v60, v4  }
0xaf: {  	vm14 =	vne.s32 v61, v3;
	vm15 =	vlt.f32 v4, $1.000000000e+00  }
0xb0: {  	vm0 =	vmand vm14, vm15  }
0xb1: {  	v62 =	vsel vm0, $0x1, v2  }
0xb2: {  	(xrf0) =	vadd.scan.msk.s32 $0xffff, v62;
	_ =	sdelay $0x5  }
0xb3: {  	v4, _, _ =	vpop (xrf0)  }
0xb4: {  	(v2sf) =	vpush v4, $0xF;
	_ =	sdelay $0x3  }
0xb5: {  	s30 =	spop (v2sf)  }
0xb6: {  	s18 =	sadd.s32 s18, s30  }
0xb7: {  	v63 =	vmov s18  }
0xb8: {  	v6 =	vadd.s32 $0xFFFFFFFF, v63  }
0xb9: {  	v6 =	vbroadcast v6, $0x0;
	_ =	sdelay $0x1  }
0xba: {  	s19 =	sadd.s32 $0x1, s19;
	v4 =	vadd.s32 v4, v6  }
0xbb: {  	p1 =	sne.s32 s19, $0x40  }
.Ltmp3:
0xbc: {  	_ = 	snop;
	(pc) =	sbr.rel @p1 .LBB2_2-.Ltmp3, $3  }
0xbd: {  	_ =	sdelay $0x1  }
0xbe: {  	[tilespmem:v4+s14+$0x0] =	vst.idx.msk vm0, v3;
	s31 =	spop (v2sf)  }
0xbf: {  	[tilespmem:v4+s15+$0x0] =	vst.idx.msk vm0, v61;
	s18 =	sadd.s32 s18, s31  }
0xc0: {  	s19 =	sand.u32 $0xF, s18  }
0xc1: {  	s20 =	sshra.s32 s18, $0x1F;
	p1 =	slt.s32 s18, $0x1;
	p2 =	sne.s32 s19, $0x0  }
0xc2: {  	s23 =	sshrl.u32 s20, $0x1C;
	p1 =	por !p1, !p2  }
0xc3: {  	s20 =	simm.s32 $0x1;
	s19 =	sadd.s32 s23, s18;
	p1 =	por !p1, !p1  }
0xc4: {  	s19 =	sshrl.u32 s19, $0x4;
	s20 =	simm.s32 @!p1 $0x0  }
0xc5: {  	s19 =	ssub.s32 s19, s20  }
0xc6: {  	s19 =	sshll.u32 s19, $0x4  }
0xc7: {  	s24 =	sadd.s32 $0xF, s18;
	v3 =	vld [tilespmem:s19+$0x1830]  }
0xc8: {  	s21 =	sand.u32 $0xF, s24;
	v4 =	vld [tilespmem:s19+$0x28B0]  }
0xc9: {  	s25 =	sshra.s32 s24, $0x1F;
	p4 =	slt.s32 s24, $0x1;
	p3 =	sne.s32 s21, $0x0  }
0xca: {  	s26 =	sshrl.u32 s25, $0x1C;
	p1 =	por !p4, !p3;
	v5 =	vor.u32 s19, v1  }
0xcb: {  	p1 =	por !p1, !p1;
	s20 =	simm.s32 $0x1;
	vm0 =	vlt.s32 v5, s18;
	s18 =	sadd.s32 s26, s24  }
0xcc: {  	s20 =	simm.s32 @!p1 $0x0;
	s18 =	sshra.s32 s18, $0x4;
	v3 =	vnsel vm0, $0xFFFFFFD6, v3  }
0xcd: {  	s28 =	ssub.s32 s18, s20;
	[tilespmem:s19+$0x1830] =	vst v3;
	v3 =	vnsel vm0, $0x0, v4  }
0xce: {  	s18 =	sshll.u32 s28, $0x4;
	[tilespmem:s19+$0x28B0] =	vst v3;
	s19 =	sand.u32 $0x1F, s28  }
0xcf: {  	s29 =	sshra.s32 s18, $0x1F;
	p5 =	slt.s32 s18, $0x1;
	p6 =	sne.s32 s19, $0x0  }
0xd0: {  	s30 =	sshrl.u32 s29, $0x17;
	p1 =	por !p5, !p6  }
0xd1: {  	s20 =	simm.s32 $0x1;
	s19 =	sadd.s32 s30, s18;
	p1 =	por !p1, !p1  }
0xd2: {  	s31 =	sshra.s32 s19, $0x9;
	s20 =	simm.s32 @!p1 $0x0  }
0xd3: {  	s20 =	ssub.s32 s31, s20  }
0xd4: {  	[sflag:s16] =	ssyncset.done $0x0;
	p1 =	slt.s32 s20, $0x1  }
.Ltmp4:
0xd5: {  	[smem:s1], [sflag:$0x1] =	smem.add.s32 s18;
	(pc) =	sbr.rel @p1 .LBB2_12-.Ltmp4, $4  }
0xd6: {  	_ =	swait.done [sflag:s16]  }
0xd7: {  	s19 =	ssyncread [sflag:$0x1]  }
0xd8: {  	[sflag:s16] =	ssyncset.s32 $0x0  }
0xd9: {  	[sflag:s16] =	ssyncset.done $0x0  }
0xda: {  	p2 =	sne.s32 s20, $0x1  }
.Ltmp5:
0xdb: {  	_ = 	snop;
	(pc) =	sbr.rel @!p2 .LBB2_7-.Ltmp5, $3  }
0xdc: {  	_ =	sdelay $0x1  }
0xdd: {  	s24 =	sadd.s32 s2, s19;
	s21 =	simm.s32 $0x1830;
	s22 =	simm.s32 $0x28B0  }
0xde: {  	s25 =	sadd.s32 $0xFFFFFFFF, s20;
	p1 =	por $0x0, $0x0;
	s23 =	sshrl.u32 s24, $0x3  }
0xdf: {  	s26 =	sadd.s32 s4, s23  }
0xe0: {  	[hbm4b:s26+s1] =	stream.linear.scatter [tilespmem:s21], [sflag:$0x2], $0x200, $0x38;
	[tilespmem:$0x3B30] =	vst v63  }
0xe1: {  	p2 =	sne.s32 s25, $0x1;
	_ =	swait.ge [sflag:s13], $0x200  }
.Ltmp6:
0xe2: {  	s31 =	sadd.s32 s5, s23;
	[sflag:s13] =	ssyncset.done $0x0;
	(pc) =	sbr.rel @!p2 .LBB2_9-.Ltmp6, $4  }
0xe3: {  	s24 =	sadd.s32 $0x200, s24;
	p1 =	por $0x1, $0x1;
	[sflag:s13] =	ssyncadd.s32 $0xFFFFFE00  }
0xe4: {  	[hbm4b:s31+s1] =	stream.linear.scatter [tilespmem:s22], [sflag:$0x2], $0x200, $0x38;
	[tilespmem:$0x3B30] =	vst v63  }
0xe5: {  	s26 =	sadd.s32 $0xFFFFFFFF, s25;
	s23 =	sshrl.u32 s24, $0x3;
	_ =	swait.ge [sflag:s13], $0x200  }
0xe6: {  	s25 =	simm.s32 $0x1830;
	s22 =	simm.s32 $0x2AB0;
	[sflag:s13] =	ssyncset.done $0x0  }
.LBB2_10:
0xe7: {  	s28 =	sadd.s32 s4, s23;
	[sflag:s13] =	ssyncadd.s32 $0xFFFFFE00;
	s25 =	sadd.s32 $0x200, s25  }
0xe8: {  	[hbm4b:s28+s1] =	stream.linear.scatter [tilespmem:s25], [sflag:$0x2], $0x200, $0x38;
	[tilespmem:$0x3B30] =	vst v63  }
0xe9: {  	p2 =	sne.s32 s26, $0x1;
	s26 =	sadd.s32 $0xFFFFFFFF, s26;
	_ =	swait.ge [sflag:s13], $0x200  }
.Ltmp7:
0xea: {  	[sflag:s13] =	ssyncset.done $0x0;
	(pc) =	sbr.rel @p2 .LBB2_10-.Ltmp7, $4  }
0xeb: {  	s23 =	sadd.s32 s5, s23;
	[sflag:s13] =	ssyncadd.s32 $0xFFFFFE00  }
0xec: {  	[hbm4b:s23+s1] =	stream.linear.scatter [tilespmem:s22], [sflag:$0x2], $0x200, $0x38;
	[tilespmem:$0x3B30] =	vst v63  }
0xed: {  	s24 =	sadd.s32 $0x200, s24;
	_ =	swait.ge [sflag:s13], $0x200  }
0xee: {  	s23 =	sshrl.u32 s24, $0x3;
	s22 =	sadd.s32 $0x200, s22;
	[sflag:s13] =	ssyncset.done $0x0  }
.LBB2_11:
0xef: {  	s24 =	sadd.s32 @p1 $0x200, s25  }
0xf0: {  	s30 =	sadd.s32 s4, s23;
	[sflag:s13] =	ssyncadd.s32 @p1 $0xFFFFFE00;
	s21 =	smov.u32 @p1 s24  }
0xf1: {  	[hbm4b:s30+s1] =	stream.linear.scatter [tilespmem:s21], [sflag:$0x2], $0x200, $0x38;
	[tilespmem:$0x3B30] =	vst v63  }
0xf2: {  	_ =	swait.ge [sflag:s13], $0x200  }
0xf3: {  	[sflag:s13] =	ssyncset.done $0x0  }
0xf4: {  	s31 =	sadd.s32 s5, s23;
	[sflag:s13] =	ssyncadd.s32 $0xFFFFFE00  }
0xf5: {  	[hbm4b:s31+s1] =	stream.linear.scatter [tilespmem:s22], [sflag:$0x2], $0x200, $0x38;
	[tilespmem:$0x3B30] =	vst v63  }
0xf6: {  	_ =	swait.ge [sflag:s13], $0x200  }
0xf7: {  	[sflag:s13] =	ssyncset.done $0x0  }
0xf8: {  	[sflag:s13] =	ssyncadd.s32 $0xFFFFFE00  }
.LBB2_12:
0xf9: {  	s21 =	sshll.u32 s20, $0x9  }
0xfa: {  	s18 =	ssub.s32 s18, s21  }
0xfb: {  	s22 =	sshra.s32 s18, $0x4  }
0xfc: {  	p1 =	slt.s32 s22, $0x1  }
.Ltmp8:
0xfd: {  	_ = 	snop;
	(pc) =	sbr.rel @p1 .LBB2_19-.Ltmp8, $1  }
0xfe: {  	_ =	sdelay $0x3  }
0xff: {  	p2 =	sne.s32 s22, $0x1  }
.Ltmp9:
0x100: {  	_ = 	snop;
	(pc) =	sbr.rel @!p2 .LBB2_14-.Ltmp9, $4  }
0x101: {  	_ = 	snop  }
0x102: {  	s18 =	sshll.u32 s20, $0xB;
	s19 =	sadd.s32 s19, s2;
	s22 =	sadd.s32 $0xFFFFFFFF, s22  }
0x103: {  	p1 =	por $0x0, $0x0;
	s18 =	sshra.s32 s18, $0x2;
	s21 =	sadd.s32 s21, s19  }
0x104: {  	s20 =	sadd.s32 $0x1830, s18;
	s18 =	sadd.s32 $0x28B0, s18;
	s19 =	sshrl.u32 s21, $0x3  }
0x105: {  	s23 =	sadd.s32 s4, s19  }
0x106: {  	[hbm4b:s23+s1] =	stream.linear.scatter [tilespmem:s20], [sflag:$0x2], $0x10, $0x38;
	[tilespmem:$0x3B30] =	vst v63  }
0x107: {  	p2 =	sne.s32 s22, $0x1;
	_ =	swait.ge [sflag:s13], $0x10  }
.Ltmp10:
0x108: {  	s31 =	sadd.s32 s5, s19;
	[sflag:s13] =	ssyncset.done $0x0;
	(pc) =	sbr.rel @!p2 .LBB2_16-.Ltmp10, $4  }
0x109: {  	s21 =	sadd.s32 $0x10, s21;
	s22 =	sadd.s32 $0xFFFFFFFF, s22;
	[sflag:s13] =	ssyncadd.s32 $0xFFFFFFF0  }
0x10a: {  	[hbm4b:s31+s1] =	stream.linear.scatter [tilespmem:s18], [sflag:$0x2], $0x10, $0x38;
	[tilespmem:$0x3B30] =	vst v63  }
0x10b: {  	p1 =	por $0x1, $0x1;
	s19 =	sshrl.u32 s21, $0x3;
	_ =	swait.ge [sflag:s13], $0x10  }
0x10c: {  	s23 =	smov.u32 s20;
	s18 =	sadd.s32 $0x10, s18;
	[sflag:s13] =	ssyncset.done $0x0  }
.LBB2_17:
0x10d: {  	s24 =	sadd.s32 s4, s19;
	[sflag:s13] =	ssyncadd.s32 $0xFFFFFFF0;
	s23 =	sadd.s32 $0x10, s23  }
0x10e: {  	[hbm4b:s24+s1] =	stream.linear.scatter [tilespmem:s23], [sflag:$0x2], $0x10, $0x38;
	[tilespmem:$0x3B30] =	vst v63  }
0x10f: {  	p2 =	sne.s32 s22, $0x1;
	s22 =	sadd.s32 $0xFFFFFFFF, s22;
	_ =	swait.ge [sflag:s13], $0x10  }
.Ltmp11:
0x110: {  	[sflag:s13] =	ssyncset.done $0x0;
	(pc) =	sbr.rel @p2 .LBB2_17-.Ltmp11, $4  }
0x111: {  	s19 =	sadd.s32 s5, s19;
	[sflag:s13] =	ssyncadd.s32 $0xFFFFFFF0  }
0x112: {  	[hbm4b:s19+s1] =	stream.linear.scatter [tilespmem:s18], [sflag:$0x2], $0x10, $0x38;
	[tilespmem:$0x3B30] =	vst v63  }
0x113: {  	s21 =	sadd.s32 $0x10, s21;
	_ =	swait.ge [sflag:s13], $0x10  }
0x114: {  	s19 =	sshrl.u32 s21, $0x3;
	s18 =	sadd.s32 $0x10, s18;
	[sflag:s13] =	ssyncset.done $0x0  }
.Ltmp12:
0x115: {  	_ = 	snop;
	(pc) =	sbr.rel .LBB2_18-.Ltmp12, $1  }
0x116: {  	_ =	sdelay $0x3  }
.LBB2_7:
.Ltmp13:
0x117: {  	(pc) =	sbr.rel .LBB2_11-.Ltmp13, $2  }
0x118: {  	_ =	sdelay $0x2  }
0x119: {  	s25 =	simm.s32 $0x1830  }
.LBB2_9:
.Ltmp14:
0x11a: {  	(pc) =	sbr.rel .LBB2_11-.Ltmp14, $2  }
0x11b: {  	_ =	sdelay $0x2  }
0x11c: {  	s25 =	simm.s32 $0x1830  }
.LBB2_16:
.Ltmp15:
0x11d: {  	(pc) =	sbr.rel .LBB2_18-.Ltmp15, $2  }
0x11e: {  	_ =	sdelay $0x2  }
0x11f: {  	s23 =	smov.u32 s20  }
.LBB2_20:
0x120: {  	_ =	sfence.sel $0x180000  }
0x121: {  	[bflag:$0x0] =	sbarrier.arrive $0xFFFF  }
0x122: {  	_ =	strace $0x90000047  }
0x123: {  	s0 =	sadd.s32 @!p0 $0x100000, s0;
	[bflag:$0x2] =	sbarrier.arrive $0xFFFF  }
0x124: {  	[sflag:s0] =	ssyncadd.tile.s32 @!p0 $0x1;
	_ =	shalt  }
.Lfunc_end2:
_tile_overlayer_lowered:
.L_overlay_start_2:
0x125: {  	(tag) =	ssettag $0x2  }
0x126: {  	s0 =	rddreg [dreg:$0x0];
	s2 =	stileid.u32  }
0x127: {  	s1 =	rddreg [dreg:$0x1];
	p0 =	sne.s32 s2, $0x0  }
0x128: {  	s3 =	rddreg [dreg:$0x2];
	[bflag:$0x3] =	sbarrier.arrive $0xFFFF;
	s2 =	simm.s32 @!p0 $0x1C01  }
0x129: {  	[timem:s3], [sflag:s2] =	dma.local @!p0 [hbm:s0], s1  }
0x12a: {  	s0 =	simm.s32 @!p0 $0x1  }
0x12b: {  	_ =	swait.ge @!p0 [sflag:s0], s1  }
0x12c: {  	s1 =	ssub.s32 @!p0 $0x0, s1;
	[sflag:s0] =	ssyncset.done @!p0 $0x0  }
0x12d: {  	[sflag:s0] =	ssyncadd.s32 @!p0 s1  }
0x12e: {  	[bflag:$0x3] =	sbarrier.arrive $0xFFFF  }
0x12f: {  	_ =	shalt  }

</sc_bundles>
